<compile_context>
chip_gen: v7x
topology: tpu7x:2x2x1
jax: 0.10.2.dev20260603
libtpu: 0.0.44.dev20260713+nightly
codegen_flags: <defaults>
</compile_context>

<pallas_src>
import functools

import jax
import jax.numpy as jnp
from jax import lax
from jax.experimental import pallas as pl
from jax.experimental.pallas import tpu as pltpu
from jax.experimental.pallas import tpu_sc as plsc

N = 10000
NPAD = 10240
SLAB = 640
D = 128
DH = 64
E = 320000
ECHUNK = 128
CPT = 160
EPAD = CPT * ECHUNK * 16
K_ITERS = 10
ALPHA = 0.1
BN_EPS = 1e-5
SUP = 20
PCH = 32


def _mlp_body(x_ref, w1_ref, b1_ref, g_ref, bt_ref, w2_ref, b2_ref, o_ref):
    x = x_ref[...]
    h1 = lax.dot_general(x, w1_ref[...], (((1,), (1,)), ((), ())),
                         preferred_element_type=jnp.float32)
    h1 = h1 + b1_ref[...]
    mean = jnp.mean(h1, axis=0, keepdims=True)
    hc = h1 - mean
    var = jnp.mean(hc * hc, axis=0, keepdims=True)
    s = g_ref[...] * lax.rsqrt(var + BN_EPS)
    h = hc * s + bt_ref[...]
    h2 = lax.dot_general(h, w2_ref[...], (((1,), (1,)), ((), ())),
                         preferred_element_type=jnp.float32)
    h2 = h2 + b2_ref[...]
    o_ref[0, pl.ds(0, N), :] = h2[:, 0:DH]
    o_ref[1, pl.ds(0, N), :] = h2[:, DH:D]
    pad = jnp.zeros((NPAD - N, DH), jnp.float32)
    o_ref[0, pl.ds(N, NPAD - N), :] = pad
    o_ref[1, pl.ds(N, NPAD - N), :] = pad


def _lsm_body(p_ref, out_ref, emb_ref):
    a = p_ref[0, pl.ds(0, N), :]
    b = p_ref[1, pl.ds(0, N), :]
    emb = jnp.concatenate([a, b], axis=1)
    m = jnp.max(emb, axis=1, keepdims=True)
    e = emb - m
    lse = jnp.log(jnp.sum(jnp.exp(e), axis=1, keepdims=True))
    out_ref[...] = e - lse
    emb_ref[...] = emb


_mesh = plsc.VectorSubcoreMesh(core_axis_name="c", subcore_axis_name="s",
                               num_cores=2, num_subcores=16)


@functools.partial(
    pl.kernel,
    out_type=jax.ShapeDtypeStruct((2, NPAD, DH), jnp.float32),
    mesh=_mesh,
    compiler_params=pltpu.CompilerParams(use_tc_tiling_on_sc=False),
    scratch_types=[
        pltpu.VMEM_SHARED((NPAD, DH), jnp.float32),
        pltpu.VMEM_SHARED((NPAD, DH), jnp.float32),
        pltpu.VMEM_SHARED((NPAD,), jnp.float32),
        pltpu.VMEM((SUP * ECHUNK,), jnp.int32),
        pltpu.VMEM((SUP * ECHUNK,), jnp.int32),
        pltpu.VMEM((SUP * ECHUNK,), jnp.int32),
        pltpu.VMEM((SUP * ECHUNK,), jnp.int32),
        pltpu.VMEM((ECHUNK, DH), jnp.float32),
        pltpu.VMEM((ECHUNK, DH), jnp.float32),
        pltpu.VMEM((PCH, DH), jnp.float32),
        pltpu.VMEM((PCH, DH), jnp.float32),
        pltpu.VMEM((PCH, DH), jnp.float32),
        pltpu.VMEM((16, DH), jnp.float32),
        pltpu.VMEM((SLAB + 16,), jnp.float32),
        pltpu.VMEM((ECHUNK,), jnp.float32),
        pltpu.SemaphoreType.DMA,
        pltpu.SemaphoreType.DMA,
        pltpu.SemaphoreType.DMA,
        pltpu.SemaphoreType.DMA,
        pltpu.SemaphoreType.DMA,
        pltpu.SemaphoreType.DMA,
        pltpu.VMEM((PCH, DH), jnp.float32),
        pltpu.VMEM((PCH, DH), jnp.float32),
        pltpu.VMEM((PCH, DH), jnp.float32),
        pltpu.SemaphoreType.DMA,
        pltpu.SemaphoreType.DMA,
        pltpu.SemaphoreType.DMA,
        pltpu.SemaphoreType.DMA,
        pltpu.SemaphoreType.DMA,
        pltpu.SemaphoreType.DMA,
    ],
)
def _propagate(h0_hbm, src_hbm, dst_hbm, out_hbm, h_s, agg_s, deg_s,
               srcbuf0, srcbuf1, dstbuf0, dstbuf1, rows0, rows1,
               h0buf, aggbuf, hscbuf, zerobuf, disbuf, onesbuf,
               idx_sem0, idx_sem1, gsem0, gsem1, ssem0, ssem1,
               h0buf1, aggbuf1, hscbuf1, asem0, asem1, hsem0, hsem1,
               osem0, osem1):
    c = lax.axis_index("c")
    t = lax.axis_index("s")
    slab = t * SLAB

    sbufs = (srcbuf0, srcbuf1)
    dbufs = (dstbuf0, dstbuf1)
    isems = (idx_sem0, idx_sem1)
    rbufs = (rows0, rows1)
    gsems = (gsem0, gsem1)
    ssems = (ssem0, ssem1)
    NSUP = CPT // SUP
    NPCH = SLAB // PCH

    def issue_idx(s_dyn, par):
        base_e = (t * CPT + s_dyn * SUP) * ECHUNK
        pltpu.async_copy(src_hbm.at[pl.ds(base_e, SUP * ECHUNK)],
                         sbufs[par], isems[par])
        pltpu.async_copy(dst_hbm.at[pl.ds(base_e, SUP * ECHUNK)],
                         dbufs[par], isems[par])

    def wait_idx(par):
        pltpu.make_async_copy(src_hbm.at[pl.ds(0, SUP * ECHUNK)],
                              sbufs[par], isems[par]).wait()
        pltpu.make_async_copy(dst_hbm.at[pl.ds(0, SUP * ECHUNK)],
                              dbufs[par], isems[par]).wait()

    pwa = (aggbuf, aggbuf1)
    pwh = (hscbuf, hscbuf1)
    pwo = (h0buf, h0buf1)
    asems = (asem0, asem1)
    hsems = (hsem0, hsem1)
    osems = (osem0, osem1)

    def issue_pw(ch_dyn, par):
        gb = slab + ch_dyn * PCH
        pltpu.async_copy(agg_s.at[pl.ds(gb, PCH), :], pwa[par], asems[par])
        pltpu.async_copy(h_s.at[pl.ds(gb, PCH), :], pwh[par], hsems[par])
        pltpu.async_copy(h0_hbm.at[c, pl.ds(gb, PCH), :], pwo[par],
                         osems[par])

    def wait_pw(par):
        dummy = h0_hbm.at[c, pl.ds(0, PCH), :]
        pltpu.make_async_copy(dummy, pwa[par], asems[par]).wait()
        pltpu.make_async_copy(dummy, pwh[par], hsems[par]).wait()
        pltpu.make_async_copy(dummy, pwo[par], osems[par]).wait()

    def half(par):
        sb, db = sbufs[par], dbufs[par]
        gd = [None] * SUP
        sd = [None] * SUP
        gd[0] = pltpu.async_copy(h_s.at[sb.at[pl.ds(0, ECHUNK)]],
                                 rbufs[0], gsems[0])
        for j in range(SUP):
            gd[j].wait()
            sd[j] = pltpu.async_copy(
                rbufs[j % 2], agg_s.at[db.at[pl.ds(j * ECHUNK, ECHUNK)]],
                ssems[j % 2], add=True)
            if j + 1 < SUP:
                if j >= 1:
                    sd[j - 1].wait()
                gd[j + 1] = pltpu.async_copy(
                    h_s.at[sb.at[pl.ds((j + 1) * ECHUNK, ECHUNK)]],
                    rbufs[(j + 1) % 2], gsems[(j + 1) % 2])
        sd[SUP - 2].wait()
        sd[SUP - 1].wait()

    @pl.loop(0, ECHUNK // 16)
    def _(v):
        onesbuf[pl.ds(v * 16, 16)] = jnp.ones((16,), jnp.float32)

    @pl.loop(0, 16)
    def _(r):
        for kk in range(DH // 16):
            zerobuf[r, pl.ds(kk * 16, 16)] = jnp.zeros((16,), jnp.float32)

    @pl.loop(0, SLAB // ECHUNK)
    def _(p):
        pltpu.sync_copy(onesbuf, deg_s.at[pl.ds(slab + p * ECHUNK, ECHUNK)])

    plsc.subcore_barrier()

    def dhalf(par):
        db = dbufs[par]
        sd = [None] * SUP
        for j in range(SUP):
            if j >= 2:
                sd[j - 2].wait()
            sd[j] = pltpu.async_copy(
                onesbuf, deg_s.at[db.at[pl.ds(j * ECHUNK, ECHUNK)]],
                ssems[j % 2], add=True)
        sd[SUP - 2].wait()
        sd[SUP - 1].wait()

    issue_idx(0, 0)

    @pl.loop(0, NSUP // 2)
    def _(gi):
        s0 = 2 * gi
        wait_idx(0)
        issue_idx(s0 + 1, 1)
        dhalf(0)
        wait_idx(1)

        @pl.when(s0 + 2 < NSUP)
        def _():
            issue_idx(s0 + 2, 0)

        dhalf(1)

    plsc.subcore_barrier()

    pltpu.sync_copy(deg_s.at[pl.ds(slab, SLAB)], disbuf.at[pl.ds(0, SLAB)])

    @pl.loop(0, SLAB // 16)
    def _(v):
        d = disbuf[pl.ds(v * 16, 16)]
        i = lax.bitcast_convert_type(d, jnp.int32)
        i = jnp.int32(0x5F3759DF) - (i >> 1)
        y = lax.bitcast_convert_type(i, jnp.float32)
        for _ in range(4):
            y = y * (1.5 - 0.5 * d * y * y)
        disbuf[pl.ds(v * 16, 16)] = y

    @pl.loop(0, SLAB // PCH)
    def _(ch):
        base_l = ch * PCH
        pltpu.sync_copy(h0_hbm.at[c, pl.ds(slab + base_l, PCH), :], h0buf)

        @pl.loop(0, PCH)
        def _(i):
            li = base_l + i
            dv = disbuf[pl.ds(li, 16)]
            dspl = jnp.full((16,), dv[0], jnp.float32)
            for kk in range(DH // 16):
                sl = pl.ds(kk * 16, 16)
                hscbuf[i, sl] = h0buf[i, sl] * dspl

        pltpu.sync_copy(hscbuf, h_s.at[pl.ds(slab + base_l, PCH), :])
        for z in range(PCH // 16):
            pltpu.sync_copy(zerobuf,
                            agg_s.at[pl.ds(slab + base_l + z * 16, 16), :])

    plsc.subcore_barrier()

    issue_idx(0, 0)

    @pl.loop(0, K_ITERS)
    def _(k):
        @pl.loop(0, NSUP // 2)
        def _(gi):
            s0 = 2 * gi
            wait_idx(0)
            issue_idx(s0 + 1, 1)
            half(0)
            wait_idx(1)

            @pl.when(s0 + 2 < NSUP)
            def _():
                issue_idx(s0 + 2, 0)

            half(1)

        @pl.when(k < K_ITERS - 1)
        def _():
            issue_idx(0, 0)

        plsc.subcore_barrier()

        issue_pw(0, 0)

        @pl.loop(0, NPCH // 2)
        def _(pp):
            for par in range(2):
                ch = 2 * pp + par
                base_l = ch * PCH
                gbase = slab + base_l
                wait_pw(par)
                if par == 0:
                    issue_pw(ch + 1, 1)
                else:
                    @pl.when(ch + 1 < NPCH)
                    def _():
                        issue_pw(ch + 1, 0)
                ab, hb, ob = pwa[par], pwh[par], pwo[par]
                for z in range(PCH // 16):
                    pltpu.sync_copy(zerobuf,
                                    agg_s.at[pl.ds(gbase + z * 16, 16), :])

                @pl.loop(0, PCH)
                def _(i):
                    li = base_l + i
                    dv = disbuf[pl.ds(li, 16)]
                    dspl = jnp.full((16,), dv[0], jnp.float32)
                    d1 = dspl * (1.0 - ALPHA)
                    for kk in range(DH // 16):
                        sl = pl.ds(kk * 16, 16)
                        hn = (d1 * (ab[i, sl] + hb[i, sl])
                              + ALPHA * ob[i, sl])
                        ab[i, sl] = hn
                        hb[i, sl] = hn * dspl

                @pl.when(k < K_ITERS - 1)
                def _():
                    pltpu.sync_copy(hb, h_s.at[pl.ds(gbase, PCH), :])

                @pl.when(k == K_ITERS - 1)
                def _():
                    pltpu.sync_copy(ab, out_hbm.at[c, pl.ds(gbase, PCH), :])

        plsc.subcore_barrier()


def kernel(x, edge_index, W1, b1, gamma, beta, W2, b2):
    h0p = pl.pallas_call(
        _mlp_body,
        out_shape=jax.ShapeDtypeStruct((2, NPAD, DH), jnp.float32),
    )(x, W1, b1.reshape(1, D), gamma.reshape(1, D), beta.reshape(1, D),
      W2, b2.reshape(1, D))

    src = edge_index[0].astype(jnp.int32)
    dst = edge_index[1].astype(jnp.int32)
    pad = N + (jnp.arange(EPAD - E, dtype=jnp.int32) % (NPAD - N))
    src2 = jnp.concatenate([src, pad])
    dst2 = jnp.concatenate([dst, pad])

    embp = _propagate(h0p, src2, dst2)

    out, emb = pl.pallas_call(
        _lsm_body,
        out_shape=[jax.ShapeDtypeStruct((N, D), jnp.float32),
                   jax.ShapeDtypeStruct((N, D), jnp.float32)],
    )(embp)
    return (out, emb)

# --- scband reference (transcript-rebuilt; emitter-appended) ---
"""Pipeline reference for scband-appnpstack-52639119180062 (READ-ONLY COPY).

The authoritative reference and input builder live on the scoring server;
editing this copy changes nothing except your own understanding.
"""

import jax, jax.numpy as jnp
import numpy as np

N_NODES = 10000
N_EDGES = 320000
IN_DIM = 128
HIDDEN = 128
OUT_DIM = 128
K_ITERS = 10
ALPHA = 0.1
BN_EPS = 1e-5


def setup_inputs(seed: int = 0) -> dict:
    key = jax.random.key(seed)
    ks = jax.random.split(key, 8)
    x = jax.random.normal(ks[0], (N_NODES, IN_DIM), dtype=jnp.float32)
    edge_index = jax.random.randint(ks[1], (2, N_EDGES), 0, N_NODES)
    W1 = jax.random.normal(ks[2], (HIDDEN, IN_DIM), dtype=jnp.float32) * 0.05
    b1 = jnp.zeros((HIDDEN,), dtype=jnp.float32)
    gamma = jnp.ones((HIDDEN,), dtype=jnp.float32)
    beta = jnp.zeros((HIDDEN,), dtype=jnp.float32)
    W2 = jax.random.normal(ks[3], (OUT_DIM, HIDDEN), dtype=jnp.float32) * 0.05
    b2 = jnp.zeros((OUT_DIM,), dtype=jnp.float32)
    return {"x": x, "edge_index": edge_index, "W1": W1, "b1": b1,
            "gamma": gamma, "beta": beta, "W2": W2, "b2": b2}


def _appnp_propagate(x, src, dst, n_nodes, K, alpha):
    # gcn_norm with self-loops (symmetric normalization), edge weights = 1
    loop = jnp.arange(n_nodes)
    src = jnp.concatenate([src, loop])
    dst = jnp.concatenate([dst, loop])
    ones = jnp.ones(src.shape[0], dtype=x.dtype)
    deg = jax.ops.segment_sum(ones, dst, num_segments=n_nodes)
    deg_inv_sqrt = jnp.where(deg > 0, deg ** -0.5, 0.0)
    norm = deg_inv_sqrt[src] * deg_inv_sqrt[dst]
    h = x
    for _ in range(K):
        msg = h[src] * norm[:, None]                      # gather
        agg = jax.ops.segment_sum(msg, dst, num_segments=n_nodes)  # scatter-add
        h = (1.0 - alpha) * agg + alpha * x
    return h


def reference(x, edge_index, W1, b1, gamma, beta, W2, b2):
    # lin1
    h = x @ W1.T + b1
    # BatchNorm1d (training-mode batch statistics, biased variance)
    mean = jnp.mean(h, axis=0)
    var = jnp.var(h, axis=0)
    h = gamma * (h - mean) / jnp.sqrt(var + BN_EPS) + beta
    # lin2
    h = h @ W2.T + b2
    # APPNP propagation
    emb = _appnp_propagate(h, edge_index[0], edge_index[1], N_NODES, K_ITERS, ALPHA)
    out = jax.nn.log_softmax(emb, axis=1)
    return (out, emb)

if __name__ == "__main__":
    import jax
    _d = setup_inputs()
    print(jax.jit(kernel)(*tuple(_d.values())))

</pallas_src>

<mosaic_0001>
#map = affine_map<(d0, d1) -> (0, 0, 0)>
#map1 = affine_map<(d0, d1) -> (0)>
module attributes {stable_mosaic.version = 14 : i64} {
  func.func @_propagate(%arg0: i32, %arg1: i32, %arg2: memref<2x10240x64xf32, #tpu.memory_space<hbm>>, %arg3: memref<327680xi32, #tpu.memory_space<hbm>>, %arg4: memref<327680xi32, #tpu.memory_space<hbm>>, %arg5: memref<2x10240x64xf32, #tpu.memory_space<hbm>>, %arg6: memref<10240x64xf32, #tpu.memory_space<vmem_shared>>, %arg7: memref<10240x64xf32, #tpu.memory_space<vmem_shared>>, %arg8: memref<10240xf32, #tpu.memory_space<vmem_shared>>, %arg9: memref<2560xi32, #tpu.memory_space<vmem>>, %arg10: memref<2560xi32, #tpu.memory_space<vmem>>, %arg11: memref<2560xi32, #tpu.memory_space<vmem>>, %arg12: memref<2560xi32, #tpu.memory_space<vmem>>, %arg13: memref<128x64xf32, #tpu.memory_space<vmem>>, %arg14: memref<128x64xf32, #tpu.memory_space<vmem>>, %arg15: memref<32x64xf32, #tpu.memory_space<vmem>>, %arg16: memref<32x64xf32, #tpu.memory_space<vmem>>, %arg17: memref<32x64xf32, #tpu.memory_space<vmem>>, %arg18: memref<16x64xf32, #tpu.memory_space<vmem>>, %arg19: memref<656xf32, #tpu.memory_space<vmem>>, %arg20: memref<128xf32, #tpu.memory_space<vmem>>, %arg21: memref<!tpu.dma_semaphore, #tpu.memory_space<semaphore_mem>>, %arg22: memref<!tpu.dma_semaphore, #tpu.memory_space<semaphore_mem>>, %arg23: memref<!tpu.dma_semaphore, #tpu.memory_space<semaphore_mem>>, %arg24: memref<!tpu.dma_semaphore, #tpu.memory_space<semaphore_mem>>, %arg25: memref<!tpu.dma_semaphore, #tpu.memory_space<semaphore_mem>>, %arg26: memref<!tpu.dma_semaphore, #tpu.memory_space<semaphore_mem>>, %arg27: memref<32x64xf32, #tpu.memory_space<vmem>>, %arg28: memref<32x64xf32, #tpu.memory_space<vmem>>, %arg29: memref<32x64xf32, #tpu.memory_space<vmem>>, %arg30: memref<!tpu.dma_semaphore, #tpu.memory_space<semaphore_mem>>, %arg31: memref<!tpu.dma_semaphore, #tpu.memory_space<semaphore_mem>>, %arg32: memref<!tpu.dma_semaphore, #tpu.memory_space<semaphore_mem>>, %arg33: memref<!tpu.dma_semaphore, #tpu.memory_space<semaphore_mem>>, %arg34: memref<!tpu.dma_semaphore, #tpu.memory_space<semaphore_mem>>, %arg35: memref<!tpu.dma_semaphore, #tpu.memory_space<semaphore_mem>>) attributes {dimension_semantics = [#tpu.dimension_semantics<core_parallel>, #tpu.dimension_semantics<subcore_parallel>], iteration_bounds = array<i64: 2, 16>, scalar_prefetch = 0 : i64, scratch_operands = 30 : i64, tpu.core_type = #tpu.core_type<sc_vector_subcore>, window_params = [{transform_indices = #map}, {transform_indices = #map1}, {transform_indices = #map1}, {transform_indices = #map}]} {
    %mul3A = arith.constant 640 : i32
    %mul3A_0 = arith.muli %arg1, %mul3A : i32
    %scan3A = arith.constant 0 : i32
    %scan3A_1 = arith.constant 8 : i32
    %scan3A_2 = arith.addi %scan3A, %scan3A_1 : i32
    %scan3A_3 = arith.constant 1 : i32
    scf.for %scan3A_55 = %scan3A to %scan3A_2 step %scan3A_3  : i32 {
      %mul3A_56 = arith.constant 1 : i32
      %mul3A_57 = arith.muli %scan3A_55, %mul3A_56 : i32
      %add3A_58 = arith.constant 0 : i32
      %add3A_59 = arith.addi %add3A_58, %mul3A_57 : i32
      %broadcast_in_dim3A = arith.constant 1.000000e+00 : f32
      %broadcast_in_dim3A_60 = vector.broadcast %broadcast_in_dim3A : f32 to vector<16xf32>
      %mul3A_61 = arith.constant 16 : i32
      %mul3A_62 = arith.muli %add3A_59, %mul3A_61 : i32
      %swap3A = arith.index_cast %mul3A_62 : i32 to index
      %swap3A_63 = tpu.vector_load %arg20[%swap3A] {strides = array<i32>} : memref<128xf32, #tpu.memory_space<vmem>>, vector<16xf32>,
      %swap3A_64 = vector.shape_cast %swap3A_63 : vector<16xf32> to vector<16xf32>
      %swap3A_65 = vector.shape_cast %broadcast_in_dim3A_60 : vector<16xf32> to vector<16xf32>
      tpu.vector_store %arg20[%swap3A], %swap3A_65 {strides = array<i32>} : memref<128xf32, #tpu.memory_space<vmem>>, vector<16xf32>,
    }
    %scan3A_4 = arith.constant 8 : i32
    %scan3A_5 = arith.constant 0 : i32
    %scan3A_6 = arith.constant 16 : i32
    %scan3A_7 = arith.addi %scan3A_5, %scan3A_6 : i32
    %scan3A_8 = arith.constant 1 : i32
    scf.for %scan3A_55 = %scan3A_5 to %scan3A_7 step %scan3A_8  : i32 {
      %mul3A_56 = arith.constant 1 : i32
      %mul3A_57 = arith.muli %scan3A_55, %mul3A_56 : i32
      %add3A_58 = arith.constant 0 : i32
      %add3A_59 = arith.addi %add3A_58, %mul3A_57 : i32
      %broadcast_in_dim3A = arith.constant 0.000000e+00 : f32
      %broadcast_in_dim3A_60 = vector.broadcast %broadcast_in_dim3A : f32 to vector<16xf32>
      %swap3A = arith.index_cast %add3A_59 : i32 to index
      %swap3A_61 = arith.constant 0 : index
      %swap3A_62 = tpu.vector_load %arg18[%swap3A, %swap3A_61] {strides = array<i32>} : memref<16x64xf32, #tpu.memory_space<vmem>>, vector<1x16xf32>,
      %swap3A_63 = vector.shape_cast %swap3A_62 : vector<1x16xf32> to vector<16xf32>
      %swap3A_64 = vector.shape_cast %broadcast_in_dim3A_60 : vector<16xf32> to vector<1x16xf32>
      tpu.vector_store %arg18[%swap3A, %swap3A_61], %swap3A_64 {strides = array<i32>} : memref<16x64xf32, #tpu.memory_space<vmem>>, vector<1x16xf32>,
      %broadcast_in_dim3A_65 = arith.constant 0.000000e+00 : f32
      %broadcast_in_dim3A_66 = vector.broadcast %broadcast_in_dim3A_65 : f32 to vector<16xf32>
      %swap3A_67 = arith.index_cast %add3A_59 : i32 to index
      %swap3A_68 = arith.constant 16 : index
      %swap3A_69 = tpu.vector_load %arg18[%swap3A_67, %swap3A_68] {strides = array<i32>} : memref<16x64xf32, #tpu.memory_space<vmem>>, vector<1x16xf32>,
      %swap3A_70 = vector.shape_cast %swap3A_69 : vector<1x16xf32> to vector<16xf32>
      %swap3A_71 = vector.shape_cast %broadcast_in_dim3A_66 : vector<16xf32> to vector<1x16xf32>
      tpu.vector_store %arg18[%swap3A_67, %swap3A_68], %swap3A_71 {strides = array<i32>} : memref<16x64xf32, #tpu.memory_space<vmem>>, vector<1x16xf32>,
      %broadcast_in_dim3A_72 = arith.constant 0.000000e+00 : f32
      %broadcast_in_dim3A_73 = vector.broadcast %broadcast_in_dim3A_72 : f32 to vector<16xf32>
      %swap3A_74 = arith.index_cast %add3A_59 : i32 to index
      %swap3A_75 = arith.constant 32 : index
      %swap3A_76 = tpu.vector_load %arg18[%swap3A_74, %swap3A_75] {strides = array<i32>} : memref<16x64xf32, #tpu.memory_space<vmem>>, vector<1x16xf32>,
      %swap3A_77 = vector.shape_cast %swap3A_76 : vector<1x16xf32> to vector<16xf32>
      %swap3A_78 = vector.shape_cast %broadcast_in_dim3A_73 : vector<16xf32> to vector<1x16xf32>
      tpu.vector_store %arg18[%swap3A_74, %swap3A_75], %swap3A_78 {strides = array<i32>} : memref<16x64xf32, #tpu.memory_space<vmem>>, vector<1x16xf32>,
      %broadcast_in_dim3A_79 = arith.constant 0.000000e+00 : f32
      %broadcast_in_dim3A_80 = vector.broadcast %broadcast_in_dim3A_79 : f32 to vector<16xf32>
      %swap3A_81 = arith.index_cast %add3A_59 : i32 to index
      %swap3A_82 = arith.constant 48 : index
      %swap3A_83 = tpu.vector_load %arg18[%swap3A_81, %swap3A_82] {strides = array<i32>} : memref<16x64xf32, #tpu.memory_space<vmem>>, vector<1x16xf32>,
      %swap3A_84 = vector.shape_cast %swap3A_83 : vector<1x16xf32> to vector<16xf32>
      %swap3A_85 = vector.shape_cast %broadcast_in_dim3A_80 : vector<16xf32> to vector<1x16xf32>
      tpu.vector_store %arg18[%swap3A_81, %swap3A_82], %swap3A_85 {strides = array<i32>} : memref<16x64xf32, #tpu.memory_space<vmem>>, vector<1x16xf32>,
    }
    %scan3A_9 = arith.constant 16 : i32
    %scan3A_10 = arith.constant 0 : i32
    %scan3A_11 = arith.constant 5 : i32
    %scan3A_12 = arith.addi %scan3A_10, %scan3A_11 : i32
    %scan3A_13 = arith.constant 1 : i32
    scf.for %scan3A_55 = %scan3A_10 to %scan3A_12 step %scan3A_13  : i32 {
      %mul3A_56 = arith.constant 1 : i32
      %mul3A_57 = arith.muli %scan3A_55, %mul3A_56 : i32
      %add3A_58 = arith.constant 0 : i32
      %add3A_59 = arith.addi %add3A_58, %mul3A_57 : i32
      %mul3A_60 = arith.constant 128 : i32
      %mul3A_61 = arith.muli %add3A_59, %mul3A_60 : i32
      %add3A_62 = arith.addi %mul3A_0, %mul3A_61 : i32
      "tpu.region"() ({
        %run_scoped3A = tpu.sem_alloc : memref<!tpu.dma_semaphore, #tpu.memory_space<semaphore_mem>>
        %dma_start3A_63 = tpu.memref_slice %arg8[%add3A_62] : memref<10240xf32, #tpu.memory_space<vmem_shared>> -> memref<128xf32, #tpu.memory_space<vmem_shared>>
        %dma_start3A_64 = tpu.memref_slice %arg8[%add3A_62] : memref<10240xf32, #tpu.memory_space<vmem_shared>> -> memref<128xf32, #tpu.memory_space<vmem_shared>>
        tpu.enqueue_dma source(%arg20 : memref<128xf32, #tpu.memory_space<vmem>>) target(%dma_start3A_64 : memref<128xf32, #tpu.memory_space<vmem_shared>>) target_semaphore(%run_scoped3A : memref<!tpu.dma_semaphore, #tpu.memory_space<semaphore_mem>>)
        %dma_wait3A = tpu.memref_slice %arg8[%add3A_62] : memref<10240xf32, #tpu.memory_space<vmem_shared>> -> memref<128xf32, #tpu.memory_space<vmem_shared>>
        %dma_wait3A_65 = tpu.memref_slice %arg8[%add3A_62] : memref<10240xf32, #tpu.memory_space<vmem_shared>> -> memref<128xf32, #tpu.memory_space<vmem_shared>>
        tpu.wait_dma2 semaphore(%run_scoped3A : memref<!tpu.dma_semaphore, #tpu.memory_space<semaphore_mem>>) src(%arg20 : memref<128xf32, #tpu.memory_space<vmem>>) dst(%dma_wait3A_65 : memref<128xf32, #tpu.memory_space<vmem_shared>>)
        tpu.yield
      }) : () -> ()
    }
    %scan3A_14 = arith.constant 5 : i32
    %barrier3A = arith.constant 0 : index
    tpu.barrier barrier_id(%barrier3A)
    %mul3A_15 = arith.constant 160 : i32
    %mul3A_16 = arith.muli %arg1, %mul3A_15 : i32
    %add3A = arith.constant 0 : i32
    %add3A_17 = arith.addi %mul3A_16, %add3A : i32
    %mul3A_18 = arith.constant 128 : i32
    %mul3A_19 = arith.muli %add3A_17, %mul3A_18 : i32
    %dma_start3A = tpu.memref_slice %arg3[%mul3A_19] : memref<327680xi32, #tpu.memory_space<hbm>> -> memref<2560xi32, #tpu.memory_space<hbm>>
    %dma_start3A_20 = tpu.memref_slice %arg3[%mul3A_19] : memref<327680xi32, #tpu.memory_space<hbm>> -> memref<2560xi32, #tpu.memory_space<hbm>>
    tpu.enqueue_dma source(%dma_start3A_20 : memref<2560xi32, #tpu.memory_space<hbm>>) target(%arg9 : memref<2560xi32, #tpu.memory_space<vmem>>) target_semaphore(%arg21 : memref<!tpu.dma_semaphore, #tpu.memory_space<semaphore_mem>>)
    %dma_start3A_21 = tpu.memref_slice %arg4[%mul3A_19] : memref<327680xi32, #tpu.memory_space<hbm>> -> memref<2560xi32, #tpu.memory_space<hbm>>
    %dma_start3A_22 = tpu.memref_slice %arg4[%mul3A_19] : memref<327680xi32, #tpu.memory_space<hbm>> -> memref<2560xi32, #tpu.memory_space<hbm>>
    tpu.enqueue_dma source(%dma_start3A_22 : memref<2560xi32, #tpu.memory_space<hbm>>) target(%arg11 : memref<2560xi32, #tpu.memory_space<vmem>>) target_semaphore(%arg21 : memref<!tpu.dma_semaphore, #tpu.memory_space<semaphore_mem>>)
    %scan3A_23 = arith.constant 0 : i32
    %scan3A_24 = arith.constant 4 : i32
    %scan3A_25 = arith.addi %scan3A_23, %scan3A_24 : i32
    %scan3A_26 = arith.constant 1 : i32
    scf.for %scan3A_55 = %scan3A_23 to %scan3A_25 step %scan3A_26  : i32 {
      %mul3A_56 = arith.constant 1 : i32
      %mul3A_57 = arith.muli %scan3A_55, %mul3A_56 : i32
      %add3A_58 = arith.constant 0 : i32
      %add3A_59 = arith.addi %add3A_58, %mul3A_57 : i32
      %mul3A_60 = arith.constant 2 : i32
      %mul3A_61 = arith.muli %mul3A_60, %add3A_59 : i32
      %dma_wait3A = arith.constant 0 : i32
      %dma_wait3A_62 = tpu.memref_slice %arg3[%dma_wait3A] : memref<327680xi32, #tpu.memory_space<hbm>> -> memref<2560xi32, #tpu.memory_space<hbm>>
      %dma_wait3A_63 = arith.constant 0 : i32
      %dma_wait3A_64 = tpu.memref_slice %arg3[%dma_wait3A_63] : memref<327680xi32, #tpu.memory_space<hbm>> -> memref<2560xi32, #tpu.memory_space<hbm>>
      tpu.wait_dma2 semaphore(%arg21 : memref<!tpu.dma_semaphore, #tpu.memory_space<semaphore_mem>>) src(%dma_wait3A_64 : memref<2560xi32, #tpu.memory_space<hbm>>) dst(%arg9 : memref<2560xi32, #tpu.memory_space<vmem>>)
      %dma_wait3A_65 = arith.constant 0 : i32
      %dma_wait3A_66 = tpu.memref_slice %arg4[%dma_wait3A_65] : memref<327680xi32, #tpu.memory_space<hbm>> -> memref<2560xi32, #tpu.memory_space<hbm>>
      %dma_wait3A_67 = arith.constant 0 : i32
      %dma_wait3A_68 = tpu.memref_slice %arg4[%dma_wait3A_67] : memref<327680xi32, #tpu.memory_space<hbm>> -> memref<2560xi32, #tpu.memory_space<hbm>>
      tpu.wait_dma2 semaphore(%arg21 : memref<!tpu.dma_semaphore, #tpu.memory_space<semaphore_mem>>) src(%dma_wait3A_68 : memref<2560xi32, #tpu.memory_space<hbm>>) dst(%arg11 : memref<2560xi32, #tpu.memory_space<vmem>>)
      %add3A_69 = arith.constant 1 : i32
      %add3A_70 = arith.addi %mul3A_61, %add3A_69 : i32
      %mul3A_71 = arith.constant 160 : i32
      %mul3A_72 = arith.muli %arg1, %mul3A_71 : i32
      %mul3A_73 = arith.constant 20 : i32
      %mul3A_74 = arith.muli %add3A_70, %mul3A_73 : i32
      %add3A_75 = arith.addi %mul3A_72, %mul3A_74 : i32
      %mul3A_76 = arith.constant 128 : i32
      %mul3A_77 = arith.muli %add3A_75, %mul3A_76 : i32
      %dma_start3A_78 = tpu.memref_slice %arg3[%mul3A_77] : memref<327680xi32, #tpu.memory_space<hbm>> -> memref<2560xi32, #tpu.memory_space<hbm>>
      %dma_start3A_79 = tpu.memref_slice %arg3[%mul3A_77] : memref<327680xi32, #tpu.memory_space<hbm>> -> memref<2560xi32, #tpu.memory_space<hbm>>
      tpu.enqueue_dma source(%dma_start3A_79 : memref<2560xi32, #tpu.memory_space<hbm>>) target(%arg10 : memref<2560xi32, #tpu.memory_space<vmem>>) target_semaphore(%arg22 : memref<!tpu.dma_semaphore, #tpu.memory_space<semaphore_mem>>)
      %dma_start3A_80 = tpu.memref_slice %arg4[%mul3A_77] : memref<327680xi32, #tpu.memory_space<hbm>> -> memref<2560xi32, #tpu.memory_space<hbm>>
      %dma_start3A_81 = tpu.memref_slice %arg4[%mul3A_77] : memref<327680xi32, #tpu.memory_space<hbm>> -> memref<2560xi32, #tpu.memory_space<hbm>>
      tpu.enqueue_dma source(%dma_start3A_81 : memref<2560xi32, #tpu.memory_space<hbm>>) target(%arg12 : memref<2560xi32, #tpu.memory_space<vmem>>) target_semaphore(%arg22 : memref<!tpu.dma_semaphore, #tpu.memory_space<semaphore_mem>>)
      %dma_start3A_82 = arith.constant 0 : i32
      %dma_start3A_83 = tpu.memref_slice %arg11[%dma_start3A_82] : memref<2560xi32, #tpu.memory_space<vmem>> -> memref<128xi32, #tpu.memory_space<vmem>>
      %dma_start3A_84 = arith.constant 0 : i32
      %dma_start3A_85 = tpu.memref_slice %arg8[%dma_start3A_84] : memref<10240xf32, #tpu.memory_space<vmem_shared>> -> memref<10240xf32, #tpu.memory_space<vmem_shared>>
      tpu.enqueue_indirect_dma source(%arg20 : memref<128xf32, #tpu.memory_space<vmem>>) target(%dma_start3A_85 : memref<10240xf32, #tpu.memory_space<vmem_shared>>) offsets(%dma_start3A_83 : memref<128xi32, #tpu.memory_space<vmem>>) semaphore(%arg25 : memref<!tpu.dma_semaphore, #tpu.memory_space<semaphore_mem>>) {add = true}
      %dma_start3A_86 = arith.constant 128 : i32
      %dma_start3A_87 = tpu.memref_slice %arg11[%dma_start3A_86] : memref<2560xi32, #tpu.memory_space<vmem>> -> memref<128xi32, #tpu.memory_space<vmem>>
      %dma_start3A_88 = arith.constant 0 : i32
      %dma_start3A_89 = tpu.memref_slice %arg8[%dma_start3A_88] : memref<10240xf32, #tpu.memory_space<vmem_shared>> -> memref<10240xf32, #tpu.memory_space<vmem_shared>>
      tpu.enqueue_indirect_dma source(%arg20 : memref<128xf32, #tpu.memory_space<vmem>>) target(%dma_start3A_89 : memref<10240xf32, #tpu.memory_space<vmem_shared>>) offsets(%dma_start3A_87 : memref<128xi32, #tpu.memory_space<vmem>>) semaphore(%arg26 : memref<!tpu.dma_semaphore, #tpu.memory_space<semaphore_mem>>) {add = true}
      %dma_wait3A_90 = arith.constant 0 : i32
      %dma_wait3A_91 = tpu.memref_slice %arg11[%dma_wait3A_90] : memref<2560xi32, #tpu.memory_space<vmem>> -> memref<128xi32, #tpu.memory_space<vmem>>
      %dma_wait3A_92 = arith.constant 0 : i32
      %dma_wait3A_93 = tpu.memref_slice %arg8[%dma_wait3A_92] : memref<10240xf32, #tpu.memory_space<vmem_shared>> -> memref<10240xf32, #tpu.memory_space<vmem_shared>>
      tpu.wait_indirect_dma semaphore(%arg25 : memref<!tpu.dma_semaphore, #tpu.memory_space<semaphore_mem>>) src(%arg20 : memref<128xf32, #tpu.memory_space<vmem>>) dst(%dma_wait3A_93 : memref<10240xf32, #tpu.memory_space<vmem_shared>>)
      %dma_start3A_94 = arith.constant 256 : i32
      %dma_start3A_95 = tpu.memref_slice %arg11[%dma_start3A_94] : memref<2560xi32, #tpu.memory_space<vmem>> -> memref<128xi32, #tpu.memory_space<vmem>>
      %dma_start3A_96 = arith.constant 0 : i32
      %dma_start3A_97 = tpu.memref_slice %arg8[%dma_start3A_96] : memref<10240xf32, #tpu.memory_space<vmem_shared>> -> memref<10240xf32, #tpu.memory_space<vmem_shared>>
      tpu.enqueue_indirect_dma source(%arg20 : memref<128xf32, #tpu.memory_space<vmem>>) target(%dma_start3A_97 : memref<10240xf32, #tpu.memory_space<vmem_shared>>) offsets(%dma_start3A_95 : memref<128xi32, #tpu.memory_space<vmem>>) semaphore(%arg25 : memref<!tpu.dma_semaphore, #tpu.memory_space<semaphore_mem>>) {add = true}
      %dma_wait3A_98 = arith.constant 128 : i32
      %dma_wait3A_99 = tpu.memref_slice %arg11[%dma_wait3A_98] : memref<2560xi32, #tpu.memory_space<vmem>> -> memref<128xi32, #tpu.memory_space<vmem>>
      %dma_wait3A_100 = arith.constant 0 : i32
      %dma_wait3A_101 = tpu.memref_slice %arg8[%dma_wait3A_100] : memref<10240xf32, #tpu.memory_space<vmem_shared>> -> memref<10240xf32, #tpu.memory_space<vmem_shared>>
      tpu.wait_indirect_dma semaphore(%arg26 : memref<!tpu.dma_semaphore, #tpu.memory_space<semaphore_mem>>) src(%arg20 : memref<128xf32, #tpu.memory_space<vmem>>) dst(%dma_wait3A_101 : memref<10240xf32, #tpu.memory_space<vmem_shared>>)
      %dma_start3A_102 = arith.constant 384 : i32
      %dma_start3A_103 = tpu.memref_slice %arg11[%dma_start3A_102] : memref<2560xi32, #tpu.memory_space<vmem>> -> memref<128xi32, #tpu.memory_space<vmem>>
      %dma_start3A_104 = arith.constant 0 : i32
      %dma_start3A_105 = tpu.memref_slice %arg8[%dma_start3A_104] : memref<10240xf32, #tpu.memory_space<vmem_shared>> -> memref<10240xf32, #tpu.memory_space<vmem_shared>>
      tpu.enqueue_indirect_dma source(%arg20 : memref<128xf32, #tpu.memory_space<vmem>>) target(%dma_start3A_105 : memref<10240xf32, #tpu.memory_space<vmem_shared>>) offsets(%dma_start3A_103 : memref<128xi32, #tpu.memory_space<vmem>>) semaphore(%arg26 : memref<!tpu.dma_semaphore, #tpu.memory_space<semaphore_mem>>) {add = true}
      %dma_wait3A_106 = arith.constant 256 : i32
      %dma_wait3A_107 = tpu.memref_slice %arg11[%dma_wait3A_106] : memref<2560xi32, #tpu.memory_space<vmem>> -> memref<128xi32, #tpu.memory_space<vmem>>
      %dma_wait3A_108 = arith.constant 0 : i32
      %dma_wait3A_109 = tpu.memref_slice %arg8[%dma_wait3A_108] : memref<10240xf32, #tpu.memory_space<vmem_shared>> -> memref<10240xf32, #tpu.memory_space<vmem_shared>>
      tpu.wait_indirect_dma semaphore(%arg25 : memref<!tpu.dma_semaphore, #tpu.memory_space<semaphore_mem>>) src(%arg20 : memref<128xf32, #tpu.memory_space<vmem>>) dst(%dma_wait3A_109 : memref<10240xf32, #tpu.memory_space<vmem_shared>>)
      %dma_start3A_110 = arith.constant 512 : i32
      %dma_start3A_111 = tpu.memref_slice %arg11[%dma_start3A_110] : memref<2560xi32, #tpu.memory_space<vmem>> -> memref<128xi32, #tpu.memory_space<vmem>>
      %dma_start3A_112 = arith.constant 0 : i32
      %dma_start3A_113 = tpu.memref_slice %arg8[%dma_start3A_112] : memref<10240xf32, #tpu.memory_space<vmem_shared>> -> memref<10240xf32, #tpu.memory_space<vmem_shared>>
      tpu.enqueue_indirect_dma source(%arg20 : memref<128xf32, #tpu.memory_space<vmem>>) target(%dma_start3A_113 : memref<10240xf32, #tpu.memory_space<vmem_shared>>) offsets(%dma_start3A_111 : memref<128xi32, #tpu.memory_space<vmem>>) semaphore(%arg25 : memref<!tpu.dma_semaphore, #tpu.memory_space<semaphore_mem>>) {add = true}
      %dma_wait3A_114 = arith.constant 384 : i32
      %dma_wait3A_115 = tpu.memref_slice %arg11[%dma_wait3A_114] : memref<2560xi32, #tpu.memory_space<vmem>> -> memref<128xi32, #tpu.memory_space<vmem>>
      %dma_wait3A_116 = arith.constant 0 : i32
      %dma_wait3A_117 = tpu.memref_slice %arg8[%dma_wait3A_116] : memref<10240xf32, #tpu.memory_space<vmem_shared>> -> memref<10240xf32, #tpu.memory_space<vmem_shared>>
      tpu.wait_indirect_dma semaphore(%arg26 : memref<!tpu.dma_semaphore, #tpu.memory_space<semaphore_mem>>) src(%arg20 : memref<128xf32, #tpu.memory_space<vmem>>) dst(%dma_wait3A_117 : memref<10240xf32, #tpu.memory_space<vmem_shared>>)
      %dma_start3A_118 = arith.constant 640 : i32
      %dma_start3A_119 = tpu.memref_slice %arg11[%dma_start3A_118] : memref<2560xi32, #tpu.memory_space<vmem>> -> memref<128xi32, #tpu.memory_space<vmem>>
      %dma_start3A_120 = arith.constant 0 : i32
      %dma_start3A_121 = tpu.memref_slice %arg8[%dma_start3A_120] : memref<10240xf32, #tpu.memory_space<vmem_shared>> -> memref<10240xf32, #tpu.memory_space<vmem_shared>>
      tpu.enqueue_indirect_dma source(%arg20 : memref<128xf32, #tpu.memory_space<vmem>>) target(%dma_start3A_121 : memref<10240xf32, #tpu.memory_space<vmem_shared>>) offsets(%dma_start3A_119 : memref<128xi32, #tpu.memory_space<vmem>>) semaphore(%arg26 : memref<!tpu.dma_semaphore, #tpu.memory_space<semaphore_mem>>) {add = true}
      %dma_wait3A_122 = arith.constant 512 : i32
      %dma_wait3A_123 = tpu.memref_slice %arg11[%dma_wait3A_122] : memref<2560xi32, #tpu.memory_space<vmem>> -> memref<128xi32, #tpu.memory_space<vmem>>
      %dma_wait3A_124 = arith.constant 0 : i32
      %dma_wait3A_125 = tpu.memref_slice %arg8[%dma_wait3A_124] : memref<10240xf32, #tpu.memory_space<vmem_shared>> -> memref<10240xf32, #tpu.memory_space<vmem_shared>>
      tpu.wait_indirect_dma semaphore(%arg25 : memref<!tpu.dma_semaphore, #tpu.memory_space<semaphore_mem>>) src(%arg20 : memref<128xf32, #tpu.memory_space<vmem>>) dst(%dma_wait3A_125 : memref<10240xf32, #tpu.memory_space<vmem_shared>>)
      %dma_start3A_126 = arith.constant 768 : i32
      %dma_start3A_127 = tpu.memref_slice %arg11[%dma_start3A_126] : memref<2560xi32, #tpu.memory_space<vmem>> -> memref<128xi32, #tpu.memory_space<vmem>>
      %dma_start3A_128 = arith.constant 0 : i32
      %dma_start3A_129 = tpu.memref_slice %arg8[%dma_start3A_128] : memref<10240xf32, #tpu.memory_space<vmem_shared>> -> memref<10240xf32, #tpu.memory_space<vmem_shared>>
      tpu.enqueue_indirect_dma source(%arg20 : memref<128xf32, #tpu.memory_space<vmem>>) target(%dma_start3A_129 : memref<10240xf32, #tpu.memory_space<vmem_shared>>) offsets(%dma_start3A_127 : memref<128xi32, #tpu.memory_space<vmem>>) semaphore(%arg25 : memref<!tpu.dma_semaphore, #tpu.memory_space<semaphore_mem>>) {add = true}
      %dma_wait3A_130 = arith.constant 640 : i32
      %dma_wait3A_131 = tpu.memref_slice %arg11[%dma_wait3A_130] : memref<2560xi32, #tpu.memory_space<vmem>> -> memref<128xi32, #tpu.memory_space<vmem>>
      %dma_wait3A_132 = arith.constant 0 : i32
      %dma_wait3A_133 = tpu.memref_slice %arg8[%dma_wait3A_132] : memref<10240xf32, #tpu.memory_space<vmem_shared>> -> memref<10240xf32, #tpu.memory_space<vmem_shared>>
      tpu.wait_indirect_dma semaphore(%arg26 : memref<!tpu.dma_semaphore, #tpu.memory_space<semaphore_mem>>) src(%arg20 : memref<128xf32, #tpu.memory_space<vmem>>) dst(%dma_wait3A_133 : memref<10240xf32, #tpu.memory_space<vmem_shared>>)
      %dma_start3A_134 = arith.constant 896 : i32
      %dma_start3A_135 = tpu.memref_slice %arg11[%dma_start3A_134] : memref<2560xi32, #tpu.memory_space<vmem>> -> memref<128xi32, #tpu.memory_space<vmem>>
      %dma_start3A_136 = arith.constant 0 : i32
      %dma_start3A_137 = tpu.memref_slice %arg8[%dma_start3A_136] : memref<10240xf32, #tpu.memory_space<vmem_shared>> -> memref<10240xf32, #tpu.memory_space<vmem_shared>>
      tpu.enqueue_indirect_dma source(%arg20 : memref<128xf32, #tpu.memory_space<vmem>>) target(%dma_start3A_137 : memref<10240xf32, #tpu.memory_space<vmem_shared>>) offsets(%dma_start3A_135 : memref<128xi32, #tpu.memory_space<vmem>>) semaphore(%arg26 : memref<!tpu.dma_semaphore, #tpu.memory_space<semaphore_mem>>) {add = true}
      %dma_wait3A_138 = arith.constant 768 : i32
      %dma_wait3A_139 = tpu.memref_slice %arg11[%dma_wait3A_138] : memref<2560xi32, #tpu.memory_space<vmem>> -> memref<128xi32, #tpu.memory_space<vmem>>
      %dma_wait3A_140 = arith.constant 0 : i32
      %dma_wait3A_141 = tpu.memref_slice %arg8[%dma_wait3A_140] : memref<10240xf32, #tpu.memory_space<vmem_shared>> -> memref<10240xf32, #tpu.memory_space<vmem_shared>>
      tpu.wait_indirect_dma semaphore(%arg25 : memref<!tpu.dma_semaphore, #tpu.memory_space<semaphore_mem>>) src(%arg20 : memref<128xf32, #tpu.memory_space<vmem>>) dst(%dma_wait3A_141 : memref<10240xf32, #tpu.memory_space<vmem_shared>>)
      %dma_start3A_142 = arith.constant 1024 : i32
      %dma_start3A_143 = tpu.memref_slice %arg11[%dma_start3A_142] : memref<2560xi32, #tpu.memory_space<vmem>> -> memref<128xi32, #tpu.memory_space<vmem>>
      %dma_start3A_144 = arith.constant 0 : i32
      %dma_start3A_145 = tpu.memref_slice %arg8[%dma_start3A_144] : memref<10240xf32, #tpu.memory_space<vmem_shared>> -> memref<10240xf32, #tpu.memory_space<vmem_shared>>
      tpu.enqueue_indirect_dma source(%arg20 : memref<128xf32, #tpu.memory_space<vmem>>) target(%dma_start3A_145 : memref<10240xf32, #tpu.memory_space<vmem_shared>>) offsets(%dma_start3A_143 : memref<128xi32, #tpu.memory_space<vmem>>) semaphore(%arg25 : memref<!tpu.dma_semaphore, #tpu.memory_space<semaphore_mem>>) {add = true}
      %dma_wait3A_146 = arith.constant 896 : i32
      %dma_wait3A_147 = tpu.memref_slice %arg11[%dma_wait3A_146] : memref<2560xi32, #tpu.memory_space<vmem>> -> memref<128xi32, #tpu.memory_space<vmem>>
      %dma_wait3A_148 = arith.constant 0 : i32
      %dma_wait3A_149 = tpu.memref_slice %arg8[%dma_wait3A_148] : memref<10240xf32, #tpu.memory_space<vmem_shared>> -> memref<10240xf32, #tpu.memory_space<vmem_shared>>
      tpu.wait_indirect_dma semaphore(%arg26 : memref<!tpu.dma_semaphore, #tpu.memory_space<semaphore_mem>>) src(%arg20 : memref<128xf32, #tpu.memory_space<vmem>>) dst(%dma_wait3A_149 : memref<10240xf32, #tpu.memory_space<vmem_shared>>)
      %dma_start3A_150 = arith.constant 1152 : i32
      %dma_start3A_151 = tpu.memref_slice %arg11[%dma_start3A_150] : memref<2560xi32, #tpu.memory_space<vmem>> -> memref<128xi32, #tpu.memory_space<vmem>>
      %dma_start3A_152 = arith.constant 0 : i32
      %dma_start3A_153 = tpu.memref_slice %arg8[%dma_start3A_152] : memref<10240xf32, #tpu.memory_space<vmem_shared>> -> memref<10240xf32, #tpu.memory_space<vmem_shared>>
      tpu.enqueue_indirect_dma source(%arg20 : memref<128xf32, #tpu.memory_space<vmem>>) target(%dma_start3A_153 : memref<10240xf32, #tpu.memory_space<vmem_shared>>) offsets(%dma_start3A_151 : memref<128xi32, #tpu.memory_space<vmem>>) semaphore(%arg26 : memref<!tpu.dma_semaphore, #tpu.memory_space<semaphore_mem>>) {add = true}
      %dma_wait3A_154 = arith.constant 1024 : i32
      %dma_wait3A_155 = tpu.memref_slice %arg11[%dma_wait3A_154] : memref<2560xi32, #tpu.memory_space<vmem>> -> memref<128xi32, #tpu.memory_space<vmem>>
      %dma_wait3A_156 = arith.constant 0 : i32
      %dma_wait3A_157 = tpu.memref_slice %arg8[%dma_wait3A_156] : memref<10240xf32, #tpu.memory_space<vmem_shared>> -> memref<10240xf32, #tpu.memory_space<vmem_shared>>
      tpu.wait_indirect_dma semaphore(%arg25 : memref<!tpu.dma_semaphore, #tpu.memory_space<semaphore_mem>>) src(%arg20 : memref<128xf32, #tpu.memory_space<vmem>>) dst(%dma_wait3A_157 : memref<10240xf32, #tpu.memory_space<vmem_shared>>)
      %dma_start3A_158 = arith.constant 1280 : i32
      %dma_start3A_159 = tpu.memref_slice %arg11[%dma_start3A_158] : memref<2560xi32, #tpu.memory_space<vmem>> -> memref<128xi32, #tpu.memory_space<vmem>>
      %dma_start3A_160 = arith.constant 0 : i32
      %dma_start3A_161 = tpu.memref_slice %arg8[%dma_start3A_160] : memref<10240xf32, #tpu.memory_space<vmem_shared>> -> memref<10240xf32, #tpu.memory_space<vmem_shared>>
      tpu.enqueue_indirect_dma source(%arg20 : memref<128xf32, #tpu.memory_space<vmem>>) target(%dma_start3A_161 : memref<10240xf32, #tpu.memory_space<vmem_shared>>) offsets(%dma_start3A_159 : memref<128xi32, #tpu.memory_space<vmem>>) semaphore(%arg25 : memref<!tpu.dma_semaphore, #tpu.memory_space<semaphore_mem>>) {add = true}
      %dma_wait3A_162 = arith.constant 1152 : i32
      %dma_wait3A_163 = tpu.memref_slice %arg11[%dma_wait3A_162] : memref<2560xi32, #tpu.memory_space<vmem>> -> memref<128xi32, #tpu.memory_space<vmem>>
      %dma_wait3A_164 = arith.constant 0 : i32
      %dma_wait3A_165 = tpu.memref_slice %arg8[%dma_wait3A_164] : memref<10240xf32, #tpu.memory_space<vmem_shared>> -> memref<10240xf32, #tpu.memory_space<vmem_shared>>
      tpu.wait_indirect_dma semaphore(%arg26 : memref<!tpu.dma_semaphore, #tpu.memory_space<semaphore_mem>>) src(%arg20 : memref<128xf32, #tpu.memory_space<vmem>>) dst(%dma_wait3A_165 : memref<10240xf32, #tpu.memory_space<vmem_shared>>)
      %dma_start3A_166 = arith.constant 1408 : i32
      %dma_start3A_167 = tpu.memref_slice %arg11[%dma_start3A_166] : memref<2560xi32, #tpu.memory_space<vmem>> -> memref<128xi32, #tpu.memory_space<vmem>>
      %dma_start3A_168 = arith.constant 0 : i32
      %dma_start3A_169 = tpu.memref_slice %arg8[%dma_start3A_168] : memref<10240xf32, #tpu.memory_space<vmem_shared>> -> memref<10240xf32, #tpu.memory_space<vmem_shared>>
      tpu.enqueue_indirect_dma source(%arg20 : memref<128xf32, #tpu.memory_space<vmem>>) target(%dma_start3A_169 : memref<10240xf32, #tpu.memory_space<vmem_shared>>) offsets(%dma_start3A_167 : memref<128xi32, #tpu.memory_space<vmem>>) semaphore(%arg26 : memref<!tpu.dma_semaphore, #tpu.memory_space<semaphore_mem>>) {add = true}
      %dma_wait3A_170 = arith.constant 1280 : i32
      %dma_wait3A_171 = tpu.memref_slice %arg11[%dma_wait3A_170] : memref<2560xi32, #tpu.memory_space<vmem>> -> memref<128xi32, #tpu.memory_space<vmem>>
      %dma_wait3A_172 = arith.constant 0 : i32
      %dma_wait3A_173 = tpu.memref_slice %arg8[%dma_wait3A_172] : memref<10240xf32, #tpu.memory_space<vmem_shared>> -> memref<10240xf32, #tpu.memory_space<vmem_shared>>
      tpu.wait_indirect_dma semaphore(%arg25 : memref<!tpu.dma_semaphore, #tpu.memory_space<semaphore_mem>>) src(%arg20 : memref<128xf32, #tpu.memory_space<vmem>>) dst(%dma_wait3A_173 : memref<10240xf32, #tpu.memory_space<vmem_shared>>)
      %dma_start3A_174 = arith.constant 1536 : i32
      %dma_start3A_175 = tpu.memref_slice %arg11[%dma_start3A_174] : memref<2560xi32, #tpu.memory_space<vmem>> -> memref<128xi32, #tpu.memory_space<vmem>>
      %dma_start3A_176 = arith.constant 0 : i32
      %dma_start3A_177 = tpu.memref_slice %arg8[%dma_start3A_176] : memref<10240xf32, #tpu.memory_space<vmem_shared>> -> memref<10240xf32, #tpu.memory_space<vmem_shared>>
      tpu.enqueue_indirect_dma source(%arg20 : memref<128xf32, #tpu.memory_space<vmem>>) target(%dma_start3A_177 : memref<10240xf32, #tpu.memory_space<vmem_shared>>) offsets(%dma_start3A_175 : memref<128xi32, #tpu.memory_space<vmem>>) semaphore(%arg25 : memref<!tpu.dma_semaphore, #tpu.memory_space<semaphore_mem>>) {add = true}
      %dma_wait3A_178 = arith.constant 1408 : i32
      %dma_wait3A_179 = tpu.memref_slice %arg11[%dma_wait3A_178] : memref<2560xi32, #tpu.memory_space<vmem>> -> memref<128xi32, #tpu.memory_space<vmem>>
      %dma_wait3A_180 = arith.constant 0 : i32
      %dma_wait3A_181 = tpu.memref_slice %arg8[%dma_wait3A_180] : memref<10240xf32, #tpu.memory_space<vmem_shared>> -> memref<10240xf32, #tpu.memory_space<vmem_shared>>
      tpu.wait_indirect_dma semaphore(%arg26 : memref<!tpu.dma_semaphore, #tpu.memory_space<semaphore_mem>>) src(%arg20 : memref<128xf32, #tpu.memory_space<vmem>>) dst(%dma_wait3A_181 : memref<10240xf32, #tpu.memory_space<vmem_shared>>)
      %dma_start3A_182 = arith.constant 1664 : i32
      %dma_start3A_183 = tpu.memref_slice %arg11[%dma_start3A_182] : memref<2560xi32, #tpu.memory_space<vmem>> -> memref<128xi32, #tpu.memory_space<vmem>>
      %dma_start3A_184 = arith.constant 0 : i32
      %dma_start3A_185 = tpu.memref_slice %arg8[%dma_start3A_184] : memref<10240xf32, #tpu.memory_space<vmem_shared>> -> memref<10240xf32, #tpu.memory_space<vmem_shared>>
      tpu.enqueue_indirect_dma source(%arg20 : memref<128xf32, #tpu.memory_space<vmem>>) target(%dma_start3A_185 : memref<10240xf32, #tpu.memory_space<vmem_shared>>) offsets(%dma_start3A_183 : memref<128xi32, #tpu.memory_space<vmem>>) semaphore(%arg26 : memref<!tpu.dma_semaphore, #tpu.memory_space<semaphore_mem>>) {add = true}
      %dma_wait3A_186 = arith.constant 1536 : i32
      %dma_wait3A_187 = tpu.memref_slice %arg11[%dma_wait3A_186] : memref<2560xi32, #tpu.memory_space<vmem>> -> memref<128xi32, #tpu.memory_space<vmem>>
      %dma_wait3A_188 = arith.constant 0 : i32
      %dma_wait3A_189 = tpu.memref_slice %arg8[%dma_wait3A_188] : memref<10240xf32, #tpu.memory_space<vmem_shared>> -> memref<10240xf32, #tpu.memory_space<vmem_shared>>
      tpu.wait_indirect_dma semaphore(%arg25 : memref<!tpu.dma_semaphore, #tpu.memory_space<semaphore_mem>>) src(%arg20 : memref<128xf32, #tpu.memory_space<vmem>>) dst(%dma_wait3A_189 : memref<10240xf32, #tpu.memory_space<vmem_shared>>)
      %dma_start3A_190 = arith.constant 1792 : i32
      %dma_start3A_191 = tpu.memref_slice %arg11[%dma_start3A_190] : memref<2560xi32, #tpu.memory_space<vmem>> -> memref<128xi32, #tpu.memory_space<vmem>>
      %dma_start3A_192 = arith.constant 0 : i32
      %dma_start3A_193 = tpu.memref_slice %arg8[%dma_start3A_192] : memref<10240xf32, #tpu.memory_space<vmem_shared>> -> memref<10240xf32, #tpu.memory_space<vmem_shared>>
      tpu.enqueue_indirect_dma source(%arg20 : memref<128xf32, #tpu.memory_space<vmem>>) target(%dma_start3A_193 : memref<10240xf32, #tpu.memory_space<vmem_shared>>) offsets(%dma_start3A_191 : memref<128xi32, #tpu.memory_space<vmem>>) semaphore(%arg25 : memref<!tpu.dma_semaphore, #tpu.memory_space<semaphore_mem>>) {add = true}
      %dma_wait3A_194 = arith.constant 1664 : i32
      %dma_wait3A_195 = tpu.memref_slice %arg11[%dma_wait3A_194] : memref<2560xi32, #tpu.memory_space<vmem>> -> memref<128xi32, #tpu.memory_space<vmem>>
      %dma_wait3A_196 = arith.constant 0 : i32
      %dma_wait3A_197 = tpu.memref_slice %arg8[%dma_wait3A_196] : memref<10240xf32, #tpu.memory_space<vmem_shared>> -> memref<10240xf32, #tpu.memory_space<vmem_shared>>
      tpu.wait_indirect_dma semaphore(%arg26 : memref<!tpu.dma_semaphore, #tpu.memory_space<semaphore_mem>>) src(%arg20 : memref<128xf32, #tpu.memory_space<vmem>>) dst(%dma_wait3A_197 : memref<10240xf32, #tpu.memory_space<vmem_shared>>)
      %dma_start3A_198 = arith.constant 1920 : i32
      %dma_start3A_199 = tpu.memref_slice %arg11[%dma_start3A_198] : memref<2560xi32, #tpu.memory_space<vmem>> -> memref<128xi32, #tpu.memory_space<vmem>>
      %dma_start3A_200 = arith.constant 0 : i32
      %dma_start3A_201 = tpu.memref_slice %arg8[%dma_start3A_200] : memref<10240xf32, #tpu.memory_space<vmem_shared>> -> memref<10240xf32, #tpu.memory_space<vmem_shared>>
      tpu.enqueue_indirect_dma source(%arg20 : memref<128xf32, #tpu.memory_space<vmem>>) target(%dma_start3A_201 : memref<10240xf32, #tpu.memory_space<vmem_shared>>) offsets(%dma_start3A_199 : memref<128xi32, #tpu.memory_space<vmem>>) semaphore(%arg26 : memref<!tpu.dma_semaphore, #tpu.memory_space<semaphore_mem>>) {add = true}
      %dma_wait3A_202 = arith.constant 1792 : i32
      %dma_wait3A_203 = tpu.memref_slice %arg11[%dma_wait3A_202] : memref<2560xi32, #tpu.memory_space<vmem>> -> memref<128xi32, #tpu.memory_space<vmem>>
      %dma_wait3A_204 = arith.constant 0 : i32
      %dma_wait3A_205 = tpu.memref_slice %arg8[%dma_wait3A_204] : memref<10240xf32, #tpu.memory_space<vmem_shared>> -> memref<10240xf32, #tpu.memory_space<vmem_shared>>
      tpu.wait_indirect_dma semaphore(%arg25 : memref<!tpu.dma_semaphore, #tpu.memory_space<semaphore_mem>>) src(%arg20 : memref<128xf32, #tpu.memory_space<vmem>>) dst(%dma_wait3A_205 : memref<10240xf32, #tpu.memory_space<vmem_shared>>)
      %dma_start3A_206 = arith.constant 2048 : i32
      %dma_start3A_207 = tpu.memref_slice %arg11[%dma_start3A_206] : memref<2560xi32, #tpu.memory_space<vmem>> -> memref<128xi32, #tpu.memory_space<vmem>>
      %dma_start3A_208 = arith.constant 0 : i32
      %dma_start3A_209 = tpu.memref_slice %arg8[%dma_start3A_208] : memref<10240xf32, #tpu.memory_space<vmem_shared>> -> memref<10240xf32, #tpu.memory_space<vmem_shared>>
      tpu.enqueue_indirect_dma source(%arg20 : memref<128xf32, #tpu.memory_space<vmem>>) target(%dma_start3A_209 : memref<10240xf32, #tpu.memory_space<vmem_shared>>) offsets(%dma_start3A_207 : memref<128xi32, #tpu.memory_space<vmem>>) semaphore(%arg25 : memref<!tpu.dma_semaphore, #tpu.memory_space<semaphore_mem>>) {add = true}
      %dma_wait3A_210 = arith.constant 1920 : i32
      %dma_wait3A_211 = tpu.memref_slice %arg11[%dma_wait3A_210] : memref<2560xi32, #tpu.memory_space<vmem>> -> memref<128xi32, #tpu.memory_space<vmem>>
      %dma_wait3A_212 = arith.constant 0 : i32
      %dma_wait3A_213 = tpu.memref_slice %arg8[%dma_wait3A_212] : memref<10240xf32, #tpu.memory_space<vmem_shared>> -> memref<10240xf32, #tpu.memory_space<vmem_shared>>
      tpu.wait_indirect_dma semaphore(%arg26 : memref<!tpu.dma_semaphore, #tpu.memory_space<semaphore_mem>>) src(%arg20 : memref<128xf32, #tpu.memory_space<vmem>>) dst(%dma_wait3A_213 : memref<10240xf32, #tpu.memory_space<vmem_shared>>)
      %dma_start3A_214 = arith.constant 2176 : i32
      %dma_start3A_215 = tpu.memref_slice %arg11[%dma_start3A_214] : memref<2560xi32, #tpu.memory_space<vmem>> -> memref<128xi32, #tpu.memory_space<vmem>>
      %dma_start3A_216 = arith.constant 0 : i32
      %dma_start3A_217 = tpu.memref_slice %arg8[%dma_start3A_216] : memref<10240xf32, #tpu.memory_space<vmem_shared>> -> memref<10240xf32, #tpu.memory_space<vmem_shared>>
      tpu.enqueue_indirect_dma source(%arg20 : memref<128xf32, #tpu.memory_space<vmem>>) target(%dma_start3A_217 : memref<10240xf32, #tpu.memory_space<vmem_shared>>) offsets(%dma_start3A_215 : memref<128xi32, #tpu.memory_space<vmem>>) semaphore(%arg26 : memref<!tpu.dma_semaphore, #tpu.memory_space<semaphore_mem>>) {add = true}
      %dma_wait3A_218 = arith.constant 2048 : i32
      %dma_wait3A_219 = tpu.memref_slice %arg11[%dma_wait3A_218] : memref<2560xi32, #tpu.memory_space<vmem>> -> memref<128xi32, #tpu.memory_space<vmem>>
      %dma_wait3A_220 = arith.constant 0 : i32
      %dma_wait3A_221 = tpu.memref_slice %arg8[%dma_wait3A_220] : memref<10240xf32, #tpu.memory_space<vmem_shared>> -> memref<10240xf32, #tpu.memory_space<vmem_shared>>
      tpu.wait_indirect_dma semaphore(%arg25 : memref<!tpu.dma_semaphore, #tpu.memory_space<semaphore_mem>>) src(%arg20 : memref<128xf32, #tpu.memory_space<vmem>>) dst(%dma_wait3A_221 : memref<10240xf32, #tpu.memory_space<vmem_shared>>)
      %dma_start3A_222 = arith.constant 2304 : i32
      %dma_start3A_223 = tpu.memref_slice %arg11[%dma_start3A_222] : memref<2560xi32, #tpu.memory_space<vmem>> -> memref<128xi32, #tpu.memory_space<vmem>>
      %dma_start3A_224 = arith.constant 0 : i32
      %dma_start3A_225 = tpu.memref_slice %arg8[%dma_start3A_224] : memref<10240xf32, #tpu.memory_space<vmem_shared>> -> memref<10240xf32, #tpu.memory_space<vmem_shared>>
      tpu.enqueue_indirect_dma source(%arg20 : memref<128xf32, #tpu.memory_space<vmem>>) target(%dma_start3A_225 : memref<10240xf32, #tpu.memory_space<vmem_shared>>) offsets(%dma_start3A_223 : memref<128xi32, #tpu.memory_space<vmem>>) semaphore(%arg25 : memref<!tpu.dma_semaphore, #tpu.memory_space<semaphore_mem>>) {add = true}
      %dma_wait3A_226 = arith.constant 2176 : i32
      %dma_wait3A_227 = tpu.memref_slice %arg11[%dma_wait3A_226] : memref<2560xi32, #tpu.memory_space<vmem>> -> memref<128xi32, #tpu.memory_space<vmem>>
      %dma_wait3A_228 = arith.constant 0 : i32
      %dma_wait3A_229 = tpu.memref_slice %arg8[%dma_wait3A_228] : memref<10240xf32, #tpu.memory_space<vmem_shared>> -> memref<10240xf32, #tpu.memory_space<vmem_shared>>
      tpu.wait_indirect_dma semaphore(%arg26 : memref<!tpu.dma_semaphore, #tpu.memory_space<semaphore_mem>>) src(%arg20 : memref<128xf32, #tpu.memory_space<vmem>>) dst(%dma_wait3A_229 : memref<10240xf32, #tpu.memory_space<vmem_shared>>)
      %dma_start3A_230 = arith.constant 2432 : i32
      %dma_start3A_231 = tpu.memref_slice %arg11[%dma_start3A_230] : memref<2560xi32, #tpu.memory_space<vmem>> -> memref<128xi32, #tpu.memory_space<vmem>>
      %dma_start3A_232 = arith.constant 0 : i32
      %dma_start3A_233 = tpu.memref_slice %arg8[%dma_start3A_232] : memref<10240xf32, #tpu.memory_space<vmem_shared>> -> memref<10240xf32, #tpu.memory_space<vmem_shared>>
      tpu.enqueue_indirect_dma source(%arg20 : memref<128xf32, #tpu.memory_space<vmem>>) target(%dma_start3A_233 : memref<10240xf32, #tpu.memory_space<vmem_shared>>) offsets(%dma_start3A_231 : memref<128xi32, #tpu.memory_space<vmem>>) semaphore(%arg26 : memref<!tpu.dma_semaphore, #tpu.memory_space<semaphore_mem>>) {add = true}
      %dma_wait3A_234 = arith.constant 2304 : i32
      %dma_wait3A_235 = tpu.memref_slice %arg11[%dma_wait3A_234] : memref<2560xi32, #tpu.memory_space<vmem>> -> memref<128xi32, #tpu.memory_space<vmem>>
      %dma_wait3A_236 = arith.constant 0 : i32
      %dma_wait3A_237 = tpu.memref_slice %arg8[%dma_wait3A_236] : memref<10240xf32, #tpu.memory_space<vmem_shared>> -> memref<10240xf32, #tpu.memory_space<vmem_shared>>
      tpu.wait_indirect_dma semaphore(%arg25 : memref<!tpu.dma_semaphore, #tpu.memory_space<semaphore_mem>>) src(%arg20 : memref<128xf32, #tpu.memory_space<vmem>>) dst(%dma_wait3A_237 : memref<10240xf32, #tpu.memory_space<vmem_shared>>)
      %dma_wait3A_238 = arith.constant 2432 : i32
      %dma_wait3A_239 = tpu.memref_slice %arg11[%dma_wait3A_238] : memref<2560xi32, #tpu.memory_space<vmem>> -> memref<128xi32, #tpu.memory_space<vmem>>
      %dma_wait3A_240 = arith.constant 0 : i32
      %dma_wait3A_241 = tpu.memref_slice %arg8[%dma_wait3A_240] : memref<10240xf32, #tpu.memory_space<vmem_shared>> -> memref<10240xf32, #tpu.memory_space<vmem_shared>>
      tpu.wait_indirect_dma semaphore(%arg26 : memref<!tpu.dma_semaphore, #tpu.memory_space<semaphore_mem>>) src(%arg20 : memref<128xf32, #tpu.memory_space<vmem>>) dst(%dma_wait3A_241 : memref<10240xf32, #tpu.memory_space<vmem_shared>>)
      %dma_wait3A_242 = arith.constant 0 : i32
      %dma_wait3A_243 = tpu.memref_slice %arg3[%dma_wait3A_242] : memref<327680xi32, #tpu.memory_space<hbm>> -> memref<2560xi32, #tpu.memory_space<hbm>>
      %dma_wait3A_244 = arith.constant 0 : i32
      %dma_wait3A_245 = tpu.memref_slice %arg3[%dma_wait3A_244] : memref<327680xi32, #tpu.memory_space<hbm>> -> memref<2560xi32, #tpu.memory_space<hbm>>
      tpu.wait_dma2 semaphore(%arg22 : memref<!tpu.dma_semaphore, #tpu.memory_space<semaphore_mem>>) src(%dma_wait3A_245 : memref<2560xi32, #tpu.memory_space<hbm>>) dst(%arg10 : memref<2560xi32, #tpu.memory_space<vmem>>)
      %dma_wait3A_246 = arith.constant 0 : i32
      %dma_wait3A_247 = tpu.memref_slice %arg4[%dma_wait3A_246] : memref<327680xi32, #tpu.memory_space<hbm>> -> memref<2560xi32, #tpu.memory_space<hbm>>
      %dma_wait3A_248 = arith.constant 0 : i32
      %dma_wait3A_249 = tpu.memref_slice %arg4[%dma_wait3A_248] : memref<327680xi32, #tpu.memory_space<hbm>> -> memref<2560xi32, #tpu.memory_space<hbm>>
      tpu.wait_dma2 semaphore(%arg22 : memref<!tpu.dma_semaphore, #tpu.memory_space<semaphore_mem>>) src(%dma_wait3A_249 : memref<2560xi32, #tpu.memory_space<hbm>>) dst(%arg12 : memref<2560xi32, #tpu.memory_space<vmem>>)
      %add3A_250 = arith.constant 2 : i32
      %add3A_251 = arith.addi %mul3A_61, %add3A_250 : i32
      %lt3A = arith.constant 8 : i32
      %lt3A_252 = arith.cmpi slt, %add3A_251, %lt3A : i32
      %convert_element_type3A = arith.extui %lt3A_252 : i1 to i32
      %cond3A = arith.constant 0 : i32
      %cond3A_253 = arith.cmpi ne, %convert_element_type3A, %cond3A : i32
      scf.if %cond3A_253 {
        %add3A_414 = arith.constant 2 : i32
        %add3A_415 = arith.addi %mul3A_61, %add3A_414 : i32
        %mul3A_416 = arith.constant 160 : i32
        %mul3A_417 = arith.muli %arg1, %mul3A_416 : i32
        %mul3A_418 = arith.constant 20 : i32
        %mul3A_419 = arith.muli %add3A_415, %mul3A_418 : i32
        %add3A_420 = arith.addi %mul3A_417, %mul3A_419 : i32
        %mul3A_421 = arith.constant 128 : i32
        %mul3A_422 = arith.muli %add3A_420, %mul3A_421 : i32
        %dma_start3A_423 = tpu.memref_slice %arg3[%mul3A_422] : memref<327680xi32, #tpu.memory_space<hbm>> -> memref<2560xi32, #tpu.memory_space<hbm>>
        %dma_start3A_424 = tpu.memref_slice %arg3[%mul3A_422] : memref<327680xi32, #tpu.memory_space<hbm>> -> memref<2560xi32, #tpu.memory_space<hbm>>
        tpu.enqueue_dma source(%dma_start3A_424 : memref<2560xi32, #tpu.memory_space<hbm>>) target(%arg9 : memref<2560xi32, #tpu.memory_space<vmem>>) target_semaphore(%arg21 : memref<!tpu.dma_semaphore, #tpu.memory_space<semaphore_mem>>)
        %dma_start3A_425 = tpu.memref_slice %arg4[%mul3A_422] : memref<327680xi32, #tpu.memory_space<hbm>> -> memref<2560xi32, #tpu.memory_space<hbm>>
        %dma_start3A_426 = tpu.memref_slice %arg4[%mul3A_422] : memref<327680xi32, #tpu.memory_space<hbm>> -> memref<2560xi32, #tpu.memory_space<hbm>>
        tpu.enqueue_dma source(%dma_start3A_426 : memref<2560xi32, #tpu.memory_space<hbm>>) target(%arg11 : memref<2560xi32, #tpu.memory_space<vmem>>) target_semaphore(%arg21 : memref<!tpu.dma_semaphore, #tpu.memory_space<semaphore_mem>>)
      } else {
      }
      %dma_start3A_254 = arith.constant 0 : i32
      %dma_start3A_255 = tpu.memref_slice %arg12[%dma_start3A_254] : memref<2560xi32, #tpu.memory_space<vmem>> -> memref<128xi32, #tpu.memory_space<vmem>>
      %dma_start3A_256 = arith.constant 0 : i32
      %dma_start3A_257 = tpu.memref_slice %arg8[%dma_start3A_256] : memref<10240xf32, #tpu.memory_space<vmem_shared>> -> memref<10240xf32, #tpu.memory_space<vmem_shared>>
      tpu.enqueue_indirect_dma source(%arg20 : memref<128xf32, #tpu.memory_space<vmem>>) target(%dma_start3A_257 : memref<10240xf32, #tpu.memory_space<vmem_shared>>) offsets(%dma_start3A_255 : memref<128xi32, #tpu.memory_space<vmem>>) semaphore(%arg25 : memref<!tpu.dma_semaphore, #tpu.memory_space<semaphore_mem>>) {add = true}
      %dma_start3A_258 = arith.constant 128 : i32
      %dma_start3A_259 = tpu.memref_slice %arg12[%dma_start3A_258] : memref<2560xi32, #tpu.memory_space<vmem>> -> memref<128xi32, #tpu.memory_space<vmem>>
      %dma_start3A_260 = arith.constant 0 : i32
      %dma_start3A_261 = tpu.memref_slice %arg8[%dma_start3A_260] : memref<10240xf32, #tpu.memory_space<vmem_shared>> -> memref<10240xf32, #tpu.memory_space<vmem_shared>>
      tpu.enqueue_indirect_dma source(%arg20 : memref<128xf32, #tpu.memory_space<vmem>>) target(%dma_start3A_261 : memref<10240xf32, #tpu.memory_space<vmem_shared>>) offsets(%dma_start3A_259 : memref<128xi32, #tpu.memory_space<vmem>>) semaphore(%arg26 : memref<!tpu.dma_semaphore, #tpu.memory_space<semaphore_mem>>) {add = true}
      %dma_wait3A_262 = arith.constant 0 : i32
      %dma_wait3A_263 = tpu.memref_slice %arg12[%dma_wait3A_262] : memref<2560xi32, #tpu.memory_space<vmem>> -> memref<128xi32, #tpu.memory_space<vmem>>
      %dma_wait3A_264 = arith.constant 0 : i32
      %dma_wait3A_265 = tpu.memref_slice %arg8[%dma_wait3A_264] : memref<10240xf32, #tpu.memory_space<vmem_shared>> -> memref<10240xf32, #tpu.memory_space<vmem_shared>>
      tpu.wait_indirect_dma semaphore(%arg25 : memref<!tpu.dma_semaphore, #tpu.memory_space<semaphore_mem>>) src(%arg20 : memref<128xf32, #tpu.memory_space<vmem>>) dst(%dma_wait3A_265 : memref<10240xf32, #tpu.memory_space<vmem_shared>>)
      %dma_start3A_266 = arith.constant 256 : i32
      %dma_start3A_267 = tpu.memref_slice %arg12[%dma_start3A_266] : memref<2560xi32, #tpu.memory_space<vmem>> -> memref<128xi32, #tpu.memory_space<vmem>>
      %dma_start3A_268 = arith.constant 0 : i32
      %dma_start3A_269 = tpu.memref_slice %arg8[%dma_start3A_268] : memref<10240xf32, #tpu.memory_space<vmem_shared>> -> memref<10240xf32, #tpu.memory_space<vmem_shared>>
      tpu.enqueue_indirect_dma source(%arg20 : memref<128xf32, #tpu.memory_space<vmem>>) target(%dma_start3A_269 : memref<10240xf32, #tpu.memory_space<vmem_shared>>) offsets(%dma_start3A_267 : memref<128xi32, #tpu.memory_space<vmem>>) semaphore(%arg25 : memref<!tpu.dma_semaphore, #tpu.memory_space<semaphore_mem>>) {add = true}
      %dma_wait3A_270 = arith.constant 128 : i32
      %dma_wait3A_271 = tpu.memref_slice %arg12[%dma_wait3A_270] : memref<2560xi32, #tpu.memory_space<vmem>> -> memref<128xi32, #tpu.memory_space<vmem>>
      %dma_wait3A_272 = arith.constant 0 : i32
      %dma_wait3A_273 = tpu.memref_slice %arg8[%dma_wait3A_272] : memref<10240xf32, #tpu.memory_space<vmem_shared>> -> memref<10240xf32, #tpu.memory_space<vmem_shared>>
      tpu.wait_indirect_dma semaphore(%arg26 : memref<!tpu.dma_semaphore, #tpu.memory_space<semaphore_mem>>) src(%arg20 : memref<128xf32, #tpu.memory_space<vmem>>) dst(%dma_wait3A_273 : memref<10240xf32, #tpu.memory_space<vmem_shared>>)
      %dma_start3A_274 = arith.constant 384 : i32
      %dma_start3A_275 = tpu.memref_slice %arg12[%dma_start3A_274] : memref<2560xi32, #tpu.memory_space<vmem>> -> memref<128xi32, #tpu.memory_space<vmem>>
      %dma_start3A_276 = arith.constant 0 : i32
      %dma_start3A_277 = tpu.memref_slice %arg8[%dma_start3A_276] : memref<10240xf32, #tpu.memory_space<vmem_shared>> -> memref<10240xf32, #tpu.memory_space<vmem_shared>>
      tpu.enqueue_indirect_dma source(%arg20 : memref<128xf32, #tpu.memory_space<vmem>>) target(%dma_start3A_277 : memref<10240xf32, #tpu.memory_space<vmem_shared>>) offsets(%dma_start3A_275 : memref<128xi32, #tpu.memory_space<vmem>>) semaphore(%arg26 : memref<!tpu.dma_semaphore, #tpu.memory_space<semaphore_mem>>) {add = true}
      %dma_wait3A_278 = arith.constant 256 : i32
      %dma_wait3A_279 = tpu.memref_slice %arg12[%dma_wait3A_278] : memref<2560xi32, #tpu.memory_space<vmem>> -> memref<128xi32, #tpu.memory_space<vmem>>
      %dma_wait3A_280 = arith.constant 0 : i32
      %dma_wait3A_281 = tpu.memref_slice %arg8[%dma_wait3A_280] : memref<10240xf32, #tpu.memory_space<vmem_shared>> -> memref<10240xf32, #tpu.memory_space<vmem_shared>>
      tpu.wait_indirect_dma semaphore(%arg25 : memref<!tpu.dma_semaphore, #tpu.memory_space<semaphore_mem>>) src(%arg20 : memref<128xf32, #tpu.memory_space<vmem>>) dst(%dma_wait3A_281 : memref<10240xf32, #tpu.memory_space<vmem_shared>>)
      %dma_start3A_282 = arith.constant 512 : i32
      %dma_start3A_283 = tpu.memref_slice %arg12[%dma_start3A_282] : memref<2560xi32, #tpu.memory_space<vmem>> -> memref<128xi32, #tpu.memory_space<vmem>>
      %dma_start3A_284 = arith.constant 0 : i32
      %dma_start3A_285 = tpu.memref_slice %arg8[%dma_start3A_284] : memref<10240xf32, #tpu.memory_space<vmem_shared>> -> memref<10240xf32, #tpu.memory_space<vmem_shared>>
      tpu.enqueue_indirect_dma source(%arg20 : memref<128xf32, #tpu.memory_space<vmem>>) target(%dma_start3A_285 : memref<10240xf32, #tpu.memory_space<vmem_shared>>) offsets(%dma_start3A_283 : memref<128xi32, #tpu.memory_space<vmem>>) semaphore(%arg25 : memref<!tpu.dma_semaphore, #tpu.memory_space<semaphore_mem>>) {add = true}
      %dma_wait3A_286 = arith.constant 384 : i32
      %dma_wait3A_287 = tpu.memref_slice %arg12[%dma_wait3A_286] : memref<2560xi32, #tpu.memory_space<vmem>> -> memref<128xi32, #tpu.memory_space<vmem>>
      %dma_wait3A_288 = arith.constant 0 : i32
      %dma_wait3A_289 = tpu.memref_slice %arg8[%dma_wait3A_288] : memref<10240xf32, #tpu.memory_space<vmem_shared>> -> memref<10240xf32, #tpu.memory_space<vmem_shared>>
      tpu.wait_indirect_dma semaphore(%arg26 : memref<!tpu.dma_semaphore, #tpu.memory_space<semaphore_mem>>) src(%arg20 : memref<128xf32, #tpu.memory_space<vmem>>) dst(%dma_wait3A_289 : memref<10240xf32, #tpu.memory_space<vmem_shared>>)
      %dma_start3A_290 = arith.constant 640 : i32
      %dma_start3A_291 = tpu.memref_slice %arg12[%dma_start3A_290] : memref<2560xi32, #tpu.memory_space<vmem>> -> memref<128xi32, #tpu.memory_space<vmem>>
      %dma_start3A_292 = arith.constant 0 : i32
      %dma_start3A_293 = tpu.memref_slice %arg8[%dma_start3A_292] : memref<10240xf32, #tpu.memory_space<vmem_shared>> -> memref<10240xf32, #tpu.memory_space<vmem_shared>>
      tpu.enqueue_indirect_dma source(%arg20 : memref<128xf32, #tpu.memory_space<vmem>>) target(%dma_start3A_293 : memref<10240xf32, #tpu.memory_space<vmem_shared>>) offsets(%dma_start3A_291 : memref<128xi32, #tpu.memory_space<vmem>>) semaphore(%arg26 : memref<!tpu.dma_semaphore, #tpu.memory_space<semaphore_mem>>) {add = true}
      %dma_wait3A_294 = arith.constant 512 : i32
      %dma_wait3A_295 = tpu.memref_slice %arg12[%dma_wait3A_294] : memref<2560xi32, #tpu.memory_space<vmem>> -> memref<128xi32, #tpu.memory_space<vmem>>
      %dma_wait3A_296 = arith.constant 0 : i32
      %dma_wait3A_297 = tpu.memref_slice %arg8[%dma_wait3A_296] : memref<10240xf32, #tpu.memory_space<vmem_shared>> -> memref<10240xf32, #tpu.memory_space<vmem_shared>>
      tpu.wait_indirect_dma semaphore(%arg25 : memref<!tpu.dma_semaphore, #tpu.memory_space<semaphore_mem>>) src(%arg20 : memref<128xf32, #tpu.memory_space<vmem>>) dst(%dma_wait3A_297 : memref<10240xf32, #tpu.memory_space<vmem_shared>>)
      %dma_start3A_298 = arith.constant 768 : i32
      %dma_start3A_299 = tpu.memref_slice %arg12[%dma_start3A_298] : memref<2560xi32, #tpu.memory_space<vmem>> -> memref<128xi32, #tpu.memory_space<vmem>>
      %dma_start3A_300 = arith.constant 0 : i32
      %dma_start3A_301 = tpu.memref_slice %arg8[%dma_start3A_300] : memref<10240xf32, #tpu.memory_space<vmem_shared>> -> memref<10240xf32, #tpu.memory_space<vmem_shared>>
      tpu.enqueue_indirect_dma source(%arg20 : memref<128xf32, #tpu.memory_space<vmem>>) target(%dma_start3A_301 : memref<10240xf32, #tpu.memory_space<vmem_shared>>) offsets(%dma_start3A_299 : memref<128xi32, #tpu.memory_space<vmem>>) semaphore(%arg25 : memref<!tpu.dma_semaphore, #tpu.memory_space<semaphore_mem>>) {add = true}
      %dma_wait3A_302 = arith.constant 640 : i32
      %dma_wait3A_303 = tpu.memref_slice %arg12[%dma_wait3A_302] : memref<2560xi32, #tpu.memory_space<vmem>> -> memref<128xi32, #tpu.memory_space<vmem>>
      %dma_wait3A_304 = arith.constant 0 : i32
      %dma_wait3A_305 = tpu.memref_slice %arg8[%dma_wait3A_304] : memref<10240xf32, #tpu.memory_space<vmem_shared>> -> memref<10240xf32, #tpu.memory_space<vmem_shared>>
      tpu.wait_indirect_dma semaphore(%arg26 : memref<!tpu.dma_semaphore, #tpu.memory_space<semaphore_mem>>) src(%arg20 : memref<128xf32, #tpu.memory_space<vmem>>) dst(%dma_wait3A_305 : memref<10240xf32, #tpu.memory_space<vmem_shared>>)
      %dma_start3A_306 = arith.constant 896 : i32
      %dma_start3A_307 = tpu.memref_slice %arg12[%dma_start3A_306] : memref<2560xi32, #tpu.memory_space<vmem>> -> memref<128xi32, #tpu.memory_space<vmem>>
      %dma_start3A_308 = arith.constant 0 : i32
      %dma_start3A_309 = tpu.memref_slice %arg8[%dma_start3A_308] : memref<10240xf32, #tpu.memory_space<vmem_shared>> -> memref<10240xf32, #tpu.memory_space<vmem_shared>>
      tpu.enqueue_indirect_dma source(%arg20 : memref<128xf32, #tpu.memory_space<vmem>>) target(%dma_start3A_309 : memref<10240xf32, #tpu.memory_space<vmem_shared>>) offsets(%dma_start3A_307 : memref<128xi32, #tpu.memory_space<vmem>>) semaphore(%arg26 : memref<!tpu.dma_semaphore, #tpu.memory_space<semaphore_mem>>) {add = true}
      %dma_wait3A_310 = arith.constant 768 : i32
      %dma_wait3A_311 = tpu.memref_slice %arg12[%dma_wait3A_310] : memref<2560xi32, #tpu.memory_space<vmem>> -> memref<128xi32, #tpu.memory_space<vmem>>
      %dma_wait3A_312 = arith.constant 0 : i32
      %dma_wait3A_313 = tpu.memref_slice %arg8[%dma_wait3A_312] : memref<10240xf32, #tpu.memory_space<vmem_shared>> -> memref<10240xf32, #tpu.memory_space<vmem_shared>>
      tpu.wait_indirect_dma semaphore(%arg25 : memref<!tpu.dma_semaphore, #tpu.memory_space<semaphore_mem>>) src(%arg20 : memref<128xf32, #tpu.memory_space<vmem>>) dst(%dma_wait3A_313 : memref<10240xf32, #tpu.memory_space<vmem_shared>>)
      %dma_start3A_314 = arith.constant 1024 : i32
      %dma_start3A_315 = tpu.memref_slice %arg12[%dma_start3A_314] : memref<2560xi32, #tpu.memory_space<vmem>> -> memref<128xi32, #tpu.memory_space<vmem>>
      %dma_start3A_316 = arith.constant 0 : i32
      %dma_start3A_317 = tpu.memref_slice %arg8[%dma_start3A_316] : memref<10240xf32, #tpu.memory_space<vmem_shared>> -> memref<10240xf32, #tpu.memory_space<vmem_shared>>
      tpu.enqueue_indirect_dma source(%arg20 : memref<128xf32, #tpu.memory_space<vmem>>) target(%dma_start3A_317 : memref<10240xf32, #tpu.memory_space<vmem_shared>>) offsets(%dma_start3A_315 : memref<128xi32, #tpu.memory_space<vmem>>) semaphore(%arg25 : memref<!tpu.dma_semaphore, #tpu.memory_space<semaphore_mem>>) {add = true}
      %dma_wait3A_318 = arith.constant 896 : i32
      %dma_wait3A_319 = tpu.memref_slice %arg12[%dma_wait3A_318] : memref<2560xi32, #tpu.memory_space<vmem>> -> memref<128xi32, #tpu.memory_space<vmem>>
      %dma_wait3A_320 = arith.constant 0 : i32
      %dma_wait3A_321 = tpu.memref_slice %arg8[%dma_wait3A_320] : memref<10240xf32, #tpu.memory_space<vmem_shared>> -> memref<10240xf32, #tpu.memory_space<vmem_shared>>
      tpu.wait_indirect_dma semaphore(%arg26 : memref<!tpu.dma_semaphore, #tpu.memory_space<semaphore_mem>>) src(%arg20 : memref<128xf32, #tpu.memory_space<vmem>>) dst(%dma_wait3A_321 : memref<10240xf32, #tpu.memory_space<vmem_shared>>)
      %dma_start3A_322 = arith.constant 1152 : i32
      %dma_start3A_323 = tpu.memref_slice %arg12[%dma_start3A_322] : memref<2560xi32, #tpu.memory_space<vmem>> -> memref<128xi32, #tpu.memory_space<vmem>>
      %dma_start3A_324 = arith.constant 0 : i32
      %dma_start3A_325 = tpu.memref_slice %arg8[%dma_start3A_324] : memref<10240xf32, #tpu.memory_space<vmem_shared>> -> memref<10240xf32, #tpu.memory_space<vmem_shared>>
      tpu.enqueue_indirect_dma source(%arg20 : memref<128xf32, #tpu.memory_space<vmem>>) target(%dma_start3A_325 : memref<10240xf32, #tpu.memory_space<vmem_shared>>) offsets(%dma_start3A_323 : memref<128xi32, #tpu.memory_space<vmem>>) semaphore(%arg26 : memref<!tpu.dma_semaphore, #tpu.memory_space<semaphore_mem>>) {add = true}
      %dma_wait3A_326 = arith.constant 1024 : i32
      %dma_wait3A_327 = tpu.memref_slice %arg12[%dma_wait3A_326] : memref<2560xi32, #tpu.memory_space<vmem>> -> memref<128xi32, #tpu.memory_space<vmem>>
      %dma_wait3A_328 = arith.constant 0 : i32
      %dma_wait3A_329 = tpu.memref_slice %arg8[%dma_wait3A_328] : memref<10240xf32, #tpu.memory_space<vmem_shared>> -> memref<10240xf32, #tpu.memory_space<vmem_shared>>
      tpu.wait_indirect_dma semaphore(%arg25 : memref<!tpu.dma_semaphore, #tpu.memory_space<semaphore_mem>>) src(%arg20 : memref<128xf32, #tpu.memory_space<vmem>>) dst(%dma_wait3A_329 : memref<10240xf32, #tpu.memory_space<vmem_shared>>)
      %dma_start3A_330 = arith.constant 1280 : i32
      %dma_start3A_331 = tpu.memref_slice %arg12[%dma_start3A_330] : memref<2560xi32, #tpu.memory_space<vmem>> -> memref<128xi32, #tpu.memory_space<vmem>>
      %dma_start3A_332 = arith.constant 0 : i32
      %dma_start3A_333 = tpu.memref_slice %arg8[%dma_start3A_332] : memref<10240xf32, #tpu.memory_space<vmem_shared>> -> memref<10240xf32, #tpu.memory_space<vmem_shared>>
      tpu.enqueue_indirect_dma source(%arg20 : memref<128xf32, #tpu.memory_space<vmem>>) target(%dma_start3A_333 : memref<10240xf32, #tpu.memory_space<vmem_shared>>) offsets(%dma_start3A_331 : memref<128xi32, #tpu.memory_space<vmem>>) semaphore(%arg25 : memref<!tpu.dma_semaphore, #tpu.memory_space<semaphore_mem>>) {add = true}
      %dma_wait3A_334 = arith.constant 1152 : i32
      %dma_wait3A_335 = tpu.memref_slice %arg12[%dma_wait3A_334] : memref<2560xi32, #tpu.memory_space<vmem>> -> memref<128xi32, #tpu.memory_space<vmem>>
      %dma_wait3A_336 = arith.constant 0 : i32
      %dma_wait3A_337 = tpu.memref_slice %arg8[%dma_wait3A_336] : memref<10240xf32, #tpu.memory_space<vmem_shared>> -> memref<10240xf32, #tpu.memory_space<vmem_shared>>
      tpu.wait_indirect_dma semaphore(%arg26 : memref<!tpu.dma_semaphore, #tpu.memory_space<semaphore_mem>>) src(%arg20 : memref<128xf32, #tpu.memory_space<vmem>>) dst(%dma_wait3A_337 : memref<10240xf32, #tpu.memory_space<vmem_shared>>)
      %dma_start3A_338 = arith.constant 1408 : i32
      %dma_start3A_339 = tpu.memref_slice %arg12[%dma_start3A_338] : memref<2560xi32, #tpu.memory_space<vmem>> -> memref<128xi32, #tpu.memory_space<vmem>>
      %dma_start3A_340 = arith.constant 0 : i32
      %dma_start3A_341 = tpu.memref_slice %arg8[%dma_start3A_340] : memref<10240xf32, #tpu.memory_space<vmem_shared>> -> memref<10240xf32, #tpu.memory_space<vmem_shared>>
      tpu.enqueue_indirect_dma source(%arg20 : memref<128xf32, #tpu.memory_space<vmem>>) target(%dma_start3A_341 : memref<10240xf32, #tpu.memory_space<vmem_shared>>) offsets(%dma_start3A_339 : memref<128xi32, #tpu.memory_space<vmem>>) semaphore(%arg26 : memref<!tpu.dma_semaphore, #tpu.memory_space<semaphore_mem>>) {add = true}
      %dma_wait3A_342 = arith.constant 1280 : i32
      %dma_wait3A_343 = tpu.memref_slice %arg12[%dma_wait3A_342] : memref<2560xi32, #tpu.memory_space<vmem>> -> memref<128xi32, #tpu.memory_space<vmem>>
      %dma_wait3A_344 = arith.constant 0 : i32
      %dma_wait3A_345 = tpu.memref_slice %arg8[%dma_wait3A_344] : memref<10240xf32, #tpu.memory_space<vmem_shared>> -> memref<10240xf32, #tpu.memory_space<vmem_shared>>
      tpu.wait_indirect_dma semaphore(%arg25 : memref<!tpu.dma_semaphore, #tpu.memory_space<semaphore_mem>>) src(%arg20 : memref<128xf32, #tpu.memory_space<vmem>>) dst(%dma_wait3A_345 : memref<10240xf32, #tpu.memory_space<vmem_shared>>)
      %dma_start3A_346 = arith.constant 1536 : i32
      %dma_start3A_347 = tpu.memref_slice %arg12[%dma_start3A_346] : memref<2560xi32, #tpu.memory_space<vmem>> -> memref<128xi32, #tpu.memory_space<vmem>>
      %dma_start3A_348 = arith.constant 0 : i32
      %dma_start3A_349 = tpu.memref_slice %arg8[%dma_start3A_348] : memref<10240xf32, #tpu.memory_space<vmem_shared>> -> memref<10240xf32, #tpu.memory_space<vmem_shared>>
      tpu.enqueue_indirect_dma source(%arg20 : memref<128xf32, #tpu.memory_space<vmem>>) target(%dma_start3A_349 : memref<10240xf32, #tpu.memory_space<vmem_shared>>) offsets(%dma_start3A_347 : memref<128xi32, #tpu.memory_space<vmem>>) semaphore(%arg25 : memref<!tpu.dma_semaphore, #tpu.memory_space<semaphore_mem>>) {add = true}
      %dma_wait3A_350 = arith.constant 1408 : i32
      %dma_wait3A_351 = tpu.memref_slice %arg12[%dma_wait3A_350] : memref<2560xi32, #tpu.memory_space<vmem>> -> memref<128xi32, #tpu.memory_space<vmem>>
      %dma_wait3A_352 = arith.constant 0 : i32
      %dma_wait3A_353 = tpu.memref_slice %arg8[%dma_wait3A_352] : memref<10240xf32, #tpu.memory_space<vmem_shared>> -> memref<10240xf32, #tpu.memory_space<vmem_shared>>
      tpu.wait_indirect_dma semaphore(%arg26 : memref<!tpu.dma_semaphore, #tpu.memory_space<semaphore_mem>>) src(%arg20 : memref<128xf32, #tpu.memory_space<vmem>>) dst(%dma_wait3A_353 : memref<10240xf32, #tpu.memory_space<vmem_shared>>)
      %dma_start3A_354 = arith.constant 1664 : i32
      %dma_start3A_355 = tpu.memref_slice %arg12[%dma_start3A_354] : memref<2560xi32, #tpu.memory_space<vmem>> -> memref<128xi32, #tpu.memory_space<vmem>>
      %dma_start3A_356 = arith.constant 0 : i32
      %dma_start3A_357 = tpu.memref_slice %arg8[%dma_start3A_356] : memref<10240xf32, #tpu.memory_space<vmem_shared>> -> memref<10240xf32, #tpu.memory_space<vmem_shared>>
      tpu.enqueue_indirect_dma source(%arg20 : memref<128xf32, #tpu.memory_space<vmem>>) target(%dma_start3A_357 : memref<10240xf32, #tpu.memory_space<vmem_shared>>) offsets(%dma_start3A_355 : memref<128xi32, #tpu.memory_space<vmem>>) semaphore(%arg26 : memref<!tpu.dma_semaphore, #tpu.memory_space<semaphore_mem>>) {add = true}
      %dma_wait3A_358 = arith.constant 1536 : i32
      %dma_wait3A_359 = tpu.memref_slice %arg12[%dma_wait3A_358] : memref<2560xi32, #tpu.memory_space<vmem>> -> memref<128xi32, #tpu.memory_space<vmem>>
      %dma_wait3A_360 = arith.constant 0 : i32
      %dma_wait3A_361 = tpu.memref_slice %arg8[%dma_wait3A_360] : memref<10240xf32, #tpu.memory_space<vmem_shared>> -> memref<10240xf32, #tpu.memory_space<vmem_shared>>
      tpu.wait_indirect_dma semaphore(%arg25 : memref<!tpu.dma_semaphore, #tpu.memory_space<semaphore_mem>>) src(%arg20 : memref<128xf32, #tpu.memory_space<vmem>>) dst(%dma_wait3A_361 : memref<10240xf32, #tpu.memory_space<vmem_shared>>)
      %dma_start3A_362 = arith.constant 1792 : i32
      %dma_start3A_363 = tpu.memref_slice %arg12[%dma_start3A_362] : memref<2560xi32, #tpu.memory_space<vmem>> -> memref<128xi32, #tpu.memory_space<vmem>>
      %dma_start3A_364 = arith.constant 0 : i32
      %dma_start3A_365 = tpu.memref_slice %arg8[%dma_start3A_364] : memref<10240xf32, #tpu.memory_space<vmem_shared>> -> memref<10240xf32, #tpu.memory_space<vmem_shared>>
      tpu.enqueue_indirect_dma source(%arg20 : memref<128xf32, #tpu.memory_space<vmem>>) target(%dma_start3A_365 : memref<10240xf32, #tpu.memory_space<vmem_shared>>) offsets(%dma_start3A_363 : memref<128xi32, #tpu.memory_space<vmem>>) semaphore(%arg25 : memref<!tpu.dma_semaphore, #tpu.memory_space<semaphore_mem>>) {add = true}
      %dma_wait3A_366 = arith.constant 1664 : i32
      %dma_wait3A_367 = tpu.memref_slice %arg12[%dma_wait3A_366] : memref<2560xi32, #tpu.memory_space<vmem>> -> memref<128xi32, #tpu.memory_space<vmem>>
      %dma_wait3A_368 = arith.constant 0 : i32
      %dma_wait3A_369 = tpu.memref_slice %arg8[%dma_wait3A_368] : memref<10240xf32, #tpu.memory_space<vmem_shared>> -> memref<10240xf32, #tpu.memory_space<vmem_shared>>
      tpu.wait_indirect_dma semaphore(%arg26 : memref<!tpu.dma_semaphore, #tpu.memory_space<semaphore_mem>>) src(%arg20 : memref<128xf32, #tpu.memory_space<vmem>>) dst(%dma_wait3A_369 : memref<10240xf32, #tpu.memory_space<vmem_shared>>)
      %dma_start3A_370 = arith.constant 1920 : i32
      %dma_start3A_371 = tpu.memref_slice %arg12[%dma_start3A_370] : memref<2560xi32, #tpu.memory_space<vmem>> -> memref<128xi32, #tpu.memory_space<vmem>>
      %dma_start3A_372 = arith.constant 0 : i32
      %dma_start3A_373 = tpu.memref_slice %arg8[%dma_start3A_372] : memref<10240xf32, #tpu.memory_space<vmem_shared>> -> memref<10240xf32, #tpu.memory_space<vmem_shared>>
      tpu.enqueue_indirect_dma source(%arg20 : memref<128xf32, #tpu.memory_space<vmem>>) target(%dma_start3A_373 : memref<10240xf32, #tpu.memory_space<vmem_shared>>) offsets(%dma_start3A_371 : memref<128xi32, #tpu.memory_space<vmem>>) semaphore(%arg26 : memref<!tpu.dma_semaphore, #tpu.memory_space<semaphore_mem>>) {add = true}
      %dma_wait3A_374 = arith.constant 1792 : i32
      %dma_wait3A_375 = tpu.memref_slice %arg12[%dma_wait3A_374] : memref<2560xi32, #tpu.memory_space<vmem>> -> memref<128xi32, #tpu.memory_space<vmem>>
      %dma_wait3A_376 = arith.constant 0 : i32
      %dma_wait3A_377 = tpu.memref_slice %arg8[%dma_wait3A_376] : memref<10240xf32, #tpu.memory_space<vmem_shared>> -> memref<10240xf32, #tpu.memory_space<vmem_shared>>
      tpu.wait_indirect_dma semaphore(%arg25 : memref<!tpu.dma_semaphore, #tpu.memory_space<semaphore_mem>>) src(%arg20 : memref<128xf32, #tpu.memory_space<vmem>>) dst(%dma_wait3A_377 : memref<10240xf32, #tpu.memory_space<vmem_shared>>)
      %dma_start3A_378 = arith.constant 2048 : i32
      %dma_start3A_379 = tpu.memref_slice %arg12[%dma_start3A_378] : memref<2560xi32, #tpu.memory_space<vmem>> -> memref<128xi32, #tpu.memory_space<vmem>>
      %dma_start3A_380 = arith.constant 0 : i32
      %dma_start3A_381 = tpu.memref_slice %arg8[%dma_start3A_380] : memref<10240xf32, #tpu.memory_space<vmem_shared>> -> memref<10240xf32, #tpu.memory_space<vmem_shared>>
      tpu.enqueue_indirect_dma source(%arg20 : memref<128xf32, #tpu.memory_space<vmem>>) target(%dma_start3A_381 : memref<10240xf32, #tpu.memory_space<vmem_shared>>) offsets(%dma_start3A_379 : memref<128xi32, #tpu.memory_space<vmem>>) semaphore(%arg25 : memref<!tpu.dma_semaphore, #tpu.memory_space<semaphore_mem>>) {add = true}
      %dma_wait3A_382 = arith.constant 1920 : i32
      %dma_wait3A_383 = tpu.memref_slice %arg12[%dma_wait3A_382] : memref<2560xi32, #tpu.memory_space<vmem>> -> memref<128xi32, #tpu.memory_space<vmem>>
      %dma_wait3A_384 = arith.constant 0 : i32
      %dma_wait3A_385 = tpu.memref_slice %arg8[%dma_wait3A_384] : memref<10240xf32, #tpu.memory_space<vmem_shared>> -> memref<10240xf32, #tpu.memory_space<vmem_shared>>
      tpu.wait_indirect_dma semaphore(%arg26 : memref<!tpu.dma_semaphore, #tpu.memory_space<semaphore_mem>>) src(%arg20 : memref<128xf32, #tpu.memory_space<vmem>>) dst(%dma_wait3A_385 : memref<10240xf32, #tpu.memory_space<vmem_shared>>)
      %dma_start3A_386 = arith.constant 2176 : i32
      %dma_start3A_387 = tpu.memref_slice %arg12[%dma_start3A_386] : memref<2560xi32, #tpu.memory_space<vmem>> -> memref<128xi32, #tpu.memory_space<vmem>>
      %dma_start3A_388 = arith.constant 0 : i32
      %dma_start3A_389 = tpu.memref_slice %arg8[%dma_start3A_388] : memref<10240xf32, #tpu.memory_space<vmem_shared>> -> memref<10240xf32, #tpu.memory_space<vmem_shared>>
      tpu.enqueue_indirect_dma source(%arg20 : memref<128xf32, #tpu.memory_space<vmem>>) target(%dma_start3A_389 : memref<10240xf32, #tpu.memory_space<vmem_shared>>) offsets(%dma_start3A_387 : memref<128xi32, #tpu.memory_space<vmem>>) semaphore(%arg26 : memref<!tpu.dma_semaphore, #tpu.memory_space<semaphore_mem>>) {add = true}
      %dma_wait3A_390 = arith.constant 2048 : i32
      %dma_wait3A_391 = tpu.memref_slice %arg12[%dma_wait3A_390] : memref<2560xi32, #tpu.memory_space<vmem>> -> memref<128xi32, #tpu.memory_space<vmem>>
      %dma_wait3A_392 = arith.constant 0 : i32
      %dma_wait3A_393 = tpu.memref_slice %arg8[%dma_wait3A_392] : memref<10240xf32, #tpu.memory_space<vmem_shared>> -> memref<10240xf32, #tpu.memory_space<vmem_shared>>
      tpu.wait_indirect_dma semaphore(%arg25 : memref<!tpu.dma_semaphore, #tpu.memory_space<semaphore_mem>>) src(%arg20 : memref<128xf32, #tpu.memory_space<vmem>>) dst(%dma_wait3A_393 : memref<10240xf32, #tpu.memory_space<vmem_shared>>)
      %dma_start3A_394 = arith.constant 2304 : i32
      %dma_start3A_395 = tpu.memref_slice %arg12[%dma_start3A_394] : memref<2560xi32, #tpu.memory_space<vmem>> -> memref<128xi32, #tpu.memory_space<vmem>>
      %dma_start3A_396 = arith.constant 0 : i32
      %dma_start3A_397 = tpu.memref_slice %arg8[%dma_start3A_396] : memref<10240xf32, #tpu.memory_space<vmem_shared>> -> memref<10240xf32, #tpu.memory_space<vmem_shared>>
      tpu.enqueue_indirect_dma source(%arg20 : memref<128xf32, #tpu.memory_space<vmem>>) target(%dma_start3A_397 : memref<10240xf32, #tpu.memory_space<vmem_shared>>) offsets(%dma_start3A_395 : memref<128xi32, #tpu.memory_space<vmem>>) semaphore(%arg25 : memref<!tpu.dma_semaphore, #tpu.memory_space<semaphore_mem>>) {add = true}
      %dma_wait3A_398 = arith.constant 2176 : i32
      %dma_wait3A_399 = tpu.memref_slice %arg12[%dma_wait3A_398] : memref<2560xi32, #tpu.memory_space<vmem>> -> memref<128xi32, #tpu.memory_space<vmem>>
      %dma_wait3A_400 = arith.constant 0 : i32
      %dma_wait3A_401 = tpu.memref_slice %arg8[%dma_wait3A_400] : memref<10240xf32, #tpu.memory_space<vmem_shared>> -> memref<10240xf32, #tpu.memory_space<vmem_shared>>
      tpu.wait_indirect_dma semaphore(%arg26 : memref<!tpu.dma_semaphore, #tpu.memory_space<semaphore_mem>>) src(%arg20 : memref<128xf32, #tpu.memory_space<vmem>>) dst(%dma_wait3A_401 : memref<10240xf32, #tpu.memory_space<vmem_shared>>)
      %dma_start3A_402 = arith.constant 2432 : i32
      %dma_start3A_403 = tpu.memref_slice %arg12[%dma_start3A_402] : memref<2560xi32, #tpu.memory_space<vmem>> -> memref<128xi32, #tpu.memory_space<vmem>>
      %dma_start3A_404 = arith.constant 0 : i32
      %dma_start3A_405 = tpu.memref_slice %arg8[%dma_start3A_404] : memref<10240xf32, #tpu.memory_space<vmem_shared>> -> memref<10240xf32, #tpu.memory_space<vmem_shared>>
      tpu.enqueue_indirect_dma source(%arg20 : memref<128xf32, #tpu.memory_space<vmem>>) target(%dma_start3A_405 : memref<10240xf32, #tpu.memory_space<vmem_shared>>) offsets(%dma_start3A_403 : memref<128xi32, #tpu.memory_space<vmem>>) semaphore(%arg26 : memref<!tpu.dma_semaphore, #tpu.memory_space<semaphore_mem>>) {add = true}
      %dma_wait3A_406 = arith.constant 2304 : i32
      %dma_wait3A_407 = tpu.memref_slice %arg12[%dma_wait3A_406] : memref<2560xi32, #tpu.memory_space<vmem>> -> memref<128xi32, #tpu.memory_space<vmem>>
      %dma_wait3A_408 = arith.constant 0 : i32
      %dma_wait3A_409 = tpu.memref_slice %arg8[%dma_wait3A_408] : memref<10240xf32, #tpu.memory_space<vmem_shared>> -> memref<10240xf32, #tpu.memory_space<vmem_shared>>
      tpu.wait_indirect_dma semaphore(%arg25 : memref<!tpu.dma_semaphore, #tpu.memory_space<semaphore_mem>>) src(%arg20 : memref<128xf32, #tpu.memory_space<vmem>>) dst(%dma_wait3A_409 : memref<10240xf32, #tpu.memory_space<vmem_shared>>)
      %dma_wait3A_410 = arith.constant 2432 : i32
      %dma_wait3A_411 = tpu.memref_slice %arg12[%dma_wait3A_410] : memref<2560xi32, #tpu.memory_space<vmem>> -> memref<128xi32, #tpu.memory_space<vmem>>
      %dma_wait3A_412 = arith.constant 0 : i32
      %dma_wait3A_413 = tpu.memref_slice %arg8[%dma_wait3A_412] : memref<10240xf32, #tpu.memory_space<vmem_shared>> -> memref<10240xf32, #tpu.memory_space<vmem_shared>>
      tpu.wait_indirect_dma semaphore(%arg26 : memref<!tpu.dma_semaphore, #tpu.memory_space<semaphore_mem>>) src(%arg20 : memref<128xf32, #tpu.memory_space<vmem>>) dst(%dma_wait3A_413 : memref<10240xf32, #tpu.memory_space<vmem_shared>>)
    }
    %scan3A_27 = arith.constant 4 : i32
    %barrier3A_28 = arith.constant 0 : index
    tpu.barrier barrier_id(%barrier3A_28)
    "tpu.region"() ({
      %run_scoped3A = tpu.sem_alloc : memref<!tpu.dma_semaphore, #tpu.memory_space<semaphore_mem>>
      %dma_start3A_55 = arith.constant 0 : i32
      %dma_start3A_56 = tpu.memref_slice %arg19[%dma_start3A_55] : memref<656xf32, #tpu.memory_space<vmem>> -> memref<640xf32, #tpu.memory_space<vmem>>
      %dma_start3A_57 = tpu.memref_slice %arg8[%mul3A_0] : memref<10240xf32, #tpu.memory_space<vmem_shared>> -> memref<640xf32, #tpu.memory_space<vmem_shared>>
      %dma_start3A_58 = arith.constant 0 : i32
      %dma_start3A_59 = tpu.memref_slice %arg19[%dma_start3A_58] : memref<656xf32, #tpu.memory_space<vmem>> -> memref<640xf32, #tpu.memory_space<vmem>>
      %dma_start3A_60 = tpu.memref_slice %arg8[%mul3A_0] : memref<10240xf32, #tpu.memory_space<vmem_shared>> -> memref<640xf32, #tpu.memory_space<vmem_shared>>
      tpu.enqueue_dma source(%dma_start3A_60 : memref<640xf32, #tpu.memory_space<vmem_shared>>) target(%dma_start3A_59 : memref<640xf32, #tpu.memory_space<vmem>>) target_semaphore(%run_scoped3A : memref<!tpu.dma_semaphore, #tpu.memory_space<semaphore_mem>>)
      %dma_wait3A = arith.constant 0 : i32
      %dma_wait3A_61 = tpu.memref_slice %arg19[%dma_wait3A] : memref<656xf32, #tpu.memory_space<vmem>> -> memref<640xf32, #tpu.memory_space<vmem>>
      %dma_wait3A_62 = tpu.memref_slice %arg8[%mul3A_0] : memref<10240xf32, #tpu.memory_space<vmem_shared>> -> memref<640xf32, #tpu.memory_space<vmem_shared>>
      %dma_wait3A_63 = arith.constant 0 : i32
      %dma_wait3A_64 = tpu.memref_slice %arg19[%dma_wait3A_63] : memref<656xf32, #tpu.memory_space<vmem>> -> memref<640xf32, #tpu.memory_space<vmem>>
      %dma_wait3A_65 = tpu.memref_slice %arg8[%mul3A_0] : memref<10240xf32, #tpu.memory_space<vmem_shared>> -> memref<640xf32, #tpu.memory_space<vmem_shared>>
      tpu.wait_dma2 semaphore(%run_scoped3A : memref<!tpu.dma_semaphore, #tpu.memory_space<semaphore_mem>>) src(%dma_wait3A_65 : memref<640xf32, #tpu.memory_space<vmem_shared>>) dst(%dma_wait3A_64 : memref<640xf32, #tpu.memory_space<vmem>>)
      tpu.yield
    }) : () -> ()
    %scan3A_29 = arith.constant 0 : i32
    %scan3A_30 = arith.constant 40 : i32
    %scan3A_31 = arith.addi %scan3A_29, %scan3A_30 : i32
    %scan3A_32 = arith.constant 1 : i32
    scf.for %scan3A_55 = %scan3A_29 to %scan3A_31 step %scan3A_32  : i32 {
      %mul3A_56 = arith.constant 1 : i32
      %mul3A_57 = arith.muli %scan3A_55, %mul3A_56 : i32
      %add3A_58 = arith.constant 0 : i32
      %add3A_59 = arith.addi %add3A_58, %mul3A_57 : i32
      %mul3A_60 = arith.constant 16 : i32
      %mul3A_61 = arith.muli %add3A_59, %mul3A_60 : i32
      %get3A = arith.index_cast %mul3A_61 : i32 to index
      %get3A_62 = tpu.vector_load %arg19[%get3A] {strides = array<i32>} : memref<656xf32, #tpu.memory_space<vmem>>, vector<16xf32>,
      %get3A_63 = vector.shape_cast %get3A_62 : vector<16xf32> to vector<16xf32>
      %bitcast_convert_type3A = tpu.bitcast %get3A_63 : vector<16xf32> -> vector<16xi32>
      %shift_right_arithmetic3A = arith.constant 1 : i32
      %shift_right_arithmetic3A_64 = vector.broadcast %shift_right_arithmetic3A : i32 to vector<16xi32>
      %shift_right_arithmetic3A_65 = arith.shrsi %bitcast_convert_type3A, %shift_right_arithmetic3A_64 : vector<16xi32>
      %sub3A = arith.constant 1597463007 : i32
      %sub3A_66 = vector.broadcast %sub3A : i32 to vector<16xi32>
      %sub3A_67 = arith.subi %sub3A_66, %shift_right_arithmetic3A_65 : vector<16xi32>
      %bitcast_convert_type3A_68 = tpu.bitcast %sub3A_67 : vector<16xi32> -> vector<16xf32>
      %mul3A_69 = arith.constant 5.000000e-01 : f32
      %mul3A_70 = vector.broadcast %mul3A_69 : f32 to vector<16xf32>
      %mul3A_71 = arith.mulf %mul3A_70, %get3A_63 : vector<16xf32>
      %mul3A_72 = arith.mulf %mul3A_71, %bitcast_convert_type3A_68 : vector<16xf32>
      %mul3A_73 = arith.mulf %mul3A_72, %bitcast_convert_type3A_68 : vector<16xf32>
      %sub3A_74 = arith.constant 1.500000e+00 : f32
      %sub3A_75 = vector.broadcast %sub3A_74 : f32 to vector<16xf32>
      %sub3A_76 = arith.subf %sub3A_75, %mul3A_73 : vector<16xf32>
      %mul3A_77 = arith.mulf %bitcast_convert_type3A_68, %sub3A_76 : vector<16xf32>
      %mul3A_78 = arith.constant 5.000000e-01 : f32
      %mul3A_79 = vector.broadcast %mul3A_78 : f32 to vector<16xf32>
      %mul3A_80 = arith.mulf %mul3A_79, %get3A_63 : vector<16xf32>
      %mul3A_81 = arith.mulf %mul3A_80, %mul3A_77 : vector<16xf32>
      %mul3A_82 = arith.mulf %mul3A_81, %mul3A_77 : vector<16xf32>
      %sub3A_83 = arith.constant 1.500000e+00 : f32
      %sub3A_84 = vector.broadcast %sub3A_83 : f32 to vector<16xf32>
      %sub3A_85 = arith.subf %sub3A_84, %mul3A_82 : vector<16xf32>
      %mul3A_86 = arith.mulf %mul3A_77, %sub3A_85 : vector<16xf32>
      %mul3A_87 = arith.constant 5.000000e-01 : f32
      %mul3A_88 = vector.broadcast %mul3A_87 : f32 to vector<16xf32>
      %mul3A_89 = arith.mulf %mul3A_88, %get3A_63 : vector<16xf32>
      %mul3A_90 = arith.mulf %mul3A_89, %mul3A_86 : vector<16xf32>
      %mul3A_91 = arith.mulf %mul3A_90, %mul3A_86 : vector<16xf32>
      %sub3A_92 = arith.constant 1.500000e+00 : f32
      %sub3A_93 = vector.broadcast %sub3A_92 : f32 to vector<16xf32>
      %sub3A_94 = arith.subf %sub3A_93, %mul3A_91 : vector<16xf32>
      %mul3A_95 = arith.mulf %mul3A_86, %sub3A_94 : vector<16xf32>
      %mul3A_96 = arith.constant 5.000000e-01 : f32
      %mul3A_97 = vector.broadcast %mul3A_96 : f32 to vector<16xf32>
      %mul3A_98 = arith.mulf %mul3A_97, %get3A_63 : vector<16xf32>
      %mul3A_99 = arith.mulf %mul3A_98, %mul3A_95 : vector<16xf32>
      %mul3A_100 = arith.mulf %mul3A_99, %mul3A_95 : vector<16xf32>
      %sub3A_101 = arith.constant 1.500000e+00 : f32
      %sub3A_102 = vector.broadcast %sub3A_101 : f32 to vector<16xf32>
      %sub3A_103 = arith.subf %sub3A_102, %mul3A_100 : vector<16xf32>
      %mul3A_104 = arith.mulf %mul3A_95, %sub3A_103 : vector<16xf32>
      %mul3A_105 = arith.constant 16 : i32
      %mul3A_106 = arith.muli %add3A_59, %mul3A_105 : i32
      %swap3A = arith.index_cast %mul3A_106 : i32 to index
      %swap3A_107 = tpu.vector_load %arg19[%swap3A] {strides = array<i32>} : memref<656xf32, #tpu.memory_space<vmem>>, vector<16xf32>,
      %swap3A_108 = vector.shape_cast %swap3A_107 : vector<16xf32> to vector<16xf32>
      %swap3A_109 = vector.shape_cast %mul3A_104 : vector<16xf32> to vector<16xf32>
      tpu.vector_store %arg19[%swap3A], %swap3A_109 {strides = array<i32>} : memref<656xf32, #tpu.memory_space<vmem>>, vector<16xf32>,
    }
    %scan3A_33 = arith.constant 40 : i32
    %scan3A_34 = arith.constant 0 : i32
    %scan3A_35 = arith.constant 20 : i32
    %scan3A_36 = arith.addi %scan3A_34, %scan3A_35 : i32
    %scan3A_37 = arith.constant 1 : i32
    scf.for %scan3A_55 = %scan3A_34 to %scan3A_36 step %scan3A_37  : i32 {
      %mul3A_56 = arith.constant 1 : i32
      %mul3A_57 = arith.muli %scan3A_55, %mul3A_56 : i32
      %add3A_58 = arith.constant 0 : i32
      %add3A_59 = arith.addi %add3A_58, %mul3A_57 : i32
      %mul3A_60 = arith.constant 32 : i32
      %mul3A_61 = arith.muli %add3A_59, %mul3A_60 : i32
      %add3A_62 = arith.addi %mul3A_0, %mul3A_61 : i32
      "tpu.region"() ({
        %run_scoped3A = tpu.sem_alloc : memref<!tpu.dma_semaphore, #tpu.memory_space<semaphore_mem>>
        %dma_start3A_75 = arith.constant 0 : i32
        %dma_start3A_76 = tpu.memref_slice %arg2[%arg0, %add3A_62, %dma_start3A_75] : memref<2x10240x64xf32, #tpu.memory_space<hbm>> -> memref<1x32x64xf32, #tpu.memory_space<hbm>>
        %dma_start3A_77 = tpu.memref_squeeze %dma_start3A_76 : memref<1x32x64xf32, #tpu.memory_space<hbm>> -> memref<32x64xf32, #tpu.memory_space<hbm>>
        %dma_start3A_78 = arith.constant 0 : i32
        %dma_start3A_79 = tpu.memref_slice %arg2[%arg0, %add3A_62, %dma_start3A_78] : memref<2x10240x64xf32, #tpu.memory_space<hbm>> -> memref<1x32x64xf32, #tpu.memory_space<hbm>>
        %dma_start3A_80 = tpu.memref_squeeze %dma_start3A_79 : memref<1x32x64xf32, #tpu.memory_space<hbm>> -> memref<32x64xf32, #tpu.memory_space<hbm>>
        tpu.enqueue_dma source(%dma_start3A_80 : memref<32x64xf32, #tpu.memory_space<hbm>>) target(%arg15 : memref<32x64xf32, #tpu.memory_space<vmem>>) target_semaphore(%run_scoped3A : memref<!tpu.dma_semaphore, #tpu.memory_space<semaphore_mem>>)
        %dma_wait3A = arith.constant 0 : i32
        %dma_wait3A_81 = tpu.memref_slice %arg2[%arg0, %add3A_62, %dma_wait3A] : memref<2x10240x64xf32, #tpu.memory_space<hbm>> -> memref<1x32x64xf32, #tpu.memory_space<hbm>>
        %dma_wait3A_82 = tpu.memref_squeeze %dma_wait3A_81 : memref<1x32x64xf32, #tpu.memory_space<hbm>> -> memref<32x64xf32, #tpu.memory_space<hbm>>
        %dma_wait3A_83 = arith.constant 0 : i32
        %dma_wait3A_84 = tpu.memref_slice %arg2[%arg0, %add3A_62, %dma_wait3A_83] : memref<2x10240x64xf32, #tpu.memory_space<hbm>> -> memref<1x32x64xf32, #tpu.memory_space<hbm>>
        %dma_wait3A_85 = tpu.memref_squeeze %dma_wait3A_84 : memref<1x32x64xf32, #tpu.memory_space<hbm>> -> memref<32x64xf32, #tpu.memory_space<hbm>>
        tpu.wait_dma2 semaphore(%run_scoped3A : memref<!tpu.dma_semaphore, #tpu.memory_space<semaphore_mem>>) src(%dma_wait3A_85 : memref<32x64xf32, #tpu.memory_space<hbm>>) dst(%arg15 : memref<32x64xf32, #tpu.memory_space<vmem>>)
        tpu.yield
      }) : () -> ()
      %scan3A_63 = arith.constant 0 : i32
      %scan3A_64 = arith.constant 32 : i32
      %scan3A_65 = arith.addi %scan3A_63, %scan3A_64 : i32
      %scan3A_66 = arith.constant 1 : i32
      scf.for %scan3A_75 = %scan3A_63 to %scan3A_65 step %scan3A_66  : i32 {
        %mul3A_76 = arith.constant 1 : i32
        %mul3A_77 = arith.muli %scan3A_75, %mul3A_76 : i32
        %add3A_78 = arith.constant 0 : i32
        %add3A_79 = arith.addi %add3A_78, %mul3A_77 : i32
        %add3A_80 = arith.addi %mul3A_61, %add3A_79 : i32
        %get3A = arith.index_cast %add3A_80 : i32 to index
        %get3A_81 = tpu.vector_load %arg19[%get3A] {strides = array<i32>} : memref<656xf32, #tpu.memory_space<vmem>>, vector<16xf32>,
        %get3A_82 = vector.shape_cast %get3A_81 : vector<16xf32> to vector<16xf32>
        %slice3A = vector.extract_strided_slice %get3A_82 {offsets = [0], sizes = [1], strides = [1]} : vector<16xf32> to vector<1xf32>
        %squeeze3A = vector.extract %slice3A[0] : f32 from vector<1xf32>
        %broadcast_in_dim3A = vector.broadcast %squeeze3A : f32 to vector<16xf32>
        %get3A_83 = arith.index_cast %add3A_79 : i32 to index
        %get3A_84 = arith.constant 0 : index
        %get3A_85 = tpu.vector_load %arg15[%get3A_83, %get3A_84] {strides = array<i32>} : memref<32x64xf32, #tpu.memory_space<vmem>>, vector<1x16xf32>,
        %get3A_86 = vector.shape_cast %get3A_85 : vector<1x16xf32> to vector<16xf32>
        %mul3A_87 = arith.mulf %get3A_86, %broadcast_in_dim3A : vector<16xf32>
        %swap3A = arith.index_cast %add3A_79 : i32 to index
        %swap3A_88 = arith.constant 0 : index
        %swap3A_89 = tpu.vector_load %arg17[%swap3A, %swap3A_88] {strides = array<i32>} : memref<32x64xf32, #tpu.memory_space<vmem>>, vector<1x16xf32>,
        %swap3A_90 = vector.shape_cast %swap3A_89 : vector<1x16xf32> to vector<16xf32>
        %swap3A_91 = vector.shape_cast %mul3A_87 : vector<16xf32> to vector<1x16xf32>
        tpu.vector_store %arg17[%swap3A, %swap3A_88], %swap3A_91 {strides = array<i32>} : memref<32x64xf32, #tpu.memory_space<vmem>>, vector<1x16xf32>,
        %get3A_92 = arith.index_cast %add3A_79 : i32 to index
        %get3A_93 = arith.constant 16 : index
        %get3A_94 = tpu.vector_load %arg15[%get3A_92, %get3A_93] {strides = array<i32>} : memref<32x64xf32, #tpu.memory_space<vmem>>, vector<1x16xf32>,
        %get3A_95 = vector.shape_cast %get3A_94 : vector<1x16xf32> to vector<16xf32>
        %mul3A_96 = arith.mulf %get3A_95, %broadcast_in_dim3A : vector<16xf32>
        %swap3A_97 = arith.index_cast %add3A_79 : i32 to index
        %swap3A_98 = arith.constant 16 : index
        %swap3A_99 = tpu.vector_load %arg17[%swap3A_97, %swap3A_98] {strides = array<i32>} : memref<32x64xf32, #tpu.memory_space<vmem>>, vector<1x16xf32>,
        %swap3A_100 = vector.shape_cast %swap3A_99 : vector<1x16xf32> to vector<16xf32>
        %swap3A_101 = vector.shape_cast %mul3A_96 : vector<16xf32> to vector<1x16xf32>
        tpu.vector_store %arg17[%swap3A_97, %swap3A_98], %swap3A_101 {strides = array<i32>} : memref<32x64xf32, #tpu.memory_space<vmem>>, vector<1x16xf32>,
        %get3A_102 = arith.index_cast %add3A_79 : i32 to index
        %get3A_103 = arith.constant 32 : index
        %get3A_104 = tpu.vector_load %arg15[%get3A_102, %get3A_103] {strides = array<i32>} : memref<32x64xf32, #tpu.memory_space<vmem>>, vector<1x16xf32>,
        %get3A_105 = vector.shape_cast %get3A_104 : vector<1x16xf32> to vector<16xf32>
        %mul3A_106 = arith.mulf %get3A_105, %broadcast_in_dim3A : vector<16xf32>
        %swap3A_107 = arith.index_cast %add3A_79 : i32 to index
        %swap3A_108 = arith.constant 32 : index
        %swap3A_109 = tpu.vector_load %arg17[%swap3A_107, %swap3A_108] {strides = array<i32>} : memref<32x64xf32, #tpu.memory_space<vmem>>, vector<1x16xf32>,
        %swap3A_110 = vector.shape_cast %swap3A_109 : vector<1x16xf32> to vector<16xf32>
        %swap3A_111 = vector.shape_cast %mul3A_106 : vector<16xf32> to vector<1x16xf32>
        tpu.vector_store %arg17[%swap3A_107, %swap3A_108], %swap3A_111 {strides = array<i32>} : memref<32x64xf32, #tpu.memory_space<vmem>>, vector<1x16xf32>,
        %get3A_112 = arith.index_cast %add3A_79 : i32 to index
        %get3A_113 = arith.constant 48 : index
        %get3A_114 = tpu.vector_load %arg15[%get3A_112, %get3A_113] {strides = array<i32>} : memref<32x64xf32, #tpu.memory_space<vmem>>, vector<1x16xf32>,
        %get3A_115 = vector.shape_cast %get3A_114 : vector<1x16xf32> to vector<16xf32>
        %mul3A_116 = arith.mulf %get3A_115, %broadcast_in_dim3A : vector<16xf32>
        %swap3A_117 = arith.index_cast %add3A_79 : i32 to index
        %swap3A_118 = arith.constant 48 : index
        %swap3A_119 = tpu.vector_load %arg17[%swap3A_117, %swap3A_118] {strides = array<i32>} : memref<32x64xf32, #tpu.memory_space<vmem>>, vector<1x16xf32>,
        %swap3A_120 = vector.shape_cast %swap3A_119 : vector<1x16xf32> to vector<16xf32>
        %swap3A_121 = vector.shape_cast %mul3A_116 : vector<16xf32> to vector<1x16xf32>
        tpu.vector_store %arg17[%swap3A_117, %swap3A_118], %swap3A_121 {strides = array<i32>} : memref<32x64xf32, #tpu.memory_space<vmem>>, vector<1x16xf32>,
      }
      %scan3A_67 = arith.constant 32 : i32
      %add3A_68 = arith.addi %mul3A_0, %mul3A_61 : i32
      "tpu.region"() ({
        %run_scoped3A = tpu.sem_alloc : memref<!tpu.dma_semaphore, #tpu.memory_space<semaphore_mem>>
        %dma_start3A_75 = arith.constant 0 : i32
        %dma_start3A_76 = tpu.memref_slice %arg6[%add3A_68, %dma_start3A_75] : memref<10240x64xf32, #tpu.memory_space<vmem_shared>> -> memref<32x64xf32, #tpu.memory_space<vmem_shared>>
        %dma_start3A_77 = arith.constant 0 : i32
        %dma_start3A_78 = tpu.memref_slice %arg6[%add3A_68, %dma_start3A_77] : memref<10240x64xf32, #tpu.memory_space<vmem_shared>> -> memref<32x64xf32, #tpu.memory_space<vmem_shared>>
        tpu.enqueue_dma source(%arg17 : memref<32x64xf32, #tpu.memory_space<vmem>>) target(%dma_start3A_78 : memref<32x64xf32, #tpu.memory_space<vmem_shared>>) target_semaphore(%run_scoped3A : memref<!tpu.dma_semaphore, #tpu.memory_space<semaphore_mem>>)
        %dma_wait3A = arith.constant 0 : i32
        %dma_wait3A_79 = tpu.memref_slice %arg6[%add3A_68, %dma_wait3A] : memref<10240x64xf32, #tpu.memory_space<vmem_shared>> -> memref<32x64xf32, #tpu.memory_space<vmem_shared>>
        %dma_wait3A_80 = arith.constant 0 : i32
        %dma_wait3A_81 = tpu.memref_slice %arg6[%add3A_68, %dma_wait3A_80] : memref<10240x64xf32, #tpu.memory_space<vmem_shared>> -> memref<32x64xf32, #tpu.memory_space<vmem_shared>>
        tpu.wait_dma2 semaphore(%run_scoped3A : memref<!tpu.dma_semaphore, #tpu.memory_space<semaphore_mem>>) src(%arg17 : memref<32x64xf32, #tpu.memory_space<vmem>>) dst(%dma_wait3A_81 : memref<32x64xf32, #tpu.memory_space<vmem_shared>>)
        tpu.yield
      }) : () -> ()
      %add3A_69 = arith.addi %mul3A_0, %mul3A_61 : i32
      %add3A_70 = arith.constant 0 : i32
      %add3A_71 = arith.addi %add3A_69, %add3A_70 : i32
      "tpu.region"() ({
        %run_scoped3A = tpu.sem_alloc : memref<!tpu.dma_semaphore, #tpu.memory_space<semaphore_mem>>
        %dma_start3A_75 = arith.constant 0 : i32
        %dma_start3A_76 = tpu.memref_slice %arg7[%add3A_71, %dma_start3A_75] : memref<10240x64xf32, #tpu.memory_space<vmem_shared>> -> memref<16x64xf32, #tpu.memory_space<vmem_shared>>
        %dma_start3A_77 = arith.constant 0 : i32
        %dma_start3A_78 = tpu.memref_slice %arg7[%add3A_71, %dma_start3A_77] : memref<10240x64xf32, #tpu.memory_space<vmem_shared>> -> memref<16x64xf32, #tpu.memory_space<vmem_shared>>
        tpu.enqueue_dma source(%arg18 : memref<16x64xf32, #tpu.memory_space<vmem>>) target(%dma_start3A_78 : memref<16x64xf32, #tpu.memory_space<vmem_shared>>) target_semaphore(%run_scoped3A : memref<!tpu.dma_semaphore, #tpu.memory_space<semaphore_mem>>)
        %dma_wait3A = arith.constant 0 : i32
        %dma_wait3A_79 = tpu.memref_slice %arg7[%add3A_71, %dma_wait3A] : memref<10240x64xf32, #tpu.memory_space<vmem_shared>> -> memref<16x64xf32, #tpu.memory_space<vmem_shared>>
        %dma_wait3A_80 = arith.constant 0 : i32
        %dma_wait3A_81 = tpu.memref_slice %arg7[%add3A_71, %dma_wait3A_80] : memref<10240x64xf32, #tpu.memory_space<vmem_shared>> -> memref<16x64xf32, #tpu.memory_space<vmem_shared>>
        tpu.wait_dma2 semaphore(%run_scoped3A : memref<!tpu.dma_semaphore, #tpu.memory_space<semaphore_mem>>) src(%arg18 : memref<16x64xf32, #tpu.memory_space<vmem>>) dst(%dma_wait3A_81 : memref<16x64xf32, #tpu.memory_space<vmem_shared>>)
        tpu.yield
      }) : () -> ()
      %add3A_72 = arith.addi %mul3A_0, %mul3A_61 : i32
      %add3A_73 = arith.constant 16 : i32
      %add3A_74 = arith.addi %add3A_72, %add3A_73 : i32
      "tpu.region"() ({
        %run_scoped3A = tpu.sem_alloc : memref<!tpu.dma_semaphore, #tpu.memory_space<semaphore_mem>>
        %dma_start3A_75 = arith.constant 0 : i32
        %dma_start3A_76 = tpu.memref_slice %arg7[%add3A_74, %dma_start3A_75] : memref<10240x64xf32, #tpu.memory_space<vmem_shared>> -> memref<16x64xf32, #tpu.memory_space<vmem_shared>>
        %dma_start3A_77 = arith.constant 0 : i32
        %dma_start3A_78 = tpu.memref_slice %arg7[%add3A_74, %dma_start3A_77] : memref<10240x64xf32, #tpu.memory_space<vmem_shared>> -> memref<16x64xf32, #tpu.memory_space<vmem_shared>>
        tpu.enqueue_dma source(%arg18 : memref<16x64xf32, #tpu.memory_space<vmem>>) target(%dma_start3A_78 : memref<16x64xf32, #tpu.memory_space<vmem_shared>>) target_semaphore(%run_scoped3A : memref<!tpu.dma_semaphore, #tpu.memory_space<semaphore_mem>>)
        %dma_wait3A = arith.constant 0 : i32
        %dma_wait3A_79 = tpu.memref_slice %arg7[%add3A_74, %dma_wait3A] : memref<10240x64xf32, #tpu.memory_space<vmem_shared>> -> memref<16x64xf32, #tpu.memory_space<vmem_shared>>
        %dma_wait3A_80 = arith.constant 0 : i32
        %dma_wait3A_81 = tpu.memref_slice %arg7[%add3A_74, %dma_wait3A_80] : memref<10240x64xf32, #tpu.memory_space<vmem_shared>> -> memref<16x64xf32, #tpu.memory_space<vmem_shared>>
        tpu.wait_dma2 semaphore(%run_scoped3A : memref<!tpu.dma_semaphore, #tpu.memory_space<semaphore_mem>>) src(%arg18 : memref<16x64xf32, #tpu.memory_space<vmem>>) dst(%dma_wait3A_81 : memref<16x64xf32, #tpu.memory_space<vmem_shared>>)
        tpu.yield
      }) : () -> ()
    }
    %scan3A_38 = arith.constant 20 : i32
    %barrier3A_39 = arith.constant 0 : index
    tpu.barrier barrier_id(%barrier3A_39)
    %mul3A_40 = arith.constant 160 : i32
    %mul3A_41 = arith.muli %arg1, %mul3A_40 : i32
    %add3A_42 = arith.constant 0 : i32
    %add3A_43 = arith.addi %mul3A_41, %add3A_42 : i32
    %mul3A_44 = arith.constant 128 : i32
    %mul3A_45 = arith.muli %add3A_43, %mul3A_44 : i32
    %dma_start3A_46 = tpu.memref_slice %arg3[%mul3A_45] : memref<327680xi32, #tpu.memory_space<hbm>> -> memref<2560xi32, #tpu.memory_space<hbm>>
    %dma_start3A_47 = tpu.memref_slice %arg3[%mul3A_45] : memref<327680xi32, #tpu.memory_space<hbm>> -> memref<2560xi32, #tpu.memory_space<hbm>>
    tpu.enqueue_dma source(%dma_start3A_47 : memref<2560xi32, #tpu.memory_space<hbm>>) target(%arg9 : memref<2560xi32, #tpu.memory_space<vmem>>) target_semaphore(%arg21 : memref<!tpu.dma_semaphore, #tpu.memory_space<semaphore_mem>>)
    %dma_start3A_48 = tpu.memref_slice %arg4[%mul3A_45] : memref<327680xi32, #tpu.memory_space<hbm>> -> memref<2560xi32, #tpu.memory_space<hbm>>
    %dma_start3A_49 = tpu.memref_slice %arg4[%mul3A_45] : memref<327680xi32, #tpu.memory_space<hbm>> -> memref<2560xi32, #tpu.memory_space<hbm>>
    tpu.enqueue_dma source(%dma_start3A_49 : memref<2560xi32, #tpu.memory_space<hbm>>) target(%arg11 : memref<2560xi32, #tpu.memory_space<vmem>>) target_semaphore(%arg21 : memref<!tpu.dma_semaphore, #tpu.memory_space<semaphore_mem>>)
    %scan3A_50 = arith.constant 0 : i32
    %scan3A_51 = arith.constant 10 : i32
    %scan3A_52 = arith.addi %scan3A_50, %scan3A_51 : i32
    %scan3A_53 = arith.constant 1 : i32
    scf.for %scan3A_55 = %scan3A_50 to %scan3A_52 step %scan3A_53  : i32 {
      %mul3A_56 = arith.constant 1 : i32
      %mul3A_57 = arith.muli %scan3A_55, %mul3A_56 : i32
      %add3A_58 = arith.constant 0 : i32
      %add3A_59 = arith.addi %add3A_58, %mul3A_57 : i32
      %scan3A_60 = arith.constant 0 : i32
      %scan3A_61 = arith.constant 4 : i32
      %scan3A_62 = arith.addi %scan3A_60, %scan3A_61 : i32
      %scan3A_63 = arith.constant 1 : i32
      scf.for %scan3A_90 = %scan3A_60 to %scan3A_62 step %scan3A_63  : i32 {
        %mul3A_91 = arith.constant 1 : i32
        %mul3A_92 = arith.muli %scan3A_90, %mul3A_91 : i32
        %add3A_93 = arith.constant 0 : i32
        %add3A_94 = arith.addi %add3A_93, %mul3A_92 : i32
        %mul3A_95 = arith.constant 2 : i32
        %mul3A_96 = arith.muli %mul3A_95, %add3A_94 : i32
        %dma_wait3A = arith.constant 0 : i32
        %dma_wait3A_97 = tpu.memref_slice %arg3[%dma_wait3A] : memref<327680xi32, #tpu.memory_space<hbm>> -> memref<2560xi32, #tpu.memory_space<hbm>>
        %dma_wait3A_98 = arith.constant 0 : i32
        %dma_wait3A_99 = tpu.memref_slice %arg3[%dma_wait3A_98] : memref<327680xi32, #tpu.memory_space<hbm>> -> memref<2560xi32, #tpu.memory_space<hbm>>
        tpu.wait_dma2 semaphore(%arg21 : memref<!tpu.dma_semaphore, #tpu.memory_space<semaphore_mem>>) src(%dma_wait3A_99 : memref<2560xi32, #tpu.memory_space<hbm>>) dst(%arg9 : memref<2560xi32, #tpu.memory_space<vmem>>)
        %dma_wait3A_100 = arith.constant 0 : i32
        %dma_wait3A_101 = tpu.memref_slice %arg4[%dma_wait3A_100] : memref<327680xi32, #tpu.memory_space<hbm>> -> memref<2560xi32, #tpu.memory_space<hbm>>
        %dma_wait3A_102 = arith.constant 0 : i32
        %dma_wait3A_103 = tpu.memref_slice %arg4[%dma_wait3A_102] : memref<327680xi32, #tpu.memory_space<hbm>> -> memref<2560xi32, #tpu.memory_space<hbm>>
        tpu.wait_dma2 semaphore(%arg21 : memref<!tpu.dma_semaphore, #tpu.memory_space<semaphore_mem>>) src(%dma_wait3A_103 : memref<2560xi32, #tpu.memory_space<hbm>>) dst(%arg11 : memref<2560xi32, #tpu.memory_space<vmem>>)
        %add3A_104 = arith.constant 1 : i32
        %add3A_105 = arith.addi %mul3A_96, %add3A_104 : i32
        %mul3A_106 = arith.constant 160 : i32
        %mul3A_107 = arith.muli %arg1, %mul3A_106 : i32
        %mul3A_108 = arith.constant 20 : i32
        %mul3A_109 = arith.muli %add3A_105, %mul3A_108 : i32
        %add3A_110 = arith.addi %mul3A_107, %mul3A_109 : i32
        %mul3A_111 = arith.constant 128 : i32
        %mul3A_112 = arith.muli %add3A_110, %mul3A_111 : i32
        %dma_start3A_113 = tpu.memref_slice %arg3[%mul3A_112] : memref<327680xi32, #tpu.memory_space<hbm>> -> memref<2560xi32, #tpu.memory_space<hbm>>
        %dma_start3A_114 = tpu.memref_slice %arg3[%mul3A_112] : memref<327680xi32, #tpu.memory_space<hbm>> -> memref<2560xi32, #tpu.memory_space<hbm>>
        tpu.enqueue_dma source(%dma_start3A_114 : memref<2560xi32, #tpu.memory_space<hbm>>) target(%arg10 : memref<2560xi32, #tpu.memory_space<vmem>>) target_semaphore(%arg22 : memref<!tpu.dma_semaphore, #tpu.memory_space<semaphore_mem>>)
        %dma_start3A_115 = tpu.memref_slice %arg4[%mul3A_112] : memref<327680xi32, #tpu.memory_space<hbm>> -> memref<2560xi32, #tpu.memory_space<hbm>>
        %dma_start3A_116 = tpu.memref_slice %arg4[%mul3A_112] : memref<327680xi32, #tpu.memory_space<hbm>> -> memref<2560xi32, #tpu.memory_space<hbm>>
        tpu.enqueue_dma source(%dma_start3A_116 : memref<2560xi32, #tpu.memory_space<hbm>>) target(%arg12 : memref<2560xi32, #tpu.memory_space<vmem>>) target_semaphore(%arg22 : memref<!tpu.dma_semaphore, #tpu.memory_space<semaphore_mem>>)
        %dma_start3A_117 = arith.constant 0 : i32
        %dma_start3A_118 = tpu.memref_slice %arg9[%dma_start3A_117] : memref<2560xi32, #tpu.memory_space<vmem>> -> memref<128xi32, #tpu.memory_space<vmem>>
        %dma_start3A_119 = arith.constant 0 : i32
        %dma_start3A_120 = arith.constant 0 : i32
        %dma_start3A_121 = tpu.memref_slice %arg6[%dma_start3A_119, %dma_start3A_120] : memref<10240x64xf32, #tpu.memory_space<vmem_shared>> -> memref<10240x64xf32, #tpu.memory_space<vmem_shared>>
        tpu.enqueue_indirect_dma source(%dma_start3A_121 : memref<10240x64xf32, #tpu.memory_space<vmem_shared>>) target(%arg13 : memref<128x64xf32, #tpu.memory_space<vmem>>) offsets(%dma_start3A_118 : memref<128xi32, #tpu.memory_space<vmem>>) semaphore(%arg23 : memref<!tpu.dma_semaphore, #tpu.memory_space<semaphore_mem>>)
        %dma_wait3A_122 = arith.constant 0 : i32
        %dma_wait3A_123 = tpu.memref_slice %arg9[%dma_wait3A_122] : memref<2560xi32, #tpu.memory_space<vmem>> -> memref<128xi32, #tpu.memory_space<vmem>>
        %dma_wait3A_124 = arith.constant 0 : i32
        %dma_wait3A_125 = arith.constant 0 : i32
        %dma_wait3A_126 = tpu.memref_slice %arg6[%dma_wait3A_124, %dma_wait3A_125] : memref<10240x64xf32, #tpu.memory_space<vmem_shared>> -> memref<10240x64xf32, #tpu.memory_space<vmem_shared>>
        tpu.wait_indirect_dma semaphore(%arg23 : memref<!tpu.dma_semaphore, #tpu.memory_space<semaphore_mem>>) src(%dma_wait3A_126 : memref<10240x64xf32, #tpu.memory_space<vmem_shared>>) dst(%arg13 : memref<128x64xf32, #tpu.memory_space<vmem>>)
        %dma_start3A_127 = arith.constant 0 : i32
        %dma_start3A_128 = tpu.memref_slice %arg11[%dma_start3A_127] : memref<2560xi32, #tpu.memory_space<vmem>> -> memref<128xi32, #tpu.memory_space<vmem>>
        %dma_start3A_129 = arith.constant 0 : i32
        %dma_start3A_130 = arith.constant 0 : i32
        %dma_start3A_131 = tpu.memref_slice %arg7[%dma_start3A_129, %dma_start3A_130] : memref<10240x64xf32, #tpu.memory_space<vmem_shared>> -> memref<10240x64xf32, #tpu.memory_space<vmem_shared>>
        tpu.enqueue_indirect_dma source(%arg13 : memref<128x64xf32, #tpu.memory_space<vmem>>) target(%dma_start3A_131 : memref<10240x64xf32, #tpu.memory_space<vmem_shared>>) offsets(%dma_start3A_128 : memref<128xi32, #tpu.memory_space<vmem>>) semaphore(%arg25 : memref<!tpu.dma_semaphore, #tpu.memory_space<semaphore_mem>>) {add = true}
        %dma_start3A_132 = arith.constant 128 : i32
        %dma_start3A_133 = tpu.memref_slice %arg9[%dma_start3A_132] : memref<2560xi32, #tpu.memory_space<vmem>> -> memref<128xi32, #tpu.memory_space<vmem>>
        %dma_start3A_134 = arith.constant 0 : i32
        %dma_start3A_135 = arith.constant 0 : i32
        %dma_start3A_136 = tpu.memref_slice %arg6[%dma_start3A_134, %dma_start3A_135] : memref<10240x64xf32, #tpu.memory_space<vmem_shared>> -> memref<10240x64xf32, #tpu.memory_space<vmem_shared>>
        tpu.enqueue_indirect_dma source(%dma_start3A_136 : memref<10240x64xf32, #tpu.memory_space<vmem_shared>>) target(%arg14 : memref<128x64xf32, #tpu.memory_space<vmem>>) offsets(%dma_start3A_133 : memref<128xi32, #tpu.memory_space<vmem>>) semaphore(%arg24 : memref<!tpu.dma_semaphore, #tpu.memory_space<semaphore_mem>>)
        %dma_wait3A_137 = arith.constant 128 : i32
        %dma_wait3A_138 = tpu.memref_slice %arg9[%dma_wait3A_137] : memref<2560xi32, #tpu.memory_space<vmem>> -> memref<128xi32, #tpu.memory_space<vmem>>
        %dma_wait3A_139 = arith.constant 0 : i32
        %dma_wait3A_140 = arith.constant 0 : i32
        %dma_wait3A_141 = tpu.memref_slice %arg6[%dma_wait3A_139, %dma_wait3A_140] : memref<10240x64xf32, #tpu.memory_space<vmem_shared>> -> memref<10240x64xf32, #tpu.memory_space<vmem_shared>>
        tpu.wait_indirect_dma semaphore(%arg24 : memref<!tpu.dma_semaphore, #tpu.memory_space<semaphore_mem>>) src(%dma_wait3A_141 : memref<10240x64xf32, #tpu.memory_space<vmem_shared>>) dst(%arg14 : memref<128x64xf32, #tpu.memory_space<vmem>>)
        %dma_start3A_142 = arith.constant 128 : i32
        %dma_start3A_143 = tpu.memref_slice %arg11[%dma_start3A_142] : memref<2560xi32, #tpu.memory_space<vmem>> -> memref<128xi32, #tpu.memory_space<vmem>>
        %dma_start3A_144 = arith.constant 0 : i32
        %dma_start3A_145 = arith.constant 0 : i32
        %dma_start3A_146 = tpu.memref_slice %arg7[%dma_start3A_144, %dma_start3A_145] : memref<10240x64xf32, #tpu.memory_space<vmem_shared>> -> memref<10240x64xf32, #tpu.memory_space<vmem_shared>>
        tpu.enqueue_indirect_dma source(%arg14 : memref<128x64xf32, #tpu.memory_space<vmem>>) target(%dma_start3A_146 : memref<10240x64xf32, #tpu.memory_space<vmem_shared>>) offsets(%dma_start3A_143 : memref<128xi32, #tpu.memory_space<vmem>>) semaphore(%arg26 : memref<!tpu.dma_semaphore, #tpu.memory_space<semaphore_mem>>) {add = true}
        %dma_wait3A_147 = arith.constant 0 : i32
        %dma_wait3A_148 = tpu.memref_slice %arg11[%dma_wait3A_147] : memref<2560xi32, #tpu.memory_space<vmem>> -> memref<128xi32, #tpu.memory_space<vmem>>
        %dma_wait3A_149 = arith.constant 0 : i32
        %dma_wait3A_150 = arith.constant 0 : i32
        %dma_wait3A_151 = tpu.memref_slice %arg7[%dma_wait3A_149, %dma_wait3A_150] : memref<10240x64xf32, #tpu.memory_space<vmem_shared>> -> memref<10240x64xf32, #tpu.memory_space<vmem_shared>>
        tpu.wait_indirect_dma semaphore(%arg25 : memref<!tpu.dma_semaphore, #tpu.memory_space<semaphore_mem>>) src(%arg13 : memref<128x64xf32, #tpu.memory_space<vmem>>) dst(%dma_wait3A_151 : memref<10240x64xf32, #tpu.memory_space<vmem_shared>>)
        %dma_start3A_152 = arith.constant 256 : i32
        %dma_start3A_153 = tpu.memref_slice %arg9[%dma_start3A_152] : memref<2560xi32, #tpu.memory_space<vmem>> -> memref<128xi32, #tpu.memory_space<vmem>>
        %dma_start3A_154 = arith.constant 0 : i32
        %dma_start3A_155 = arith.constant 0 : i32
        %dma_start3A_156 = tpu.memref_slice %arg6[%dma_start3A_154, %dma_start3A_155] : memref<10240x64xf32, #tpu.memory_space<vmem_shared>> -> memref<10240x64xf32, #tpu.memory_space<vmem_shared>>
        tpu.enqueue_indirect_dma source(%dma_start3A_156 : memref<10240x64xf32, #tpu.memory_space<vmem_shared>>) target(%arg13 : memref<128x64xf32, #tpu.memory_space<vmem>>) offsets(%dma_start3A_153 : memref<128xi32, #tpu.memory_space<vmem>>) semaphore(%arg23 : memref<!tpu.dma_semaphore, #tpu.memory_space<semaphore_mem>>)
        %dma_wait3A_157 = arith.constant 256 : i32
        %dma_wait3A_158 = tpu.memref_slice %arg9[%dma_wait3A_157] : memref<2560xi32, #tpu.memory_space<vmem>> -> memref<128xi32, #tpu.memory_space<vmem>>
        %dma_wait3A_159 = arith.constant 0 : i32
        %dma_wait3A_160 = arith.constant 0 : i32
        %dma_wait3A_161 = tpu.memref_slice %arg6[%dma_wait3A_159, %dma_wait3A_160] : memref<10240x64xf32, #tpu.memory_space<vmem_shared>> -> memref<10240x64xf32, #tpu.memory_space<vmem_shared>>
        tpu.wait_indirect_dma semaphore(%arg23 : memref<!tpu.dma_semaphore, #tpu.memory_space<semaphore_mem>>) src(%dma_wait3A_161 : memref<10240x64xf32, #tpu.memory_space<vmem_shared>>) dst(%arg13 : memref<128x64xf32, #tpu.memory_space<vmem>>)
        %dma_start3A_162 = arith.constant 256 : i32
        %dma_start3A_163 = tpu.memref_slice %arg11[%dma_start3A_162] : memref<2560xi32, #tpu.memory_space<vmem>> -> memref<128xi32, #tpu.memory_space<vmem>>
        %dma_start3A_164 = arith.constant 0 : i32
        %dma_start3A_165 = arith.constant 0 : i32
        %dma_start3A_166 = tpu.memref_slice %arg7[%dma_start3A_164, %dma_start3A_165] : memref<10240x64xf32, #tpu.memory_space<vmem_shared>> -> memref<10240x64xf32, #tpu.memory_space<vmem_shared>>
        tpu.enqueue_indirect_dma source(%arg13 : memref<128x64xf32, #tpu.memory_space<vmem>>) target(%dma_start3A_166 : memref<10240x64xf32, #tpu.memory_space<vmem_shared>>) offsets(%dma_start3A_163 : memref<128xi32, #tpu.memory_space<vmem>>) semaphore(%arg25 : memref<!tpu.dma_semaphore, #tpu.memory_space<semaphore_mem>>) {add = true}
        %dma_wait3A_167 = arith.constant 128 : i32
        %dma_wait3A_168 = tpu.memref_slice %arg11[%dma_wait3A_167] : memref<2560xi32, #tpu.memory_space<vmem>> -> memref<128xi32, #tpu.memory_space<vmem>>
        %dma_wait3A_169 = arith.constant 0 : i32
        %dma_wait3A_170 = arith.constant 0 : i32
        %dma_wait3A_171 = tpu.memref_slice %arg7[%dma_wait3A_169, %dma_wait3A_170] : memref<10240x64xf32, #tpu.memory_space<vmem_shared>> -> memref<10240x64xf32, #tpu.memory_space<vmem_shared>>
        tpu.wait_indirect_dma semaphore(%arg26 : memref<!tpu.dma_semaphore, #tpu.memory_space<semaphore_mem>>) src(%arg14 : memref<128x64xf32, #tpu.memory_space<vmem>>) dst(%dma_wait3A_171 : memref<10240x64xf32, #tpu.memory_space<vmem_shared>>)
        %dma_start3A_172 = arith.constant 384 : i32
        %dma_start3A_173 = tpu.memref_slice %arg9[%dma_start3A_172] : memref<2560xi32, #tpu.memory_space<vmem>> -> memref<128xi32, #tpu.memory_space<vmem>>
        %dma_start3A_174 = arith.constant 0 : i32
        %dma_start3A_175 = arith.constant 0 : i32
        %dma_start3A_176 = tpu.memref_slice %arg6[%dma_start3A_174, %dma_start3A_175] : memref<10240x64xf32, #tpu.memory_space<vmem_shared>> -> memref<10240x64xf32, #tpu.memory_space<vmem_shared>>
        tpu.enqueue_indirect_dma source(%dma_start3A_176 : memref<10240x64xf32, #tpu.memory_space<vmem_shared>>) target(%arg14 : memref<128x64xf32, #tpu.memory_space<vmem>>) offsets(%dma_start3A_173 : memref<128xi32, #tpu.memory_space<vmem>>) semaphore(%arg24 : memref<!tpu.dma_semaphore, #tpu.memory_space<semaphore_mem>>)
        %dma_wait3A_177 = arith.constant 384 : i32
        %dma_wait3A_178 = tpu.memref_slice %arg9[%dma_wait3A_177] : memref<2560xi32, #tpu.memory_space<vmem>> -> memref<128xi32, #tpu.memory_space<vmem>>
        %dma_wait3A_179 = arith.constant 0 : i32
        %dma_wait3A_180 = arith.constant 0 : i32
        %dma_wait3A_181 = tpu.memref_slice %arg6[%dma_wait3A_179, %dma_wait3A_180] : memref<10240x64xf32, #tpu.memory_space<vmem_shared>> -> memref<10240x64xf32, #tpu.memory_space<vmem_shared>>
        tpu.wait_indirect_dma semaphore(%arg24 : memref<!tpu.dma_semaphore, #tpu.memory_space<semaphore_mem>>) src(%dma_wait3A_181 : memref<10240x64xf32, #tpu.memory_space<vmem_shared>>) dst(%arg14 : memref<128x64xf32, #tpu.memory_space<vmem>>)
        %dma_start3A_182 = arith.constant 384 : i32
        %dma_start3A_183 = tpu.memref_slice %arg11[%dma_start3A_182] : memref<2560xi32, #tpu.memory_space<vmem>> -> memref<128xi32, #tpu.memory_space<vmem>>
        %dma_start3A_184 = arith.constant 0 : i32
        %dma_start3A_185 = arith.constant 0 : i32
        %dma_start3A_186 = tpu.memref_slice %arg7[%dma_start3A_184, %dma_start3A_185] : memref<10240x64xf32, #tpu.memory_space<vmem_shared>> -> memref<10240x64xf32, #tpu.memory_space<vmem_shared>>
        tpu.enqueue_indirect_dma source(%arg14 : memref<128x64xf32, #tpu.memory_space<vmem>>) target(%dma_start3A_186 : memref<10240x64xf32, #tpu.memory_space<vmem_shared>>) offsets(%dma_start3A_183 : memref<128xi32, #tpu.memory_space<vmem>>) semaphore(%arg26 : memref<!tpu.dma_semaphore, #tpu.memory_space<semaphore_mem>>) {add = true}
        %dma_wait3A_187 = arith.constant 256 : i32
        %dma_wait3A_188 = tpu.memref_slice %arg11[%dma_wait3A_187] : memref<2560xi32, #tpu.memory_space<vmem>> -> memref<128xi32, #tpu.memory_space<vmem>>
        %dma_wait3A_189 = arith.constant 0 : i32
        %dma_wait3A_190 = arith.constant 0 : i32
        %dma_wait3A_191 = tpu.memref_slice %arg7[%dma_wait3A_189, %dma_wait3A_190] : memref<10240x64xf32, #tpu.memory_space<vmem_shared>> -> memref<10240x64xf32, #tpu.memory_space<vmem_shared>>
        tpu.wait_indirect_dma semaphore(%arg25 : memref<!tpu.dma_semaphore, #tpu.memory_space<semaphore_mem>>) src(%arg13 : memref<128x64xf32, #tpu.memory_space<vmem>>) dst(%dma_wait3A_191 : memref<10240x64xf32, #tpu.memory_space<vmem_shared>>)
        %dma_start3A_192 = arith.constant 512 : i32
        %dma_start3A_193 = tpu.memref_slice %arg9[%dma_start3A_192] : memref<2560xi32, #tpu.memory_space<vmem>> -> memref<128xi32, #tpu.memory_space<vmem>>
        %dma_start3A_194 = arith.constant 0 : i32
        %dma_start3A_195 = arith.constant 0 : i32
        %dma_start3A_196 = tpu.memref_slice %arg6[%dma_start3A_194, %dma_start3A_195] : memref<10240x64xf32, #tpu.memory_space<vmem_shared>> -> memref<10240x64xf32, #tpu.memory_space<vmem_shared>>
        tpu.enqueue_indirect_dma source(%dma_start3A_196 : memref<10240x64xf32, #tpu.memory_space<vmem_shared>>) target(%arg13 : memref<128x64xf32, #tpu.memory_space<vmem>>) offsets(%dma_start3A_193 : memref<128xi32, #tpu.memory_space<vmem>>) semaphore(%arg23 : memref<!tpu.dma_semaphore, #tpu.memory_space<semaphore_mem>>)
        %dma_wait3A_197 = arith.constant 512 : i32
        %dma_wait3A_198 = tpu.memref_slice %arg9[%dma_wait3A_197] : memref<2560xi32, #tpu.memory_space<vmem>> -> memref<128xi32, #tpu.memory_space<vmem>>
        %dma_wait3A_199 = arith.constant 0 : i32
        %dma_wait3A_200 = arith.constant 0 : i32
        %dma_wait3A_201 = tpu.memref_slice %arg6[%dma_wait3A_199, %dma_wait3A_200] : memref<10240x64xf32, #tpu.memory_space<vmem_shared>> -> memref<10240x64xf32, #tpu.memory_space<vmem_shared>>
        tpu.wait_indirect_dma semaphore(%arg23 : memref<!tpu.dma_semaphore, #tpu.memory_space<semaphore_mem>>) src(%dma_wait3A_201 : memref<10240x64xf32, #tpu.memory_space<vmem_shared>>) dst(%arg13 : memref<128x64xf32, #tpu.memory_space<vmem>>)
        %dma_start3A_202 = arith.constant 512 : i32
        %dma_start3A_203 = tpu.memref_slice %arg11[%dma_start3A_202] : memref<2560xi32, #tpu.memory_space<vmem>> -> memref<128xi32, #tpu.memory_space<vmem>>
        %dma_start3A_204 = arith.constant 0 : i32
        %dma_start3A_205 = arith.constant 0 : i32
        %dma_start3A_206 = tpu.memref_slice %arg7[%dma_start3A_204, %dma_start3A_205] : memref<10240x64xf32, #tpu.memory_space<vmem_shared>> -> memref<10240x64xf32, #tpu.memory_space<vmem_shared>>
        tpu.enqueue_indirect_dma source(%arg13 : memref<128x64xf32, #tpu.memory_space<vmem>>) target(%dma_start3A_206 : memref<10240x64xf32, #tpu.memory_space<vmem_shared>>) offsets(%dma_start3A_203 : memref<128xi32, #tpu.memory_space<vmem>>) semaphore(%arg25 : memref<!tpu.dma_semaphore, #tpu.memory_space<semaphore_mem>>) {add = true}
        %dma_wait3A_207 = arith.constant 384 : i32
        %dma_wait3A_208 = tpu.memref_slice %arg11[%dma_wait3A_207] : memref<2560xi32, #tpu.memory_space<vmem>> -> memref<128xi32, #tpu.memory_space<vmem>>
        %dma_wait3A_209 = arith.constant 0 : i32
        %dma_wait3A_210 = arith.constant 0 : i32
        %dma_wait3A_211 = tpu.memref_slice %arg7[%dma_wait3A_209, %dma_wait3A_210] : memref<10240x64xf32, #tpu.memory_space<vmem_shared>> -> memref<10240x64xf32, #tpu.memory_space<vmem_shared>>
        tpu.wait_indirect_dma semaphore(%arg26 : memref<!tpu.dma_semaphore, #tpu.memory_space<semaphore_mem>>) src(%arg14 : memref<128x64xf32, #tpu.memory_space<vmem>>) dst(%dma_wait3A_211 : memref<10240x64xf32, #tpu.memory_space<vmem_shared>>)
        %dma_start3A_212 = arith.constant 640 : i32
        %dma_start3A_213 = tpu.memref_slice %arg9[%dma_start3A_212] : memref<2560xi32, #tpu.memory_space<vmem>> -> memref<128xi32, #tpu.memory_space<vmem>>
        %dma_start3A_214 = arith.constant 0 : i32
        %dma_start3A_215 = arith.constant 0 : i32
        %dma_start3A_216 = tpu.memref_slice %arg6[%dma_start3A_214, %dma_start3A_215] : memref<10240x64xf32, #tpu.memory_space<vmem_shared>> -> memref<10240x64xf32, #tpu.memory_space<vmem_shared>>
        tpu.enqueue_indirect_dma source(%dma_start3A_216 : memref<10240x64xf32, #tpu.memory_space<vmem_shared>>) target(%arg14 : memref<128x64xf32, #tpu.memory_space<vmem>>) offsets(%dma_start3A_213 : memref<128xi32, #tpu.memory_space<vmem>>) semaphore(%arg24 : memref<!tpu.dma_semaphore, #tpu.memory_space<semaphore_mem>>)
        %dma_wait3A_217 = arith.constant 640 : i32
        %dma_wait3A_218 = tpu.memref_slice %arg9[%dma_wait3A_217] : memref<2560xi32, #tpu.memory_space<vmem>> -> memref<128xi32, #tpu.memory_space<vmem>>
        %dma_wait3A_219 = arith.constant 0 : i32
        %dma_wait3A_220 = arith.constant 0 : i32
        %dma_wait3A_221 = tpu.memref_slice %arg6[%dma_wait3A_219, %dma_wait3A_220] : memref<10240x64xf32, #tpu.memory_space<vmem_shared>> -> memref<10240x64xf32, #tpu.memory_space<vmem_shared>>
        tpu.wait_indirect_dma semaphore(%arg24 : memref<!tpu.dma_semaphore, #tpu.memory_space<semaphore_mem>>) src(%dma_wait3A_221 : memref<10240x64xf32, #tpu.memory_space<vmem_shared>>) dst(%arg14 : memref<128x64xf32, #tpu.memory_space<vmem>>)
        %dma_start3A_222 = arith.constant 640 : i32
        %dma_start3A_223 = tpu.memref_slice %arg11[%dma_start3A_222] : memref<2560xi32, #tpu.memory_space<vmem>> -> memref<128xi32, #tpu.memory_space<vmem>>
        %dma_start3A_224 = arith.constant 0 : i32
        %dma_start3A_225 = arith.constant 0 : i32
        %dma_start3A_226 = tpu.memref_slice %arg7[%dma_start3A_224, %dma_start3A_225] : memref<10240x64xf32, #tpu.memory_space<vmem_shared>> -> memref<10240x64xf32, #tpu.memory_space<vmem_shared>>
        tpu.enqueue_indirect_dma source(%arg14 : memref<128x64xf32, #tpu.memory_space<vmem>>) target(%dma_start3A_226 : memref<10240x64xf32, #tpu.memory_space<vmem_shared>>) offsets(%dma_start3A_223 : memref<128xi32, #tpu.memory_space<vmem>>) semaphore(%arg26 : memref<!tpu.dma_semaphore, #tpu.memory_space<semaphore_mem>>) {add = true}
        %dma_wait3A_227 = arith.constant 512 : i32
        %dma_wait3A_228 = tpu.memref_slice %arg11[%dma_wait3A_227] : memref<2560xi32, #tpu.memory_space<vmem>> -> memref<128xi32, #tpu.memory_space<vmem>>
        %dma_wait3A_229 = arith.constant 0 : i32
        %dma_wait3A_230 = arith.constant 0 : i32
        %dma_wait3A_231 = tpu.memref_slice %arg7[%dma_wait3A_229, %dma_wait3A_230] : memref<10240x64xf32, #tpu.memory_space<vmem_shared>> -> memref<10240x64xf32, #tpu.memory_space<vmem_shared>>
        tpu.wait_indirect_dma semaphore(%arg25 : memref<!tpu.dma_semaphore, #tpu.memory_space<semaphore_mem>>) src(%arg13 : memref<128x64xf32, #tpu.memory_space<vmem>>) dst(%dma_wait3A_231 : memref<10240x64xf32, #tpu.memory_space<vmem_shared>>)
        %dma_start3A_232 = arith.constant 768 : i32
        %dma_start3A_233 = tpu.memref_slice %arg9[%dma_start3A_232] : memref<2560xi32, #tpu.memory_space<vmem>> -> memref<128xi32, #tpu.memory_space<vmem>>
        %dma_start3A_234 = arith.constant 0 : i32
        %dma_start3A_235 = arith.constant 0 : i32
        %dma_start3A_236 = tpu.memref_slice %arg6[%dma_start3A_234, %dma_start3A_235] : memref<10240x64xf32, #tpu.memory_space<vmem_shared>> -> memref<10240x64xf32, #tpu.memory_space<vmem_shared>>
        tpu.enqueue_indirect_dma source(%dma_start3A_236 : memref<10240x64xf32, #tpu.memory_space<vmem_shared>>) target(%arg13 : memref<128x64xf32, #tpu.memory_space<vmem>>) offsets(%dma_start3A_233 : memref<128xi32, #tpu.memory_space<vmem>>) semaphore(%arg23 : memref<!tpu.dma_semaphore, #tpu.memory_space<semaphore_mem>>)
        %dma_wait3A_237 = arith.constant 768 : i32
        %dma_wait3A_238 = tpu.memref_slice %arg9[%dma_wait3A_237] : memref<2560xi32, #tpu.memory_space<vmem>> -> memref<128xi32, #tpu.memory_space<vmem>>
        %dma_wait3A_239 = arith.constant 0 : i32
        %dma_wait3A_240 = arith.constant 0 : i32
        %dma_wait3A_241 = tpu.memref_slice %arg6[%dma_wait3A_239, %dma_wait3A_240] : memref<10240x64xf32, #tpu.memory_space<vmem_shared>> -> memref<10240x64xf32, #tpu.memory_space<vmem_shared>>
        tpu.wait_indirect_dma semaphore(%arg23 : memref<!tpu.dma_semaphore, #tpu.memory_space<semaphore_mem>>) src(%dma_wait3A_241 : memref<10240x64xf32, #tpu.memory_space<vmem_shared>>) dst(%arg13 : memref<128x64xf32, #tpu.memory_space<vmem>>)
        %dma_start3A_242 = arith.constant 768 : i32
        %dma_start3A_243 = tpu.memref_slice %arg11[%dma_start3A_242] : memref<2560xi32, #tpu.memory_space<vmem>> -> memref<128xi32, #tpu.memory_space<vmem>>
        %dma_start3A_244 = arith.constant 0 : i32
        %dma_start3A_245 = arith.constant 0 : i32
        %dma_start3A_246 = tpu.memref_slice %arg7[%dma_start3A_244, %dma_start3A_245] : memref<10240x64xf32, #tpu.memory_space<vmem_shared>> -> memref<10240x64xf32, #tpu.memory_space<vmem_shared>>
        tpu.enqueue_indirect_dma source(%arg13 : memref<128x64xf32, #tpu.memory_space<vmem>>) target(%dma_start3A_246 : memref<10240x64xf32, #tpu.memory_space<vmem_shared>>) offsets(%dma_start3A_243 : memref<128xi32, #tpu.memory_space<vmem>>) semaphore(%arg25 : memref<!tpu.dma_semaphore, #tpu.memory_space<semaphore_mem>>) {add = true}
        %dma_wait3A_247 = arith.constant 640 : i32
        %dma_wait3A_248 = tpu.memref_slice %arg11[%dma_wait3A_247] : memref<2560xi32, #tpu.memory_space<vmem>> -> memref<128xi32, #tpu.memory_space<vmem>>
        %dma_wait3A_249 = arith.constant 0 : i32
        %dma_wait3A_250 = arith.constant 0 : i32
        %dma_wait3A_251 = tpu.memref_slice %arg7[%dma_wait3A_249, %dma_wait3A_250] : memref<10240x64xf32, #tpu.memory_space<vmem_shared>> -> memref<10240x64xf32, #tpu.memory_space<vmem_shared>>
        tpu.wait_indirect_dma semaphore(%arg26 : memref<!tpu.dma_semaphore, #tpu.memory_space<semaphore_mem>>) src(%arg14 : memref<128x64xf32, #tpu.memory_space<vmem>>) dst(%dma_wait3A_251 : memref<10240x64xf32, #tpu.memory_space<vmem_shared>>)
        %dma_start3A_252 = arith.constant 896 : i32
        %dma_start3A_253 = tpu.memref_slice %arg9[%dma_start3A_252] : memref<2560xi32, #tpu.memory_space<vmem>> -> memref<128xi32, #tpu.memory_space<vmem>>
        %dma_start3A_254 = arith.constant 0 : i32
        %dma_start3A_255 = arith.constant 0 : i32
        %dma_start3A_256 = tpu.memref_slice %arg6[%dma_start3A_254, %dma_start3A_255] : memref<10240x64xf32, #tpu.memory_space<vmem_shared>> -> memref<10240x64xf32, #tpu.memory_space<vmem_shared>>
        tpu.enqueue_indirect_dma source(%dma_start3A_256 : memref<10240x64xf32, #tpu.memory_space<vmem_shared>>) target(%arg14 : memref<128x64xf32, #tpu.memory_space<vmem>>) offsets(%dma_start3A_253 : memref<128xi32, #tpu.memory_space<vmem>>) semaphore(%arg24 : memref<!tpu.dma_semaphore, #tpu.memory_space<semaphore_mem>>)
        %dma_wait3A_257 = arith.constant 896 : i32
        %dma_wait3A_258 = tpu.memref_slice %arg9[%dma_wait3A_257] : memref<2560xi32, #tpu.memory_space<vmem>> -> memref<128xi32, #tpu.memory_space<vmem>>
        %dma_wait3A_259 = arith.constant 0 : i32
        %dma_wait3A_260 = arith.constant 0 : i32
        %dma_wait3A_261 = tpu.memref_slice %arg6[%dma_wait3A_259, %dma_wait3A_260] : memref<10240x64xf32, #tpu.memory_space<vmem_shared>> -> memref<10240x64xf32, #tpu.memory_space<vmem_shared>>
        tpu.wait_indirect_dma semaphore(%arg24 : memref<!tpu.dma_semaphore, #tpu.memory_space<semaphore_mem>>) src(%dma_wait3A_261 : memref<10240x64xf32, #tpu.memory_space<vmem_shared>>) dst(%arg14 : memref<128x64xf32, #tpu.memory_space<vmem>>)
        %dma_start3A_262 = arith.constant 896 : i32
        %dma_start3A_263 = tpu.memref_slice %arg11[%dma_start3A_262] : memref<2560xi32, #tpu.memory_space<vmem>> -> memref<128xi32, #tpu.memory_space<vmem>>
        %dma_start3A_264 = arith.constant 0 : i32
        %dma_start3A_265 = arith.constant 0 : i32
        %dma_start3A_266 = tpu.memref_slice %arg7[%dma_start3A_264, %dma_start3A_265] : memref<10240x64xf32, #tpu.memory_space<vmem_shared>> -> memref<10240x64xf32, #tpu.memory_space<vmem_shared>>
        tpu.enqueue_indirect_dma source(%arg14 : memref<128x64xf32, #tpu.memory_space<vmem>>) target(%dma_start3A_266 : memref<10240x64xf32, #tpu.memory_space<vmem_shared>>) offsets(%dma_start3A_263 : memref<128xi32, #tpu.memory_space<vmem>>) semaphore(%arg26 : memref<!tpu.dma_semaphore, #tpu.memory_space<semaphore_mem>>) {add = true}
        %dma_wait3A_267 = arith.constant 768 : i32
        %dma_wait3A_268 = tpu.memref_slice %arg11[%dma_wait3A_267] : memref<2560xi32, #tpu.memory_space<vmem>> -> memref<128xi32, #tpu.memory_space<vmem>>
        %dma_wait3A_269 = arith.constant 0 : i32
        %dma_wait3A_270 = arith.constant 0 : i32
        %dma_wait3A_271 = tpu.memref_slice %arg7[%dma_wait3A_269, %dma_wait3A_270] : memref<10240x64xf32, #tpu.memory_space<vmem_shared>> -> memref<10240x64xf32, #tpu.memory_space<vmem_shared>>
        tpu.wait_indirect_dma semaphore(%arg25 : memref<!tpu.dma_semaphore, #tpu.memory_space<semaphore_mem>>) src(%arg13 : memref<128x64xf32, #tpu.memory_space<vmem>>) dst(%dma_wait3A_271 : memref<10240x64xf32, #tpu.memory_space<vmem_shared>>)
        %dma_start3A_272 = arith.constant 1024 : i32
        %dma_start3A_273 = tpu.memref_slice %arg9[%dma_start3A_272] : memref<2560xi32, #tpu.memory_space<vmem>> -> memref<128xi32, #tpu.memory_space<vmem>>
        %dma_start3A_274 = arith.constant 0 : i32
        %dma_start3A_275 = arith.constant 0 : i32
        %dma_start3A_276 = tpu.memref_slice %arg6[%dma_start3A_274, %dma_start3A_275] : memref<10240x64xf32, #tpu.memory_space<vmem_shared>> -> memref<10240x64xf32, #tpu.memory_space<vmem_shared>>
        tpu.enqueue_indirect_dma source(%dma_start3A_276 : memref<10240x64xf32, #tpu.memory_space<vmem_shared>>) target(%arg13 : memref<128x64xf32, #tpu.memory_space<vmem>>) offsets(%dma_start3A_273 : memref<128xi32, #tpu.memory_space<vmem>>) semaphore(%arg23 : memref<!tpu.dma_semaphore, #tpu.memory_space<semaphore_mem>>)
        %dma_wait3A_277 = arith.constant 1024 : i32
        %dma_wait3A_278 = tpu.memref_slice %arg9[%dma_wait3A_277] : memref<2560xi32, #tpu.memory_space<vmem>> -> memref<128xi32, #tpu.memory_space<vmem>>
        %dma_wait3A_279 = arith.constant 0 : i32
        %dma_wait3A_280 = arith.constant 0 : i32
        %dma_wait3A_281 = tpu.memref_slice %arg6[%dma_wait3A_279, %dma_wait3A_280] : memref<10240x64xf32, #tpu.memory_space<vmem_shared>> -> memref<10240x64xf32, #tpu.memory_space<vmem_shared>>
        tpu.wait_indirect_dma semaphore(%arg23 : memref<!tpu.dma_semaphore, #tpu.memory_space<semaphore_mem>>) src(%dma_wait3A_281 : memref<10240x64xf32, #tpu.memory_space<vmem_shared>>) dst(%arg13 : memref<128x64xf32, #tpu.memory_space<vmem>>)
        %dma_start3A_282 = arith.constant 1024 : i32
        %dma_start3A_283 = tpu.memref_slice %arg11[%dma_start3A_282] : memref<2560xi32, #tpu.memory_space<vmem>> -> memref<128xi32, #tpu.memory_space<vmem>>
        %dma_start3A_284 = arith.constant 0 : i32
        %dma_start3A_285 = arith.constant 0 : i32
        %dma_start3A_286 = tpu.memref_slice %arg7[%dma_start3A_284, %dma_start3A_285] : memref<10240x64xf32, #tpu.memory_space<vmem_shared>> -> memref<10240x64xf32, #tpu.memory_space<vmem_shared>>
        tpu.enqueue_indirect_dma source(%arg13 : memref<128x64xf32, #tpu.memory_space<vmem>>) target(%dma_start3A_286 : memref<10240x64xf32, #tpu.memory_space<vmem_shared>>) offsets(%dma_start3A_283 : memref<128xi32, #tpu.memory_space<vmem>>) semaphore(%arg25 : memref<!tpu.dma_semaphore, #tpu.memory_space<semaphore_mem>>) {add = true}
        %dma_wait3A_287 = arith.constant 896 : i32
        %dma_wait3A_288 = tpu.memref_slice %arg11[%dma_wait3A_287] : memref<2560xi32, #tpu.memory_space<vmem>> -> memref<128xi32, #tpu.memory_space<vmem>>
        %dma_wait3A_289 = arith.constant 0 : i32
        %dma_wait3A_290 = arith.constant 0 : i32
        %dma_wait3A_291 = tpu.memref_slice %arg7[%dma_wait3A_289, %dma_wait3A_290] : memref<10240x64xf32, #tpu.memory_space<vmem_shared>> -> memref<10240x64xf32, #tpu.memory_space<vmem_shared>>
        tpu.wait_indirect_dma semaphore(%arg26 : memref<!tpu.dma_semaphore, #tpu.memory_space<semaphore_mem>>) src(%arg14 : memref<128x64xf32, #tpu.memory_space<vmem>>) dst(%dma_wait3A_291 : memref<10240x64xf32, #tpu.memory_space<vmem_shared>>)
        %dma_start3A_292 = arith.constant 1152 : i32
        %dma_start3A_293 = tpu.memref_slice %arg9[%dma_start3A_292] : memref<2560xi32, #tpu.memory_space<vmem>> -> memref<128xi32, #tpu.memory_space<vmem>>
        %dma_start3A_294 = arith.constant 0 : i32
        %dma_start3A_295 = arith.constant 0 : i32
        %dma_start3A_296 = tpu.memref_slice %arg6[%dma_start3A_294, %dma_start3A_295] : memref<10240x64xf32, #tpu.memory_space<vmem_shared>> -> memref<10240x64xf32, #tpu.memory_space<vmem_shared>>
        tpu.enqueue_indirect_dma source(%dma_start3A_296 : memref<10240x64xf32, #tpu.memory_space<vmem_shared>>) target(%arg14 : memref<128x64xf32, #tpu.memory_space<vmem>>) offsets(%dma_start3A_293 : memref<128xi32, #tpu.memory_space<vmem>>) semaphore(%arg24 : memref<!tpu.dma_semaphore, #tpu.memory_space<semaphore_mem>>)
        %dma_wait3A_297 = arith.constant 1152 : i32
        %dma_wait3A_298 = tpu.memref_slice %arg9[%dma_wait3A_297] : memref<2560xi32, #tpu.memory_space<vmem>> -> memref<128xi32, #tpu.memory_space<vmem>>
        %dma_wait3A_299 = arith.constant 0 : i32
        %dma_wait3A_300 = arith.constant 0 : i32
        %dma_wait3A_301 = tpu.memref_slice %arg6[%dma_wait3A_299, %dma_wait3A_300] : memref<10240x64xf32, #tpu.memory_space<vmem_shared>> -> memref<10240x64xf32, #tpu.memory_space<vmem_shared>>
        tpu.wait_indirect_dma semaphore(%arg24 : memref<!tpu.dma_semaphore, #tpu.memory_space<semaphore_mem>>) src(%dma_wait3A_301 : memref<10240x64xf32, #tpu.memory_space<vmem_shared>>) dst(%arg14 : memref<128x64xf32, #tpu.memory_space<vmem>>)
        %dma_start3A_302 = arith.constant 1152 : i32
        %dma_start3A_303 = tpu.memref_slice %arg11[%dma_start3A_302] : memref<2560xi32, #tpu.memory_space<vmem>> -> memref<128xi32, #tpu.memory_space<vmem>>
        %dma_start3A_304 = arith.constant 0 : i32
        %dma_start3A_305 = arith.constant 0 : i32
        %dma_start3A_306 = tpu.memref_slice %arg7[%dma_start3A_304, %dma_start3A_305] : memref<10240x64xf32, #tpu.memory_space<vmem_shared>> -> memref<10240x64xf32, #tpu.memory_space<vmem_shared>>
        tpu.enqueue_indirect_dma source(%arg14 : memref<128x64xf32, #tpu.memory_space<vmem>>) target(%dma_start3A_306 : memref<10240x64xf32, #tpu.memory_space<vmem_shared>>) offsets(%dma_start3A_303 : memref<128xi32, #tpu.memory_space<vmem>>) semaphore(%arg26 : memref<!tpu.dma_semaphore, #tpu.memory_space<semaphore_mem>>) {add = true}
        %dma_wait3A_307 = arith.constant 1024 : i32
        %dma_wait3A_308 = tpu.memref_slice %arg11[%dma_wait3A_307] : memref<2560xi32, #tpu.memory_space<vmem>> -> memref<128xi32, #tpu.memory_space<vmem>>
        %dma_wait3A_309 = arith.constant 0 : i32
        %dma_wait3A_310 = arith.constant 0 : i32
        %dma_wait3A_311 = tpu.memref_slice %arg7[%dma_wait3A_309, %dma_wait3A_310] : memref<10240x64xf32, #tpu.memory_space<vmem_shared>> -> memref<10240x64xf32, #tpu.memory_space<vmem_shared>>
        tpu.wait_indirect_dma semaphore(%arg25 : memref<!tpu.dma_semaphore, #tpu.memory_space<semaphore_mem>>) src(%arg13 : memref<128x64xf32, #tpu.memory_space<vmem>>) dst(%dma_wait3A_311 : memref<10240x64xf32, #tpu.memory_space<vmem_shared>>)
        %dma_start3A_312 = arith.constant 1280 : i32
        %dma_start3A_313 = tpu.memref_slice %arg9[%dma_start3A_312] : memref<2560xi32, #tpu.memory_space<vmem>> -> memref<128xi32, #tpu.memory_space<vmem>>
        %dma_start3A_314 = arith.constant 0 : i32
        %dma_start3A_315 = arith.constant 0 : i32
        %dma_start3A_316 = tpu.memref_slice %arg6[%dma_start3A_314, %dma_start3A_315] : memref<10240x64xf32, #tpu.memory_space<vmem_shared>> -> memref<10240x64xf32, #tpu.memory_space<vmem_shared>>
        tpu.enqueue_indirect_dma source(%dma_start3A_316 : memref<10240x64xf32, #tpu.memory_space<vmem_shared>>) target(%arg13 : memref<128x64xf32, #tpu.memory_space<vmem>>) offsets(%dma_start3A_313 : memref<128xi32, #tpu.memory_space<vmem>>) semaphore(%arg23 : memref<!tpu.dma_semaphore, #tpu.memory_space<semaphore_mem>>)
        %dma_wait3A_317 = arith.constant 1280 : i32
        %dma_wait3A_318 = tpu.memref_slice %arg9[%dma_wait3A_317] : memref<2560xi32, #tpu.memory_space<vmem>> -> memref<128xi32, #tpu.memory_space<vmem>>
        %dma_wait3A_319 = arith.constant 0 : i32
        %dma_wait3A_320 = arith.constant 0 : i32
        %dma_wait3A_321 = tpu.memref_slice %arg6[%dma_wait3A_319, %dma_wait3A_320] : memref<10240x64xf32, #tpu.memory_space<vmem_shared>> -> memref<10240x64xf32, #tpu.memory_space<vmem_shared>>
        tpu.wait_indirect_dma semaphore(%arg23 : memref<!tpu.dma_semaphore, #tpu.memory_space<semaphore_mem>>) src(%dma_wait3A_321 : memref<10240x64xf32, #tpu.memory_space<vmem_shared>>) dst(%arg13 : memref<128x64xf32, #tpu.memory_space<vmem>>)
        %dma_start3A_322 = arith.constant 1280 : i32
        %dma_start3A_323 = tpu.memref_slice %arg11[%dma_start3A_322] : memref<2560xi32, #tpu.memory_space<vmem>> -> memref<128xi32, #tpu.memory_space<vmem>>
        %dma_start3A_324 = arith.constant 0 : i32
        %dma_start3A_325 = arith.constant 0 : i32
        %dma_start3A_326 = tpu.memref_slice %arg7[%dma_start3A_324, %dma_start3A_325] : memref<10240x64xf32, #tpu.memory_space<vmem_shared>> -> memref<10240x64xf32, #tpu.memory_space<vmem_shared>>
        tpu.enqueue_indirect_dma source(%arg13 : memref<128x64xf32, #tpu.memory_space<vmem>>) target(%dma_start3A_326 : memref<10240x64xf32, #tpu.memory_space<vmem_shared>>) offsets(%dma_start3A_323 : memref<128xi32, #tpu.memory_space<vmem>>) semaphore(%arg25 : memref<!tpu.dma_semaphore, #tpu.memory_space<semaphore_mem>>) {add = true}
        %dma_wait3A_327 = arith.constant 1152 : i32
        %dma_wait3A_328 = tpu.memref_slice %arg11[%dma_wait3A_327] : memref<2560xi32, #tpu.memory_space<vmem>> -> memref<128xi32, #tpu.memory_space<vmem>>
        %dma_wait3A_329 = arith.constant 0 : i32
        %dma_wait3A_330 = arith.constant 0 : i32
        %dma_wait3A_331 = tpu.memref_slice %arg7[%dma_wait3A_329, %dma_wait3A_330] : memref<10240x64xf32, #tpu.memory_space<vmem_shared>> -> memref<10240x64xf32, #tpu.memory_space<vmem_shared>>
        tpu.wait_indirect_dma semaphore(%arg26 : memref<!tpu.dma_semaphore, #tpu.memory_space<semaphore_mem>>) src(%arg14 : memref<128x64xf32, #tpu.memory_space<vmem>>) dst(%dma_wait3A_331 : memref<10240x64xf32, #tpu.memory_space<vmem_shared>>)
        %dma_start3A_332 = arith.constant 1408 : i32
        %dma_start3A_333 = tpu.memref_slice %arg9[%dma_start3A_332] : memref<2560xi32, #tpu.memory_space<vmem>> -> memref<128xi32, #tpu.memory_space<vmem>>
        %dma_start3A_334 = arith.constant 0 : i32
        %dma_start3A_335 = arith.constant 0 : i32
        %dma_start3A_336 = tpu.memref_slice %arg6[%dma_start3A_334, %dma_start3A_335] : memref<10240x64xf32, #tpu.memory_space<vmem_shared>> -> memref<10240x64xf32, #tpu.memory_space<vmem_shared>>
        tpu.enqueue_indirect_dma source(%dma_start3A_336 : memref<10240x64xf32, #tpu.memory_space<vmem_shared>>) target(%arg14 : memref<128x64xf32, #tpu.memory_space<vmem>>) offsets(%dma_start3A_333 : memref<128xi32, #tpu.memory_space<vmem>>) semaphore(%arg24 : memref<!tpu.dma_semaphore, #tpu.memory_space<semaphore_mem>>)
        %dma_wait3A_337 = arith.constant 1408 : i32
        %dma_wait3A_338 = tpu.memref_slice %arg9[%dma_wait3A_337] : memref<2560xi32, #tpu.memory_space<vmem>> -> memref<128xi32, #tpu.memory_space<vmem>>
        %dma_wait3A_339 = arith.constant 0 : i32
        %dma_wait3A_340 = arith.constant 0 : i32
        %dma_wait3A_341 = tpu.memref_slice %arg6[%dma_wait3A_339, %dma_wait3A_340] : memref<10240x64xf32, #tpu.memory_space<vmem_shared>> -> memref<10240x64xf32, #tpu.memory_space<vmem_shared>>
        tpu.wait_indirect_dma semaphore(%arg24 : memref<!tpu.dma_semaphore, #tpu.memory_space<semaphore_mem>>) src(%dma_wait3A_341 : memref<10240x64xf32, #tpu.memory_space<vmem_shared>>) dst(%arg14 : memref<128x64xf32, #tpu.memory_space<vmem>>)
        %dma_start3A_342 = arith.constant 1408 : i32
        %dma_start3A_343 = tpu.memref_slice %arg11[%dma_start3A_342] : memref<2560xi32, #tpu.memory_space<vmem>> -> memref<128xi32, #tpu.memory_space<vmem>>
        %dma_start3A_344 = arith.constant 0 : i32
        %dma_start3A_345 = arith.constant 0 : i32
        %dma_start3A_346 = tpu.memref_slice %arg7[%dma_start3A_344, %dma_start3A_345] : memref<10240x64xf32, #tpu.memory_space<vmem_shared>> -> memref<10240x64xf32, #tpu.memory_space<vmem_shared>>
        tpu.enqueue_indirect_dma source(%arg14 : memref<128x64xf32, #tpu.memory_space<vmem>>) target(%dma_start3A_346 : memref<10240x64xf32, #tpu.memory_space<vmem_shared>>) offsets(%dma_start3A_343 : memref<128xi32, #tpu.memory_space<vmem>>) semaphore(%arg26 : memref<!tpu.dma_semaphore, #tpu.memory_space<semaphore_mem>>) {add = true}
        %dma_wait3A_347 = arith.constant 1280 : i32
        %dma_wait3A_348 = tpu.memref_slice %arg11[%dma_wait3A_347] : memref<2560xi32, #tpu.memory_space<vmem>> -> memref<128xi32, #tpu.memory_space<vmem>>
        %dma_wait3A_349 = arith.constant 0 : i32
        %dma_wait3A_350 = arith.constant 0 : i32
        %dma_wait3A_351 = tpu.memref_slice %arg7[%dma_wait3A_349, %dma_wait3A_350] : memref<10240x64xf32, #tpu.memory_space<vmem_shared>> -> memref<10240x64xf32, #tpu.memory_space<vmem_shared>>
        tpu.wait_indirect_dma semaphore(%arg25 : memref<!tpu.dma_semaphore, #tpu.memory_space<semaphore_mem>>) src(%arg13 : memref<128x64xf32, #tpu.memory_space<vmem>>) dst(%dma_wait3A_351 : memref<10240x64xf32, #tpu.memory_space<vmem_shared>>)
        %dma_start3A_352 = arith.constant 1536 : i32
        %dma_start3A_353 = tpu.memref_slice %arg9[%dma_start3A_352] : memref<2560xi32, #tpu.memory_space<vmem>> -> memref<128xi32, #tpu.memory_space<vmem>>
        %dma_start3A_354 = arith.constant 0 : i32
        %dma_start3A_355 = arith.constant 0 : i32
        %dma_start3A_356 = tpu.memref_slice %arg6[%dma_start3A_354, %dma_start3A_355] : memref<10240x64xf32, #tpu.memory_space<vmem_shared>> -> memref<10240x64xf32, #tpu.memory_space<vmem_shared>>
        tpu.enqueue_indirect_dma source(%dma_start3A_356 : memref<10240x64xf32, #tpu.memory_space<vmem_shared>>) target(%arg13 : memref<128x64xf32, #tpu.memory_space<vmem>>) offsets(%dma_start3A_353 : memref<128xi32, #tpu.memory_space<vmem>>) semaphore(%arg23 : memref<!tpu.dma_semaphore, #tpu.memory_space<semaphore_mem>>)
        %dma_wait3A_357 = arith.constant 1536 : i32
        %dma_wait3A_358 = tpu.memref_slice %arg9[%dma_wait3A_357] : memref<2560xi32, #tpu.memory_space<vmem>> -> memref<128xi32, #tpu.memory_space<vmem>>
        %dma_wait3A_359 = arith.constant 0 : i32
        %dma_wait3A_360 = arith.constant 0 : i32
        %dma_wait3A_361 = tpu.memref_slice %arg6[%dma_wait3A_359, %dma_wait3A_360] : memref<10240x64xf32, #tpu.memory_space<vmem_shared>> -> memref<10240x64xf32, #tpu.memory_space<vmem_shared>>
        tpu.wait_indirect_dma semaphore(%arg23 : memref<!tpu.dma_semaphore, #tpu.memory_space<semaphore_mem>>) src(%dma_wait3A_361 : memref<10240x64xf32, #tpu.memory_space<vmem_shared>>) dst(%arg13 : memref<128x64xf32, #tpu.memory_space<vmem>>)
        %dma_start3A_362 = arith.constant 1536 : i32
        %dma_start3A_363 = tpu.memref_slice %arg11[%dma_start3A_362] : memref<2560xi32, #tpu.memory_space<vmem>> -> memref<128xi32, #tpu.memory_space<vmem>>
        %dma_start3A_364 = arith.constant 0 : i32
        %dma_start3A_365 = arith.constant 0 : i32
        %dma_start3A_366 = tpu.memref_slice %arg7[%dma_start3A_364, %dma_start3A_365] : memref<10240x64xf32, #tpu.memory_space<vmem_shared>> -> memref<10240x64xf32, #tpu.memory_space<vmem_shared>>
        tpu.enqueue_indirect_dma source(%arg13 : memref<128x64xf32, #tpu.memory_space<vmem>>) target(%dma_start3A_366 : memref<10240x64xf32, #tpu.memory_space<vmem_shared>>) offsets(%dma_start3A_363 : memref<128xi32, #tpu.memory_space<vmem>>) semaphore(%arg25 : memref<!tpu.dma_semaphore, #tpu.memory_space<semaphore_mem>>) {add = true}
        %dma_wait3A_367 = arith.constant 1408 : i32
        %dma_wait3A_368 = tpu.memref_slice %arg11[%dma_wait3A_367] : memref<2560xi32, #tpu.memory_space<vmem>> -> memref<128xi32, #tpu.memory_space<vmem>>
        %dma_wait3A_369 = arith.constant 0 : i32
        %dma_wait3A_370 = arith.constant 0 : i32
        %dma_wait3A_371 = tpu.memref_slice %arg7[%dma_wait3A_369, %dma_wait3A_370] : memref<10240x64xf32, #tpu.memory_space<vmem_shared>> -> memref<10240x64xf32, #tpu.memory_space<vmem_shared>>
        tpu.wait_indirect_dma semaphore(%arg26 : memref<!tpu.dma_semaphore, #tpu.memory_space<semaphore_mem>>) src(%arg14 : memref<128x64xf32, #tpu.memory_space<vmem>>) dst(%dma_wait3A_371 : memref<10240x64xf32, #tpu.memory_space<vmem_shared>>)
        %dma_start3A_372 = arith.constant 1664 : i32
        %dma_start3A_373 = tpu.memref_slice %arg9[%dma_start3A_372] : memref<2560xi32, #tpu.memory_space<vmem>> -> memref<128xi32, #tpu.memory_space<vmem>>
        %dma_start3A_374 = arith.constant 0 : i32
        %dma_start3A_375 = arith.constant 0 : i32
        %dma_start3A_376 = tpu.memref_slice %arg6[%dma_start3A_374, %dma_start3A_375] : memref<10240x64xf32, #tpu.memory_space<vmem_shared>> -> memref<10240x64xf32, #tpu.memory_space<vmem_shared>>
        tpu.enqueue_indirect_dma source(%dma_start3A_376 : memref<10240x64xf32, #tpu.memory_space<vmem_shared>>) target(%arg14 : memref<128x64xf32, #tpu.memory_space<vmem>>) offsets(%dma_start3A_373 : memref<128xi32, #tpu.memory_space<vmem>>) semaphore(%arg24 : memref<!tpu.dma_semaphore, #tpu.memory_space<semaphore_mem>>)
        %dma_wait3A_377 = arith.constant 1664 : i32
        %dma_wait3A_378 = tpu.memref_slice %arg9[%dma_wait3A_377] : memref<2560xi32, #tpu.memory_space<vmem>> -> memref<128xi32, #tpu.memory_space<vmem>>
        %dma_wait3A_379 = arith.constant 0 : i32
        %dma_wait3A_380 = arith.constant 0 : i32
        %dma_wait3A_381 = tpu.memref_slice %arg6[%dma_wait3A_379, %dma_wait3A_380] : memref<10240x64xf32, #tpu.memory_space<vmem_shared>> -> memref<10240x64xf32, #tpu.memory_space<vmem_shared>>
        tpu.wait_indirect_dma semaphore(%arg24 : memref<!tpu.dma_semaphore, #tpu.memory_space<semaphore_mem>>) src(%dma_wait3A_381 : memref<10240x64xf32, #tpu.memory_space<vmem_shared>>) dst(%arg14 : memref<128x64xf32, #tpu.memory_space<vmem>>)
        %dma_start3A_382 = arith.constant 1664 : i32
        %dma_start3A_383 = tpu.memref_slice %arg11[%dma_start3A_382] : memref<2560xi32, #tpu.memory_space<vmem>> -> memref<128xi32, #tpu.memory_space<vmem>>
        %dma_start3A_384 = arith.constant 0 : i32
        %dma_start3A_385 = arith.constant 0 : i32
        %dma_start3A_386 = tpu.memref_slice %arg7[%dma_start3A_384, %dma_start3A_385] : memref<10240x64xf32, #tpu.memory_space<vmem_shared>> -> memref<10240x64xf32, #tpu.memory_space<vmem_shared>>
        tpu.enqueue_indirect_dma source(%arg14 : memref<128x64xf32, #tpu.memory_space<vmem>>) target(%dma_start3A_386 : memref<10240x64xf32, #tpu.memory_space<vmem_shared>>) offsets(%dma_start3A_383 : memref<128xi32, #tpu.memory_space<vmem>>) semaphore(%arg26 : memref<!tpu.dma_semaphore, #tpu.memory_space<semaphore_mem>>) {add = true}
        %dma_wait3A_387 = arith.constant 1536 : i32
        %dma_wait3A_388 = tpu.memref_slice %arg11[%dma_wait3A_387] : memref<2560xi32, #tpu.memory_space<vmem>> -> memref<128xi32, #tpu.memory_space<vmem>>
        %dma_wait3A_389 = arith.constant 0 : i32
        %dma_wait3A_390 = arith.constant 0 : i32
        %dma_wait3A_391 = tpu.memref_slice %arg7[%dma_wait3A_389, %dma_wait3A_390] : memref<10240x64xf32, #tpu.memory_space<vmem_shared>> -> memref<10240x64xf32, #tpu.memory_space<vmem_shared>>
        tpu.wait_indirect_dma semaphore(%arg25 : memref<!tpu.dma_semaphore, #tpu.memory_space<semaphore_mem>>) src(%arg13 : memref<128x64xf32, #tpu.memory_space<vmem>>) dst(%dma_wait3A_391 : memref<10240x64xf32, #tpu.memory_space<vmem_shared>>)
        %dma_start3A_392 = arith.constant 1792 : i32
        %dma_start3A_393 = tpu.memref_slice %arg9[%dma_start3A_392] : memref<2560xi32, #tpu.memory_space<vmem>> -> memref<128xi32, #tpu.memory_space<vmem>>
        %dma_start3A_394 = arith.constant 0 : i32
        %dma_start3A_395 = arith.constant 0 : i32
        %dma_start3A_396 = tpu.memref_slice %arg6[%dma_start3A_394, %dma_start3A_395] : memref<10240x64xf32, #tpu.memory_space<vmem_shared>> -> memref<10240x64xf32, #tpu.memory_space<vmem_shared>>
        tpu.enqueue_indirect_dma source(%dma_start3A_396 : memref<10240x64xf32, #tpu.memory_space<vmem_shared>>) target(%arg13 : memref<128x64xf32, #tpu.memory_space<vmem>>) offsets(%dma_start3A_393 : memref<128xi32, #tpu.memory_space<vmem>>) semaphore(%arg23 : memref<!tpu.dma_semaphore, #tpu.memory_space<semaphore_mem>>)
        %dma_wait3A_397 = arith.constant 1792 : i32
        %dma_wait3A_398 = tpu.memref_slice %arg9[%dma_wait3A_397] : memref<2560xi32, #tpu.memory_space<vmem>> -> memref<128xi32, #tpu.memory_space<vmem>>
        %dma_wait3A_399 = arith.constant 0 : i32
        %dma_wait3A_400 = arith.constant 0 : i32
        %dma_wait3A_401 = tpu.memref_slice %arg6[%dma_wait3A_399, %dma_wait3A_400] : memref<10240x64xf32, #tpu.memory_space<vmem_shared>> -> memref<10240x64xf32, #tpu.memory_space<vmem_shared>>
        tpu.wait_indirect_dma semaphore(%arg23 : memref<!tpu.dma_semaphore, #tpu.memory_space<semaphore_mem>>) src(%dma_wait3A_401 : memref<10240x64xf32, #tpu.memory_space<vmem_shared>>) dst(%arg13 : memref<128x64xf32, #tpu.memory_space<vmem>>)
        %dma_start3A_402 = arith.constant 1792 : i32
        %dma_start3A_403 = tpu.memref_slice %arg11[%dma_start3A_402] : memref<2560xi32, #tpu.memory_space<vmem>> -> memref<128xi32, #tpu.memory_space<vmem>>
        %dma_start3A_404 = arith.constant 0 : i32
        %dma_start3A_405 = arith.constant 0 : i32
        %dma_start3A_406 = tpu.memref_slice %arg7[%dma_start3A_404, %dma_start3A_405] : memref<10240x64xf32, #tpu.memory_space<vmem_shared>> -> memref<10240x64xf32, #tpu.memory_space<vmem_shared>>
        tpu.enqueue_indirect_dma source(%arg13 : memref<128x64xf32, #tpu.memory_space<vmem>>) target(%dma_start3A_406 : memref<10240x64xf32, #tpu.memory_space<vmem_shared>>) offsets(%dma_start3A_403 : memref<128xi32, #tpu.memory_space<vmem>>) semaphore(%arg25 : memref<!tpu.dma_semaphore, #tpu.memory_space<semaphore_mem>>) {add = true}
        %dma_wait3A_407 = arith.constant 1664 : i32
        %dma_wait3A_408 = tpu.memref_slice %arg11[%dma_wait3A_407] : memref<2560xi32, #tpu.memory_space<vmem>> -> memref<128xi32, #tpu.memory_space<vmem>>
        %dma_wait3A_409 = arith.constant 0 : i32
        %dma_wait3A_410 = arith.constant 0 : i32
        %dma_wait3A_411 = tpu.memref_slice %arg7[%dma_wait3A_409, %dma_wait3A_410] : memref<10240x64xf32, #tpu.memory_space<vmem_shared>> -> memref<10240x64xf32, #tpu.memory_space<vmem_shared>>
        tpu.wait_indirect_dma semaphore(%arg26 : memref<!tpu.dma_semaphore, #tpu.memory_space<semaphore_mem>>) src(%arg14 : memref<128x64xf32, #tpu.memory_space<vmem>>) dst(%dma_wait3A_411 : memref<10240x64xf32, #tpu.memory_space<vmem_shared>>)
        %dma_start3A_412 = arith.constant 1920 : i32
        %dma_start3A_413 = tpu.memref_slice %arg9[%dma_start3A_412] : memref<2560xi32, #tpu.memory_space<vmem>> -> memref<128xi32, #tpu.memory_space<vmem>>
        %dma_start3A_414 = arith.constant 0 : i32
        %dma_start3A_415 = arith.constant 0 : i32
        %dma_start3A_416 = tpu.memref_slice %arg6[%dma_start3A_414, %dma_start3A_415] : memref<10240x64xf32, #tpu.memory_space<vmem_shared>> -> memref<10240x64xf32, #tpu.memory_space<vmem_shared>>
        tpu.enqueue_indirect_dma source(%dma_start3A_416 : memref<10240x64xf32, #tpu.memory_space<vmem_shared>>) target(%arg14 : memref<128x64xf32, #tpu.memory_space<vmem>>) offsets(%dma_start3A_413 : memref<128xi32, #tpu.memory_space<vmem>>) semaphore(%arg24 : memref<!tpu.dma_semaphore, #tpu.memory_space<semaphore_mem>>)
        %dma_wait3A_417 = arith.constant 1920 : i32
        %dma_wait3A_418 = tpu.memref_slice %arg9[%dma_wait3A_417] : memref<2560xi32, #tpu.memory_space<vmem>> -> memref<128xi32, #tpu.memory_space<vmem>>
        %dma_wait3A_419 = arith.constant 0 : i32
        %dma_wait3A_420 = arith.constant 0 : i32
        %dma_wait3A_421 = tpu.memref_slice %arg6[%dma_wait3A_419, %dma_wait3A_420] : memref<10240x64xf32, #tpu.memory_space<vmem_shared>> -> memref<10240x64xf32, #tpu.memory_space<vmem_shared>>
        tpu.wait_indirect_dma semaphore(%arg24 : memref<!tpu.dma_semaphore, #tpu.memory_space<semaphore_mem>>) src(%dma_wait3A_421 : memref<10240x64xf32, #tpu.memory_space<vmem_shared>>) dst(%arg14 : memref<128x64xf32, #tpu.memory_space<vmem>>)
        %dma_start3A_422 = arith.constant 1920 : i32
        %dma_start3A_423 = tpu.memref_slice %arg11[%dma_start3A_422] : memref<2560xi32, #tpu.memory_space<vmem>> -> memref<128xi32, #tpu.memory_space<vmem>>
        %dma_start3A_424 = arith.constant 0 : i32
        %dma_start3A_425 = arith.constant 0 : i32
        %dma_start3A_426 = tpu.memref_slice %arg7[%dma_start3A_424, %dma_start3A_425] : memref<10240x64xf32, #tpu.memory_space<vmem_shared>> -> memref<10240x64xf32, #tpu.memory_space<vmem_shared>>
        tpu.enqueue_indirect_dma source(%arg14 : memref<128x64xf32, #tpu.memory_space<vmem>>) target(%dma_start3A_426 : memref<10240x64xf32, #tpu.memory_space<vmem_shared>>) offsets(%dma_start3A_423 : memref<128xi32, #tpu.memory_space<vmem>>) semaphore(%arg26 : memref<!tpu.dma_semaphore, #tpu.memory_space<semaphore_mem>>) {add = true}
        %dma_wait3A_427 = arith.constant 1792 : i32
        %dma_wait3A_428 = tpu.memref_slice %arg11[%dma_wait3A_427] : memref<2560xi32, #tpu.memory_space<vmem>> -> memref<128xi32, #tpu.memory_space<vmem>>
        %dma_wait3A_429 = arith.constant 0 : i32
        %dma_wait3A_430 = arith.constant 0 : i32
        %dma_wait3A_431 = tpu.memref_slice %arg7[%dma_wait3A_429, %dma_wait3A_430] : memref<10240x64xf32, #tpu.memory_space<vmem_shared>> -> memref<10240x64xf32, #tpu.memory_space<vmem_shared>>
        tpu.wait_indirect_dma semaphore(%arg25 : memref<!tpu.dma_semaphore, #tpu.memory_space<semaphore_mem>>) src(%arg13 : memref<128x64xf32, #tpu.memory_space<vmem>>) dst(%dma_wait3A_431 : memref<10240x64xf32, #tpu.memory_space<vmem_shared>>)
        %dma_start3A_432 = arith.constant 2048 : i32
        %dma_start3A_433 = tpu.memref_slice %arg9[%dma_start3A_432] : memref<2560xi32, #tpu.memory_space<vmem>> -> memref<128xi32, #tpu.memory_space<vmem>>
        %dma_start3A_434 = arith.constant 0 : i32
        %dma_start3A_435 = arith.constant 0 : i32
        %dma_start3A_436 = tpu.memref_slice %arg6[%dma_start3A_434, %dma_start3A_435] : memref<10240x64xf32, #tpu.memory_space<vmem_shared>> -> memref<10240x64xf32, #tpu.memory_space<vmem_shared>>
        tpu.enqueue_indirect_dma source(%dma_start3A_436 : memref<10240x64xf32, #tpu.memory_space<vmem_shared>>) target(%arg13 : memref<128x64xf32, #tpu.memory_space<vmem>>) offsets(%dma_start3A_433 : memref<128xi32, #tpu.memory_space<vmem>>) semaphore(%arg23 : memref<!tpu.dma_semaphore, #tpu.memory_space<semaphore_mem>>)
        %dma_wait3A_437 = arith.constant 2048 : i32
        %dma_wait3A_438 = tpu.memref_slice %arg9[%dma_wait3A_437] : memref<2560xi32, #tpu.memory_space<vmem>> -> memref<128xi32, #tpu.memory_space<vmem>>
        %dma_wait3A_439 = arith.constant 0 : i32
        %dma_wait3A_440 = arith.constant 0 : i32
        %dma_wait3A_441 = tpu.memref_slice %arg6[%dma_wait3A_439, %dma_wait3A_440] : memref<10240x64xf32, #tpu.memory_space<vmem_shared>> -> memref<10240x64xf32, #tpu.memory_space<vmem_shared>>
        tpu.wait_indirect_dma semaphore(%arg23 : memref<!tpu.dma_semaphore, #tpu.memory_space<semaphore_mem>>) src(%dma_wait3A_441 : memref<10240x64xf32, #tpu.memory_space<vmem_shared>>) dst(%arg13 : memref<128x64xf32, #tpu.memory_space<vmem>>)
        %dma_start3A_442 = arith.constant 2048 : i32
        %dma_start3A_443 = tpu.memref_slice %arg11[%dma_start3A_442] : memref<2560xi32, #tpu.memory_space<vmem>> -> memref<128xi32, #tpu.memory_space<vmem>>
        %dma_start3A_444 = arith.constant 0 : i32
        %dma_start3A_445 = arith.constant 0 : i32
        %dma_start3A_446 = tpu.memref_slice %arg7[%dma_start3A_444, %dma_start3A_445] : memref<10240x64xf32, #tpu.memory_space<vmem_shared>> -> memref<10240x64xf32, #tpu.memory_space<vmem_shared>>
        tpu.enqueue_indirect_dma source(%arg13 : memref<128x64xf32, #tpu.memory_space<vmem>>) target(%dma_start3A_446 : memref<10240x64xf32, #tpu.memory_space<vmem_shared>>) offsets(%dma_start3A_443 : memref<128xi32, #tpu.memory_space<vmem>>) semaphore(%arg25 : memref<!tpu.dma_semaphore, #tpu.memory_space<semaphore_mem>>) {add = true}
        %dma_wait3A_447 = arith.constant 1920 : i32
        %dma_wait3A_448 = tpu.memref_slice %arg11[%dma_wait3A_447] : memref<2560xi32, #tpu.memory_space<vmem>> -> memref<128xi32, #tpu.memory_space<vmem>>
        %dma_wait3A_449 = arith.constant 0 : i32
        %dma_wait3A_450 = arith.constant 0 : i32
        %dma_wait3A_451 = tpu.memref_slice %arg7[%dma_wait3A_449, %dma_wait3A_450] : memref<10240x64xf32, #tpu.memory_space<vmem_shared>> -> memref<10240x64xf32, #tpu.memory_space<vmem_shared>>
        tpu.wait_indirect_dma semaphore(%arg26 : memref<!tpu.dma_semaphore, #tpu.memory_space<semaphore_mem>>) src(%arg14 : memref<128x64xf32, #tpu.memory_space<vmem>>) dst(%dma_wait3A_451 : memref<10240x64xf32, #tpu.memory_space<vmem_shared>>)
        %dma_start3A_452 = arith.constant 2176 : i32
        %dma_start3A_453 = tpu.memref_slice %arg9[%dma_start3A_452] : memref<2560xi32, #tpu.memory_space<vmem>> -> memref<128xi32, #tpu.memory_space<vmem>>
        %dma_start3A_454 = arith.constant 0 : i32
        %dma_start3A_455 = arith.constant 0 : i32
        %dma_start3A_456 = tpu.memref_slice %arg6[%dma_start3A_454, %dma_start3A_455] : memref<10240x64xf32, #tpu.memory_space<vmem_shared>> -> memref<10240x64xf32, #tpu.memory_space<vmem_shared>>
        tpu.enqueue_indirect_dma source(%dma_start3A_456 : memref<10240x64xf32, #tpu.memory_space<vmem_shared>>) target(%arg14 : memref<128x64xf32, #tpu.memory_space<vmem>>) offsets(%dma_start3A_453 : memref<128xi32, #tpu.memory_space<vmem>>) semaphore(%arg24 : memref<!tpu.dma_semaphore, #tpu.memory_space<semaphore_mem>>)
        %dma_wait3A_457 = arith.constant 2176 : i32
        %dma_wait3A_458 = tpu.memref_slice %arg9[%dma_wait3A_457] : memref<2560xi32, #tpu.memory_space<vmem>> -> memref<128xi32, #tpu.memory_space<vmem>>
        %dma_wait3A_459 = arith.constant 0 : i32
        %dma_wait3A_460 = arith.constant 0 : i32
        %dma_wait3A_461 = tpu.memref_slice %arg6[%dma_wait3A_459, %dma_wait3A_460] : memref<10240x64xf32, #tpu.memory_space<vmem_shared>> -> memref<10240x64xf32, #tpu.memory_space<vmem_shared>>
        tpu.wait_indirect_dma semaphore(%arg24 : memref<!tpu.dma_semaphore, #tpu.memory_space<semaphore_mem>>) src(%dma_wait3A_461 : memref<10240x64xf32, #tpu.memory_space<vmem_shared>>) dst(%arg14 : memref<128x64xf32, #tpu.memory_space<vmem>>)
        %dma_start3A_462 = arith.constant 2176 : i32
        %dma_start3A_463 = tpu.memref_slice %arg11[%dma_start3A_462] : memref<2560xi32, #tpu.memory_space<vmem>> -> memref<128xi32, #tpu.memory_space<vmem>>
        %dma_start3A_464 = arith.constant 0 : i32
        %dma_start3A_465 = arith.constant 0 : i32
        %dma_start3A_466 = tpu.memref_slice %arg7[%dma_start3A_464, %dma_start3A_465] : memref<10240x64xf32, #tpu.memory_space<vmem_shared>> -> memref<10240x64xf32, #tpu.memory_space<vmem_shared>>
        tpu.enqueue_indirect_dma source(%arg14 : memref<128x64xf32, #tpu.memory_space<vmem>>) target(%dma_start3A_466 : memref<10240x64xf32, #tpu.memory_space<vmem_shared>>) offsets(%dma_start3A_463 : memref<128xi32, #tpu.memory_space<vmem>>) semaphore(%arg26 : memref<!tpu.dma_semaphore, #tpu.memory_space<semaphore_mem>>) {add = true}
        %dma_wait3A_467 = arith.constant 2048 : i32
        %dma_wait3A_468 = tpu.memref_slice %arg11[%dma_wait3A_467] : memref<2560xi32, #tpu.memory_space<vmem>> -> memref<128xi32, #tpu.memory_space<vmem>>
        %dma_wait3A_469 = arith.constant 0 : i32
        %dma_wait3A_470 = arith.constant 0 : i32
        %dma_wait3A_471 = tpu.memref_slice %arg7[%dma_wait3A_469, %dma_wait3A_470] : memref<10240x64xf32, #tpu.memory_space<vmem_shared>> -> memref<10240x64xf32, #tpu.memory_space<vmem_shared>>
        tpu.wait_indirect_dma semaphore(%arg25 : memref<!tpu.dma_semaphore, #tpu.memory_space<semaphore_mem>>) src(%arg13 : memref<128x64xf32, #tpu.memory_space<vmem>>) dst(%dma_wait3A_471 : memref<10240x64xf32, #tpu.memory_space<vmem_shared>>)
        %dma_start3A_472 = arith.constant 2304 : i32
        %dma_start3A_473 = tpu.memref_slice %arg9[%dma_start3A_472] : memref<2560xi32, #tpu.memory_space<vmem>> -> memref<128xi32, #tpu.memory_space<vmem>>
        %dma_start3A_474 = arith.constant 0 : i32
        %dma_start3A_475 = arith.constant 0 : i32
        %dma_start3A_476 = tpu.memref_slice %arg6[%dma_start3A_474, %dma_start3A_475] : memref<10240x64xf32, #tpu.memory_space<vmem_shared>> -> memref<10240x64xf32, #tpu.memory_space<vmem_shared>>
        tpu.enqueue_indirect_dma source(%dma_start3A_476 : memref<10240x64xf32, #tpu.memory_space<vmem_shared>>) target(%arg13 : memref<128x64xf32, #tpu.memory_space<vmem>>) offsets(%dma_start3A_473 : memref<128xi32, #tpu.memory_space<vmem>>) semaphore(%arg23 : memref<!tpu.dma_semaphore, #tpu.memory_space<semaphore_mem>>)
        %dma_wait3A_477 = arith.constant 2304 : i32
        %dma_wait3A_478 = tpu.memref_slice %arg9[%dma_wait3A_477] : memref<2560xi32, #tpu.memory_space<vmem>> -> memref<128xi32, #tpu.memory_space<vmem>>
        %dma_wait3A_479 = arith.constant 0 : i32
        %dma_wait3A_480 = arith.constant 0 : i32
        %dma_wait3A_481 = tpu.memref_slice %arg6[%dma_wait3A_479, %dma_wait3A_480] : memref<10240x64xf32, #tpu.memory_space<vmem_shared>> -> memref<10240x64xf32, #tpu.memory_space<vmem_shared>>
        tpu.wait_indirect_dma semaphore(%arg23 : memref<!tpu.dma_semaphore, #tpu.memory_space<semaphore_mem>>) src(%dma_wait3A_481 : memref<10240x64xf32, #tpu.memory_space<vmem_shared>>) dst(%arg13 : memref<128x64xf32, #tpu.memory_space<vmem>>)
        %dma_start3A_482 = arith.constant 2304 : i32
        %dma_start3A_483 = tpu.memref_slice %arg11[%dma_start3A_482] : memref<2560xi32, #tpu.memory_space<vmem>> -> memref<128xi32, #tpu.memory_space<vmem>>
        %dma_start3A_484 = arith.constant 0 : i32
        %dma_start3A_485 = arith.constant 0 : i32
        %dma_start3A_486 = tpu.memref_slice %arg7[%dma_start3A_484, %dma_start3A_485] : memref<10240x64xf32, #tpu.memory_space<vmem_shared>> -> memref<10240x64xf32, #tpu.memory_space<vmem_shared>>
        tpu.enqueue_indirect_dma source(%arg13 : memref<128x64xf32, #tpu.memory_space<vmem>>) target(%dma_start3A_486 : memref<10240x64xf32, #tpu.memory_space<vmem_shared>>) offsets(%dma_start3A_483 : memref<128xi32, #tpu.memory_space<vmem>>) semaphore(%arg25 : memref<!tpu.dma_semaphore, #tpu.memory_space<semaphore_mem>>) {add = true}
        %dma_wait3A_487 = arith.constant 2176 : i32
        %dma_wait3A_488 = tpu.memref_slice %arg11[%dma_wait3A_487] : memref<2560xi32, #tpu.memory_space<vmem>> -> memref<128xi32, #tpu.memory_space<vmem>>
        %dma_wait3A_489 = arith.constant 0 : i32
        %dma_wait3A_490 = arith.constant 0 : i32
        %dma_wait3A_491 = tpu.memref_slice %arg7[%dma_wait3A_489, %dma_wait3A_490] : memref<10240x64xf32, #tpu.memory_space<vmem_shared>> -> memref<10240x64xf32, #tpu.memory_space<vmem_shared>>
        tpu.wait_indirect_dma semaphore(%arg26 : memref<!tpu.dma_semaphore, #tpu.memory_space<semaphore_mem>>) src(%arg14 : memref<128x64xf32, #tpu.memory_space<vmem>>) dst(%dma_wait3A_491 : memref<10240x64xf32, #tpu.memory_space<vmem_shared>>)
        %dma_start3A_492 = arith.constant 2432 : i32
        %dma_start3A_493 = tpu.memref_slice %arg9[%dma_start3A_492] : memref<2560xi32, #tpu.memory_space<vmem>> -> memref<128xi32, #tpu.memory_space<vmem>>
        %dma_start3A_494 = arith.constant 0 : i32
        %dma_start3A_495 = arith.constant 0 : i32
        %dma_start3A_496 = tpu.memref_slice %arg6[%dma_start3A_494, %dma_start3A_495] : memref<10240x64xf32, #tpu.memory_space<vmem_shared>> -> memref<10240x64xf32, #tpu.memory_space<vmem_shared>>
        tpu.enqueue_indirect_dma source(%dma_start3A_496 : memref<10240x64xf32, #tpu.memory_space<vmem_shared>>) target(%arg14 : memref<128x64xf32, #tpu.memory_space<vmem>>) offsets(%dma_start3A_493 : memref<128xi32, #tpu.memory_space<vmem>>) semaphore(%arg24 : memref<!tpu.dma_semaphore, #tpu.memory_space<semaphore_mem>>)
        %dma_wait3A_497 = arith.constant 2432 : i32
        %dma_wait3A_498 = tpu.memref_slice %arg9[%dma_wait3A_497] : memref<2560xi32, #tpu.memory_space<vmem>> -> memref<128xi32, #tpu.memory_space<vmem>>
        %dma_wait3A_499 = arith.constant 0 : i32
        %dma_wait3A_500 = arith.constant 0 : i32
        %dma_wait3A_501 = tpu.memref_slice %arg6[%dma_wait3A_499, %dma_wait3A_500] : memref<10240x64xf32, #tpu.memory_space<vmem_shared>> -> memref<10240x64xf32, #tpu.memory_space<vmem_shared>>
        tpu.wait_indirect_dma semaphore(%arg24 : memref<!tpu.dma_semaphore, #tpu.memory_space<semaphore_mem>>) src(%dma_wait3A_501 : memref<10240x64xf32, #tpu.memory_space<vmem_shared>>) dst(%arg14 : memref<128x64xf32, #tpu.memory_space<vmem>>)
        %dma_start3A_502 = arith.constant 2432 : i32
        %dma_start3A_503 = tpu.memref_slice %arg11[%dma_start3A_502] : memref<2560xi32, #tpu.memory_space<vmem>> -> memref<128xi32, #tpu.memory_space<vmem>>
        %dma_start3A_504 = arith.constant 0 : i32
        %dma_start3A_505 = arith.constant 0 : i32
        %dma_start3A_506 = tpu.memref_slice %arg7[%dma_start3A_504, %dma_start3A_505] : memref<10240x64xf32, #tpu.memory_space<vmem_shared>> -> memref<10240x64xf32, #tpu.memory_space<vmem_shared>>
        tpu.enqueue_indirect_dma source(%arg14 : memref<128x64xf32, #tpu.memory_space<vmem>>) target(%dma_start3A_506 : memref<10240x64xf32, #tpu.memory_space<vmem_shared>>) offsets(%dma_start3A_503 : memref<128xi32, #tpu.memory_space<vmem>>) semaphore(%arg26 : memref<!tpu.dma_semaphore, #tpu.memory_space<semaphore_mem>>) {add = true}
        %dma_wait3A_507 = arith.constant 2304 : i32
        %dma_wait3A_508 = tpu.memref_slice %arg11[%dma_wait3A_507] : memref<2560xi32, #tpu.memory_space<vmem>> -> memref<128xi32, #tpu.memory_space<vmem>>
        %dma_wait3A_509 = arith.constant 0 : i32
        %dma_wait3A_510 = arith.constant 0 : i32
        %dma_wait3A_511 = tpu.memref_slice %arg7[%dma_wait3A_509, %dma_wait3A_510] : memref<10240x64xf32, #tpu.memory_space<vmem_shared>> -> memref<10240x64xf32, #tpu.memory_space<vmem_shared>>
        tpu.wait_indirect_dma semaphore(%arg25 : memref<!tpu.dma_semaphore, #tpu.memory_space<semaphore_mem>>) src(%arg13 : memref<128x64xf32, #tpu.memory_space<vmem>>) dst(%dma_wait3A_511 : memref<10240x64xf32, #tpu.memory_space<vmem_shared>>)
        %dma_wait3A_512 = arith.constant 2432 : i32
        %dma_wait3A_513 = tpu.memref_slice %arg11[%dma_wait3A_512] : memref<2560xi32, #tpu.memory_space<vmem>> -> memref<128xi32, #tpu.memory_space<vmem>>
        %dma_wait3A_514 = arith.constant 0 : i32
        %dma_wait3A_515 = arith.constant 0 : i32
        %dma_wait3A_516 = tpu.memref_slice %arg7[%dma_wait3A_514, %dma_wait3A_515] : memref<10240x64xf32, #tpu.memory_space<vmem_shared>> -> memref<10240x64xf32, #tpu.memory_space<vmem_shared>>
        tpu.wait_indirect_dma semaphore(%arg26 : memref<!tpu.dma_semaphore, #tpu.memory_space<semaphore_mem>>) src(%arg14 : memref<128x64xf32, #tpu.memory_space<vmem>>) dst(%dma_wait3A_516 : memref<10240x64xf32, #tpu.memory_space<vmem_shared>>)
        %dma_wait3A_517 = arith.constant 0 : i32
        %dma_wait3A_518 = tpu.memref_slice %arg3[%dma_wait3A_517] : memref<327680xi32, #tpu.memory_space<hbm>> -> memref<2560xi32, #tpu.memory_space<hbm>>
        %dma_wait3A_519 = arith.constant 0 : i32
        %dma_wait3A_520 = tpu.memref_slice %arg3[%dma_wait3A_519] : memref<327680xi32, #tpu.memory_space<hbm>> -> memref<2560xi32, #tpu.memory_space<hbm>>
        tpu.wait_dma2 semaphore(%arg22 : memref<!tpu.dma_semaphore, #tpu.memory_space<semaphore_mem>>) src(%dma_wait3A_520 : memref<2560xi32, #tpu.memory_space<hbm>>) dst(%arg10 : memref<2560xi32, #tpu.memory_space<vmem>>)
        %dma_wait3A_521 = arith.constant 0 : i32
        %dma_wait3A_522 = tpu.memref_slice %arg4[%dma_wait3A_521] : memref<327680xi32, #tpu.memory_space<hbm>> -> memref<2560xi32, #tpu.memory_space<hbm>>
        %dma_wait3A_523 = arith.constant 0 : i32
        %dma_wait3A_524 = tpu.memref_slice %arg4[%dma_wait3A_523] : memref<327680xi32, #tpu.memory_space<hbm>> -> memref<2560xi32, #tpu.memory_space<hbm>>
        tpu.wait_dma2 semaphore(%arg22 : memref<!tpu.dma_semaphore, #tpu.memory_space<semaphore_mem>>) src(%dma_wait3A_524 : memref<2560xi32, #tpu.memory_space<hbm>>) dst(%arg12 : memref<2560xi32, #tpu.memory_space<vmem>>)
        %add3A_525 = arith.constant 2 : i32
        %add3A_526 = arith.addi %mul3A_96, %add3A_525 : i32
        %lt3A_527 = arith.constant 8 : i32
        %lt3A_528 = arith.cmpi slt, %add3A_526, %lt3A_527 : i32
        %convert_element_type3A_529 = arith.extui %lt3A_528 : i1 to i32
        %cond3A_530 = arith.constant 0 : i32
        %cond3A_531 = arith.cmpi ne, %convert_element_type3A_529, %cond3A_530 : i32
        scf.if %cond3A_531 {
          %add3A_932 = arith.constant 2 : i32
          %add3A_933 = arith.addi %mul3A_96, %add3A_932 : i32
          %mul3A_934 = arith.constant 160 : i32
          %mul3A_935 = arith.muli %arg1, %mul3A_934 : i32
          %mul3A_936 = arith.constant 20 : i32
          %mul3A_937 = arith.muli %add3A_933, %mul3A_936 : i32
          %add3A_938 = arith.addi %mul3A_935, %mul3A_937 : i32
          %mul3A_939 = arith.constant 128 : i32
          %mul3A_940 = arith.muli %add3A_938, %mul3A_939 : i32
          %dma_start3A_941 = tpu.memref_slice %arg3[%mul3A_940] : memref<327680xi32, #tpu.memory_space<hbm>> -> memref<2560xi32, #tpu.memory_space<hbm>>
          %dma_start3A_942 = tpu.memref_slice %arg3[%mul3A_940] : memref<327680xi32, #tpu.memory_space<hbm>> -> memref<2560xi32, #tpu.memory_space<hbm>>
          tpu.enqueue_dma source(%dma_start3A_942 : memref<2560xi32, #tpu.memory_space<hbm>>) target(%arg9 : memref<2560xi32, #tpu.memory_space<vmem>>) target_semaphore(%arg21 : memref<!tpu.dma_semaphore, #tpu.memory_space<semaphore_mem>>)
          %dma_start3A_943 = tpu.memref_slice %arg4[%mul3A_940] : memref<327680xi32, #tpu.memory_space<hbm>> -> memref<2560xi32, #tpu.memory_space<hbm>>
          %dma_start3A_944 = tpu.memref_slice %arg4[%mul3A_940] : memref<327680xi32, #tpu.memory_space<hbm>> -> memref<2560xi32, #tpu.memory_space<hbm>>
          tpu.enqueue_dma source(%dma_start3A_944 : memref<2560xi32, #tpu.memory_space<hbm>>) target(%arg11 : memref<2560xi32, #tpu.memory_space<vmem>>) target_semaphore(%arg21 : memref<!tpu.dma_semaphore, #tpu.memory_space<semaphore_mem>>)
        } else {
        }
        %dma_start3A_532 = arith.constant 0 : i32
        %dma_start3A_533 = tpu.memref_slice %arg10[%dma_start3A_532] : memref<2560xi32, #tpu.memory_space<vmem>> -> memref<128xi32, #tpu.memory_space<vmem>>
        %dma_start3A_534 = arith.constant 0 : i32
        %dma_start3A_535 = arith.constant 0 : i32
        %dma_start3A_536 = tpu.memref_slice %arg6[%dma_start3A_534, %dma_start3A_535] : memref<10240x64xf32, #tpu.memory_space<vmem_shared>> -> memref<10240x64xf32, #tpu.memory_space<vmem_shared>>
        tpu.enqueue_indirect_dma source(%dma_start3A_536 : memref<10240x64xf32, #tpu.memory_space<vmem_shared>>) target(%arg13 : memref<128x64xf32, #tpu.memory_space<vmem>>) offsets(%dma_start3A_533 : memref<128xi32, #tpu.memory_space<vmem>>) semaphore(%arg23 : memref<!tpu.dma_semaphore, #tpu.memory_space<semaphore_mem>>)
        %dma_wait3A_537 = arith.constant 0 : i32
        %dma_wait3A_538 = tpu.memref_slice %arg10[%dma_wait3A_537] : memref<2560xi32, #tpu.memory_space<vmem>> -> memref<128xi32, #tpu.memory_space<vmem>>
        %dma_wait3A_539 = arith.constant 0 : i32
        %dma_wait3A_540 = arith.constant 0 : i32
        %dma_wait3A_541 = tpu.memref_slice %arg6[%dma_wait3A_539, %dma_wait3A_540] : memref<10240x64xf32, #tpu.memory_space<vmem_shared>> -> memref<10240x64xf32, #tpu.memory_space<vmem_shared>>
        tpu.wait_indirect_dma semaphore(%arg23 : memref<!tpu.dma_semaphore, #tpu.memory_space<semaphore_mem>>) src(%dma_wait3A_541 : memref<10240x64xf32, #tpu.memory_space<vmem_shared>>) dst(%arg13 : memref<128x64xf32, #tpu.memory_space<vmem>>)
        %dma_start3A_542 = arith.constant 0 : i32
        %dma_start3A_543 = tpu.memref_slice %arg12[%dma_start3A_542] : memref<2560xi32, #tpu.memory_space<vmem>> -> memref<128xi32, #tpu.memory_space<vmem>>
        %dma_start3A_544 = arith.constant 0 : i32
        %dma_start3A_545 = arith.constant 0 : i32
        %dma_start3A_546 = tpu.memref_slice %arg7[%dma_start3A_544, %dma_start3A_545] : memref<10240x64xf32, #tpu.memory_space<vmem_shared>> -> memref<10240x64xf32, #tpu.memory_space<vmem_shared>>
        tpu.enqueue_indirect_dma source(%arg13 : memref<128x64xf32, #tpu.memory_space<vmem>>) target(%dma_start3A_546 : memref<10240x64xf32, #tpu.memory_space<vmem_shared>>) offsets(%dma_start3A_543 : memref<128xi32, #tpu.memory_space<vmem>>) semaphore(%arg25 : memref<!tpu.dma_semaphore, #tpu.memory_space<semaphore_mem>>) {add = true}
        %dma_start3A_547 = arith.constant 128 : i32
        %dma_start3A_548 = tpu.memref_slice %arg10[%dma_start3A_547] : memref<2560xi32, #tpu.memory_space<vmem>> -> memref<128xi32, #tpu.memory_space<vmem>>
        %dma_start3A_549 = arith.constant 0 : i32
        %dma_start3A_550 = arith.constant 0 : i32
        %dma_start3A_551 = tpu.memref_slice %arg6[%dma_start3A_549, %dma_start3A_550] : memref<10240x64xf32, #tpu.memory_space<vmem_shared>> -> memref<10240x64xf32, #tpu.memory_space<vmem_shared>>
        tpu.enqueue_indirect_dma source(%dma_start3A_551 : memref<10240x64xf32, #tpu.memory_space<vmem_shared>>) target(%arg14 : memref<128x64xf32, #tpu.memory_space<vmem>>) offsets(%dma_start3A_548 : memref<128xi32, #tpu.memory_space<vmem>>) semaphore(%arg24 : memref<!tpu.dma_semaphore, #tpu.memory_space<semaphore_mem>>)
        %dma_wait3A_552 = arith.constant 128 : i32
        %dma_wait3A_553 = tpu.memref_slice %arg10[%dma_wait3A_552] : memref<2560xi32, #tpu.memory_space<vmem>> -> memref<128xi32, #tpu.memory_space<vmem>>
        %dma_wait3A_554 = arith.constant 0 : i32
        %dma_wait3A_555 = arith.constant 0 : i32
        %dma_wait3A_556 = tpu.memref_slice %arg6[%dma_wait3A_554, %dma_wait3A_555] : memref<10240x64xf32, #tpu.memory_space<vmem_shared>> -> memref<10240x64xf32, #tpu.memory_space<vmem_shared>>
        tpu.wait_indirect_dma semaphore(%arg24 : memref<!tpu.dma_semaphore, #tpu.memory_space<semaphore_mem>>) src(%dma_wait3A_556 : memref<10240x64xf32, #tpu.memory_space<vmem_shared>>) dst(%arg14 : memref<128x64xf32, #tpu.memory_space<vmem>>)
        %dma_start3A_557 = arith.constant 128 : i32
        %dma_start3A_558 = tpu.memref_slice %arg12[%dma_start3A_557] : memref<2560xi32, #tpu.memory_space<vmem>> -> memref<128xi32, #tpu.memory_space<vmem>>
        %dma_start3A_559 = arith.constant 0 : i32
        %dma_start3A_560 = arith.constant 0 : i32
        %dma_start3A_561 = tpu.memref_slice %arg7[%dma_start3A_559, %dma_start3A_560] : memref<10240x64xf32, #tpu.memory_space<vmem_shared>> -> memref<10240x64xf32, #tpu.memory_space<vmem_shared>>
        tpu.enqueue_indirect_dma source(%arg14 : memref<128x64xf32, #tpu.memory_space<vmem>>) target(%dma_start3A_561 : memref<10240x64xf32, #tpu.memory_space<vmem_shared>>) offsets(%dma_start3A_558 : memref<128xi32, #tpu.memory_space<vmem>>) semaphore(%arg26 : memref<!tpu.dma_semaphore, #tpu.memory_space<semaphore_mem>>) {add = true}
        %dma_wait3A_562 = arith.constant 0 : i32
        %dma_wait3A_563 = tpu.memref_slice %arg12[%dma_wait3A_562] : memref<2560xi32, #tpu.memory_space<vmem>> -> memref<128xi32, #tpu.memory_space<vmem>>
        %dma_wait3A_564 = arith.constant 0 : i32
        %dma_wait3A_565 = arith.constant 0 : i32
        %dma_wait3A_566 = tpu.memref_slice %arg7[%dma_wait3A_564, %dma_wait3A_565] : memref<10240x64xf32, #tpu.memory_space<vmem_shared>> -> memref<10240x64xf32, #tpu.memory_space<vmem_shared>>
        tpu.wait_indirect_dma semaphore(%arg25 : memref<!tpu.dma_semaphore, #tpu.memory_space<semaphore_mem>>) src(%arg13 : memref<128x64xf32, #tpu.memory_space<vmem>>) dst(%dma_wait3A_566 : memref<10240x64xf32, #tpu.memory_space<vmem_shared>>)
        %dma_start3A_567 = arith.constant 256 : i32
        %dma_start3A_568 = tpu.memref_slice %arg10[%dma_start3A_567] : memref<2560xi32, #tpu.memory_space<vmem>> -> memref<128xi32, #tpu.memory_space<vmem>>
        %dma_start3A_569 = arith.constant 0 : i32
        %dma_start3A_570 = arith.constant 0 : i32
        %dma_start3A_571 = tpu.memref_slice %arg6[%dma_start3A_569, %dma_start3A_570] : memref<10240x64xf32, #tpu.memory_space<vmem_shared>> -> memref<10240x64xf32, #tpu.memory_space<vmem_shared>>
        tpu.enqueue_indirect_dma source(%dma_start3A_571 : memref<10240x64xf32, #tpu.memory_space<vmem_shared>>) target(%arg13 : memref<128x64xf32, #tpu.memory_space<vmem>>) offsets(%dma_start3A_568 : memref<128xi32, #tpu.memory_space<vmem>>) semaphore(%arg23 : memref<!tpu.dma_semaphore, #tpu.memory_space<semaphore_mem>>)
        %dma_wait3A_572 = arith.constant 256 : i32
        %dma_wait3A_573 = tpu.memref_slice %arg10[%dma_wait3A_572] : memref<2560xi32, #tpu.memory_space<vmem>> -> memref<128xi32, #tpu.memory_space<vmem>>
        %dma_wait3A_574 = arith.constant 0 : i32
        %dma_wait3A_575 = arith.constant 0 : i32
        %dma_wait3A_576 = tpu.memref_slice %arg6[%dma_wait3A_574, %dma_wait3A_575] : memref<10240x64xf32, #tpu.memory_space<vmem_shared>> -> memref<10240x64xf32, #tpu.memory_space<vmem_shared>>
        tpu.wait_indirect_dma semaphore(%arg23 : memref<!tpu.dma_semaphore, #tpu.memory_space<semaphore_mem>>) src(%dma_wait3A_576 : memref<10240x64xf32, #tpu.memory_space<vmem_shared>>) dst(%arg13 : memref<128x64xf32, #tpu.memory_space<vmem>>)
        %dma_start3A_577 = arith.constant 256 : i32
        %dma_start3A_578 = tpu.memref_slice %arg12[%dma_start3A_577] : memref<2560xi32, #tpu.memory_space<vmem>> -> memref<128xi32, #tpu.memory_space<vmem>>
        %dma_start3A_579 = arith.constant 0 : i32
        %dma_start3A_580 = arith.constant 0 : i32
        %dma_start3A_581 = tpu.memref_slice %arg7[%dma_start3A_579, %dma_start3A_580] : memref<10240x64xf32, #tpu.memory_space<vmem_shared>> -> memref<10240x64xf32, #tpu.memory_space<vmem_shared>>
        tpu.enqueue_indirect_dma source(%arg13 : memref<128x64xf32, #tpu.memory_space<vmem>>) target(%dma_start3A_581 : memref<10240x64xf32, #tpu.memory_space<vmem_shared>>) offsets(%dma_start3A_578 : memref<128xi32, #tpu.memory_space<vmem>>) semaphore(%arg25 : memref<!tpu.dma_semaphore, #tpu.memory_space<semaphore_mem>>) {add = true}
        %dma_wait3A_582 = arith.constant 128 : i32
        %dma_wait3A_583 = tpu.memref_slice %arg12[%dma_wait3A_582] : memref<2560xi32, #tpu.memory_space<vmem>> -> memref<128xi32, #tpu.memory_space<vmem>>
        %dma_wait3A_584 = arith.constant 0 : i32
        %dma_wait3A_585 = arith.constant 0 : i32
        %dma_wait3A_586 = tpu.memref_slice %arg7[%dma_wait3A_584, %dma_wait3A_585] : memref<10240x64xf32, #tpu.memory_space<vmem_shared>> -> memref<10240x64xf32, #tpu.memory_space<vmem_shared>>
        tpu.wait_indirect_dma semaphore(%arg26 : memref<!tpu.dma_semaphore, #tpu.memory_space<semaphore_mem>>) src(%arg14 : memref<128x64xf32, #tpu.memory_space<vmem>>) dst(%dma_wait3A_586 : memref<10240x64xf32, #tpu.memory_space<vmem_shared>>)
        %dma_start3A_587 = arith.constant 384 : i32
        %dma_start3A_588 = tpu.memref_slice %arg10[%dma_start3A_587] : memref<2560xi32, #tpu.memory_space<vmem>> -> memref<128xi32, #tpu.memory_space<vmem>>
        %dma_start3A_589 = arith.constant 0 : i32
        %dma_start3A_590 = arith.constant 0 : i32
        %dma_start3A_591 = tpu.memref_slice %arg6[%dma_start3A_589, %dma_start3A_590] : memref<10240x64xf32, #tpu.memory_space<vmem_shared>> -> memref<10240x64xf32, #tpu.memory_space<vmem_shared>>
        tpu.enqueue_indirect_dma source(%dma_start3A_591 : memref<10240x64xf32, #tpu.memory_space<vmem_shared>>) target(%arg14 : memref<128x64xf32, #tpu.memory_space<vmem>>) offsets(%dma_start3A_588 : memref<128xi32, #tpu.memory_space<vmem>>) semaphore(%arg24 : memref<!tpu.dma_semaphore, #tpu.memory_space<semaphore_mem>>)
        %dma_wait3A_592 = arith.constant 384 : i32
        %dma_wait3A_593 = tpu.memref_slice %arg10[%dma_wait3A_592] : memref<2560xi32, #tpu.memory_space<vmem>> -> memref<128xi32, #tpu.memory_space<vmem>>
        %dma_wait3A_594 = arith.constant 0 : i32
        %dma_wait3A_595 = arith.constant 0 : i32
        %dma_wait3A_596 = tpu.memref_slice %arg6[%dma_wait3A_594, %dma_wait3A_595] : memref<10240x64xf32, #tpu.memory_space<vmem_shared>> -> memref<10240x64xf32, #tpu.memory_space<vmem_shared>>
        tpu.wait_indirect_dma semaphore(%arg24 : memref<!tpu.dma_semaphore, #tpu.memory_space<semaphore_mem>>) src(%dma_wait3A_596 : memref<10240x64xf32, #tpu.memory_space<vmem_shared>>) dst(%arg14 : memref<128x64xf32, #tpu.memory_space<vmem>>)
        %dma_start3A_597 = arith.constant 384 : i32
        %dma_start3A_598 = tpu.memref_slice %arg12[%dma_start3A_597] : memref<2560xi32, #tpu.memory_space<vmem>> -> memref<128xi32, #tpu.memory_space<vmem>>
        %dma_start3A_599 = arith.constant 0 : i32
        %dma_start3A_600 = arith.constant 0 : i32
        %dma_start3A_601 = tpu.memref_slice %arg7[%dma_start3A_599, %dma_start3A_600] : memref<10240x64xf32, #tpu.memory_space<vmem_shared>> -> memref<10240x64xf32, #tpu.memory_space<vmem_shared>>
        tpu.enqueue_indirect_dma source(%arg14 : memref<128x64xf32, #tpu.memory_space<vmem>>) target(%dma_start3A_601 : memref<10240x64xf32, #tpu.memory_space<vmem_shared>>) offsets(%dma_start3A_598 : memref<128xi32, #tpu.memory_space<vmem>>) semaphore(%arg26 : memref<!tpu.dma_semaphore, #tpu.memory_space<semaphore_mem>>) {add = true}
        %dma_wait3A_602 = arith.constant 256 : i32
        %dma_wait3A_603 = tpu.memref_slice %arg12[%dma_wait3A_602] : memref<2560xi32, #tpu.memory_space<vmem>> -> memref<128xi32, #tpu.memory_space<vmem>>
        %dma_wait3A_604 = arith.constant 0 : i32
        %dma_wait3A_605 = arith.constant 0 : i32
        %dma_wait3A_606 = tpu.memref_slice %arg7[%dma_wait3A_604, %dma_wait3A_605] : memref<10240x64xf32, #tpu.memory_space<vmem_shared>> -> memref<10240x64xf32, #tpu.memory_space<vmem_shared>>
        tpu.wait_indirect_dma semaphore(%arg25 : memref<!tpu.dma_semaphore, #tpu.memory_space<semaphore_mem>>) src(%arg13 : memref<128x64xf32, #tpu.memory_space<vmem>>) dst(%dma_wait3A_606 : memref<10240x64xf32, #tpu.memory_space<vmem_shared>>)
        %dma_start3A_607 = arith.constant 512 : i32
        %dma_start3A_608 = tpu.memref_slice %arg10[%dma_start3A_607] : memref<2560xi32, #tpu.memory_space<vmem>> -> memref<128xi32, #tpu.memory_space<vmem>>
        %dma_start3A_609 = arith.constant 0 : i32
        %dma_start3A_610 = arith.constant 0 : i32
        %dma_start3A_611 = tpu.memref_slice %arg6[%dma_start3A_609, %dma_start3A_610] : memref<10240x64xf32, #tpu.memory_space<vmem_shared>> -> memref<10240x64xf32, #tpu.memory_space<vmem_shared>>
        tpu.enqueue_indirect_dma source(%dma_start3A_611 : memref<10240x64xf32, #tpu.memory_space<vmem_shared>>) target(%arg13 : memref<128x64xf32, #tpu.memory_space<vmem>>) offsets(%dma_start3A_608 : memref<128xi32, #tpu.memory_space<vmem>>) semaphore(%arg23 : memref<!tpu.dma_semaphore, #tpu.memory_space<semaphore_mem>>)
        %dma_wait3A_612 = arith.constant 512 : i32
        %dma_wait3A_613 = tpu.memref_slice %arg10[%dma_wait3A_612] : memref<2560xi32, #tpu.memory_space<vmem>> -> memref<128xi32, #tpu.memory_space<vmem>>
        %dma_wait3A_614 = arith.constant 0 : i32
        %dma_wait3A_615 = arith.constant 0 : i32
        %dma_wait3A_616 = tpu.memref_slice %arg6[%dma_wait3A_614, %dma_wait3A_615] : memref<10240x64xf32, #tpu.memory_space<vmem_shared>> -> memref<10240x64xf32, #tpu.memory_space<vmem_shared>>
        tpu.wait_indirect_dma semaphore(%arg23 : memref<!tpu.dma_semaphore, #tpu.memory_space<semaphore_mem>>) src(%dma_wait3A_616 : memref<10240x64xf32, #tpu.memory_space<vmem_shared>>) dst(%arg13 : memref<128x64xf32, #tpu.memory_space<vmem>>)
        %dma_start3A_617 = arith.constant 512 : i32
        %dma_start3A_618 = tpu.memref_slice %arg12[%dma_start3A_617] : memref<2560xi32, #tpu.memory_space<vmem>> -> memref<128xi32, #tpu.memory_space<vmem>>
        %dma_start3A_619 = arith.constant 0 : i32
        %dma_start3A_620 = arith.constant 0 : i32
        %dma_start3A_621 = tpu.memref_slice %arg7[%dma_start3A_619, %dma_start3A_620] : memref<10240x64xf32, #tpu.memory_space<vmem_shared>> -> memref<10240x64xf32, #tpu.memory_space<vmem_shared>>
        tpu.enqueue_indirect_dma source(%arg13 : memref<128x64xf32, #tpu.memory_space<vmem>>) target(%dma_start3A_621 : memref<10240x64xf32, #tpu.memory_space<vmem_shared>>) offsets(%dma_start3A_618 : memref<128xi32, #tpu.memory_space<vmem>>) semaphore(%arg25 : memref<!tpu.dma_semaphore, #tpu.memory_space<semaphore_mem>>) {add = true}
        %dma_wait3A_622 = arith.constant 384 : i32
        %dma_wait3A_623 = tpu.memref_slice %arg12[%dma_wait3A_622] : memref<2560xi32, #tpu.memory_space<vmem>> -> memref<128xi32, #tpu.memory_space<vmem>>
        %dma_wait3A_624 = arith.constant 0 : i32
        %dma_wait3A_625 = arith.constant 0 : i32
        %dma_wait3A_626 = tpu.memref_slice %arg7[%dma_wait3A_624, %dma_wait3A_625] : memref<10240x64xf32, #tpu.memory_space<vmem_shared>> -> memref<10240x64xf32, #tpu.memory_space<vmem_shared>>
        tpu.wait_indirect_dma semaphore(%arg26 : memref<!tpu.dma_semaphore, #tpu.memory_space<semaphore_mem>>) src(%arg14 : memref<128x64xf32, #tpu.memory_space<vmem>>) dst(%dma_wait3A_626 : memref<10240x64xf32, #tpu.memory_space<vmem_shared>>)
        %dma_start3A_627 = arith.constant 640 : i32
        %dma_start3A_628 = tpu.memref_slice %arg10[%dma_start3A_627] : memref<2560xi32, #tpu.memory_space<vmem>> -> memref<128xi32, #tpu.memory_space<vmem>>
        %dma_start3A_629 = arith.constant 0 : i32
        %dma_start3A_630 = arith.constant 0 : i32
        %dma_start3A_631 = tpu.memref_slice %arg6[%dma_start3A_629, %dma_start3A_630] : memref<10240x64xf32, #tpu.memory_space<vmem_shared>> -> memref<10240x64xf32, #tpu.memory_space<vmem_shared>>
        tpu.enqueue_indirect_dma source(%dma_start3A_631 : memref<10240x64xf32, #tpu.memory_space<vmem_shared>>) target(%arg14 : memref<128x64xf32, #tpu.memory_space<vmem>>) offsets(%dma_start3A_628 : memref<128xi32, #tpu.memory_space<vmem>>) semaphore(%arg24 : memref<!tpu.dma_semaphore, #tpu.memory_space<semaphore_mem>>)
        %dma_wait3A_632 = arith.constant 640 : i32
        %dma_wait3A_633 = tpu.memref_slice %arg10[%dma_wait3A_632] : memref<2560xi32, #tpu.memory_space<vmem>> -> memref<128xi32, #tpu.memory_space<vmem>>
        %dma_wait3A_634 = arith.constant 0 : i32
        %dma_wait3A_635 = arith.constant 0 : i32
        %dma_wait3A_636 = tpu.memref_slice %arg6[%dma_wait3A_634, %dma_wait3A_635] : memref<10240x64xf32, #tpu.memory_space<vmem_shared>> -> memref<10240x64xf32, #tpu.memory_space<vmem_shared>>
        tpu.wait_indirect_dma semaphore(%arg24 : memref<!tpu.dma_semaphore, #tpu.memory_space<semaphore_mem>>) src(%dma_wait3A_636 : memref<10240x64xf32, #tpu.memory_space<vmem_shared>>) dst(%arg14 : memref<128x64xf32, #tpu.memory_space<vmem>>)
        %dma_start3A_637 = arith.constant 640 : i32
        %dma_start3A_638 = tpu.memref_slice %arg12[%dma_start3A_637] : memref<2560xi32, #tpu.memory_space<vmem>> -> memref<128xi32, #tpu.memory_space<vmem>>
        %dma_start3A_639 = arith.constant 0 : i32
        %dma_start3A_640 = arith.constant 0 : i32
        %dma_start3A_641 = tpu.memref_slice %arg7[%dma_start3A_639, %dma_start3A_640] : memref<10240x64xf32, #tpu.memory_space<vmem_shared>> -> memref<10240x64xf32, #tpu.memory_space<vmem_shared>>
        tpu.enqueue_indirect_dma source(%arg14 : memref<128x64xf32, #tpu.memory_space<vmem>>) target(%dma_start3A_641 : memref<10240x64xf32, #tpu.memory_space<vmem_shared>>) offsets(%dma_start3A_638 : memref<128xi32, #tpu.memory_space<vmem>>) semaphore(%arg26 : memref<!tpu.dma_semaphore, #tpu.memory_space<semaphore_mem>>) {add = true}
        %dma_wait3A_642 = arith.constant 512 : i32
        %dma_wait3A_643 = tpu.memref_slice %arg12[%dma_wait3A_642] : memref<2560xi32, #tpu.memory_space<vmem>> -> memref<128xi32, #tpu.memory_space<vmem>>
        %dma_wait3A_644 = arith.constant 0 : i32
        %dma_wait3A_645 = arith.constant 0 : i32
        %dma_wait3A_646 = tpu.memref_slice %arg7[%dma_wait3A_644, %dma_wait3A_645] : memref<10240x64xf32, #tpu.memory_space<vmem_shared>> -> memref<10240x64xf32, #tpu.memory_space<vmem_shared>>
        tpu.wait_indirect_dma semaphore(%arg25 : memref<!tpu.dma_semaphore, #tpu.memory_space<semaphore_mem>>) src(%arg13 : memref<128x64xf32, #tpu.memory_space<vmem>>) dst(%dma_wait3A_646 : memref<10240x64xf32, #tpu.memory_space<vmem_shared>>)
        %dma_start3A_647 = arith.constant 768 : i32
        %dma_start3A_648 = tpu.memref_slice %arg10[%dma_start3A_647] : memref<2560xi32, #tpu.memory_space<vmem>> -> memref<128xi32, #tpu.memory_space<vmem>>
        %dma_start3A_649 = arith.constant 0 : i32
        %dma_start3A_650 = arith.constant 0 : i32
        %dma_start3A_651 = tpu.memref_slice %arg6[%dma_start3A_649, %dma_start3A_650] : memref<10240x64xf32, #tpu.memory_space<vmem_shared>> -> memref<10240x64xf32, #tpu.memory_space<vmem_shared>>
        tpu.enqueue_indirect_dma source(%dma_start3A_651 : memref<10240x64xf32, #tpu.memory_space<vmem_shared>>) target(%arg13 : memref<128x64xf32, #tpu.memory_space<vmem>>) offsets(%dma_start3A_648 : memref<128xi32, #tpu.memory_space<vmem>>) semaphore(%arg23 : memref<!tpu.dma_semaphore, #tpu.memory_space<semaphore_mem>>)
        %dma_wait3A_652 = arith.constant 768 : i32
        %dma_wait3A_653 = tpu.memref_slice %arg10[%dma_wait3A_652] : memref<2560xi32, #tpu.memory_space<vmem>> -> memref<128xi32, #tpu.memory_space<vmem>>
        %dma_wait3A_654 = arith.constant 0 : i32
        %dma_wait3A_655 = arith.constant 0 : i32
        %dma_wait3A_656 = tpu.memref_slice %arg6[%dma_wait3A_654, %dma_wait3A_655] : memref<10240x64xf32, #tpu.memory_space<vmem_shared>> -> memref<10240x64xf32, #tpu.memory_space<vmem_shared>>
        tpu.wait_indirect_dma semaphore(%arg23 : memref<!tpu.dma_semaphore, #tpu.memory_space<semaphore_mem>>) src(%dma_wait3A_656 : memref<10240x64xf32, #tpu.memory_space<vmem_shared>>) dst(%arg13 : memref<128x64xf32, #tpu.memory_space<vmem>>)
        %dma_start3A_657 = arith.constant 768 : i32
        %dma_start3A_658 = tpu.memref_slice %arg12[%dma_start3A_657] : memref<2560xi32, #tpu.memory_space<vmem>> -> memref<128xi32, #tpu.memory_space<vmem>>
        %dma_start3A_659 = arith.constant 0 : i32
        %dma_start3A_660 = arith.constant 0 : i32
        %dma_start3A_661 = tpu.memref_slice %arg7[%dma_start3A_659, %dma_start3A_660] : memref<10240x64xf32, #tpu.memory_space<vmem_shared>> -> memref<10240x64xf32, #tpu.memory_space<vmem_shared>>
        tpu.enqueue_indirect_dma source(%arg13 : memref<128x64xf32, #tpu.memory_space<vmem>>) target(%dma_start3A_661 : memref<10240x64xf32, #tpu.memory_space<vmem_shared>>) offsets(%dma_start3A_658 : memref<128xi32, #tpu.memory_space<vmem>>) semaphore(%arg25 : memref<!tpu.dma_semaphore, #tpu.memory_space<semaphore_mem>>) {add = true}
        %dma_wait3A_662 = arith.constant 640 : i32
        %dma_wait3A_663 = tpu.memref_slice %arg12[%dma_wait3A_662] : memref<2560xi32, #tpu.memory_space<vmem>> -> memref<128xi32, #tpu.memory_space<vmem>>
        %dma_wait3A_664 = arith.constant 0 : i32
        %dma_wait3A_665 = arith.constant 0 : i32
        %dma_wait3A_666 = tpu.memref_slice %arg7[%dma_wait3A_664, %dma_wait3A_665] : memref<10240x64xf32, #tpu.memory_space<vmem_shared>> -> memref<10240x64xf32, #tpu.memory_space<vmem_shared>>
        tpu.wait_indirect_dma semaphore(%arg26 : memref<!tpu.dma_semaphore, #tpu.memory_space<semaphore_mem>>) src(%arg14 : memref<128x64xf32, #tpu.memory_space<vmem>>) dst(%dma_wait3A_666 : memref<10240x64xf32, #tpu.memory_space<vmem_shared>>)
        %dma_start3A_667 = arith.constant 896 : i32
        %dma_start3A_668 = tpu.memref_slice %arg10[%dma_start3A_667] : memref<2560xi32, #tpu.memory_space<vmem>> -> memref<128xi32, #tpu.memory_space<vmem>>
        %dma_start3A_669 = arith.constant 0 : i32
        %dma_start3A_670 = arith.constant 0 : i32
        %dma_start3A_671 = tpu.memref_slice %arg6[%dma_start3A_669, %dma_start3A_670] : memref<10240x64xf32, #tpu.memory_space<vmem_shared>> -> memref<10240x64xf32, #tpu.memory_space<vmem_shared>>
        tpu.enqueue_indirect_dma source(%dma_start3A_671 : memref<10240x64xf32, #tpu.memory_space<vmem_shared>>) target(%arg14 : memref<128x64xf32, #tpu.memory_space<vmem>>) offsets(%dma_start3A_668 : memref<128xi32, #tpu.memory_space<vmem>>) semaphore(%arg24 : memref<!tpu.dma_semaphore, #tpu.memory_space<semaphore_mem>>)
        %dma_wait3A_672 = arith.constant 896 : i32
        %dma_wait3A_673 = tpu.memref_slice %arg10[%dma_wait3A_672] : memref<2560xi32, #tpu.memory_space<vmem>> -> memref<128xi32, #tpu.memory_space<vmem>>
        %dma_wait3A_674 = arith.constant 0 : i32
        %dma_wait3A_675 = arith.constant 0 : i32
        %dma_wait3A_676 = tpu.memref_slice %arg6[%dma_wait3A_674, %dma_wait3A_675] : memref<10240x64xf32, #tpu.memory_space<vmem_shared>> -> memref<10240x64xf32, #tpu.memory_space<vmem_shared>>
        tpu.wait_indirect_dma semaphore(%arg24 : memref<!tpu.dma_semaphore, #tpu.memory_space<semaphore_mem>>) src(%dma_wait3A_676 : memref<10240x64xf32, #tpu.memory_space<vmem_shared>>) dst(%arg14 : memref<128x64xf32, #tpu.memory_space<vmem>>)
        %dma_start3A_677 = arith.constant 896 : i32
        %dma_start3A_678 = tpu.memref_slice %arg12[%dma_start3A_677] : memref<2560xi32, #tpu.memory_space<vmem>> -> memref<128xi32, #tpu.memory_space<vmem>>
        %dma_start3A_679 = arith.constant 0 : i32
        %dma_start3A_680 = arith.constant 0 : i32
        %dma_start3A_681 = tpu.memref_slice %arg7[%dma_start3A_679, %dma_start3A_680] : memref<10240x64xf32, #tpu.memory_space<vmem_shared>> -> memref<10240x64xf32, #tpu.memory_space<vmem_shared>>
        tpu.enqueue_indirect_dma source(%arg14 : memref<128x64xf32, #tpu.memory_space<vmem>>) target(%dma_start3A_681 : memref<10240x64xf32, #tpu.memory_space<vmem_shared>>) offsets(%dma_start3A_678 : memref<128xi32, #tpu.memory_space<vmem>>) semaphore(%arg26 : memref<!tpu.dma_semaphore, #tpu.memory_space<semaphore_mem>>) {add = true}
        %dma_wait3A_682 = arith.constant 768 : i32
        %dma_wait3A_683 = tpu.memref_slice %arg12[%dma_wait3A_682] : memref<2560xi32, #tpu.memory_space<vmem>> -> memref<128xi32, #tpu.memory_space<vmem>>
        %dma_wait3A_684 = arith.constant 0 : i32
        %dma_wait3A_685 = arith.constant 0 : i32
        %dma_wait3A_686 = tpu.memref_slice %arg7[%dma_wait3A_684, %dma_wait3A_685] : memref<10240x64xf32, #tpu.memory_space<vmem_shared>> -> memref<10240x64xf32, #tpu.memory_space<vmem_shared>>
        tpu.wait_indirect_dma semaphore(%arg25 : memref<!tpu.dma_semaphore, #tpu.memory_space<semaphore_mem>>) src(%arg13 : memref<128x64xf32, #tpu.memory_space<vmem>>) dst(%dma_wait3A_686 : memref<10240x64xf32, #tpu.memory_space<vmem_shared>>)
        %dma_start3A_687 = arith.constant 1024 : i32
        %dma_start3A_688 = tpu.memref_slice %arg10[%dma_start3A_687] : memref<2560xi32, #tpu.memory_space<vmem>> -> memref<128xi32, #tpu.memory_space<vmem>>
        %dma_start3A_689 = arith.constant 0 : i32
        %dma_start3A_690 = arith.constant 0 : i32
        %dma_start3A_691 = tpu.memref_slice %arg6[%dma_start3A_689, %dma_start3A_690] : memref<10240x64xf32, #tpu.memory_space<vmem_shared>> -> memref<10240x64xf32, #tpu.memory_space<vmem_shared>>
        tpu.enqueue_indirect_dma source(%dma_start3A_691 : memref<10240x64xf32, #tpu.memory_space<vmem_shared>>) target(%arg13 : memref<128x64xf32, #tpu.memory_space<vmem>>) offsets(%dma_start3A_688 : memref<128xi32, #tpu.memory_space<vmem>>) semaphore(%arg23 : memref<!tpu.dma_semaphore, #tpu.memory_space<semaphore_mem>>)
        %dma_wait3A_692 = arith.constant 1024 : i32
        %dma_wait3A_693 = tpu.memref_slice %arg10[%dma_wait3A_692] : memref<2560xi32, #tpu.memory_space<vmem>> -> memref<128xi32, #tpu.memory_space<vmem>>
        %dma_wait3A_694 = arith.constant 0 : i32
        %dma_wait3A_695 = arith.constant 0 : i32
        %dma_wait3A_696 = tpu.memref_slice %arg6[%dma_wait3A_694, %dma_wait3A_695] : memref<10240x64xf32, #tpu.memory_space<vmem_shared>> -> memref<10240x64xf32, #tpu.memory_space<vmem_shared>>
        tpu.wait_indirect_dma semaphore(%arg23 : memref<!tpu.dma_semaphore, #tpu.memory_space<semaphore_mem>>) src(%dma_wait3A_696 : memref<10240x64xf32, #tpu.memory_space<vmem_shared>>) dst(%arg13 : memref<128x64xf32, #tpu.memory_space<vmem>>)
        %dma_start3A_697 = arith.constant 1024 : i32
        %dma_start3A_698 = tpu.memref_slice %arg12[%dma_start3A_697] : memref<2560xi32, #tpu.memory_space<vmem>> -> memref<128xi32, #tpu.memory_space<vmem>>
        %dma_start3A_699 = arith.constant 0 : i32
        %dma_start3A_700 = arith.constant 0 : i32
        %dma_start3A_701 = tpu.memref_slice %arg7[%dma_start3A_699, %dma_start3A_700] : memref<10240x64xf32, #tpu.memory_space<vmem_shared>> -> memref<10240x64xf32, #tpu.memory_space<vmem_shared>>
        tpu.enqueue_indirect_dma source(%arg13 : memref<128x64xf32, #tpu.memory_space<vmem>>) target(%dma_start3A_701 : memref<10240x64xf32, #tpu.memory_space<vmem_shared>>) offsets(%dma_start3A_698 : memref<128xi32, #tpu.memory_space<vmem>>) semaphore(%arg25 : memref<!tpu.dma_semaphore, #tpu.memory_space<semaphore_mem>>) {add = true}
        %dma_wait3A_702 = arith.constant 896 : i32
        %dma_wait3A_703 = tpu.memref_slice %arg12[%dma_wait3A_702] : memref<2560xi32, #tpu.memory_space<vmem>> -> memref<128xi32, #tpu.memory_space<vmem>>
        %dma_wait3A_704 = arith.constant 0 : i32
        %dma_wait3A_705 = arith.constant 0 : i32
        %dma_wait3A_706 = tpu.memref_slice %arg7[%dma_wait3A_704, %dma_wait3A_705] : memref<10240x64xf32, #tpu.memory_space<vmem_shared>> -> memref<10240x64xf32, #tpu.memory_space<vmem_shared>>
        tpu.wait_indirect_dma semaphore(%arg26 : memref<!tpu.dma_semaphore, #tpu.memory_space<semaphore_mem>>) src(%arg14 : memref<128x64xf32, #tpu.memory_space<vmem>>) dst(%dma_wait3A_706 : memref<10240x64xf32, #tpu.memory_space<vmem_shared>>)
        %dma_start3A_707 = arith.constant 1152 : i32
        %dma_start3A_708 = tpu.memref_slice %arg10[%dma_start3A_707] : memref<2560xi32, #tpu.memory_space<vmem>> -> memref<128xi32, #tpu.memory_space<vmem>>
        %dma_start3A_709 = arith.constant 0 : i32
        %dma_start3A_710 = arith.constant 0 : i32
        %dma_start3A_711 = tpu.memref_slice %arg6[%dma_start3A_709, %dma_start3A_710] : memref<10240x64xf32, #tpu.memory_space<vmem_shared>> -> memref<10240x64xf32, #tpu.memory_space<vmem_shared>>
        tpu.enqueue_indirect_dma source(%dma_start3A_711 : memref<10240x64xf32, #tpu.memory_space<vmem_shared>>) target(%arg14 : memref<128x64xf32, #tpu.memory_space<vmem>>) offsets(%dma_start3A_708 : memref<128xi32, #tpu.memory_space<vmem>>) semaphore(%arg24 : memref<!tpu.dma_semaphore, #tpu.memory_space<semaphore_mem>>)
        %dma_wait3A_712 = arith.constant 1152 : i32
        %dma_wait3A_713 = tpu.memref_slice %arg10[%dma_wait3A_712] : memref<2560xi32, #tpu.memory_space<vmem>> -> memref<128xi32, #tpu.memory_space<vmem>>
        %dma_wait3A_714 = arith.constant 0 : i32
        %dma_wait3A_715 = arith.constant 0 : i32
        %dma_wait3A_716 = tpu.memref_slice %arg6[%dma_wait3A_714, %dma_wait3A_715] : memref<10240x64xf32, #tpu.memory_space<vmem_shared>> -> memref<10240x64xf32, #tpu.memory_space<vmem_shared>>
        tpu.wait_indirect_dma semaphore(%arg24 : memref<!tpu.dma_semaphore, #tpu.memory_space<semaphore_mem>>) src(%dma_wait3A_716 : memref<10240x64xf32, #tpu.memory_space<vmem_shared>>) dst(%arg14 : memref<128x64xf32, #tpu.memory_space<vmem>>)
        %dma_start3A_717 = arith.constant 1152 : i32
        %dma_start3A_718 = tpu.memref_slice %arg12[%dma_start3A_717] : memref<2560xi32, #tpu.memory_space<vmem>> -> memref<128xi32, #tpu.memory_space<vmem>>
        %dma_start3A_719 = arith.constant 0 : i32
        %dma_start3A_720 = arith.constant 0 : i32
        %dma_start3A_721 = tpu.memref_slice %arg7[%dma_start3A_719, %dma_start3A_720] : memref<10240x64xf32, #tpu.memory_space<vmem_shared>> -> memref<10240x64xf32, #tpu.memory_space<vmem_shared>>
        tpu.enqueue_indirect_dma source(%arg14 : memref<128x64xf32, #tpu.memory_space<vmem>>) target(%dma_start3A_721 : memref<10240x64xf32, #tpu.memory_space<vmem_shared>>) offsets(%dma_start3A_718 : memref<128xi32, #tpu.memory_space<vmem>>) semaphore(%arg26 : memref<!tpu.dma_semaphore, #tpu.memory_space<semaphore_mem>>) {add = true}
        %dma_wait3A_722 = arith.constant 1024 : i32
        %dma_wait3A_723 = tpu.memref_slice %arg12[%dma_wait3A_722] : memref<2560xi32, #tpu.memory_space<vmem>> -> memref<128xi32, #tpu.memory_space<vmem>>
        %dma_wait3A_724 = arith.constant 0 : i32
        %dma_wait3A_725 = arith.constant 0 : i32
        %dma_wait3A_726 = tpu.memref_slice %arg7[%dma_wait3A_724, %dma_wait3A_725] : memref<10240x64xf32, #tpu.memory_space<vmem_shared>> -> memref<10240x64xf32, #tpu.memory_space<vmem_shared>>
        tpu.wait_indirect_dma semaphore(%arg25 : memref<!tpu.dma_semaphore, #tpu.memory_space<semaphore_mem>>) src(%arg13 : memref<128x64xf32, #tpu.memory_space<vmem>>) dst(%dma_wait3A_726 : memref<10240x64xf32, #tpu.memory_space<vmem_shared>>)
        %dma_start3A_727 = arith.constant 1280 : i32
        %dma_start3A_728 = tpu.memref_slice %arg10[%dma_start3A_727] : memref<2560xi32, #tpu.memory_space<vmem>> -> memref<128xi32, #tpu.memory_space<vmem>>
        %dma_start3A_729 = arith.constant 0 : i32
        %dma_start3A_730 = arith.constant 0 : i32
        %dma_start3A_731 = tpu.memref_slice %arg6[%dma_start3A_729, %dma_start3A_730] : memref<10240x64xf32, #tpu.memory_space<vmem_shared>> -> memref<10240x64xf32, #tpu.memory_space<vmem_shared>>
        tpu.enqueue_indirect_dma source(%dma_start3A_731 : memref<10240x64xf32, #tpu.memory_space<vmem_shared>>) target(%arg13 : memref<128x64xf32, #tpu.memory_space<vmem>>) offsets(%dma_start3A_728 : memref<128xi32, #tpu.memory_space<vmem>>) semaphore(%arg23 : memref<!tpu.dma_semaphore, #tpu.memory_space<semaphore_mem>>)
        %dma_wait3A_732 = arith.constant 1280 : i32
        %dma_wait3A_733 = tpu.memref_slice %arg10[%dma_wait3A_732] : memref<2560xi32, #tpu.memory_space<vmem>> -> memref<128xi32, #tpu.memory_space<vmem>>
        %dma_wait3A_734 = arith.constant 0 : i32
        %dma_wait3A_735 = arith.constant 0 : i32
        %dma_wait3A_736 = tpu.memref_slice %arg6[%dma_wait3A_734, %dma_wait3A_735] : memref<10240x64xf32, #tpu.memory_space<vmem_shared>> -> memref<10240x64xf32, #tpu.memory_space<vmem_shared>>
        tpu.wait_indirect_dma semaphore(%arg23 : memref<!tpu.dma_semaphore, #tpu.memory_space<semaphore_mem>>) src(%dma_wait3A_736 : memref<10240x64xf32, #tpu.memory_space<vmem_shared>>) dst(%arg13 : memref<128x64xf32, #tpu.memory_space<vmem>>)
        %dma_start3A_737 = arith.constant 1280 : i32
        %dma_start3A_738 = tpu.memref_slice %arg12[%dma_start3A_737] : memref<2560xi32, #tpu.memory_space<vmem>> -> memref<128xi32, #tpu.memory_space<vmem>>
        %dma_start3A_739 = arith.constant 0 : i32
        %dma_start3A_740 = arith.constant 0 : i32
        %dma_start3A_741 = tpu.memref_slice %arg7[%dma_start3A_739, %dma_start3A_740] : memref<10240x64xf32, #tpu.memory_space<vmem_shared>> -> memref<10240x64xf32, #tpu.memory_space<vmem_shared>>
        tpu.enqueue_indirect_dma source(%arg13 : memref<128x64xf32, #tpu.memory_space<vmem>>) target(%dma_start3A_741 : memref<10240x64xf32, #tpu.memory_space<vmem_shared>>) offsets(%dma_start3A_738 : memref<128xi32, #tpu.memory_space<vmem>>) semaphore(%arg25 : memref<!tpu.dma_semaphore, #tpu.memory_space<semaphore_mem>>) {add = true}
        %dma_wait3A_742 = arith.constant 1152 : i32
        %dma_wait3A_743 = tpu.memref_slice %arg12[%dma_wait3A_742] : memref<2560xi32, #tpu.memory_space<vmem>> -> memref<128xi32, #tpu.memory_space<vmem>>
        %dma_wait3A_744 = arith.constant 0 : i32
        %dma_wait3A_745 = arith.constant 0 : i32
        %dma_wait3A_746 = tpu.memref_slice %arg7[%dma_wait3A_744, %dma_wait3A_745] : memref<10240x64xf32, #tpu.memory_space<vmem_shared>> -> memref<10240x64xf32, #tpu.memory_space<vmem_shared>>
        tpu.wait_indirect_dma semaphore(%arg26 : memref<!tpu.dma_semaphore, #tpu.memory_space<semaphore_mem>>) src(%arg14 : memref<128x64xf32, #tpu.memory_space<vmem>>) dst(%dma_wait3A_746 : memref<10240x64xf32, #tpu.memory_space<vmem_shared>>)
        %dma_start3A_747 = arith.constant 1408 : i32
        %dma_start3A_748 = tpu.memref_slice %arg10[%dma_start3A_747] : memref<2560xi32, #tpu.memory_space<vmem>> -> memref<128xi32, #tpu.memory_space<vmem>>
        %dma_start3A_749 = arith.constant 0 : i32
        %dma_start3A_750 = arith.constant 0 : i32
        %dma_start3A_751 = tpu.memref_slice %arg6[%dma_start3A_749, %dma_start3A_750] : memref<10240x64xf32, #tpu.memory_space<vmem_shared>> -> memref<10240x64xf32, #tpu.memory_space<vmem_shared>>
        tpu.enqueue_indirect_dma source(%dma_start3A_751 : memref<10240x64xf32, #tpu.memory_space<vmem_shared>>) target(%arg14 : memref<128x64xf32, #tpu.memory_space<vmem>>) offsets(%dma_start3A_748 : memref<128xi32, #tpu.memory_space<vmem>>) semaphore(%arg24 : memref<!tpu.dma_semaphore, #tpu.memory_space<semaphore_mem>>)
        %dma_wait3A_752 = arith.constant 1408 : i32
        %dma_wait3A_753 = tpu.memref_slice %arg10[%dma_wait3A_752] : memref<2560xi32, #tpu.memory_space<vmem>> -> memref<128xi32, #tpu.memory_space<vmem>>
        %dma_wait3A_754 = arith.constant 0 : i32
        %dma_wait3A_755 = arith.constant 0 : i32
        %dma_wait3A_756 = tpu.memref_slice %arg6[%dma_wait3A_754, %dma_wait3A_755] : memref<10240x64xf32, #tpu.memory_space<vmem_shared>> -> memref<10240x64xf32, #tpu.memory_space<vmem_shared>>
        tpu.wait_indirect_dma semaphore(%arg24 : memref<!tpu.dma_semaphore, #tpu.memory_space<semaphore_mem>>) src(%dma_wait3A_756 : memref<10240x64xf32, #tpu.memory_space<vmem_shared>>) dst(%arg14 : memref<128x64xf32, #tpu.memory_space<vmem>>)
        %dma_start3A_757 = arith.constant 1408 : i32
        %dma_start3A_758 = tpu.memref_slice %arg12[%dma_start3A_757] : memref<2560xi32, #tpu.memory_space<vmem>> -> memref<128xi32, #tpu.memory_space<vmem>>
        %dma_start3A_759 = arith.constant 0 : i32
        %dma_start3A_760 = arith.constant 0 : i32
        %dma_start3A_761 = tpu.memref_slice %arg7[%dma_start3A_759, %dma_start3A_760] : memref<10240x64xf32, #tpu.memory_space<vmem_shared>> -> memref<10240x64xf32, #tpu.memory_space<vmem_shared>>
        tpu.enqueue_indirect_dma source(%arg14 : memref<128x64xf32, #tpu.memory_space<vmem>>) target(%dma_start3A_761 : memref<10240x64xf32, #tpu.memory_space<vmem_shared>>) offsets(%dma_start3A_758 : memref<128xi32, #tpu.memory_space<vmem>>) semaphore(%arg26 : memref<!tpu.dma_semaphore, #tpu.memory_space<semaphore_mem>>) {add = true}
        %dma_wait3A_762 = arith.constant 1280 : i32
        %dma_wait3A_763 = tpu.memref_slice %arg12[%dma_wait3A_762] : memref<2560xi32, #tpu.memory_space<vmem>> -> memref<128xi32, #tpu.memory_space<vmem>>
        %dma_wait3A_764 = arith.constant 0 : i32
        %dma_wait3A_765 = arith.constant 0 : i32
        %dma_wait3A_766 = tpu.memref_slice %arg7[%dma_wait3A_764, %dma_wait3A_765] : memref<10240x64xf32, #tpu.memory_space<vmem_shared>> -> memref<10240x64xf32, #tpu.memory_space<vmem_shared>>
        tpu.wait_indirect_dma semaphore(%arg25 : memref<!tpu.dma_semaphore, #tpu.memory_space<semaphore_mem>>) src(%arg13 : memref<128x64xf32, #tpu.memory_space<vmem>>) dst(%dma_wait3A_766 : memref<10240x64xf32, #tpu.memory_space<vmem_shared>>)
        %dma_start3A_767 = arith.constant 1536 : i32
        %dma_start3A_768 = tpu.memref_slice %arg10[%dma_start3A_767] : memref<2560xi32, #tpu.memory_space<vmem>> -> memref<128xi32, #tpu.memory_space<vmem>>
        %dma_start3A_769 = arith.constant 0 : i32
        %dma_start3A_770 = arith.constant 0 : i32
        %dma_start3A_771 = tpu.memref_slice %arg6[%dma_start3A_769, %dma_start3A_770] : memref<10240x64xf32, #tpu.memory_space<vmem_shared>> -> memref<10240x64xf32, #tpu.memory_space<vmem_shared>>
        tpu.enqueue_indirect_dma source(%dma_start3A_771 : memref<10240x64xf32, #tpu.memory_space<vmem_shared>>) target(%arg13 : memref<128x64xf32, #tpu.memory_space<vmem>>) offsets(%dma_start3A_768 : memref<128xi32, #tpu.memory_space<vmem>>) semaphore(%arg23 : memref<!tpu.dma_semaphore, #tpu.memory_space<semaphore_mem>>)
        %dma_wait3A_772 = arith.constant 1536 : i32
        %dma_wait3A_773 = tpu.memref_slice %arg10[%dma_wait3A_772] : memref<2560xi32, #tpu.memory_space<vmem>> -> memref<128xi32, #tpu.memory_space<vmem>>
        %dma_wait3A_774 = arith.constant 0 : i32
        %dma_wait3A_775 = arith.constant 0 : i32
        %dma_wait3A_776 = tpu.memref_slice %arg6[%dma_wait3A_774, %dma_wait3A_775] : memref<10240x64xf32, #tpu.memory_space<vmem_shared>> -> memref<10240x64xf32, #tpu.memory_space<vmem_shared>>
        tpu.wait_indirect_dma semaphore(%arg23 : memref<!tpu.dma_semaphore, #tpu.memory_space<semaphore_mem>>) src(%dma_wait3A_776 : memref<10240x64xf32, #tpu.memory_space<vmem_shared>>) dst(%arg13 : memref<128x64xf32, #tpu.memory_space<vmem>>)
        %dma_start3A_777 = arith.constant 1536 : i32
        %dma_start3A_778 = tpu.memref_slice %arg12[%dma_start3A_777] : memref<2560xi32, #tpu.memory_space<vmem>> -> memref<128xi32, #tpu.memory_space<vmem>>
        %dma_start3A_779 = arith.constant 0 : i32
        %dma_start3A_780 = arith.constant 0 : i32
        %dma_start3A_781 = tpu.memref_slice %arg7[%dma_start3A_779, %dma_start3A_780] : memref<10240x64xf32, #tpu.memory_space<vmem_shared>> -> memref<10240x64xf32, #tpu.memory_space<vmem_shared>>
        tpu.enqueue_indirect_dma source(%arg13 : memref<128x64xf32, #tpu.memory_space<vmem>>) target(%dma_start3A_781 : memref<10240x64xf32, #tpu.memory_space<vmem_shared>>) offsets(%dma_start3A_778 : memref<128xi32, #tpu.memory_space<vmem>>) semaphore(%arg25 : memref<!tpu.dma_semaphore, #tpu.memory_space<semaphore_mem>>) {add = true}
        %dma_wait3A_782 = arith.constant 1408 : i32
        %dma_wait3A_783 = tpu.memref_slice %arg12[%dma_wait3A_782] : memref<2560xi32, #tpu.memory_space<vmem>> -> memref<128xi32, #tpu.memory_space<vmem>>
        %dma_wait3A_784 = arith.constant 0 : i32
        %dma_wait3A_785 = arith.constant 0 : i32
        %dma_wait3A_786 = tpu.memref_slice %arg7[%dma_wait3A_784, %dma_wait3A_785] : memref<10240x64xf32, #tpu.memory_space<vmem_shared>> -> memref<10240x64xf32, #tpu.memory_space<vmem_shared>>
        tpu.wait_indirect_dma semaphore(%arg26 : memref<!tpu.dma_semaphore, #tpu.memory_space<semaphore_mem>>) src(%arg14 : memref<128x64xf32, #tpu.memory_space<vmem>>) dst(%dma_wait3A_786 : memref<10240x64xf32, #tpu.memory_space<vmem_shared>>)
        %dma_start3A_787 = arith.constant 1664 : i32
        %dma_start3A_788 = tpu.memref_slice %arg10[%dma_start3A_787] : memref<2560xi32, #tpu.memory_space<vmem>> -> memref<128xi32, #tpu.memory_space<vmem>>
        %dma_start3A_789 = arith.constant 0 : i32
        %dma_start3A_790 = arith.constant 0 : i32
        %dma_start3A_791 = tpu.memref_slice %arg6[%dma_start3A_789, %dma_start3A_790] : memref<10240x64xf32, #tpu.memory_space<vmem_shared>> -> memref<10240x64xf32, #tpu.memory_space<vmem_shared>>
        tpu.enqueue_indirect_dma source(%dma_start3A_791 : memref<10240x64xf32, #tpu.memory_space<vmem_shared>>) target(%arg14 : memref<128x64xf32, #tpu.memory_space<vmem>>) offsets(%dma_start3A_788 : memref<128xi32, #tpu.memory_space<vmem>>) semaphore(%arg24 : memref<!tpu.dma_semaphore, #tpu.memory_space<semaphore_mem>>)
        %dma_wait3A_792 = arith.constant 1664 : i32
        %dma_wait3A_793 = tpu.memref_slice %arg10[%dma_wait3A_792] : memref<2560xi32, #tpu.memory_space<vmem>> -> memref<128xi32, #tpu.memory_space<vmem>>
        %dma_wait3A_794 = arith.constant 0 : i32
        %dma_wait3A_795 = arith.constant 0 : i32
        %dma_wait3A_796 = tpu.memref_slice %arg6[%dma_wait3A_794, %dma_wait3A_795] : memref<10240x64xf32, #tpu.memory_space<vmem_shared>> -> memref<10240x64xf32, #tpu.memory_space<vmem_shared>>
        tpu.wait_indirect_dma semaphore(%arg24 : memref<!tpu.dma_semaphore, #tpu.memory_space<semaphore_mem>>) src(%dma_wait3A_796 : memref<10240x64xf32, #tpu.memory_space<vmem_shared>>) dst(%arg14 : memref<128x64xf32, #tpu.memory_space<vmem>>)
        %dma_start3A_797 = arith.constant 1664 : i32
        %dma_start3A_798 = tpu.memref_slice %arg12[%dma_start3A_797] : memref<2560xi32, #tpu.memory_space<vmem>> -> memref<128xi32, #tpu.memory_space<vmem>>
        %dma_start3A_799 = arith.constant 0 : i32
        %dma_start3A_800 = arith.constant 0 : i32
        %dma_start3A_801 = tpu.memref_slice %arg7[%dma_start3A_799, %dma_start3A_800] : memref<10240x64xf32, #tpu.memory_space<vmem_shared>> -> memref<10240x64xf32, #tpu.memory_space<vmem_shared>>
        tpu.enqueue_indirect_dma source(%arg14 : memref<128x64xf32, #tpu.memory_space<vmem>>) target(%dma_start3A_801 : memref<10240x64xf32, #tpu.memory_space<vmem_shared>>) offsets(%dma_start3A_798 : memref<128xi32, #tpu.memory_space<vmem>>) semaphore(%arg26 : memref<!tpu.dma_semaphore, #tpu.memory_space<semaphore_mem>>) {add = true}
        %dma_wait3A_802 = arith.constant 1536 : i32
        %dma_wait3A_803 = tpu.memref_slice %arg12[%dma_wait3A_802] : memref<2560xi32, #tpu.memory_space<vmem>> -> memref<128xi32, #tpu.memory_space<vmem>>
        %dma_wait3A_804 = arith.constant 0 : i32
        %dma_wait3A_805 = arith.constant 0 : i32
        %dma_wait3A_806 = tpu.memref_slice %arg7[%dma_wait3A_804, %dma_wait3A_805] : memref<10240x64xf32, #tpu.memory_space<vmem_shared>> -> memref<10240x64xf32, #tpu.memory_space<vmem_shared>>
        tpu.wait_indirect_dma semaphore(%arg25 : memref<!tpu.dma_semaphore, #tpu.memory_space<semaphore_mem>>) src(%arg13 : memref<128x64xf32, #tpu.memory_space<vmem>>) dst(%dma_wait3A_806 : memref<10240x64xf32, #tpu.memory_space<vmem_shared>>)
        %dma_start3A_807 = arith.constant 1792 : i32
        %dma_start3A_808 = tpu.memref_slice %arg10[%dma_start3A_807] : memref<2560xi32, #tpu.memory_space<vmem>> -> memref<128xi32, #tpu.memory_space<vmem>>
        %dma_start3A_809 = arith.constant 0 : i32
        %dma_start3A_810 = arith.constant 0 : i32
        %dma_start3A_811 = tpu.memref_slice %arg6[%dma_start3A_809, %dma_start3A_810] : memref<10240x64xf32, #tpu.memory_space<vmem_shared>> -> memref<10240x64xf32, #tpu.memory_space<vmem_shared>>
        tpu.enqueue_indirect_dma source(%dma_start3A_811 : memref<10240x64xf32, #tpu.memory_space<vmem_shared>>) target(%arg13 : memref<128x64xf32, #tpu.memory_space<vmem>>) offsets(%dma_start3A_808 : memref<128xi32, #tpu.memory_space<vmem>>) semaphore(%arg23 : memref<!tpu.dma_semaphore, #tpu.memory_space<semaphore_mem>>)
        %dma_wait3A_812 = arith.constant 1792 : i32
        %dma_wait3A_813 = tpu.memref_slice %arg10[%dma_wait3A_812] : memref<2560xi32, #tpu.memory_space<vmem>> -> memref<128xi32, #tpu.memory_space<vmem>>
        %dma_wait3A_814 = arith.constant 0 : i32
        %dma_wait3A_815 = arith.constant 0 : i32
        %dma_wait3A_816 = tpu.memref_slice %arg6[%dma_wait3A_814, %dma_wait3A_815] : memref<10240x64xf32, #tpu.memory_space<vmem_shared>> -> memref<10240x64xf32, #tpu.memory_space<vmem_shared>>
        tpu.wait_indirect_dma semaphore(%arg23 : memref<!tpu.dma_semaphore, #tpu.memory_space<semaphore_mem>>) src(%dma_wait3A_816 : memref<10240x64xf32, #tpu.memory_space<vmem_shared>>) dst(%arg13 : memref<128x64xf32, #tpu.memory_space<vmem>>)
        %dma_start3A_817 = arith.constant 1792 : i32
        %dma_start3A_818 = tpu.memref_slice %arg12[%dma_start3A_817] : memref<2560xi32, #tpu.memory_space<vmem>> -> memref<128xi32, #tpu.memory_space<vmem>>
        %dma_start3A_819 = arith.constant 0 : i32
        %dma_start3A_820 = arith.constant 0 : i32
        %dma_start3A_821 = tpu.memref_slice %arg7[%dma_start3A_819, %dma_start3A_820] : memref<10240x64xf32, #tpu.memory_space<vmem_shared>> -> memref<10240x64xf32, #tpu.memory_space<vmem_shared>>
        tpu.enqueue_indirect_dma source(%arg13 : memref<128x64xf32, #tpu.memory_space<vmem>>) target(%dma_start3A_821 : memref<10240x64xf32, #tpu.memory_space<vmem_shared>>) offsets(%dma_start3A_818 : memref<128xi32, #tpu.memory_space<vmem>>) semaphore(%arg25 : memref<!tpu.dma_semaphore, #tpu.memory_space<semaphore_mem>>) {add = true}
        %dma_wait3A_822 = arith.constant 1664 : i32
        %dma_wait3A_823 = tpu.memref_slice %arg12[%dma_wait3A_822] : memref<2560xi32, #tpu.memory_space<vmem>> -> memref<128xi32, #tpu.memory_space<vmem>>
        %dma_wait3A_824 = arith.constant 0 : i32
        %dma_wait3A_825 = arith.constant 0 : i32
        %dma_wait3A_826 = tpu.memref_slice %arg7[%dma_wait3A_824, %dma_wait3A_825] : memref<10240x64xf32, #tpu.memory_space<vmem_shared>> -> memref<10240x64xf32, #tpu.memory_space<vmem_shared>>
        tpu.wait_indirect_dma semaphore(%arg26 : memref<!tpu.dma_semaphore, #tpu.memory_space<semaphore_mem>>) src(%arg14 : memref<128x64xf32, #tpu.memory_space<vmem>>) dst(%dma_wait3A_826 : memref<10240x64xf32, #tpu.memory_space<vmem_shared>>)
        %dma_start3A_827 = arith.constant 1920 : i32
        %dma_start3A_828 = tpu.memref_slice %arg10[%dma_start3A_827] : memref<2560xi32, #tpu.memory_space<vmem>> -> memref<128xi32, #tpu.memory_space<vmem>>
        %dma_start3A_829 = arith.constant 0 : i32
        %dma_start3A_830 = arith.constant 0 : i32
        %dma_start3A_831 = tpu.memref_slice %arg6[%dma_start3A_829, %dma_start3A_830] : memref<10240x64xf32, #tpu.memory_space<vmem_shared>> -> memref<10240x64xf32, #tpu.memory_space<vmem_shared>>
        tpu.enqueue_indirect_dma source(%dma_start3A_831 : memref<10240x64xf32, #tpu.memory_space<vmem_shared>>) target(%arg14 : memref<128x64xf32, #tpu.memory_space<vmem>>) offsets(%dma_start3A_828 : memref<128xi32, #tpu.memory_space<vmem>>) semaphore(%arg24 : memref<!tpu.dma_semaphore, #tpu.memory_space<semaphore_mem>>)
        %dma_wait3A_832 = arith.constant 1920 : i32
        %dma_wait3A_833 = tpu.memref_slice %arg10[%dma_wait3A_832] : memref<2560xi32, #tpu.memory_space<vmem>> -> memref<128xi32, #tpu.memory_space<vmem>>
        %dma_wait3A_834 = arith.constant 0 : i32
        %dma_wait3A_835 = arith.constant 0 : i32
        %dma_wait3A_836 = tpu.memref_slice %arg6[%dma_wait3A_834, %dma_wait3A_835] : memref<10240x64xf32, #tpu.memory_space<vmem_shared>> -> memref<10240x64xf32, #tpu.memory_space<vmem_shared>>
        tpu.wait_indirect_dma semaphore(%arg24 : memref<!tpu.dma_semaphore, #tpu.memory_space<semaphore_mem>>) src(%dma_wait3A_836 : memref<10240x64xf32, #tpu.memory_space<vmem_shared>>) dst(%arg14 : memref<128x64xf32, #tpu.memory_space<vmem>>)
        %dma_start3A_837 = arith.constant 1920 : i32
        %dma_start3A_838 = tpu.memref_slice %arg12[%dma_start3A_837] : memref<2560xi32, #tpu.memory_space<vmem>> -> memref<128xi32, #tpu.memory_space<vmem>>
        %dma_start3A_839 = arith.constant 0 : i32
        %dma_start3A_840 = arith.constant 0 : i32
        %dma_start3A_841 = tpu.memref_slice %arg7[%dma_start3A_839, %dma_start3A_840] : memref<10240x64xf32, #tpu.memory_space<vmem_shared>> -> memref<10240x64xf32, #tpu.memory_space<vmem_shared>>
        tpu.enqueue_indirect_dma source(%arg14 : memref<128x64xf32, #tpu.memory_space<vmem>>) target(%dma_start3A_841 : memref<10240x64xf32, #tpu.memory_space<vmem_shared>>) offsets(%dma_start3A_838 : memref<128xi32, #tpu.memory_space<vmem>>) semaphore(%arg26 : memref<!tpu.dma_semaphore, #tpu.memory_space<semaphore_mem>>) {add = true}
        %dma_wait3A_842 = arith.constant 1792 : i32
        %dma_wait3A_843 = tpu.memref_slice %arg12[%dma_wait3A_842] : memref<2560xi32, #tpu.memory_space<vmem>> -> memref<128xi32, #tpu.memory_space<vmem>>
        %dma_wait3A_844 = arith.constant 0 : i32
        %dma_wait3A_845 = arith.constant 0 : i32
        %dma_wait3A_846 = tpu.memref_slice %arg7[%dma_wait3A_844, %dma_wait3A_845] : memref<10240x64xf32, #tpu.memory_space<vmem_shared>> -> memref<10240x64xf32, #tpu.memory_space<vmem_shared>>
        tpu.wait_indirect_dma semaphore(%arg25 : memref<!tpu.dma_semaphore, #tpu.memory_space<semaphore_mem>>) src(%arg13 : memref<128x64xf32, #tpu.memory_space<vmem>>) dst(%dma_wait3A_846 : memref<10240x64xf32, #tpu.memory_space<vmem_shared>>)
        %dma_start3A_847 = arith.constant 2048 : i32
        %dma_start3A_848 = tpu.memref_slice %arg10[%dma_start3A_847] : memref<2560xi32, #tpu.memory_space<vmem>> -> memref<128xi32, #tpu.memory_space<vmem>>
        %dma_start3A_849 = arith.constant 0 : i32
        %dma_start3A_850 = arith.constant 0 : i32
        %dma_start3A_851 = tpu.memref_slice %arg6[%dma_start3A_849, %dma_start3A_850] : memref<10240x64xf32, #tpu.memory_space<vmem_shared>> -> memref<10240x64xf32, #tpu.memory_space<vmem_shared>>
        tpu.enqueue_indirect_dma source(%dma_start3A_851 : memref<10240x64xf32, #tpu.memory_space<vmem_shared>>) target(%arg13 : memref<128x64xf32, #tpu.memory_space<vmem>>) offsets(%dma_start3A_848 : memref<128xi32, #tpu.memory_space<vmem>>) semaphore(%arg23 : memref<!tpu.dma_semaphore, #tpu.memory_space<semaphore_mem>>)
        %dma_wait3A_852 = arith.constant 2048 : i32
        %dma_wait3A_853 = tpu.memref_slice %arg10[%dma_wait3A_852] : memref<2560xi32, #tpu.memory_space<vmem>> -> memref<128xi32, #tpu.memory_space<vmem>>
        %dma_wait3A_854 = arith.constant 0 : i32
        %dma_wait3A_855 = arith.constant 0 : i32
        %dma_wait3A_856 = tpu.memref_slice %arg6[%dma_wait3A_854, %dma_wait3A_855] : memref<10240x64xf32, #tpu.memory_space<vmem_shared>> -> memref<10240x64xf32, #tpu.memory_space<vmem_shared>>
        tpu.wait_indirect_dma semaphore(%arg23 : memref<!tpu.dma_semaphore, #tpu.memory_space<semaphore_mem>>) src(%dma_wait3A_856 : memref<10240x64xf32, #tpu.memory_space<vmem_shared>>) dst(%arg13 : memref<128x64xf32, #tpu.memory_space<vmem>>)
        %dma_start3A_857 = arith.constant 2048 : i32
        %dma_start3A_858 = tpu.memref_slice %arg12[%dma_start3A_857] : memref<2560xi32, #tpu.memory_space<vmem>> -> memref<128xi32, #tpu.memory_space<vmem>>
        %dma_start3A_859 = arith.constant 0 : i32
        %dma_start3A_860 = arith.constant 0 : i32
        %dma_start3A_861 = tpu.memref_slice %arg7[%dma_start3A_859, %dma_start3A_860] : memref<10240x64xf32, #tpu.memory_space<vmem_shared>> -> memref<10240x64xf32, #tpu.memory_space<vmem_shared>>
        tpu.enqueue_indirect_dma source(%arg13 : memref<128x64xf32, #tpu.memory_space<vmem>>) target(%dma_start3A_861 : memref<10240x64xf32, #tpu.memory_space<vmem_shared>>) offsets(%dma_start3A_858 : memref<128xi32, #tpu.memory_space<vmem>>) semaphore(%arg25 : memref<!tpu.dma_semaphore, #tpu.memory_space<semaphore_mem>>) {add = true}
        %dma_wait3A_862 = arith.constant 1920 : i32
        %dma_wait3A_863 = tpu.memref_slice %arg12[%dma_wait3A_862] : memref<2560xi32, #tpu.memory_space<vmem>> -> memref<128xi32, #tpu.memory_space<vmem>>
        %dma_wait3A_864 = arith.constant 0 : i32
        %dma_wait3A_865 = arith.constant 0 : i32
        %dma_wait3A_866 = tpu.memref_slice %arg7[%dma_wait3A_864, %dma_wait3A_865] : memref<10240x64xf32, #tpu.memory_space<vmem_shared>> -> memref<10240x64xf32, #tpu.memory_space<vmem_shared>>
        tpu.wait_indirect_dma semaphore(%arg26 : memref<!tpu.dma_semaphore, #tpu.memory_space<semaphore_mem>>) src(%arg14 : memref<128x64xf32, #tpu.memory_space<vmem>>) dst(%dma_wait3A_866 : memref<10240x64xf32, #tpu.memory_space<vmem_shared>>)
        %dma_start3A_867 = arith.constant 2176 : i32
        %dma_start3A_868 = tpu.memref_slice %arg10[%dma_start3A_867] : memref<2560xi32, #tpu.memory_space<vmem>> -> memref<128xi32, #tpu.memory_space<vmem>>
        %dma_start3A_869 = arith.constant 0 : i32
        %dma_start3A_870 = arith.constant 0 : i32
        %dma_start3A_871 = tpu.memref_slice %arg6[%dma_start3A_869, %dma_start3A_870] : memref<10240x64xf32, #tpu.memory_space<vmem_shared>> -> memref<10240x64xf32, #tpu.memory_space<vmem_shared>>
        tpu.enqueue_indirect_dma source(%dma_start3A_871 : memref<10240x64xf32, #tpu.memory_space<vmem_shared>>) target(%arg14 : memref<128x64xf32, #tpu.memory_space<vmem>>) offsets(%dma_start3A_868 : memref<128xi32, #tpu.memory_space<vmem>>) semaphore(%arg24 : memref<!tpu.dma_semaphore, #tpu.memory_space<semaphore_mem>>)
        %dma_wait3A_872 = arith.constant 2176 : i32
        %dma_wait3A_873 = tpu.memref_slice %arg10[%dma_wait3A_872] : memref<2560xi32, #tpu.memory_space<vmem>> -> memref<128xi32, #tpu.memory_space<vmem>>
        %dma_wait3A_874 = arith.constant 0 : i32
        %dma_wait3A_875 = arith.constant 0 : i32
        %dma_wait3A_876 = tpu.memref_slice %arg6[%dma_wait3A_874, %dma_wait3A_875] : memref<10240x64xf32, #tpu.memory_space<vmem_shared>> -> memref<10240x64xf32, #tpu.memory_space<vmem_shared>>
        tpu.wait_indirect_dma semaphore(%arg24 : memref<!tpu.dma_semaphore, #tpu.memory_space<semaphore_mem>>) src(%dma_wait3A_876 : memref<10240x64xf32, #tpu.memory_space<vmem_shared>>) dst(%arg14 : memref<128x64xf32, #tpu.memory_space<vmem>>)
        %dma_start3A_877 = arith.constant 2176 : i32
        %dma_start3A_878 = tpu.memref_slice %arg12[%dma_start3A_877] : memref<2560xi32, #tpu.memory_space<vmem>> -> memref<128xi32, #tpu.memory_space<vmem>>
        %dma_start3A_879 = arith.constant 0 : i32
        %dma_start3A_880 = arith.constant 0 : i32
        %dma_start3A_881 = tpu.memref_slice %arg7[%dma_start3A_879, %dma_start3A_880] : memref<10240x64xf32, #tpu.memory_space<vmem_shared>> -> memref<10240x64xf32, #tpu.memory_space<vmem_shared>>
        tpu.enqueue_indirect_dma source(%arg14 : memref<128x64xf32, #tpu.memory_space<vmem>>) target(%dma_start3A_881 : memref<10240x64xf32, #tpu.memory_space<vmem_shared>>) offsets(%dma_start3A_878 : memref<128xi32, #tpu.memory_space<vmem>>) semaphore(%arg26 : memref<!tpu.dma_semaphore, #tpu.memory_space<semaphore_mem>>) {add = true}
        %dma_wait3A_882 = arith.constant 2048 : i32
        %dma_wait3A_883 = tpu.memref_slice %arg12[%dma_wait3A_882] : memref<2560xi32, #tpu.memory_space<vmem>> -> memref<128xi32, #tpu.memory_space<vmem>>
        %dma_wait3A_884 = arith.constant 0 : i32
        %dma_wait3A_885 = arith.constant 0 : i32
        %dma_wait3A_886 = tpu.memref_slice %arg7[%dma_wait3A_884, %dma_wait3A_885] : memref<10240x64xf32, #tpu.memory_space<vmem_shared>> -> memref<10240x64xf32, #tpu.memory_space<vmem_shared>>
        tpu.wait_indirect_dma semaphore(%arg25 : memref<!tpu.dma_semaphore, #tpu.memory_space<semaphore_mem>>) src(%arg13 : memref<128x64xf32, #tpu.memory_space<vmem>>) dst(%dma_wait3A_886 : memref<10240x64xf32, #tpu.memory_space<vmem_shared>>)
        %dma_start3A_887 = arith.constant 2304 : i32
        %dma_start3A_888 = tpu.memref_slice %arg10[%dma_start3A_887] : memref<2560xi32, #tpu.memory_space<vmem>> -> memref<128xi32, #tpu.memory_space<vmem>>
        %dma_start3A_889 = arith.constant 0 : i32
        %dma_start3A_890 = arith.constant 0 : i32
        %dma_start3A_891 = tpu.memref_slice %arg6[%dma_start3A_889, %dma_start3A_890] : memref<10240x64xf32, #tpu.memory_space<vmem_shared>> -> memref<10240x64xf32, #tpu.memory_space<vmem_shared>>
        tpu.enqueue_indirect_dma source(%dma_start3A_891 : memref<10240x64xf32, #tpu.memory_space<vmem_shared>>) target(%arg13 : memref<128x64xf32, #tpu.memory_space<vmem>>) offsets(%dma_start3A_888 : memref<128xi32, #tpu.memory_space<vmem>>) semaphore(%arg23 : memref<!tpu.dma_semaphore, #tpu.memory_space<semaphore_mem>>)
        %dma_wait3A_892 = arith.constant 2304 : i32
        %dma_wait3A_893 = tpu.memref_slice %arg10[%dma_wait3A_892] : memref<2560xi32, #tpu.memory_space<vmem>> -> memref<128xi32, #tpu.memory_space<vmem>>
        %dma_wait3A_894 = arith.constant 0 : i32
        %dma_wait3A_895 = arith.constant 0 : i32
        %dma_wait3A_896 = tpu.memref_slice %arg6[%dma_wait3A_894, %dma_wait3A_895] : memref<10240x64xf32, #tpu.memory_space<vmem_shared>> -> memref<10240x64xf32, #tpu.memory_space<vmem_shared>>
        tpu.wait_indirect_dma semaphore(%arg23 : memref<!tpu.dma_semaphore, #tpu.memory_space<semaphore_mem>>) src(%dma_wait3A_896 : memref<10240x64xf32, #tpu.memory_space<vmem_shared>>) dst(%arg13 : memref<128x64xf32, #tpu.memory_space<vmem>>)
        %dma_start3A_897 = arith.constant 2304 : i32
        %dma_start3A_898 = tpu.memref_slice %arg12[%dma_start3A_897] : memref<2560xi32, #tpu.memory_space<vmem>> -> memref<128xi32, #tpu.memory_space<vmem>>
        %dma_start3A_899 = arith.constant 0 : i32
        %dma_start3A_900 = arith.constant 0 : i32
        %dma_start3A_901 = tpu.memref_slice %arg7[%dma_start3A_899, %dma_start3A_900] : memref<10240x64xf32, #tpu.memory_space<vmem_shared>> -> memref<10240x64xf32, #tpu.memory_space<vmem_shared>>
        tpu.enqueue_indirect_dma source(%arg13 : memref<128x64xf32, #tpu.memory_space<vmem>>) target(%dma_start3A_901 : memref<10240x64xf32, #tpu.memory_space<vmem_shared>>) offsets(%dma_start3A_898 : memref<128xi32, #tpu.memory_space<vmem>>) semaphore(%arg25 : memref<!tpu.dma_semaphore, #tpu.memory_space<semaphore_mem>>) {add = true}
        %dma_wait3A_902 = arith.constant 2176 : i32
        %dma_wait3A_903 = tpu.memref_slice %arg12[%dma_wait3A_902] : memref<2560xi32, #tpu.memory_space<vmem>> -> memref<128xi32, #tpu.memory_space<vmem>>
        %dma_wait3A_904 = arith.constant 0 : i32
        %dma_wait3A_905 = arith.constant 0 : i32
        %dma_wait3A_906 = tpu.memref_slice %arg7[%dma_wait3A_904, %dma_wait3A_905] : memref<10240x64xf32, #tpu.memory_space<vmem_shared>> -> memref<10240x64xf32, #tpu.memory_space<vmem_shared>>
        tpu.wait_indirect_dma semaphore(%arg26 : memref<!tpu.dma_semaphore, #tpu.memory_space<semaphore_mem>>) src(%arg14 : memref<128x64xf32, #tpu.memory_space<vmem>>) dst(%dma_wait3A_906 : memref<10240x64xf32, #tpu.memory_space<vmem_shared>>)
        %dma_start3A_907 = arith.constant 2432 : i32
        %dma_start3A_908 = tpu.memref_slice %arg10[%dma_start3A_907] : memref<2560xi32, #tpu.memory_space<vmem>> -> memref<128xi32, #tpu.memory_space<vmem>>
        %dma_start3A_909 = arith.constant 0 : i32
        %dma_start3A_910 = arith.constant 0 : i32
        %dma_start3A_911 = tpu.memref_slice %arg6[%dma_start3A_909, %dma_start3A_910] : memref<10240x64xf32, #tpu.memory_space<vmem_shared>> -> memref<10240x64xf32, #tpu.memory_space<vmem_shared>>
        tpu.enqueue_indirect_dma source(%dma_start3A_911 : memref<10240x64xf32, #tpu.memory_space<vmem_shared>>) target(%arg14 : memref<128x64xf32, #tpu.memory_space<vmem>>) offsets(%dma_start3A_908 : memref<128xi32, #tpu.memory_space<vmem>>) semaphore(%arg24 : memref<!tpu.dma_semaphore, #tpu.memory_space<semaphore_mem>>)
        %dma_wait3A_912 = arith.constant 2432 : i32
        %dma_wait3A_913 = tpu.memref_slice %arg10[%dma_wait3A_912] : memref<2560xi32, #tpu.memory_space<vmem>> -> memref<128xi32, #tpu.memory_space<vmem>>
        %dma_wait3A_914 = arith.constant 0 : i32
        %dma_wait3A_915 = arith.constant 0 : i32
        %dma_wait3A_916 = tpu.memref_slice %arg6[%dma_wait3A_914, %dma_wait3A_915] : memref<10240x64xf32, #tpu.memory_space<vmem_shared>> -> memref<10240x64xf32, #tpu.memory_space<vmem_shared>>
        tpu.wait_indirect_dma semaphore(%arg24 : memref<!tpu.dma_semaphore, #tpu.memory_space<semaphore_mem>>) src(%dma_wait3A_916 : memref<10240x64xf32, #tpu.memory_space<vmem_shared>>) dst(%arg14 : memref<128x64xf32, #tpu.memory_space<vmem>>)
        %dma_start3A_917 = arith.constant 2432 : i32
        %dma_start3A_918 = tpu.memref_slice %arg12[%dma_start3A_917] : memref<2560xi32, #tpu.memory_space<vmem>> -> memref<128xi32, #tpu.memory_space<vmem>>
        %dma_start3A_919 = arith.constant 0 : i32
        %dma_start3A_920 = arith.constant 0 : i32
        %dma_start3A_921 = tpu.memref_slice %arg7[%dma_start3A_919, %dma_start3A_920] : memref<10240x64xf32, #tpu.memory_space<vmem_shared>> -> memref<10240x64xf32, #tpu.memory_space<vmem_shared>>
        tpu.enqueue_indirect_dma source(%arg14 : memref<128x64xf32, #tpu.memory_space<vmem>>) target(%dma_start3A_921 : memref<10240x64xf32, #tpu.memory_space<vmem_shared>>) offsets(%dma_start3A_918 : memref<128xi32, #tpu.memory_space<vmem>>) semaphore(%arg26 : memref<!tpu.dma_semaphore, #tpu.memory_space<semaphore_mem>>) {add = true}
        %dma_wait3A_922 = arith.constant 2304 : i32
        %dma_wait3A_923 = tpu.memref_slice %arg12[%dma_wait3A_922] : memref<2560xi32, #tpu.memory_space<vmem>> -> memref<128xi32, #tpu.memory_space<vmem>>
        %dma_wait3A_924 = arith.constant 0 : i32
        %dma_wait3A_925 = arith.constant 0 : i32
        %dma_wait3A_926 = tpu.memref_slice %arg7[%dma_wait3A_924, %dma_wait3A_925] : memref<10240x64xf32, #tpu.memory_space<vmem_shared>> -> memref<10240x64xf32, #tpu.memory_space<vmem_shared>>
        tpu.wait_indirect_dma semaphore(%arg25 : memref<!tpu.dma_semaphore, #tpu.memory_space<semaphore_mem>>) src(%arg13 : memref<128x64xf32, #tpu.memory_space<vmem>>) dst(%dma_wait3A_926 : memref<10240x64xf32, #tpu.memory_space<vmem_shared>>)
        %dma_wait3A_927 = arith.constant 2432 : i32
        %dma_wait3A_928 = tpu.memref_slice %arg12[%dma_wait3A_927] : memref<2560xi32, #tpu.memory_space<vmem>> -> memref<128xi32, #tpu.memory_space<vmem>>
        %dma_wait3A_929 = arith.constant 0 : i32
        %dma_wait3A_930 = arith.constant 0 : i32
        %dma_wait3A_931 = tpu.memref_slice %arg7[%dma_wait3A_929, %dma_wait3A_930] : memref<10240x64xf32, #tpu.memory_space<vmem_shared>> -> memref<10240x64xf32, #tpu.memory_space<vmem_shared>>
        tpu.wait_indirect_dma semaphore(%arg26 : memref<!tpu.dma_semaphore, #tpu.memory_space<semaphore_mem>>) src(%arg14 : memref<128x64xf32, #tpu.memory_space<vmem>>) dst(%dma_wait3A_931 : memref<10240x64xf32, #tpu.memory_space<vmem_shared>>)
      }
      %scan3A_64 = arith.constant 4 : i32
      %lt3A = arith.constant 9 : i32
      %lt3A_65 = arith.cmpi slt, %add3A_59, %lt3A : i32
      %convert_element_type3A = arith.extui %lt3A_65 : i1 to i32
      %cond3A = arith.constant 0 : i32
      %cond3A_66 = arith.cmpi ne, %convert_element_type3A, %cond3A : i32
      scf.if %cond3A_66 {
        %mul3A_90 = arith.constant 160 : i32
        %mul3A_91 = arith.muli %arg1, %mul3A_90 : i32
        %add3A_92 = arith.constant 0 : i32
        %add3A_93 = arith.addi %mul3A_91, %add3A_92 : i32
        %mul3A_94 = arith.constant 128 : i32
        %mul3A_95 = arith.muli %add3A_93, %mul3A_94 : i32
        %dma_start3A_96 = tpu.memref_slice %arg3[%mul3A_95] : memref<327680xi32, #tpu.memory_space<hbm>> -> memref<2560xi32, #tpu.memory_space<hbm>>
        %dma_start3A_97 = tpu.memref_slice %arg3[%mul3A_95] : memref<327680xi32, #tpu.memory_space<hbm>> -> memref<2560xi32, #tpu.memory_space<hbm>>
        tpu.enqueue_dma source(%dma_start3A_97 : memref<2560xi32, #tpu.memory_space<hbm>>) target(%arg9 : memref<2560xi32, #tpu.memory_space<vmem>>) target_semaphore(%arg21 : memref<!tpu.dma_semaphore, #tpu.memory_space<semaphore_mem>>)
        %dma_start3A_98 = tpu.memref_slice %arg4[%mul3A_95] : memref<327680xi32, #tpu.memory_space<hbm>> -> memref<2560xi32, #tpu.memory_space<hbm>>
        %dma_start3A_99 = tpu.memref_slice %arg4[%mul3A_95] : memref<327680xi32, #tpu.memory_space<hbm>> -> memref<2560xi32, #tpu.memory_space<hbm>>
        tpu.enqueue_dma source(%dma_start3A_99 : memref<2560xi32, #tpu.memory_space<hbm>>) target(%arg11 : memref<2560xi32, #tpu.memory_space<vmem>>) target_semaphore(%arg21 : memref<!tpu.dma_semaphore, #tpu.memory_space<semaphore_mem>>)
      } else {
      }
      %barrier3A_67 = arith.constant 0 : index
      tpu.barrier barrier_id(%barrier3A_67)
      %add3A_68 = arith.constant 0 : i32
      %add3A_69 = arith.addi %mul3A_0, %add3A_68 : i32
      %dma_start3A_70 = arith.constant 0 : i32
      %dma_start3A_71 = tpu.memref_slice %arg7[%add3A_69, %dma_start3A_70] : memref<10240x64xf32, #tpu.memory_space<vmem_shared>> -> memref<32x64xf32, #tpu.memory_space<vmem_shared>>
      %dma_start3A_72 = arith.constant 0 : i32
      %dma_start3A_73 = tpu.memref_slice %arg7[%add3A_69, %dma_start3A_72] : memref<10240x64xf32, #tpu.memory_space<vmem_shared>> -> memref<32x64xf32, #tpu.memory_space<vmem_shared>>
      tpu.enqueue_dma source(%dma_start3A_73 : memref<32x64xf32, #tpu.memory_space<vmem_shared>>) target(%arg16 : memref<32x64xf32, #tpu.memory_space<vmem>>) target_semaphore(%arg30 : memref<!tpu.dma_semaphore, #tpu.memory_space<semaphore_mem>>)
      %dma_start3A_74 = arith.constant 0 : i32
      %dma_start3A_75 = tpu.memref_slice %arg6[%add3A_69, %dma_start3A_74] : memref<10240x64xf32, #tpu.memory_space<vmem_shared>> -> memref<32x64xf32, #tpu.memory_space<vmem_shared>>
      %dma_start3A_76 = arith.constant 0 : i32
      %dma_start3A_77 = tpu.memref_slice %arg6[%add3A_69, %dma_start3A_76] : memref<10240x64xf32, #tpu.memory_space<vmem_shared>> -> memref<32x64xf32, #tpu.memory_space<vmem_shared>>
      tpu.enqueue_dma source(%dma_start3A_77 : memref<32x64xf32, #tpu.memory_space<vmem_shared>>) target(%arg17 : memref<32x64xf32, #tpu.memory_space<vmem>>) target_semaphore(%arg32 : memref<!tpu.dma_semaphore, #tpu.memory_space<semaphore_mem>>)
      %dma_start3A_78 = arith.constant 0 : i32
      %dma_start3A_79 = tpu.memref_slice %arg2[%arg0, %add3A_69, %dma_start3A_78] : memref<2x10240x64xf32, #tpu.memory_space<hbm>> -> memref<1x32x64xf32, #tpu.memory_space<hbm>>
      %dma_start3A_80 = tpu.memref_squeeze %dma_start3A_79 : memref<1x32x64xf32, #tpu.memory_space<hbm>> -> memref<32x64xf32, #tpu.memory_space<hbm>>
      %dma_start3A_81 = arith.constant 0 : i32
      %dma_start3A_82 = tpu.memref_slice %arg2[%arg0, %add3A_69, %dma_start3A_81] : memref<2x10240x64xf32, #tpu.memory_space<hbm>> -> memref<1x32x64xf32, #tpu.memory_space<hbm>>
      %dma_start3A_83 = tpu.memref_squeeze %dma_start3A_82 : memref<1x32x64xf32, #tpu.memory_space<hbm>> -> memref<32x64xf32, #tpu.memory_space<hbm>>
      tpu.enqueue_dma source(%dma_start3A_83 : memref<32x64xf32, #tpu.memory_space<hbm>>) target(%arg15 : memref<32x64xf32, #tpu.memory_space<vmem>>) target_semaphore(%arg34 : memref<!tpu.dma_semaphore, #tpu.memory_space<semaphore_mem>>)
      %scan3A_84 = arith.constant 0 : i32
      %scan3A_85 = arith.constant 10 : i32
      %scan3A_86 = arith.addi %scan3A_84, %scan3A_85 : i32
      %scan3A_87 = arith.constant 1 : i32
      scf.for %scan3A_90 = %scan3A_84 to %scan3A_86 step %scan3A_87  : i32 {
        %mul3A_91 = arith.constant 1 : i32
        %mul3A_92 = arith.muli %scan3A_90, %mul3A_91 : i32
        %add3A_93 = arith.constant 0 : i32
        %add3A_94 = arith.addi %add3A_93, %mul3A_92 : i32
        %mul3A_95 = arith.constant 2 : i32
        %mul3A_96 = arith.muli %mul3A_95, %add3A_94 : i32
        %add3A_97 = arith.constant 0 : i32
        %add3A_98 = arith.addi %mul3A_96, %add3A_97 : i32
        %mul3A_99 = arith.constant 32 : i32
        %mul3A_100 = arith.muli %add3A_98, %mul3A_99 : i32
        %add3A_101 = arith.addi %mul3A_0, %mul3A_100 : i32
        %dma_wait3A = arith.constant 0 : i32
        %dma_wait3A_102 = arith.constant 0 : i32
        %dma_wait3A_103 = tpu.memref_slice %arg2[%arg0, %dma_wait3A, %dma_wait3A_102] : memref<2x10240x64xf32, #tpu.memory_space<hbm>> -> memref<1x32x64xf32, #tpu.memory_space<hbm>>
        %dma_wait3A_104 = tpu.memref_squeeze %dma_wait3A_103 : memref<1x32x64xf32, #tpu.memory_space<hbm>> -> memref<32x64xf32, #tpu.memory_space<hbm>>
        %dma_wait3A_105 = arith.constant 0 : i32
        %dma_wait3A_106 = arith.constant 0 : i32
        %dma_wait3A_107 = tpu.memref_slice %arg2[%arg0, %dma_wait3A_105, %dma_wait3A_106] : memref<2x10240x64xf32, #tpu.memory_space<hbm>> -> memref<1x32x64xf32, #tpu.memory_space<hbm>>
        %dma_wait3A_108 = tpu.memref_squeeze %dma_wait3A_107 : memref<1x32x64xf32, #tpu.memory_space<hbm>> -> memref<32x64xf32, #tpu.memory_space<hbm>>
        tpu.wait_dma2 semaphore(%arg30 : memref<!tpu.dma_semaphore, #tpu.memory_space<semaphore_mem>>) src(%dma_wait3A_108 : memref<32x64xf32, #tpu.memory_space<hbm>>) dst(%arg16 : memref<32x64xf32, #tpu.memory_space<vmem>>)
        %dma_wait3A_109 = arith.constant 0 : i32
        %dma_wait3A_110 = arith.constant 0 : i32
        %dma_wait3A_111 = tpu.memref_slice %arg2[%arg0, %dma_wait3A_109, %dma_wait3A_110] : memref<2x10240x64xf32, #tpu.memory_space<hbm>> -> memref<1x32x64xf32, #tpu.memory_space<hbm>>
        %dma_wait3A_112 = tpu.memref_squeeze %dma_wait3A_111 : memref<1x32x64xf32, #tpu.memory_space<hbm>> -> memref<32x64xf32, #tpu.memory_space<hbm>>
        %dma_wait3A_113 = arith.constant 0 : i32
        %dma_wait3A_114 = arith.constant 0 : i32
        %dma_wait3A_115 = tpu.memref_slice %arg2[%arg0, %dma_wait3A_113, %dma_wait3A_114] : memref<2x10240x64xf32, #tpu.memory_space<hbm>> -> memref<1x32x64xf32, #tpu.memory_space<hbm>>
        %dma_wait3A_116 = tpu.memref_squeeze %dma_wait3A_115 : memref<1x32x64xf32, #tpu.memory_space<hbm>> -> memref<32x64xf32, #tpu.memory_space<hbm>>
        tpu.wait_dma2 semaphore(%arg32 : memref<!tpu.dma_semaphore, #tpu.memory_space<semaphore_mem>>) src(%dma_wait3A_116 : memref<32x64xf32, #tpu.memory_space<hbm>>) dst(%arg17 : memref<32x64xf32, #tpu.memory_space<vmem>>)
        %dma_wait3A_117 = arith.constant 0 : i32
        %dma_wait3A_118 = arith.constant 0 : i32
        %dma_wait3A_119 = tpu.memref_slice %arg2[%arg0, %dma_wait3A_117, %dma_wait3A_118] : memref<2x10240x64xf32, #tpu.memory_space<hbm>> -> memref<1x32x64xf32, #tpu.memory_space<hbm>>
        %dma_wait3A_120 = tpu.memref_squeeze %dma_wait3A_119 : memref<1x32x64xf32, #tpu.memory_space<hbm>> -> memref<32x64xf32, #tpu.memory_space<hbm>>
        %dma_wait3A_121 = arith.constant 0 : i32
        %dma_wait3A_122 = arith.constant 0 : i32
        %dma_wait3A_123 = tpu.memref_slice %arg2[%arg0, %dma_wait3A_121, %dma_wait3A_122] : memref<2x10240x64xf32, #tpu.memory_space<hbm>> -> memref<1x32x64xf32, #tpu.memory_space<hbm>>
        %dma_wait3A_124 = tpu.memref_squeeze %dma_wait3A_123 : memref<1x32x64xf32, #tpu.memory_space<hbm>> -> memref<32x64xf32, #tpu.memory_space<hbm>>
        tpu.wait_dma2 semaphore(%arg34 : memref<!tpu.dma_semaphore, #tpu.memory_space<semaphore_mem>>) src(%dma_wait3A_124 : memref<32x64xf32, #tpu.memory_space<hbm>>) dst(%arg15 : memref<32x64xf32, #tpu.memory_space<vmem>>)
        %add3A_125 = arith.constant 1 : i32
        %add3A_126 = arith.addi %add3A_98, %add3A_125 : i32
        %mul3A_127 = arith.constant 32 : i32
        %mul3A_128 = arith.muli %add3A_126, %mul3A_127 : i32
        %add3A_129 = arith.addi %mul3A_0, %mul3A_128 : i32
        %dma_start3A_130 = arith.constant 0 : i32
        %dma_start3A_131 = tpu.memref_slice %arg7[%add3A_129, %dma_start3A_130] : memref<10240x64xf32, #tpu.memory_space<vmem_shared>> -> memref<32x64xf32, #tpu.memory_space<vmem_shared>>
        %dma_start3A_132 = arith.constant 0 : i32
        %dma_start3A_133 = tpu.memref_slice %arg7[%add3A_129, %dma_start3A_132] : memref<10240x64xf32, #tpu.memory_space<vmem_shared>> -> memref<32x64xf32, #tpu.memory_space<vmem_shared>>
        tpu.enqueue_dma source(%dma_start3A_133 : memref<32x64xf32, #tpu.memory_space<vmem_shared>>) target(%arg28 : memref<32x64xf32, #tpu.memory_space<vmem>>) target_semaphore(%arg31 : memref<!tpu.dma_semaphore, #tpu.memory_space<semaphore_mem>>)
        %dma_start3A_134 = arith.constant 0 : i32
        %dma_start3A_135 = tpu.memref_slice %arg6[%add3A_129, %dma_start3A_134] : memref<10240x64xf32, #tpu.memory_space<vmem_shared>> -> memref<32x64xf32, #tpu.memory_space<vmem_shared>>
        %dma_start3A_136 = arith.constant 0 : i32
        %dma_start3A_137 = tpu.memref_slice %arg6[%add3A_129, %dma_start3A_136] : memref<10240x64xf32, #tpu.memory_space<vmem_shared>> -> memref<32x64xf32, #tpu.memory_space<vmem_shared>>
        tpu.enqueue_dma source(%dma_start3A_137 : memref<32x64xf32, #tpu.memory_space<vmem_shared>>) target(%arg29 : memref<32x64xf32, #tpu.memory_space<vmem>>) target_semaphore(%arg33 : memref<!tpu.dma_semaphore, #tpu.memory_space<semaphore_mem>>)
        %dma_start3A_138 = arith.constant 0 : i32
        %dma_start3A_139 = tpu.memref_slice %arg2[%arg0, %add3A_129, %dma_start3A_138] : memref<2x10240x64xf32, #tpu.memory_space<hbm>> -> memref<1x32x64xf32, #tpu.memory_space<hbm>>
        %dma_start3A_140 = tpu.memref_squeeze %dma_start3A_139 : memref<1x32x64xf32, #tpu.memory_space<hbm>> -> memref<32x64xf32, #tpu.memory_space<hbm>>
        %dma_start3A_141 = arith.constant 0 : i32
        %dma_start3A_142 = tpu.memref_slice %arg2[%arg0, %add3A_129, %dma_start3A_141] : memref<2x10240x64xf32, #tpu.memory_space<hbm>> -> memref<1x32x64xf32, #tpu.memory_space<hbm>>
        %dma_start3A_143 = tpu.memref_squeeze %dma_start3A_142 : memref<1x32x64xf32, #tpu.memory_space<hbm>> -> memref<32x64xf32, #tpu.memory_space<hbm>>
        tpu.enqueue_dma source(%dma_start3A_143 : memref<32x64xf32, #tpu.memory_space<hbm>>) target(%arg27 : memref<32x64xf32, #tpu.memory_space<vmem>>) target_semaphore(%arg35 : memref<!tpu.dma_semaphore, #tpu.memory_space<semaphore_mem>>)
        %add3A_144 = arith.constant 0 : i32
        %add3A_145 = arith.addi %add3A_101, %add3A_144 : i32
        "tpu.region"() ({
          %run_scoped3A = tpu.sem_alloc : memref<!tpu.dma_semaphore, #tpu.memory_space<semaphore_mem>>
          %dma_start3A_219 = arith.constant 0 : i32
          %dma_start3A_220 = tpu.memref_slice %arg7[%add3A_145, %dma_start3A_219] : memref<10240x64xf32, #tpu.memory_space<vmem_shared>> -> memref<16x64xf32, #tpu.memory_space<vmem_shared>>
          %dma_start3A_221 = arith.constant 0 : i32
          %dma_start3A_222 = tpu.memref_slice %arg7[%add3A_145, %dma_start3A_221] : memref<10240x64xf32, #tpu.memory_space<vmem_shared>> -> memref<16x64xf32, #tpu.memory_space<vmem_shared>>
          tpu.enqueue_dma source(%arg18 : memref<16x64xf32, #tpu.memory_space<vmem>>) target(%dma_start3A_222 : memref<16x64xf32, #tpu.memory_space<vmem_shared>>) target_semaphore(%run_scoped3A : memref<!tpu.dma_semaphore, #tpu.memory_space<semaphore_mem>>)
          %dma_wait3A_223 = arith.constant 0 : i32
          %dma_wait3A_224 = tpu.memref_slice %arg7[%add3A_145, %dma_wait3A_223] : memref<10240x64xf32, #tpu.memory_space<vmem_shared>> -> memref<16x64xf32, #tpu.memory_space<vmem_shared>>
          %dma_wait3A_225 = arith.constant 0 : i32
          %dma_wait3A_226 = tpu.memref_slice %arg7[%add3A_145, %dma_wait3A_225] : memref<10240x64xf32, #tpu.memory_space<vmem_shared>> -> memref<16x64xf32, #tpu.memory_space<vmem_shared>>
          tpu.wait_dma2 semaphore(%run_scoped3A : memref<!tpu.dma_semaphore, #tpu.memory_space<semaphore_mem>>) src(%arg18 : memref<16x64xf32, #tpu.memory_space<vmem>>) dst(%dma_wait3A_226 : memref<16x64xf32, #tpu.memory_space<vmem_shared>>)
          tpu.yield
        }) : () -> ()
        %add3A_146 = arith.constant 16 : i32
        %add3A_147 = arith.addi %add3A_101, %add3A_146 : i32
        "tpu.region"() ({
          %run_scoped3A = tpu.sem_alloc : memref<!tpu.dma_semaphore, #tpu.memory_space<semaphore_mem>>
          %dma_start3A_219 = arith.constant 0 : i32
          %dma_start3A_220 = tpu.memref_slice %arg7[%add3A_147, %dma_start3A_219] : memref<10240x64xf32, #tpu.memory_space<vmem_shared>> -> memref<16x64xf32, #tpu.memory_space<vmem_shared>>
          %dma_start3A_221 = arith.constant 0 : i32
          %dma_start3A_222 = tpu.memref_slice %arg7[%add3A_147, %dma_start3A_221] : memref<10240x64xf32, #tpu.memory_space<vmem_shared>> -> memref<16x64xf32, #tpu.memory_space<vmem_shared>>
          tpu.enqueue_dma source(%arg18 : memref<16x64xf32, #tpu.memory_space<vmem>>) target(%dma_start3A_222 : memref<16x64xf32, #tpu.memory_space<vmem_shared>>) target_semaphore(%run_scoped3A : memref<!tpu.dma_semaphore, #tpu.memory_space<semaphore_mem>>)
          %dma_wait3A_223 = arith.constant 0 : i32
          %dma_wait3A_224 = tpu.memref_slice %arg7[%add3A_147, %dma_wait3A_223] : memref<10240x64xf32, #tpu.memory_space<vmem_shared>> -> memref<16x64xf32, #tpu.memory_space<vmem_shared>>
          %dma_wait3A_225 = arith.constant 0 : i32
          %dma_wait3A_226 = tpu.memref_slice %arg7[%add3A_147, %dma_wait3A_225] : memref<10240x64xf32, #tpu.memory_space<vmem_shared>> -> memref<16x64xf32, #tpu.memory_space<vmem_shared>>
          tpu.wait_dma2 semaphore(%run_scoped3A : memref<!tpu.dma_semaphore, #tpu.memory_space<semaphore_mem>>) src(%arg18 : memref<16x64xf32, #tpu.memory_space<vmem>>) dst(%dma_wait3A_226 : memref<16x64xf32, #tpu.memory_space<vmem_shared>>)
          tpu.yield
        }) : () -> ()
        %scan3A_148 = arith.constant 0 : i32
        %scan3A_149 = arith.constant 32 : i32
        %scan3A_150 = arith.addi %scan3A_148, %scan3A_149 : i32
        %scan3A_151 = arith.constant 1 : i32
        scf.for %scan3A_219 = %scan3A_148 to %scan3A_150 step %scan3A_151  : i32 {
          %mul3A_220 = arith.constant 1 : i32
          %mul3A_221 = arith.muli %scan3A_219, %mul3A_220 : i32
          %add3A_222 = arith.constant 0 : i32
          %add3A_223 = arith.addi %add3A_222, %mul3A_221 : i32
          %add3A_224 = arith.addi %mul3A_100, %add3A_223 : i32
          %get3A = arith.index_cast %add3A_224 : i32 to index
          %get3A_225 = tpu.vector_load %arg19[%get3A] {strides = array<i32>} : memref<656xf32, #tpu.memory_space<vmem>>, vector<16xf32>,
          %get3A_226 = vector.shape_cast %get3A_225 : vector<16xf32> to vector<16xf32>
          %slice3A = vector.extract_strided_slice %get3A_226 {offsets = [0], sizes = [1], strides = [1]} : vector<16xf32> to vector<1xf32>
          %squeeze3A = vector.extract %slice3A[0] : f32 from vector<1xf32>
          %broadcast_in_dim3A = vector.broadcast %squeeze3A : f32 to vector<16xf32>
          %mul3A_227 = arith.constant 0.899999976 : f32
          %mul3A_228 = vector.broadcast %mul3A_227 : f32 to vector<16xf32>
          %mul3A_229 = arith.mulf %broadcast_in_dim3A, %mul3A_228 : vector<16xf32>
          %get3A_230 = arith.index_cast %add3A_223 : i32 to index
          %get3A_231 = arith.constant 0 : index
          %get3A_232 = tpu.vector_load %arg16[%get3A_230, %get3A_231] {strides = array<i32>} : memref<32x64xf32, #tpu.memory_space<vmem>>, vector<1x16xf32>,
          %get3A_233 = vector.shape_cast %get3A_232 : vector<1x16xf32> to vector<16xf32>
          %get3A_234 = arith.index_cast %add3A_223 : i32 to index
          %get3A_235 = arith.constant 0 : index
          %get3A_236 = tpu.vector_load %arg17[%get3A_234, %get3A_235] {strides = array<i32>} : memref<32x64xf32, #tpu.memory_space<vmem>>, vector<1x16xf32>,
          %get3A_237 = vector.shape_cast %get3A_236 : vector<1x16xf32> to vector<16xf32>
          %add3A_238 = arith.addf %get3A_233, %get3A_237 : vector<16xf32>
          %mul3A_239 = arith.mulf %mul3A_229, %add3A_238 : vector<16xf32>
          %get3A_240 = arith.index_cast %add3A_223 : i32 to index
          %get3A_241 = arith.constant 0 : index
          %get3A_242 = tpu.vector_load %arg15[%get3A_240, %get3A_241] {strides = array<i32>} : memref<32x64xf32, #tpu.memory_space<vmem>>, vector<1x16xf32>,
          %get3A_243 = vector.shape_cast %get3A_242 : vector<1x16xf32> to vector<16xf32>
          %mul3A_244 = arith.constant 1.000000e-01 : f32
          %mul3A_245 = vector.broadcast %mul3A_244 : f32 to vector<16xf32>
          %mul3A_246 = arith.mulf %mul3A_245, %get3A_243 : vector<16xf32>
          %add3A_247 = arith.addf %mul3A_239, %mul3A_246 : vector<16xf32>
          %swap3A = arith.index_cast %add3A_223 : i32 to index
          %swap3A_248 = arith.constant 0 : index
          %swap3A_249 = tpu.vector_load %arg16[%swap3A, %swap3A_248] {strides = array<i32>} : memref<32x64xf32, #tpu.memory_space<vmem>>, vector<1x16xf32>,
          %swap3A_250 = vector.shape_cast %swap3A_249 : vector<1x16xf32> to vector<16xf32>
          %swap3A_251 = vector.shape_cast %add3A_247 : vector<16xf32> to vector<1x16xf32>
          tpu.vector_store %arg16[%swap3A, %swap3A_248], %swap3A_251 {strides = array<i32>} : memref<32x64xf32, #tpu.memory_space<vmem>>, vector<1x16xf32>,
          %mul3A_252 = arith.mulf %add3A_247, %broadcast_in_dim3A : vector<16xf32>
          %swap3A_253 = arith.index_cast %add3A_223 : i32 to index
          %swap3A_254 = arith.constant 0 : index
          %swap3A_255 = tpu.vector_load %arg17[%swap3A_253, %swap3A_254] {strides = array<i32>} : memref<32x64xf32, #tpu.memory_space<vmem>>, vector<1x16xf32>,
          %swap3A_256 = vector.shape_cast %swap3A_255 : vector<1x16xf32> to vector<16xf32>
          %swap3A_257 = vector.shape_cast %mul3A_252 : vector<16xf32> to vector<1x16xf32>
          tpu.vector_store %arg17[%swap3A_253, %swap3A_254], %swap3A_257 {strides = array<i32>} : memref<32x64xf32, #tpu.memory_space<vmem>>, vector<1x16xf32>,
          %get3A_258 = arith.index_cast %add3A_223 : i32 to index
          %get3A_259 = arith.constant 16 : index
          %get3A_260 = tpu.vector_load %arg16[%get3A_258, %get3A_259] {strides = array<i32>} : memref<32x64xf32, #tpu.memory_space<vmem>>, vector<1x16xf32>,
          %get3A_261 = vector.shape_cast %get3A_260 : vector<1x16xf32> to vector<16xf32>
          %get3A_262 = arith.index_cast %add3A_223 : i32 to index
          %get3A_263 = arith.constant 16 : index
          %get3A_264 = tpu.vector_load %arg17[%get3A_262, %get3A_263] {strides = array<i32>} : memref<32x64xf32, #tpu.memory_space<vmem>>, vector<1x16xf32>,
          %get3A_265 = vector.shape_cast %get3A_264 : vector<1x16xf32> to vector<16xf32>
          %add3A_266 = arith.addf %get3A_261, %get3A_265 : vector<16xf32>
          %mul3A_267 = arith.mulf %mul3A_229, %add3A_266 : vector<16xf32>
          %get3A_268 = arith.index_cast %add3A_223 : i32 to index
          %get3A_269 = arith.constant 16 : index
          %get3A_270 = tpu.vector_load %arg15[%get3A_268, %get3A_269] {strides = array<i32>} : memref<32x64xf32, #tpu.memory_space<vmem>>, vector<1x16xf32>,
          %get3A_271 = vector.shape_cast %get3A_270 : vector<1x16xf32> to vector<16xf32>
          %mul3A_272 = arith.constant 1.000000e-01 : f32
          %mul3A_273 = vector.broadcast %mul3A_272 : f32 to vector<16xf32>
          %mul3A_274 = arith.mulf %mul3A_273, %get3A_271 : vector<16xf32>
          %add3A_275 = arith.addf %mul3A_267, %mul3A_274 : vector<16xf32>
          %swap3A_276 = arith.index_cast %add3A_223 : i32 to index
          %swap3A_277 = arith.constant 16 : index
          %swap3A_278 = tpu.vector_load %arg16[%swap3A_276, %swap3A_277] {strides = array<i32>} : memref<32x64xf32, #tpu.memory_space<vmem>>, vector<1x16xf32>,
          %swap3A_279 = vector.shape_cast %swap3A_278 : vector<1x16xf32> to vector<16xf32>
          %swap3A_280 = vector.shape_cast %add3A_275 : vector<16xf32> to vector<1x16xf32>
          tpu.vector_store %arg16[%swap3A_276, %swap3A_277], %swap3A_280 {strides = array<i32>} : memref<32x64xf32, #tpu.memory_space<vmem>>, vector<1x16xf32>,
          %mul3A_281 = arith.mulf %add3A_275, %broadcast_in_dim3A : vector<16xf32>
          %swap3A_282 = arith.index_cast %add3A_223 : i32 to index
          %swap3A_283 = arith.constant 16 : index
          %swap3A_284 = tpu.vector_load %arg17[%swap3A_282, %swap3A_283] {strides = array<i32>} : memref<32x64xf32, #tpu.memory_space<vmem>>, vector<1x16xf32>,
          %swap3A_285 = vector.shape_cast %swap3A_284 : vector<1x16xf32> to vector<16xf32>
          %swap3A_286 = vector.shape_cast %mul3A_281 : vector<16xf32> to vector<1x16xf32>
          tpu.vector_store %arg17[%swap3A_282, %swap3A_283], %swap3A_286 {strides = array<i32>} : memref<32x64xf32, #tpu.memory_space<vmem>>, vector<1x16xf32>,
          %get3A_287 = arith.index_cast %add3A_223 : i32 to index
          %get3A_288 = arith.constant 32 : index
          %get3A_289 = tpu.vector_load %arg16[%get3A_287, %get3A_288] {strides = array<i32>} : memref<32x64xf32, #tpu.memory_space<vmem>>, vector<1x16xf32>,
          %get3A_290 = vector.shape_cast %get3A_289 : vector<1x16xf32> to vector<16xf32>
          %get3A_291 = arith.index_cast %add3A_223 : i32 to index
          %get3A_292 = arith.constant 32 : index
          %get3A_293 = tpu.vector_load %arg17[%get3A_291, %get3A_292] {strides = array<i32>} : memref<32x64xf32, #tpu.memory_space<vmem>>, vector<1x16xf32>,
          %get3A_294 = vector.shape_cast %get3A_293 : vector<1x16xf32> to vector<16xf32>
          %add3A_295 = arith.addf %get3A_290, %get3A_294 : vector<16xf32>
          %mul3A_296 = arith.mulf %mul3A_229, %add3A_295 : vector<16xf32>
          %get3A_297 = arith.index_cast %add3A_223 : i32 to index
          %get3A_298 = arith.constant 32 : index
          %get3A_299 = tpu.vector_load %arg15[%get3A_297, %get3A_298] {strides = array<i32>} : memref<32x64xf32, #tpu.memory_space<vmem>>, vector<1x16xf32>,
          %get3A_300 = vector.shape_cast %get3A_299 : vector<1x16xf32> to vector<16xf32>
          %mul3A_301 = arith.constant 1.000000e-01 : f32
          %mul3A_302 = vector.broadcast %mul3A_301 : f32 to vector<16xf32>
          %mul3A_303 = arith.mulf %mul3A_302, %get3A_300 : vector<16xf32>
          %add3A_304 = arith.addf %mul3A_296, %mul3A_303 : vector<16xf32>
          %swap3A_305 = arith.index_cast %add3A_223 : i32 to index
          %swap3A_306 = arith.constant 32 : index
          %swap3A_307 = tpu.vector_load %arg16[%swap3A_305, %swap3A_306] {strides = array<i32>} : memref<32x64xf32, #tpu.memory_space<vmem>>, vector<1x16xf32>,
          %swap3A_308 = vector.shape_cast %swap3A_307 : vector<1x16xf32> to vector<16xf32>
          %swap3A_309 = vector.shape_cast %add3A_304 : vector<16xf32> to vector<1x16xf32>
          tpu.vector_store %arg16[%swap3A_305, %swap3A_306], %swap3A_309 {strides = array<i32>} : memref<32x64xf32, #tpu.memory_space<vmem>>, vector<1x16xf32>,
          %mul3A_310 = arith.mulf %add3A_304, %broadcast_in_dim3A : vector<16xf32>
          %swap3A_311 = arith.index_cast %add3A_223 : i32 to index
          %swap3A_312 = arith.constant 32 : index
          %swap3A_313 = tpu.vector_load %arg17[%swap3A_311, %swap3A_312] {strides = array<i32>} : memref<32x64xf32, #tpu.memory_space<vmem>>, vector<1x16xf32>,
          %swap3A_314 = vector.shape_cast %swap3A_313 : vector<1x16xf32> to vector<16xf32>
          %swap3A_315 = vector.shape_cast %mul3A_310 : vector<16xf32> to vector<1x16xf32>
          tpu.vector_store %arg17[%swap3A_311, %swap3A_312], %swap3A_315 {strides = array<i32>} : memref<32x64xf32, #tpu.memory_space<vmem>>, vector<1x16xf32>,
          %get3A_316 = arith.index_cast %add3A_223 : i32 to index
          %get3A_317 = arith.constant 48 : index
          %get3A_318 = tpu.vector_load %arg16[%get3A_316, %get3A_317] {strides = array<i32>} : memref<32x64xf32, #tpu.memory_space<vmem>>, vector<1x16xf32>,
          %get3A_319 = vector.shape_cast %get3A_318 : vector<1x16xf32> to vector<16xf32>
          %get3A_320 = arith.index_cast %add3A_223 : i32 to index
          %get3A_321 = arith.constant 48 : index
          %get3A_322 = tpu.vector_load %arg17[%get3A_320, %get3A_321] {strides = array<i32>} : memref<32x64xf32, #tpu.memory_space<vmem>>, vector<1x16xf32>,
          %get3A_323 = vector.shape_cast %get3A_322 : vector<1x16xf32> to vector<16xf32>
          %add3A_324 = arith.addf %get3A_319, %get3A_323 : vector<16xf32>
          %mul3A_325 = arith.mulf %mul3A_229, %add3A_324 : vector<16xf32>
          %get3A_326 = arith.index_cast %add3A_223 : i32 to index
          %get3A_327 = arith.constant 48 : index
          %get3A_328 = tpu.vector_load %arg15[%get3A_326, %get3A_327] {strides = array<i32>} : memref<32x64xf32, #tpu.memory_space<vmem>>, vector<1x16xf32>,
          %get3A_329 = vector.shape_cast %get3A_328 : vector<1x16xf32> to vector<16xf32>
          %mul3A_330 = arith.constant 1.000000e-01 : f32
          %mul3A_331 = vector.broadcast %mul3A_330 : f32 to vector<16xf32>
          %mul3A_332 = arith.mulf %mul3A_331, %get3A_329 : vector<16xf32>
          %add3A_333 = arith.addf %mul3A_325, %mul3A_332 : vector<16xf32>
          %swap3A_334 = arith.index_cast %add3A_223 : i32 to index
          %swap3A_335 = arith.constant 48 : index
          %swap3A_336 = tpu.vector_load %arg16[%swap3A_334, %swap3A_335] {strides = array<i32>} : memref<32x64xf32, #tpu.memory_space<vmem>>, vector<1x16xf32>,
          %swap3A_337 = vector.shape_cast %swap3A_336 : vector<1x16xf32> to vector<16xf32>
          %swap3A_338 = vector.shape_cast %add3A_333 : vector<16xf32> to vector<1x16xf32>
          tpu.vector_store %arg16[%swap3A_334, %swap3A_335], %swap3A_338 {strides = array<i32>} : memref<32x64xf32, #tpu.memory_space<vmem>>, vector<1x16xf32>,
          %mul3A_339 = arith.mulf %add3A_333, %broadcast_in_dim3A : vector<16xf32>
          %swap3A_340 = arith.index_cast %add3A_223 : i32 to index
          %swap3A_341 = arith.constant 48 : index
          %swap3A_342 = tpu.vector_load %arg17[%swap3A_340, %swap3A_341] {strides = array<i32>} : memref<32x64xf32, #tpu.memory_space<vmem>>, vector<1x16xf32>,
          %swap3A_343 = vector.shape_cast %swap3A_342 : vector<1x16xf32> to vector<16xf32>
          %swap3A_344 = vector.shape_cast %mul3A_339 : vector<16xf32> to vector<1x16xf32>
          tpu.vector_store %arg17[%swap3A_340, %swap3A_341], %swap3A_344 {strides = array<i32>} : memref<32x64xf32, #tpu.memory_space<vmem>>, vector<1x16xf32>,
        }
        %scan3A_152 = arith.constant 32 : i32
        %lt3A_153 = arith.constant 9 : i32
        %lt3A_154 = arith.cmpi slt, %add3A_59, %lt3A_153 : i32
        %convert_element_type3A_155 = arith.extui %lt3A_154 : i1 to i32
        %cond3A_156 = arith.constant 0 : i32
        %cond3A_157 = arith.cmpi ne, %convert_element_type3A_155, %cond3A_156 : i32
        scf.if %cond3A_157 {
          "tpu.region"() ({
            %run_scoped3A = tpu.sem_alloc : memref<!tpu.dma_semaphore, #tpu.memory_space<semaphore_mem>>
            %dma_start3A_219 = arith.constant 0 : i32
            %dma_start3A_220 = tpu.memref_slice %arg6[%add3A_101, %dma_start3A_219] : memref<10240x64xf32, #tpu.memory_space<vmem_shared>> -> memref<32x64xf32, #tpu.memory_space<vmem_shared>>
            %dma_start3A_221 = arith.constant 0 : i32
            %dma_start3A_222 = tpu.memref_slice %arg6[%add3A_101, %dma_start3A_221] : memref<10240x64xf32, #tpu.memory_space<vmem_shared>> -> memref<32x64xf32, #tpu.memory_space<vmem_shared>>
            tpu.enqueue_dma source(%arg17 : memref<32x64xf32, #tpu.memory_space<vmem>>) target(%dma_start3A_222 : memref<32x64xf32, #tpu.memory_space<vmem_shared>>) target_semaphore(%run_scoped3A : memref<!tpu.dma_semaphore, #tpu.memory_space<semaphore_mem>>)
            %dma_wait3A_223 = arith.constant 0 : i32
            %dma_wait3A_224 = tpu.memref_slice %arg6[%add3A_101, %dma_wait3A_223] : memref<10240x64xf32, #tpu.memory_space<vmem_shared>> -> memref<32x64xf32, #tpu.memory_space<vmem_shared>>
            %dma_wait3A_225 = arith.constant 0 : i32
            %dma_wait3A_226 = tpu.memref_slice %arg6[%add3A_101, %dma_wait3A_225] : memref<10240x64xf32, #tpu.memory_space<vmem_shared>> -> memref<32x64xf32, #tpu.memory_space<vmem_shared>>
            tpu.wait_dma2 semaphore(%run_scoped3A : memref<!tpu.dma_semaphore, #tpu.memory_space<semaphore_mem>>) src(%arg17 : memref<32x64xf32, #tpu.memory_space<vmem>>) dst(%dma_wait3A_226 : memref<32x64xf32, #tpu.memory_space<vmem_shared>>)
            tpu.yield
          }) : () -> ()
        } else {
        }
        %eq3A = arith.constant 9 : i32
        %eq3A_158 = arith.cmpi eq, %add3A_59, %eq3A : i32
        %convert_element_type3A_159 = arith.extui %eq3A_158 : i1 to i32
        %cond3A_160 = arith.constant 0 : i32
        %cond3A_161 = arith.cmpi ne, %convert_element_type3A_159, %cond3A_160 : i32
        scf.if %cond3A_161 {
          "tpu.region"() ({
            %run_scoped3A = tpu.sem_alloc : memref<!tpu.dma_semaphore, #tpu.memory_space<semaphore_mem>>
            %dma_start3A_219 = arith.constant 0 : i32
            %dma_start3A_220 = tpu.memref_slice %arg5[%arg0, %add3A_101, %dma_start3A_219] : memref<2x10240x64xf32, #tpu.memory_space<hbm>> -> memref<1x32x64xf32, #tpu.memory_space<hbm>>
            %dma_start3A_221 = tpu.memref_squeeze %dma_start3A_220 : memref<1x32x64xf32, #tpu.memory_space<hbm>> -> memref<32x64xf32, #tpu.memory_space<hbm>>
            %dma_start3A_222 = arith.constant 0 : i32
            %dma_start3A_223 = tpu.memref_slice %arg5[%arg0, %add3A_101, %dma_start3A_222] : memref<2x10240x64xf32, #tpu.memory_space<hbm>> -> memref<1x32x64xf32, #tpu.memory_space<hbm>>
            %dma_start3A_224 = tpu.memref_squeeze %dma_start3A_223 : memref<1x32x64xf32, #tpu.memory_space<hbm>> -> memref<32x64xf32, #tpu.memory_space<hbm>>
            tpu.enqueue_dma source(%arg16 : memref<32x64xf32, #tpu.memory_space<vmem>>) target(%dma_start3A_224 : memref<32x64xf32, #tpu.memory_space<hbm>>) target_semaphore(%run_scoped3A : memref<!tpu.dma_semaphore, #tpu.memory_space<semaphore_mem>>)
            %dma_wait3A_225 = arith.constant 0 : i32
            %dma_wait3A_226 = tpu.memref_slice %arg5[%arg0, %add3A_101, %dma_wait3A_225] : memref<2x10240x64xf32, #tpu.memory_space<hbm>> -> memref<1x32x64xf32, #tpu.memory_space<hbm>>
            %dma_wait3A_227 = tpu.memref_squeeze %dma_wait3A_226 : memref<1x32x64xf32, #tpu.memory_space<hbm>> -> memref<32x64xf32, #tpu.memory_space<hbm>>
            %dma_wait3A_228 = arith.constant 0 : i32
            %dma_wait3A_229 = tpu.memref_slice %arg5[%arg0, %add3A_101, %dma_wait3A_228] : memref<2x10240x64xf32, #tpu.memory_space<hbm>> -> memref<1x32x64xf32, #tpu.memory_space<hbm>>
            %dma_wait3A_230 = tpu.memref_squeeze %dma_wait3A_229 : memref<1x32x64xf32, #tpu.memory_space<hbm>> -> memref<32x64xf32, #tpu.memory_space<hbm>>
            tpu.wait_dma2 semaphore(%run_scoped3A : memref<!tpu.dma_semaphore, #tpu.memory_space<semaphore_mem>>) src(%arg16 : memref<32x64xf32, #tpu.memory_space<vmem>>) dst(%dma_wait3A_230 : memref<32x64xf32, #tpu.memory_space<hbm>>)
            tpu.yield
          }) : () -> ()
        } else {
        }
        %mul3A_162 = arith.constant 2 : i32
        %mul3A_163 = arith.muli %mul3A_162, %add3A_94 : i32
        %add3A_164 = arith.constant 1 : i32
        %add3A_165 = arith.addi %mul3A_163, %add3A_164 : i32
        %mul3A_166 = arith.constant 32 : i32
        %mul3A_167 = arith.muli %add3A_165, %mul3A_166 : i32
        %add3A_168 = arith.addi %mul3A_0, %mul3A_167 : i32
        %dma_wait3A_169 = arith.constant 0 : i32
        %dma_wait3A_170 = arith.constant 0 : i32
        %dma_wait3A_171 = tpu.memref_slice %arg2[%arg0, %dma_wait3A_169, %dma_wait3A_170] : memref<2x10240x64xf32, #tpu.memory_space<hbm>> -> memref<1x32x64xf32, #tpu.memory_space<hbm>>
        %dma_wait3A_172 = tpu.memref_squeeze %dma_wait3A_171 : memref<1x32x64xf32, #tpu.memory_space<hbm>> -> memref<32x64xf32, #tpu.memory_space<hbm>>
        %dma_wait3A_173 = arith.constant 0 : i32
        %dma_wait3A_174 = arith.constant 0 : i32
        %dma_wait3A_175 = tpu.memref_slice %arg2[%arg0, %dma_wait3A_173, %dma_wait3A_174] : memref<2x10240x64xf32, #tpu.memory_space<hbm>> -> memref<1x32x64xf32, #tpu.memory_space<hbm>>
        %dma_wait3A_176 = tpu.memref_squeeze %dma_wait3A_175 : memref<1x32x64xf32, #tpu.memory_space<hbm>> -> memref<32x64xf32, #tpu.memory_space<hbm>>
        tpu.wait_dma2 semaphore(%arg31 : memref<!tpu.dma_semaphore, #tpu.memory_space<semaphore_mem>>) src(%dma_wait3A_176 : memref<32x64xf32, #tpu.memory_space<hbm>>) dst(%arg28 : memref<32x64xf32, #tpu.memory_space<vmem>>)
        %dma_wait3A_177 = arith.constant 0 : i32
        %dma_wait3A_178 = arith.constant 0 : i32
        %dma_wait3A_179 = tpu.memref_slice %arg2[%arg0, %dma_wait3A_177, %dma_wait3A_178] : memref<2x10240x64xf32, #tpu.memory_space<hbm>> -> memref<1x32x64xf32, #tpu.memory_space<hbm>>
        %dma_wait3A_180 = tpu.memref_squeeze %dma_wait3A_179 : memref<1x32x64xf32, #tpu.memory_space<hbm>> -> memref<32x64xf32, #tpu.memory_space<hbm>>
        %dma_wait3A_181 = arith.constant 0 : i32
        %dma_wait3A_182 = arith.constant 0 : i32
        %dma_wait3A_183 = tpu.memref_slice %arg2[%arg0, %dma_wait3A_181, %dma_wait3A_182] : memref<2x10240x64xf32, #tpu.memory_space<hbm>> -> memref<1x32x64xf32, #tpu.memory_space<hbm>>
        %dma_wait3A_184 = tpu.memref_squeeze %dma_wait3A_183 : memref<1x32x64xf32, #tpu.memory_space<hbm>> -> memref<32x64xf32, #tpu.memory_space<hbm>>
        tpu.wait_dma2 semaphore(%arg33 : memref<!tpu.dma_semaphore, #tpu.memory_space<semaphore_mem>>) src(%dma_wait3A_184 : memref<32x64xf32, #tpu.memory_space<hbm>>) dst(%arg29 : memref<32x64xf32, #tpu.memory_space<vmem>>)
        %dma_wait3A_185 = arith.constant 0 : i32
        %dma_wait3A_186 = arith.constant 0 : i32
        %dma_wait3A_187 = tpu.memref_slice %arg2[%arg0, %dma_wait3A_185, %dma_wait3A_186] : memref<2x10240x64xf32, #tpu.memory_space<hbm>> -> memref<1x32x64xf32, #tpu.memory_space<hbm>>
        %dma_wait3A_188 = tpu.memref_squeeze %dma_wait3A_187 : memref<1x32x64xf32, #tpu.memory_space<hbm>> -> memref<32x64xf32, #tpu.memory_space<hbm>>
        %dma_wait3A_189 = arith.constant 0 : i32
        %dma_wait3A_190 = arith.constant 0 : i32
        %dma_wait3A_191 = tpu.memref_slice %arg2[%arg0, %dma_wait3A_189, %dma_wait3A_190] : memref<2x10240x64xf32, #tpu.memory_space<hbm>> -> memref<1x32x64xf32, #tpu.memory_space<hbm>>
        %dma_wait3A_192 = tpu.memref_squeeze %dma_wait3A_191 : memref<1x32x64xf32, #tpu.memory_space<hbm>> -> memref<32x64xf32, #tpu.memory_space<hbm>>
        tpu.wait_dma2 semaphore(%arg35 : memref<!tpu.dma_semaphore, #tpu.memory_space<semaphore_mem>>) src(%dma_wait3A_192 : memref<32x64xf32, #tpu.memory_space<hbm>>) dst(%arg27 : memref<32x64xf32, #tpu.memory_space<vmem>>)
        %add3A_193 = arith.constant 1 : i32
        %add3A_194 = arith.addi %add3A_165, %add3A_193 : i32
        %lt3A_195 = arith.constant 20 : i32
        %lt3A_196 = arith.cmpi slt, %add3A_194, %lt3A_195 : i32
        %convert_element_type3A_197 = arith.extui %lt3A_196 : i1 to i32
        %cond3A_198 = arith.constant 0 : i32
        %cond3A_199 = arith.cmpi ne, %convert_element_type3A_197, %cond3A_198 : i32
        scf.if %cond3A_199 {
          %add3A_219 = arith.constant 1 : i32
          %add3A_220 = arith.addi %add3A_165, %add3A_219 : i32
          %mul3A_221 = arith.constant 32 : i32
          %mul3A_222 = arith.muli %add3A_220, %mul3A_221 : i32
          %add3A_223 = arith.addi %mul3A_0, %mul3A_222 : i32
          %dma_start3A_224 = arith.constant 0 : i32
          %dma_start3A_225 = tpu.memref_slice %arg7[%add3A_223, %dma_start3A_224] : memref<10240x64xf32, #tpu.memory_space<vmem_shared>> -> memref<32x64xf32, #tpu.memory_space<vmem_shared>>
          %dma_start3A_226 = arith.constant 0 : i32
          %dma_start3A_227 = tpu.memref_slice %arg7[%add3A_223, %dma_start3A_226] : memref<10240x64xf32, #tpu.memory_space<vmem_shared>> -> memref<32x64xf32, #tpu.memory_space<vmem_shared>>
          tpu.enqueue_dma source(%dma_start3A_227 : memref<32x64xf32, #tpu.memory_space<vmem_shared>>) target(%arg16 : memref<32x64xf32, #tpu.memory_space<vmem>>) target_semaphore(%arg30 : memref<!tpu.dma_semaphore, #tpu.memory_space<semaphore_mem>>)
          %dma_start3A_228 = arith.constant 0 : i32
          %dma_start3A_229 = tpu.memref_slice %arg6[%add3A_223, %dma_start3A_228] : memref<10240x64xf32, #tpu.memory_space<vmem_shared>> -> memref<32x64xf32, #tpu.memory_space<vmem_shared>>
          %dma_start3A_230 = arith.constant 0 : i32
          %dma_start3A_231 = tpu.memref_slice %arg6[%add3A_223, %dma_start3A_230] : memref<10240x64xf32, #tpu.memory_space<vmem_shared>> -> memref<32x64xf32, #tpu.memory_space<vmem_shared>>
          tpu.enqueue_dma source(%dma_start3A_231 : memref<32x64xf32, #tpu.memory_space<vmem_shared>>) target(%arg17 : memref<32x64xf32, #tpu.memory_space<vmem>>) target_semaphore(%arg32 : memref<!tpu.dma_semaphore, #tpu.memory_space<semaphore_mem>>)
          %dma_start3A_232 = arith.constant 0 : i32
          %dma_start3A_233 = tpu.memref_slice %arg2[%arg0, %add3A_223, %dma_start3A_232] : memref<2x10240x64xf32, #tpu.memory_space<hbm>> -> memref<1x32x64xf32, #tpu.memory_space<hbm>>
          %dma_start3A_234 = tpu.memref_squeeze %dma_start3A_233 : memref<1x32x64xf32, #tpu.memory_space<hbm>> -> memref<32x64xf32, #tpu.memory_space<hbm>>
          %dma_start3A_235 = arith.constant 0 : i32
          %dma_start3A_236 = tpu.memref_slice %arg2[%arg0, %add3A_223, %dma_start3A_235] : memref<2x10240x64xf32, #tpu.memory_space<hbm>> -> memref<1x32x64xf32, #tpu.memory_space<hbm>>
          %dma_start3A_237 = tpu.memref_squeeze %dma_start3A_236 : memref<1x32x64xf32, #tpu.memory_space<hbm>> -> memref<32x64xf32, #tpu.memory_space<hbm>>
          tpu.enqueue_dma source(%dma_start3A_237 : memref<32x64xf32, #tpu.memory_space<hbm>>) target(%arg15 : memref<32x64xf32, #tpu.memory_space<vmem>>) target_semaphore(%arg34 : memref<!tpu.dma_semaphore, #tpu.memory_space<semaphore_mem>>)
        } else {
        }
        %add3A_200 = arith.constant 0 : i32
        %add3A_201 = arith.addi %add3A_168, %add3A_200 : i32
        "tpu.region"() ({
          %run_scoped3A = tpu.sem_alloc : memref<!tpu.dma_semaphore, #tpu.memory_space<semaphore_mem>>
          %dma_start3A_219 = arith.constant 0 : i32
          %dma_start3A_220 = tpu.memref_slice %arg7[%add3A_201, %dma_start3A_219] : memref<10240x64xf32, #tpu.memory_space<vmem_shared>> -> memref<16x64xf32, #tpu.memory_space<vmem_shared>>
          %dma_start3A_221 = arith.constant 0 : i32
          %dma_start3A_222 = tpu.memref_slice %arg7[%add3A_201, %dma_start3A_221] : memref<10240x64xf32, #tpu.memory_space<vmem_shared>> -> memref<16x64xf32, #tpu.memory_space<vmem_shared>>
          tpu.enqueue_dma source(%arg18 : memref<16x64xf32, #tpu.memory_space<vmem>>) target(%dma_start3A_222 : memref<16x64xf32, #tpu.memory_space<vmem_shared>>) target_semaphore(%run_scoped3A : memref<!tpu.dma_semaphore, #tpu.memory_space<semaphore_mem>>)
          %dma_wait3A_223 = arith.constant 0 : i32
          %dma_wait3A_224 = tpu.memref_slice %arg7[%add3A_201, %dma_wait3A_223] : memref<10240x64xf32, #tpu.memory_space<vmem_shared>> -> memref<16x64xf32, #tpu.memory_space<vmem_shared>>
          %dma_wait3A_225 = arith.constant 0 : i32
          %dma_wait3A_226 = tpu.memref_slice %arg7[%add3A_201, %dma_wait3A_225] : memref<10240x64xf32, #tpu.memory_space<vmem_shared>> -> memref<16x64xf32, #tpu.memory_space<vmem_shared>>
          tpu.wait_dma2 semaphore(%run_scoped3A : memref<!tpu.dma_semaphore, #tpu.memory_space<semaphore_mem>>) src(%arg18 : memref<16x64xf32, #tpu.memory_space<vmem>>) dst(%dma_wait3A_226 : memref<16x64xf32, #tpu.memory_space<vmem_shared>>)
          tpu.yield
        }) : () -> ()
        %add3A_202 = arith.constant 16 : i32
        %add3A_203 = arith.addi %add3A_168, %add3A_202 : i32
        "tpu.region"() ({
          %run_scoped3A = tpu.sem_alloc : memref<!tpu.dma_semaphore, #tpu.memory_space<semaphore_mem>>
          %dma_start3A_219 = arith.constant 0 : i32
          %dma_start3A_220 = tpu.memref_slice %arg7[%add3A_203, %dma_start3A_219] : memref<10240x64xf32, #tpu.memory_space<vmem_shared>> -> memref<16x64xf32, #tpu.memory_space<vmem_shared>>
          %dma_start3A_221 = arith.constant 0 : i32
          %dma_start3A_222 = tpu.memref_slice %arg7[%add3A_203, %dma_start3A_221] : memref<10240x64xf32, #tpu.memory_space<vmem_shared>> -> memref<16x64xf32, #tpu.memory_space<vmem_shared>>
          tpu.enqueue_dma source(%arg18 : memref<16x64xf32, #tpu.memory_space<vmem>>) target(%dma_start3A_222 : memref<16x64xf32, #tpu.memory_space<vmem_shared>>) target_semaphore(%run_scoped3A : memref<!tpu.dma_semaphore, #tpu.memory_space<semaphore_mem>>)
          %dma_wait3A_223 = arith.constant 0 : i32
          %dma_wait3A_224 = tpu.memref_slice %arg7[%add3A_203, %dma_wait3A_223] : memref<10240x64xf32, #tpu.memory_space<vmem_shared>> -> memref<16x64xf32, #tpu.memory_space<vmem_shared>>
          %dma_wait3A_225 = arith.constant 0 : i32
          %dma_wait3A_226 = tpu.memref_slice %arg7[%add3A_203, %dma_wait3A_225] : memref<10240x64xf32, #tpu.memory_space<vmem_shared>> -> memref<16x64xf32, #tpu.memory_space<vmem_shared>>
          tpu.wait_dma2 semaphore(%run_scoped3A : memref<!tpu.dma_semaphore, #tpu.memory_space<semaphore_mem>>) src(%arg18 : memref<16x64xf32, #tpu.memory_space<vmem>>) dst(%dma_wait3A_226 : memref<16x64xf32, #tpu.memory_space<vmem_shared>>)
          tpu.yield
        }) : () -> ()
        %scan3A_204 = arith.constant 0 : i32
        %scan3A_205 = arith.constant 32 : i32
        %scan3A_206 = arith.addi %scan3A_204, %scan3A_205 : i32
        %scan3A_207 = arith.constant 1 : i32
        scf.for %scan3A_219 = %scan3A_204 to %scan3A_206 step %scan3A_207  : i32 {
          %mul3A_220 = arith.constant 1 : i32
          %mul3A_221 = arith.muli %scan3A_219, %mul3A_220 : i32
          %add3A_222 = arith.constant 0 : i32
          %add3A_223 = arith.addi %add3A_222, %mul3A_221 : i32
          %add3A_224 = arith.addi %mul3A_167, %add3A_223 : i32
          %get3A = arith.index_cast %add3A_224 : i32 to index
          %get3A_225 = tpu.vector_load %arg19[%get3A] {strides = array<i32>} : memref<656xf32, #tpu.memory_space<vmem>>, vector<16xf32>,
          %get3A_226 = vector.shape_cast %get3A_225 : vector<16xf32> to vector<16xf32>
          %slice3A = vector.extract_strided_slice %get3A_226 {offsets = [0], sizes = [1], strides = [1]} : vector<16xf32> to vector<1xf32>
          %squeeze3A = vector.extract %slice3A[0] : f32 from vector<1xf32>
          %broadcast_in_dim3A = vector.broadcast %squeeze3A : f32 to vector<16xf32>
          %mul3A_227 = arith.constant 0.899999976 : f32
          %mul3A_228 = vector.broadcast %mul3A_227 : f32 to vector<16xf32>
          %mul3A_229 = arith.mulf %broadcast_in_dim3A, %mul3A_228 : vector<16xf32>
          %get3A_230 = arith.index_cast %add3A_223 : i32 to index
          %get3A_231 = arith.constant 0 : index
          %get3A_232 = tpu.vector_load %arg28[%get3A_230, %get3A_231] {strides = array<i32>} : memref<32x64xf32, #tpu.memory_space<vmem>>, vector<1x16xf32>,
          %get3A_233 = vector.shape_cast %get3A_232 : vector<1x16xf32> to vector<16xf32>
          %get3A_234 = arith.index_cast %add3A_223 : i32 to index
          %get3A_235 = arith.constant 0 : index
          %get3A_236 = tpu.vector_load %arg29[%get3A_234, %get3A_235] {strides = array<i32>} : memref<32x64xf32, #tpu.memory_space<vmem>>, vector<1x16xf32>,
          %get3A_237 = vector.shape_cast %get3A_236 : vector<1x16xf32> to vector<16xf32>
          %add3A_238 = arith.addf %get3A_233, %get3A_237 : vector<16xf32>
          %mul3A_239 = arith.mulf %mul3A_229, %add3A_238 : vector<16xf32>
          %get3A_240 = arith.index_cast %add3A_223 : i32 to index
          %get3A_241 = arith.constant 0 : index
          %get3A_242 = tpu.vector_load %arg27[%get3A_240, %get3A_241] {strides = array<i32>} : memref<32x64xf32, #tpu.memory_space<vmem>>, vector<1x16xf32>,
          %get3A_243 = vector.shape_cast %get3A_242 : vector<1x16xf32> to vector<16xf32>
          %mul3A_244 = arith.constant 1.000000e-01 : f32
          %mul3A_245 = vector.broadcast %mul3A_244 : f32 to vector<16xf32>
          %mul3A_246 = arith.mulf %mul3A_245, %get3A_243 : vector<16xf32>
          %add3A_247 = arith.addf %mul3A_239, %mul3A_246 : vector<16xf32>
          %swap3A = arith.index_cast %add3A_223 : i32 to index
          %swap3A_248 = arith.constant 0 : index
          %swap3A_249 = tpu.vector_load %arg28[%swap3A, %swap3A_248] {strides = array<i32>} : memref<32x64xf32, #tpu.memory_space<vmem>>, vector<1x16xf32>,
          %swap3A_250 = vector.shape_cast %swap3A_249 : vector<1x16xf32> to vector<16xf32>
          %swap3A_251 = vector.shape_cast %add3A_247 : vector<16xf32> to vector<1x16xf32>
          tpu.vector_store %arg28[%swap3A, %swap3A_248], %swap3A_251 {strides = array<i32>} : memref<32x64xf32, #tpu.memory_space<vmem>>, vector<1x16xf32>,
          %mul3A_252 = arith.mulf %add3A_247, %broadcast_in_dim3A : vector<16xf32>
          %swap3A_253 = arith.index_cast %add3A_223 : i32 to index
          %swap3A_254 = arith.constant 0 : index
          %swap3A_255 = tpu.vector_load %arg29[%swap3A_253, %swap3A_254] {strides = array<i32>} : memref<32x64xf32, #tpu.memory_space<vmem>>, vector<1x16xf32>,
          %swap3A_256 = vector.shape_cast %swap3A_255 : vector<1x16xf32> to vector<16xf32>
          %swap3A_257 = vector.shape_cast %mul3A_252 : vector<16xf32> to vector<1x16xf32>
          tpu.vector_store %arg29[%swap3A_253, %swap3A_254], %swap3A_257 {strides = array<i32>} : memref<32x64xf32, #tpu.memory_space<vmem>>, vector<1x16xf32>,
          %get3A_258 = arith.index_cast %add3A_223 : i32 to index
          %get3A_259 = arith.constant 16 : index
          %get3A_260 = tpu.vector_load %arg28[%get3A_258, %get3A_259] {strides = array<i32>} : memref<32x64xf32, #tpu.memory_space<vmem>>, vector<1x16xf32>,
          %get3A_261 = vector.shape_cast %get3A_260 : vector<1x16xf32> to vector<16xf32>
          %get3A_262 = arith.index_cast %add3A_223 : i32 to index
          %get3A_263 = arith.constant 16 : index
          %get3A_264 = tpu.vector_load %arg29[%get3A_262, %get3A_263] {strides = array<i32>} : memref<32x64xf32, #tpu.memory_space<vmem>>, vector<1x16xf32>,
          %get3A_265 = vector.shape_cast %get3A_264 : vector<1x16xf32> to vector<16xf32>
          %add3A_266 = arith.addf %get3A_261, %get3A_265 : vector<16xf32>
          %mul3A_267 = arith.mulf %mul3A_229, %add3A_266 : vector<16xf32>
          %get3A_268 = arith.index_cast %add3A_223 : i32 to index
          %get3A_269 = arith.constant 16 : index
          %get3A_270 = tpu.vector_load %arg27[%get3A_268, %get3A_269] {strides = array<i32>} : memref<32x64xf32, #tpu.memory_space<vmem>>, vector<1x16xf32>,
          %get3A_271 = vector.shape_cast %get3A_270 : vector<1x16xf32> to vector<16xf32>
          %mul3A_272 = arith.constant 1.000000e-01 : f32
          %mul3A_273 = vector.broadcast %mul3A_272 : f32 to vector<16xf32>
          %mul3A_274 = arith.mulf %mul3A_273, %get3A_271 : vector<16xf32>
          %add3A_275 = arith.addf %mul3A_267, %mul3A_274 : vector<16xf32>
          %swap3A_276 = arith.index_cast %add3A_223 : i32 to index
          %swap3A_277 = arith.constant 16 : index
          %swap3A_278 = tpu.vector_load %arg28[%swap3A_276, %swap3A_277] {strides = array<i32>} : memref<32x64xf32, #tpu.memory_space<vmem>>, vector<1x16xf32>,
          %swap3A_279 = vector.shape_cast %swap3A_278 : vector<1x16xf32> to vector<16xf32>
          %swap3A_280 = vector.shape_cast %add3A_275 : vector<16xf32> to vector<1x16xf32>
          tpu.vector_store %arg28[%swap3A_276, %swap3A_277], %swap3A_280 {strides = array<i32>} : memref<32x64xf32, #tpu.memory_space<vmem>>, vector<1x16xf32>,
          %mul3A_281 = arith.mulf %add3A_275, %broadcast_in_dim3A : vector<16xf32>
          %swap3A_282 = arith.index_cast %add3A_223 : i32 to index
          %swap3A_283 = arith.constant 16 : index
          %swap3A_284 = tpu.vector_load %arg29[%swap3A_282, %swap3A_283] {strides = array<i32>} : memref<32x64xf32, #tpu.memory_space<vmem>>, vector<1x16xf32>,
          %swap3A_285 = vector.shape_cast %swap3A_284 : vector<1x16xf32> to vector<16xf32>
          %swap3A_286 = vector.shape_cast %mul3A_281 : vector<16xf32> to vector<1x16xf32>
          tpu.vector_store %arg29[%swap3A_282, %swap3A_283], %swap3A_286 {strides = array<i32>} : memref<32x64xf32, #tpu.memory_space<vmem>>, vector<1x16xf32>,
          %get3A_287 = arith.index_cast %add3A_223 : i32 to index
          %get3A_288 = arith.constant 32 : index
          %get3A_289 = tpu.vector_load %arg28[%get3A_287, %get3A_288] {strides = array<i32>} : memref<32x64xf32, #tpu.memory_space<vmem>>, vector<1x16xf32>,
          %get3A_290 = vector.shape_cast %get3A_289 : vector<1x16xf32> to vector<16xf32>
          %get3A_291 = arith.index_cast %add3A_223 : i32 to index
          %get3A_292 = arith.constant 32 : index
          %get3A_293 = tpu.vector_load %arg29[%get3A_291, %get3A_292] {strides = array<i32>} : memref<32x64xf32, #tpu.memory_space<vmem>>, vector<1x16xf32>,
          %get3A_294 = vector.shape_cast %get3A_293 : vector<1x16xf32> to vector<16xf32>
          %add3A_295 = arith.addf %get3A_290, %get3A_294 : vector<16xf32>
          %mul3A_296 = arith.mulf %mul3A_229, %add3A_295 : vector<16xf32>
          %get3A_297 = arith.index_cast %add3A_223 : i32 to index
          %get3A_298 = arith.constant 32 : index
          %get3A_299 = tpu.vector_load %arg27[%get3A_297, %get3A_298] {strides = array<i32>} : memref<32x64xf32, #tpu.memory_space<vmem>>, vector<1x16xf32>,
          %get3A_300 = vector.shape_cast %get3A_299 : vector<1x16xf32> to vector<16xf32>
          %mul3A_301 = arith.constant 1.000000e-01 : f32
          %mul3A_302 = vector.broadcast %mul3A_301 : f32 to vector<16xf32>
          %mul3A_303 = arith.mulf %mul3A_302, %get3A_300 : vector<16xf32>
          %add3A_304 = arith.addf %mul3A_296, %mul3A_303 : vector<16xf32>
          %swap3A_305 = arith.index_cast %add3A_223 : i32 to index
          %swap3A_306 = arith.constant 32 : index
          %swap3A_307 = tpu.vector_load %arg28[%swap3A_305, %swap3A_306] {strides = array<i32>} : memref<32x64xf32, #tpu.memory_space<vmem>>, vector<1x16xf32>,
          %swap3A_308 = vector.shape_cast %swap3A_307 : vector<1x16xf32> to vector<16xf32>
          %swap3A_309 = vector.shape_cast %add3A_304 : vector<16xf32> to vector<1x16xf32>
          tpu.vector_store %arg28[%swap3A_305, %swap3A_306], %swap3A_309 {strides = array<i32>} : memref<32x64xf32, #tpu.memory_space<vmem>>, vector<1x16xf32>,
          %mul3A_310 = arith.mulf %add3A_304, %broadcast_in_dim3A : vector<16xf32>
          %swap3A_311 = arith.index_cast %add3A_223 : i32 to index
          %swap3A_312 = arith.constant 32 : index
          %swap3A_313 = tpu.vector_load %arg29[%swap3A_311, %swap3A_312] {strides = array<i32>} : memref<32x64xf32, #tpu.memory_space<vmem>>, vector<1x16xf32>,
          %swap3A_314 = vector.shape_cast %swap3A_313 : vector<1x16xf32> to vector<16xf32>
          %swap3A_315 = vector.shape_cast %mul3A_310 : vector<16xf32> to vector<1x16xf32>
          tpu.vector_store %arg29[%swap3A_311, %swap3A_312], %swap3A_315 {strides = array<i32>} : memref<32x64xf32, #tpu.memory_space<vmem>>, vector<1x16xf32>,
          %get3A_316 = arith.index_cast %add3A_223 : i32 to index
          %get3A_317 = arith.constant 48 : index
          %get3A_318 = tpu.vector_load %arg28[%get3A_316, %get3A_317] {strides = array<i32>} : memref<32x64xf32, #tpu.memory_space<vmem>>, vector<1x16xf32>,
          %get3A_319 = vector.shape_cast %get3A_318 : vector<1x16xf32> to vector<16xf32>
          %get3A_320 = arith.index_cast %add3A_223 : i32 to index
          %get3A_321 = arith.constant 48 : index
          %get3A_322 = tpu.vector_load %arg29[%get3A_320, %get3A_321] {strides = array<i32>} : memref<32x64xf32, #tpu.memory_space<vmem>>, vector<1x16xf32>,
          %get3A_323 = vector.shape_cast %get3A_322 : vector<1x16xf32> to vector<16xf32>
          %add3A_324 = arith.addf %get3A_319, %get3A_323 : vector<16xf32>
          %mul3A_325 = arith.mulf %mul3A_229, %add3A_324 : vector<16xf32>
          %get3A_326 = arith.index_cast %add3A_223 : i32 to index
          %get3A_327 = arith.constant 48 : index
          %get3A_328 = tpu.vector_load %arg27[%get3A_326, %get3A_327] {strides = array<i32>} : memref<32x64xf32, #tpu.memory_space<vmem>>, vector<1x16xf32>,
          %get3A_329 = vector.shape_cast %get3A_328 : vector<1x16xf32> to vector<16xf32>
          %mul3A_330 = arith.constant 1.000000e-01 : f32
          %mul3A_331 = vector.broadcast %mul3A_330 : f32 to vector<16xf32>
          %mul3A_332 = arith.mulf %mul3A_331, %get3A_329 : vector<16xf32>
          %add3A_333 = arith.addf %mul3A_325, %mul3A_332 : vector<16xf32>
          %swap3A_334 = arith.index_cast %add3A_223 : i32 to index
          %swap3A_335 = arith.constant 48 : index
          %swap3A_336 = tpu.vector_load %arg28[%swap3A_334, %swap3A_335] {strides = array<i32>} : memref<32x64xf32, #tpu.memory_space<vmem>>, vector<1x16xf32>,
          %swap3A_337 = vector.shape_cast %swap3A_336 : vector<1x16xf32> to vector<16xf32>
          %swap3A_338 = vector.shape_cast %add3A_333 : vector<16xf32> to vector<1x16xf32>
          tpu.vector_store %arg28[%swap3A_334, %swap3A_335], %swap3A_338 {strides = array<i32>} : memref<32x64xf32, #tpu.memory_space<vmem>>, vector<1x16xf32>,
          %mul3A_339 = arith.mulf %add3A_333, %broadcast_in_dim3A : vector<16xf32>
          %swap3A_340 = arith.index_cast %add3A_223 : i32 to index
          %swap3A_341 = arith.constant 48 : index
          %swap3A_342 = tpu.vector_load %arg29[%swap3A_340, %swap3A_341] {strides = array<i32>} : memref<32x64xf32, #tpu.memory_space<vmem>>, vector<1x16xf32>,
          %swap3A_343 = vector.shape_cast %swap3A_342 : vector<1x16xf32> to vector<16xf32>
          %swap3A_344 = vector.shape_cast %mul3A_339 : vector<16xf32> to vector<1x16xf32>
          tpu.vector_store %arg29[%swap3A_340, %swap3A_341], %swap3A_344 {strides = array<i32>} : memref<32x64xf32, #tpu.memory_space<vmem>>, vector<1x16xf32>,
        }
        %scan3A_208 = arith.constant 32 : i32
        %lt3A_209 = arith.constant 9 : i32
        %lt3A_210 = arith.cmpi slt, %add3A_59, %lt3A_209 : i32
        %convert_element_type3A_211 = arith.extui %lt3A_210 : i1 to i32
        %cond3A_212 = arith.constant 0 : i32
        %cond3A_213 = arith.cmpi ne, %convert_element_type3A_211, %cond3A_212 : i32
        scf.if %cond3A_213 {
          "tpu.region"() ({
            %run_scoped3A = tpu.sem_alloc : memref<!tpu.dma_semaphore, #tpu.memory_space<semaphore_mem>>
            %dma_start3A_219 = arith.constant 0 : i32
            %dma_start3A_220 = tpu.memref_slice %arg6[%add3A_168, %dma_start3A_219] : memref<10240x64xf32, #tpu.memory_space<vmem_shared>> -> memref<32x64xf32, #tpu.memory_space<vmem_shared>>
            %dma_start3A_221 = arith.constant 0 : i32
            %dma_start3A_222 = tpu.memref_slice %arg6[%add3A_168, %dma_start3A_221] : memref<10240x64xf32, #tpu.memory_space<vmem_shared>> -> memref<32x64xf32, #tpu.memory_space<vmem_shared>>
            tpu.enqueue_dma source(%arg29 : memref<32x64xf32, #tpu.memory_space<vmem>>) target(%dma_start3A_222 : memref<32x64xf32, #tpu.memory_space<vmem_shared>>) target_semaphore(%run_scoped3A : memref<!tpu.dma_semaphore, #tpu.memory_space<semaphore_mem>>)
            %dma_wait3A_223 = arith.constant 0 : i32
            %dma_wait3A_224 = tpu.memref_slice %arg6[%add3A_168, %dma_wait3A_223] : memref<10240x64xf32, #tpu.memory_space<vmem_shared>> -> memref<32x64xf32, #tpu.memory_space<vmem_shared>>
            %dma_wait3A_225 = arith.constant 0 : i32
            %dma_wait3A_226 = tpu.memref_slice %arg6[%add3A_168, %dma_wait3A_225] : memref<10240x64xf32, #tpu.memory_space<vmem_shared>> -> memref<32x64xf32, #tpu.memory_space<vmem_shared>>
            tpu.wait_dma2 semaphore(%run_scoped3A : memref<!tpu.dma_semaphore, #tpu.memory_space<semaphore_mem>>) src(%arg29 : memref<32x64xf32, #tpu.memory_space<vmem>>) dst(%dma_wait3A_226 : memref<32x64xf32, #tpu.memory_space<vmem_shared>>)
            tpu.yield
          }) : () -> ()
        } else {
        }
        %eq3A_214 = arith.constant 9 : i32
        %eq3A_215 = arith.cmpi eq, %add3A_59, %eq3A_214 : i32
        %convert_element_type3A_216 = arith.extui %eq3A_215 : i1 to i32
        %cond3A_217 = arith.constant 0 : i32
        %cond3A_218 = arith.cmpi ne, %convert_element_type3A_216, %cond3A_217 : i32
        scf.if %cond3A_218 {
          "tpu.region"() ({
            %run_scoped3A = tpu.sem_alloc : memref<!tpu.dma_semaphore, #tpu.memory_space<semaphore_mem>>
            %dma_start3A_219 = arith.constant 0 : i32
            %dma_start3A_220 = tpu.memref_slice %arg5[%arg0, %add3A_168, %dma_start3A_219] : memref<2x10240x64xf32, #tpu.memory_space<hbm>> -> memref<1x32x64xf32, #tpu.memory_space<hbm>>
            %dma_start3A_221 = tpu.memref_squeeze %dma_start3A_220 : memref<1x32x64xf32, #tpu.memory_space<hbm>> -> memref<32x64xf32, #tpu.memory_space<hbm>>
            %dma_start3A_222 = arith.constant 0 : i32
            %dma_start3A_223 = tpu.memref_slice %arg5[%arg0, %add3A_168, %dma_start3A_222] : memref<2x10240x64xf32, #tpu.memory_space<hbm>> -> memref<1x32x64xf32, #tpu.memory_space<hbm>>
            %dma_start3A_224 = tpu.memref_squeeze %dma_start3A_223 : memref<1x32x64xf32, #tpu.memory_space<hbm>> -> memref<32x64xf32, #tpu.memory_space<hbm>>
            tpu.enqueue_dma source(%arg28 : memref<32x64xf32, #tpu.memory_space<vmem>>) target(%dma_start3A_224 : memref<32x64xf32, #tpu.memory_space<hbm>>) target_semaphore(%run_scoped3A : memref<!tpu.dma_semaphore, #tpu.memory_space<semaphore_mem>>)
            %dma_wait3A_225 = arith.constant 0 : i32
            %dma_wait3A_226 = tpu.memref_slice %arg5[%arg0, %add3A_168, %dma_wait3A_225] : memref<2x10240x64xf32, #tpu.memory_space<hbm>> -> memref<1x32x64xf32, #tpu.memory_space<hbm>>
            %dma_wait3A_227 = tpu.memref_squeeze %dma_wait3A_226 : memref<1x32x64xf32, #tpu.memory_space<hbm>> -> memref<32x64xf32, #tpu.memory_space<hbm>>
            %dma_wait3A_228 = arith.constant 0 : i32
            %dma_wait3A_229 = tpu.memref_slice %arg5[%arg0, %add3A_168, %dma_wait3A_228] : memref<2x10240x64xf32, #tpu.memory_space<hbm>> -> memref<1x32x64xf32, #tpu.memory_space<hbm>>
            %dma_wait3A_230 = tpu.memref_squeeze %dma_wait3A_229 : memref<1x32x64xf32, #tpu.memory_space<hbm>> -> memref<32x64xf32, #tpu.memory_space<hbm>>
            tpu.wait_dma2 semaphore(%run_scoped3A : memref<!tpu.dma_semaphore, #tpu.memory_space<semaphore_mem>>) src(%arg28 : memref<32x64xf32, #tpu.memory_space<vmem>>) dst(%dma_wait3A_230 : memref<32x64xf32, #tpu.memory_space<hbm>>)
            tpu.yield
          }) : () -> ()
        } else {
        }
      }
      %scan3A_88 = arith.constant 10 : i32
      %barrier3A_89 = arith.constant 0 : index
      tpu.barrier barrier_id(%barrier3A_89)
    }
    %scan3A_54 = arith.constant 10 : i32
    return
  }
}

module attributes {stable_mosaic.version = 14 : i64} {
  func.func @_mlp_body(%arg0: memref<10000x128xf32, #tpu.memory_space<vmem>>, %arg1: memref<128x128xf32, #tpu.memory_space<vmem>>, %arg2: memref<1x128xf32, #tpu.memory_space<vmem>>, %arg3: memref<1x128xf32, #tpu.memory_space<vmem>>, %arg4: memref<1x128xf32, #tpu.memory_space<vmem>>, %arg5: memref<128x128xf32, #tpu.memory_space<vmem>>, %arg6: memref<1x128xf32, #tpu.memory_space<vmem>>, %arg7: memref<2x10240x64xf32, #tpu.memory_space<vmem>>) attributes {dimension_semantics = [], scalar_prefetch = 0 : i64, scratch_operands = 0 : i64, tpu.core_type = #tpu.core_type<tc>} {
    %get3A = arith.constant 0 : index
    %get3A_0 = arith.constant 0 : index
    %get3A_1 = vector.load %arg0[%get3A, %get3A_0] : memref<10000x128xf32, #tpu.memory_space<vmem>>, vector<10000x128xf32>
    %get3A_2 = arith.constant 0 : index
    %get3A_3 = arith.constant 0 : index
    %get3A_4 = vector.load %arg1[%get3A_2, %get3A_3] : memref<128x128xf32, #tpu.memory_space<vmem>>, vector<128x128xf32>
    %dot_general3A = arith.constant dense<0.000000e+00> : vector<10000x128xf32>
    %dot_general3A_5 = tpu.matmul %get3A_1, %get3A_4, %dot_general3A {dimension_numbers = #tpu.dot_dimension_numbers<[1], [1], [0], [0], [0, 0, 1, 0], [], []>, transpose_lhs_hint = false} : vector<10000x128xf32>, vector<128x128xf32>, vector<10000x128xf32> -> vector<10000x128xf32>
    %get3A_6 = arith.constant 0 : index
    %get3A_7 = arith.constant 0 : index
    %get3A_8 = vector.load %arg2[%get3A_6, %get3A_7] : memref<1x128xf32, #tpu.memory_space<vmem>>, vector<1x128xf32>
    %add3A = vector.broadcast %get3A_8 : vector<1x128xf32> to vector<10000x128xf32>
    %add3A_9 = arith.addf %dot_general3A_5, %add3A : vector<10000x128xf32>
    %reduce_sum3A = arith.constant dense<0.000000e+00> : vector<128xf32>
    %reduce_sum3A_10 = vector.multi_reduction <add>, %add3A_9, %reduce_sum3A [0] : vector<10000x128xf32> to vector<128xf32>
    %broadcast_in_dim3A = vector.shape_cast %reduce_sum3A_10 : vector<128xf32> to vector<1x128xf32>
    %div3A = arith.constant 1.000000e+04 : f32
    %div3A_11 = vector.broadcast %div3A : f32 to vector<1x128xf32>
    %div3A_12 = arith.divf %broadcast_in_dim3A, %div3A_11 : vector<1x128xf32>
    %sub3A = vector.broadcast %div3A_12 : vector<1x128xf32> to vector<10000x128xf32>
    %sub3A_13 = arith.subf %add3A_9, %sub3A : vector<10000x128xf32>
    %mul3A = arith.mulf %sub3A_13, %sub3A_13 : vector<10000x128xf32>
    %reduce_sum3A_14 = arith.constant dense<0.000000e+00> : vector<128xf32>
    %reduce_sum3A_15 = vector.multi_reduction <add>, %mul3A, %reduce_sum3A_14 [0] : vector<10000x128xf32> to vector<128xf32>
    %broadcast_in_dim3A_16 = vector.shape_cast %reduce_sum3A_15 : vector<128xf32> to vector<1x128xf32>
    %div3A_17 = arith.constant 1.000000e+04 : f32
    %div3A_18 = vector.broadcast %div3A_17 : f32 to vector<1x128xf32>
    %div3A_19 = arith.divf %broadcast_in_dim3A_16, %div3A_18 : vector<1x128xf32>
    %get3A_20 = arith.constant 0 : index
    %get3A_21 = arith.constant 0 : index
    %get3A_22 = vector.load %arg3[%get3A_20, %get3A_21] : memref<1x128xf32, #tpu.memory_space<vmem>>, vector<1x128xf32>
    %add3A_23 = arith.constant 9.99999974E-6 : f32
    %add3A_24 = vector.broadcast %add3A_23 : f32 to vector<1x128xf32>
    %add3A_25 = arith.addf %div3A_19, %add3A_24 : vector<1x128xf32>
    %rsqrt3A = math.rsqrt %add3A_25 : vector<1x128xf32>
    %mul3A_26 = arith.mulf %get3A_22, %rsqrt3A : vector<1x128xf32>
    %mul3A_27 = vector.broadcast %mul3A_26 : vector<1x128xf32> to vector<10000x128xf32>
    %mul3A_28 = arith.mulf %sub3A_13, %mul3A_27 : vector<10000x128xf32>
    %get3A_29 = arith.constant 0 : index
    %get3A_30 = arith.constant 0 : index
    %get3A_31 = vector.load %arg4[%get3A_29, %get3A_30] : memref<1x128xf32, #tpu.memory_space<vmem>>, vector<1x128xf32>
    %add3A_32 = vector.broadcast %get3A_31 : vector<1x128xf32> to vector<10000x128xf32>
    %add3A_33 = arith.addf %mul3A_28, %add3A_32 : vector<10000x128xf32>
    %get3A_34 = arith.constant 0 : index
    %get3A_35 = arith.constant 0 : index
    %get3A_36 = vector.load %arg5[%get3A_34, %get3A_35] : memref<128x128xf32, #tpu.memory_space<vmem>>, vector<128x128xf32>
    %dot_general3A_37 = arith.constant dense<0.000000e+00> : vector<10000x128xf32>
    %dot_general3A_38 = tpu.matmul %add3A_33, %get3A_36, %dot_general3A_37 {dimension_numbers = #tpu.dot_dimension_numbers<[1], [1], [0], [0], [0, 0, 1, 0], [], []>, transpose_lhs_hint = false} : vector<10000x128xf32>, vector<128x128xf32>, vector<10000x128xf32> -> vector<10000x128xf32>
    %get3A_39 = arith.constant 0 : index
    %get3A_40 = arith.constant 0 : index
    %get3A_41 = vector.load %arg6[%get3A_39, %get3A_40] : memref<1x128xf32, #tpu.memory_space<vmem>>, vector<1x128xf32>
    %add3A_42 = vector.broadcast %get3A_41 : vector<1x128xf32> to vector<10000x128xf32>
    %add3A_43 = arith.addf %dot_general3A_38, %add3A_42 : vector<10000x128xf32>
    %slice3A = vector.extract_strided_slice %add3A_43 {offsets = [0, 0], sizes = [10000, 64], strides = [1, 1]} : vector<10000x128xf32> to vector<10000x64xf32>
    %swap3A = arith.constant 0 : index
    %swap3A_44 = arith.constant 0 : index
    %swap3A_45 = arith.constant 0 : index
    %swap3A_46 = vector.load %arg7[%swap3A, %swap3A_44, %swap3A_45] : memref<2x10240x64xf32, #tpu.memory_space<vmem>>, vector<1x10000x64xf32>
    %swap3A_47 = vector.shape_cast %swap3A_46 : vector<1x10000x64xf32> to vector<10000x64xf32>
    %swap3A_48 = vector.shape_cast %slice3A : vector<10000x64xf32> to vector<1x10000x64xf32>
    tpu.vector_store %arg7[%swap3A, %swap3A_44, %swap3A_45], %swap3A_48 {strides = array<i32>} : memref<2x10240x64xf32, #tpu.memory_space<vmem>>, vector<1x10000x64xf32>,
    %slice3A_49 = vector.extract_strided_slice %add3A_43 {offsets = [0, 64], sizes = [10000, 64], strides = [1, 1]} : vector<10000x128xf32> to vector<10000x64xf32>
    %swap3A_50 = arith.constant 1 : index
    %swap3A_51 = arith.constant 0 : index
    %swap3A_52 = arith.constant 0 : index
    %swap3A_53 = vector.load %arg7[%swap3A_50, %swap3A_51, %swap3A_52] : memref<2x10240x64xf32, #tpu.memory_space<vmem>>, vector<1x10000x64xf32>
    %swap3A_54 = vector.shape_cast %swap3A_53 : vector<1x10000x64xf32> to vector<10000x64xf32>
    %swap3A_55 = vector.shape_cast %slice3A_49 : vector<10000x64xf32> to vector<1x10000x64xf32>
    tpu.vector_store %arg7[%swap3A_50, %swap3A_51, %swap3A_52], %swap3A_55 {strides = array<i32>} : memref<2x10240x64xf32, #tpu.memory_space<vmem>>, vector<1x10000x64xf32>,
    %broadcast_in_dim3A_56 = arith.constant 0.000000e+00 : f32
    %broadcast_in_dim3A_57 = vector.broadcast %broadcast_in_dim3A_56 : f32 to vector<240x64xf32>
    %swap3A_58 = arith.constant 0 : index
    %swap3A_59 = arith.constant 10000 : index
    %swap3A_60 = arith.constant 0 : index
    %swap3A_61 = vector.load %arg7[%swap3A_58, %swap3A_59, %swap3A_60] : memref<2x10240x64xf32, #tpu.memory_space<vmem>>, vector<1x240x64xf32>
    %swap3A_62 = vector.shape_cast %swap3A_61 : vector<1x240x64xf32> to vector<240x64xf32>
    %swap3A_63 = vector.shape_cast %broadcast_in_dim3A_57 : vector<240x64xf32> to vector<1x240x64xf32>
    tpu.vector_store %arg7[%swap3A_58, %swap3A_59, %swap3A_60], %swap3A_63 {strides = array<i32>} : memref<2x10240x64xf32, #tpu.memory_space<vmem>>, vector<1x240x64xf32>,
    %swap3A_64 = arith.constant 1 : index
    %swap3A_65 = arith.constant 10000 : index
    %swap3A_66 = arith.constant 0 : index
    %swap3A_67 = vector.load %arg7[%swap3A_64, %swap3A_65, %swap3A_66] : memref<2x10240x64xf32, #tpu.memory_space<vmem>>, vector<1x240x64xf32>
    %swap3A_68 = vector.shape_cast %swap3A_67 : vector<1x240x64xf32> to vector<240x64xf32>
    %swap3A_69 = vector.shape_cast %broadcast_in_dim3A_57 : vector<240x64xf32> to vector<1x240x64xf32>
    tpu.vector_store %arg7[%swap3A_64, %swap3A_65, %swap3A_66], %swap3A_69 {strides = array<i32>} : memref<2x10240x64xf32, #tpu.memory_space<vmem>>, vector<1x240x64xf32>,
    return
  }
}

module attributes {stable_mosaic.version = 14 : i64} {
  func.func @_lsm_body(%arg0: memref<2x10240x64xf32, #tpu.memory_space<vmem>>, %arg1: memref<10000x128xf32, #tpu.memory_space<vmem>>, %arg2: memref<10000x128xf32, #tpu.memory_space<vmem>>) attributes {dimension_semantics = [], scalar_prefetch = 0 : i64, scratch_operands = 0 : i64, tpu.core_type = #tpu.core_type<tc>} {
    %get3A = arith.constant 0 : index
    %get3A_0 = arith.constant 0 : index
    %get3A_1 = arith.constant 0 : index
    %get3A_2 = vector.load %arg0[%get3A, %get3A_0, %get3A_1] : memref<2x10240x64xf32, #tpu.memory_space<vmem>>, vector<1x10000x64xf32>
    %get3A_3 = vector.shape_cast %get3A_2 : vector<1x10000x64xf32> to vector<10000x64xf32>
    %get3A_4 = arith.constant 1 : index
    %get3A_5 = arith.constant 0 : index
    %get3A_6 = arith.constant 0 : index
    %get3A_7 = vector.load %arg0[%get3A_4, %get3A_5, %get3A_6] : memref<2x10240x64xf32, #tpu.memory_space<vmem>>, vector<1x10000x64xf32>
    %get3A_8 = vector.shape_cast %get3A_7 : vector<1x10000x64xf32> to vector<10000x64xf32>
    %concatenate3A = tpu.concatenate %get3A_3, %get3A_8 in 1 : vector<10000x64xf32>, vector<10000x64xf32> -> vector<10000x128xf32>
    %reduce_max3A = arith.constant dense<0xFF800000> : vector<10000xf32>
    %reduce_max3A_9 = vector.multi_reduction <maximumf>, %concatenate3A, %reduce_max3A [1] : vector<10000x128xf32> to vector<10000xf32>
    %broadcast_in_dim3A = vector.shape_cast %reduce_max3A_9 : vector<10000xf32> to vector<10000x1xf32>
    %sub3A = vector.broadcast %broadcast_in_dim3A : vector<10000x1xf32> to vector<10000x128xf32>
    %sub3A_10 = arith.subf %concatenate3A, %sub3A : vector<10000x128xf32>
    %exp3A = math.exp %sub3A_10 : vector<10000x128xf32>
    %reduce_sum3A = arith.constant dense<0.000000e+00> : vector<10000xf32>
    %reduce_sum3A_11 = vector.multi_reduction <add>, %exp3A, %reduce_sum3A [1] : vector<10000x128xf32> to vector<10000xf32>
    %broadcast_in_dim3A_12 = vector.shape_cast %reduce_sum3A_11 : vector<10000xf32> to vector<10000x1xf32>
    %log3A = math.log %broadcast_in_dim3A_12 : vector<10000x1xf32>
    %sub3A_13 = vector.broadcast %log3A : vector<10000x1xf32> to vector<10000x128xf32>
    %sub3A_14 = arith.subf %sub3A_10, %sub3A_13 : vector<10000x128xf32>
    %swap3A = arith.constant 0 : index
    %swap3A_15 = arith.constant 0 : index
    %swap3A_16 = vector.load %arg1[%swap3A, %swap3A_15] : memref<10000x128xf32, #tpu.memory_space<vmem>>, vector<10000x128xf32>
    tpu.vector_store %arg1[%swap3A, %swap3A_15], %sub3A_14 {strides = array<i32>} : memref<10000x128xf32, #tpu.memory_space<vmem>>, vector<10000x128xf32>,
    %swap3A_17 = arith.constant 0 : index
    %swap3A_18 = arith.constant 0 : index
    %swap3A_19 = vector.load %arg2[%swap3A_17, %swap3A_18] : memref<10000x128xf32, #tpu.memory_space<vmem>>, vector<10000x128xf32>
    tpu.vector_store %arg2[%swap3A_17, %swap3A_18], %concatenate3A {strides = array<i32>} : memref<10000x128xf32, #tpu.memory_space<vmem>>, vector<10000x128xf32>,
    return
  }
}

</mosaic_0001>

<sc_bundles>
// kernel: kernel.5.cloned.1.call-start
scs
__scs_entry_jumppad:
0x0: {  	(pc) =	sbr.rel $0x88, $3  }
0x1: {  	(tag) =	ssettag $0x0;
	lr =	simm.s32 $0x1  }
0x2: {  	[smem:$0x3F99] =	sst lr;
	_ =	strace $0xD0000000  }
0x3: {  	_ = 	snop  }
0x4: {  	_ = 	snop  }
0x5: {  	_ = 	snop  }
0x6: {  	_ = 	snop  }
0x7: {  	_ = 	snop  }
__scs_overlays_trampoline_lowered:
0x8: {  	[smem:$0x3FA8] =	sst s0  }
0x9: {  	[smem:$0x3FA9] =	sst s1  }
0xa: {  	[smem:$0x3FAA] =	sst s2  }
0xb: {  	[smem:$0x3FAB] =	sst s3  }
0xc: {  	[smem:$0x3FAC] =	sst s4  }
0xd: {  	[smem:$0x3FAD] =	sst s5  }
0xe: {  	[smem:$0x3FAE] =	sst s6  }
0xf: {  	[smem:$0x3FAF] =	sst s7  }
0x10: {  	[smem:$0x3FB0] =	sst s8  }
0x11: {  	[smem:$0x3FB1] =	sst s9;
	s0 =	simm.s32 @!p0 $0x0  }
0x12: {  	s1 =	sld [smem:$0x3F97];
	s0 =	simm.s32 @p0 $0x1  }
0x13: {  	[smem:$0x3FB2] =	sst s0;
	s0 =	simm.s32 @!p1 $0x0  }
0x14: {  	s2 =	sld [smem:$0x3F96];
	s0 =	simm.s32 @p1 $0x1  }
0x15: {  	[smem:$0x3FB3] =	sst s0;
	s0 =	simm.s32 @!p2 $0x0  }
0x16: {  	s3 =	sld [smem:$0x3FDB];
	s0 =	simm.s32 @p2 $0x1  }
0x17: {  	s4 =	simm.s32 $0x1BF5;
	[smem:$0x3FB5] =	sst s0  }
0x18: {  	s0 =	sld [smem:$0x3F98];
	_ =	swait.ge [sflag:s4], $0x0  }
0x19: {  	s7 =	sld [smem:$0x3F99]  }
0x1a: {  	s8 =	sadd.s32 $0xFFFFE003, lr  }
0x1b: {  	s9 =	sadd.s32 $0xFFFFFEF7, lr;
	s5 =	simm.s32 $0xFFFFFFFF;
	p2 =	slt.u32 s8, $0xFFFFF086  }
0x1c: {  	p1 =	slt.u32 s9, $0xF7A;
	s5 =	simm.s32 @!p2 $0x0  }
0x1d: {  	s5 =	simm.s32 @p1 $0x1;
	p0 =	seq.s32 s7, s2  }
0x1e: {  	s7 =	smul.u32 @!p0 $0xF7A, s2;
	p2 =	seq.s32 @!p0 s5, $0x0  }
0x1f: {  	s9 =	smul.u32 $0xF7A, s1;
	s8 =	simm.s32 @!p0 $0x1BF5;
	p2 =	por !p2, p0  }
0x20: {  	[sflag:s8] =	ssyncset.s32 @!p0 $0xFFFFF086;
	s6 =	sadd.s32 @!p0 s3, s7;
	s7 =	simm.s32 @!p0 $0x108  }
0x21: {  	s3 =	sadd.s32 s3, s9;
	s6 =	sadd.s32 @!p0 $0x88, s6;
	s7 =	simm.s32 @p2 $0x1082  }
0x22: {  	[simem:s7], [sflag:s8] =	dma.local @!p0 [hbm:s6], $0xF7A  }
0x23: {  	s9 =	sor.u32 $0xD0000000, s2;
	s6 =	simm.s32 $0x108;
	_ =	swait.ge @!p0 [sflag:s8], $0x0  }
0x24: {  	s3 =	sadd.s32 $0x88, s3;
	s6 =	simm.s32 @!p1 $0x1082;
	[sflag:s4] =	ssyncset.s32 $0xFFFFF086  }
0x25: {  	[simem:s6], [sflag:s4] =	dma.local [hbm:s3], $0xF7A  }
0x26: {  	[smem:$0x3F99] =	sst s1;
	(tag) =	ssettag s2;
	_ =	strace s9  }
0x27: {  	s1 =	sld [smem:$0x3FA9]  }
0x28: {  	s2 =	sld [smem:$0x3FAA]  }
0x29: {  	s4 =	sld [smem:$0x3FAC]  }
0x2a: {  	p0 =	seq.s32 s5, $0x0;
	s5 =	sld [smem:$0x3FAD]  }
0x2b: {  	s6 =	sld [smem:$0x3FAE]  }
0x2c: {  	s7 =	sld [smem:$0x3FAF]  }
0x2d: {  	s3 =	simm.s32 $0x108;
	s8 =	sld [smem:$0x3FB0]  }
0x2e: {  	s3 =	simm.s32 @!p0 $0x1082;
	s9 =	sld [smem:$0x3FB1]  }
0x2f: {  	lr =	sadd.s32 s0, s3;
	s0 =	sld [smem:$0x3FA8]  }
0x30: {  	s3 =	sld [smem:$0x3FAB]  }
0x31: {  	[smem:$0x3FB4] =	sst s10  }
0x32: {  	s10 =	sld [smem:$0x3FB2];
	_ =	sdelay $0x3  }
0x33: {  	p0 =	seq.s32 s10, $0x1;
	s10 =	sld [smem:$0x3FB4];
	_ =	sdelay $0x3  }
0x34: {  	[smem:$0x3FB4] =	sst s10  }
0x35: {  	s10 =	sld [smem:$0x3FB3];
	_ =	sdelay $0x3  }
0x36: {  	p1 =	seq.s32 s10, $0x1;
	s10 =	sld [smem:$0x3FB4];
	_ =	sdelay $0x3  }
0x37: {  	[smem:$0x3FB4] =	sst s10  }
0x38: {  	s10 =	sld [smem:$0x3FB5]  }
0x39: {  	_ = 	snop;
	(pc) =	sbr.ind lr, $3  }
0x3a: {  	_ = 	snop  }
0x3b: {  	_ = 	snop  }
0x3c: {  	p2 =	seq.s32 s10, $0x1;
	s10 =	sld [smem:$0x3FB4]  }
0x3d: {  	_ =	shalt  }
0x3e: {  	_ =	shalt  }
0x3f: {  	_ =	shalt  }
0x40: {  	_ =	shalt  }
0x41: {  	_ =	shalt  }
0x42: {  	_ =	shalt  }
0x43: {  	_ =	shalt  }
0x44: {  	_ =	shalt  }
0x45: {  	_ =	shalt  }
0x46: {  	_ =	shalt  }
0x47: {  	_ =	shalt  }
0x48: {  	_ =	shalt  }
0x49: {  	_ =	shalt  }
0x4a: {  	_ =	shalt  }
0x4b: {  	_ =	shalt  }
0x4c: {  	_ =	shalt  }
0x4d: {  	_ =	shalt  }
0x4e: {  	_ =	shalt  }
0x4f: {  	_ =	shalt  }
0x50: {  	_ =	shalt  }
0x51: {  	_ =	shalt  }
0x52: {  	_ =	shalt  }
0x53: {  	_ =	shalt  }
0x54: {  	_ =	shalt  }
0x55: {  	_ =	shalt  }
0x56: {  	_ =	shalt  }
0x57: {  	_ =	shalt  }
0x58: {  	_ =	shalt  }
0x59: {  	_ =	shalt  }
0x5a: {  	_ =	shalt  }
0x5b: {  	_ =	shalt  }
0x5c: {  	_ =	shalt  }
0x5d: {  	_ =	shalt  }
0x5e: {  	_ =	shalt  }
0x5f: {  	_ =	shalt  }
0x60: {  	_ =	shalt  }
0x61: {  	_ =	shalt  }
0x62: {  	_ =	shalt  }
0x63: {  	_ =	shalt  }
0x64: {  	_ =	shalt  }
0x65: {  	_ =	shalt  }
0x66: {  	_ =	shalt  }
0x67: {  	_ =	shalt  }
0x68: {  	_ =	shalt  }
0x69: {  	_ =	shalt  }
0x6a: {  	_ =	shalt  }
0x6b: {  	_ =	shalt  }
0x6c: {  	_ =	shalt  }
0x6d: {  	_ =	shalt  }
0x6e: {  	_ =	shalt  }
0x6f: {  	_ =	shalt  }
0x70: {  	_ =	shalt  }
0x71: {  	_ =	shalt  }
0x72: {  	_ =	shalt  }
0x73: {  	_ =	shalt  }
0x74: {  	_ =	shalt  }
0x75: {  	_ =	shalt  }
0x76: {  	_ =	shalt  }
0x77: {  	_ =	shalt  }
0x78: {  	_ =	shalt  }
0x79: {  	_ =	shalt  }
0x7a: {  	_ =	shalt  }
0x7b: {  	_ =	shalt  }
0x7c: {  	_ =	shalt  }
0x7d: {  	_ =	shalt  }
0x7e: {  	_ =	shalt  }
0x7f: {  	_ =	shalt  }
0x80: {  	_ =	shalt  }
0x81: {  	_ =	shalt  }
0x82: {  	_ =	shalt  }
0x83: {  	_ =	shalt  }
0x84: {  	_ =	shalt  }
0x85: {  	_ =	shalt  }
0x86: {  	_ =	shalt  }
0x87: {  	_ =	shalt  }
.Lfunc_end0:
.L_simem_size_0:
called_computation_lowered:
.L_overlay_start_0:
0x88: {  	s2 =	sld [smem:$0x3FD9]  }
0x89: {  	s3 =	sld [smem:$0x3FFE];
	_ =	sdelay $0x1  }
0x8a: {  	s1 =	srdreg.scid  }
0x8b: {  	s0 =	sand.u32 $0x1, s1  }
0x8c: {  	s14 =	sshll.u32 s0, $0xA;
	s2 =	sadd.s32 s3, s2  }
0x8d: {  	s2 =	sadd.s32 s2, s14  }
0x8e: {  	[smem:$0x3FC0] =	sst s2  }
0x8f: {  	_ = 	snop  }
0x90: {  	s2 =	sld [smem:$0x3FD0];
	_ =	sdelay $0x2  }
0x91: {  	s15 =	simm.s32 $0xA;
	s4 =	simm.s32 $0x10  }
0x92: {  	[smem:s4], [sflag:s15] =	dma.local [hbm:s2], $0x1  }
0x93: {  	_ =	swait.eq [sflag:s15], $0x1  }
0x94: {  	[sflag:s15] =	ssyncset.done $0x0  }
0x95: {  	s16 =	sld [smem:$0x10];
	[sflag:s15] =	ssyncadd.s32 $0xFFFFFFFF  }
0x96: {  	s17 =	sld [smem:$0x11];
	(tm) =	ssettm $0x1  }
0x97: {  	s18 =	sld [smem:$0x3FFB];
	_ =	sdelay $0x3  }
0x98: {  	_ =	strace s18  }
0x99: {  	s4 =	sld [smem:$0x3FFC];
	_ =	sdelay $0x3  }
0x9a: {  	_ =	strace s4  }
0x9b: {  	s4 =	sld [smem:$0x3FFD];
	_ =	sdelay $0x3  }
0x9c: {  	_ =	strace s4  }
0x9d: {  	_ =	strace $0x8FFFFFFF  }
0x9e: {  	s19 =	sld [smem:$0x3FDB];
	_ =	sdelay $0x1  }
0x9f: {  	s5 =	simm.s32 $_scs_section_size  }
0xa0: {  	s6 =	simm.s32 $_size__tile_overlayer_lowered;
	s7 =	simm.s32 $_tile_overlayer_lowered  }
0xa1: {  	s22 =	simm.s32 $0x1BFF;
	s21 =	sshll.u32 s7, $0x1;
	s4 =	sadd.s32 s5, s19  }
0xa2: {  	s8 =	simm.s32 $0x0;
	s20 =	sshll.u32 s6, $0x1;
	s6 =	sadd.s32 s21, s4  }
0xa3: {  	[timem:s8], [sflag:s22] =	dma.local [hbm:s6], s20  }
0xa4: {  	_ =	swait.ge [sflag:s22], s20  }
0xa5: {  	s5 =	ssub.s32 $0x0, s20;
	[sflag:s22] =	ssyncset.done $0x0  }
0xa6: {  	[sflag:s22] =	ssyncadd.s32 s5;
	_ =	sdelay $0x1  }
0xa7: {  	s23 =	simm.s32 $0x1B8B  }
0xa8: {  	_ =	swait.ge [sflag:s23], $0x1  }
0xa9: {  	[sflag:s23] =	ssyncset.done $0x0  }
0xaa: {  	s25 =	simm.s32 $0x1B8E;
	s24 =	sld [smem:$0x3FFE];
	[sflag:s23] =	ssyncadd.s32 $0xFFFFFFFF  }
0xab: {  	s26 =	simm.s32 $execute0_lowered;
	[smem:$0x3FD2] =	sst s25  }
0xac: {  	s6 =	sshll.u32 s26, $0x1;
	_ =	strace $0x80000046;
	[dreg:$0x1] =	wrdreg $0xFFFFFFFF  }
0xad: {  	s28 =	simm.s32 $_size_execute0_lowered;
	s4 =	sadd.s32 s4, s6;
	[dreg:$0x0] =	wrdreg $0x0  }
0xae: {  	s6 =	sshll.u32 s28, $0x1;
	[dreg:$0x2] =	wrdreg s4  }
0xaf: {  	[dreg:$0x3] =	wrdreg s6  }
0xb0: {  	[dreg:$0x4] =	wrdreg $0xC0  }
0xb1: {  	_ =	task [dreg:s8], $0x5FFFF  }
0xb2: {  	[dreg:$0x1] =	wrdreg $0xFFFFFFFF  }
0xb3: {  	[dreg:$0x0] =	wrdreg $0x60  }
0xb4: {  	[dreg:$0x2] =	wrdreg s24  }
0xb5: {  	[dreg:$0x3] =	wrdreg s16  }
0xb6: {  	[dreg:$0x4] =	wrdreg s17  }
0xb7: {  	[dreg:$0x5] =	wrdreg $0x140000  }
0xb8: {  	[dreg:$0x6] =	wrdreg $0x0  }
0xb9: {  	[dreg:$0x7] =	wrdreg $0xA0000  }
0xba: {  	[dreg:$0x8] =	wrdreg $0x9  }
0xbb: {  	_ =	task.clear_ibuf [dreg:s8], $0x9FFFF;
	_ =	strace $0x90000046  }
0xbc: {  	s29 =	simm.s32 $0x9;
	_ =	strace $0x80000048  }
0xbd: {  	_ =	swait.ge [sflag:s29], $0x1  }
0xbe: {  	[sflag:s29] =	ssyncadd.s32 $0xFFFFFFFF  }
0xbf: {  	_ =	strace $0x90000048  }
0xc0: {  	_ =	sfence  }
0xc1: {  	s30 =	sld [smem:$0x0];
	_ =	sdelay $0x2  }
0xc2: {  	s31 =	sshll.u32 s1, $0xD;
	s1 =	sshrl.u32 s1, $0x2  }
0xc3: {  	s3 =	sand.u32 $0x4000, s31;
	s1 =	sadd.s32 s1, s30  }
0xc4: {  	s0 =	sor.u32 s3, s0;
	s1 =	sshll.u32 s1, $0x11  }
0xc5: {  	s0 =	sor.u32 s1, s0  }
0xc6: {  	s0 =	sadd.s32 $0x8F2B, s0  }
0xc7: {  	[sflag:s0] =	ssyncadd.remote.s32 $0x1  }
0xc8: {  	_ =	sfence.sel $0xFFFF  }
0xc9: {  	[dreg:$0x0] =	wrdreg $0xFFFFFFFF;
	(pc) =	sbr.abs _section_cstart, $3  }
0xca: {  	[dreg:$0x1] =	wrdreg $0xFFFFFFFF  }
0xcb: {  	_ =	task.clear_ibuf [dreg:s8], $0x2FFFF;
	_ =	strace $0x9FFFFFFF  }
0xcc: {  	(tm) =	ssettm $0x7FFFFFFF  }
0xcd: {  	_ =	shalt  }
tec
execute0_lowered:
.L_overlay_start_1:
0x0: {  	(tag) =	ssettag $0x1  }
0x1: {  	s6 =	rddreg [dreg:$0x0]  }
0x2: {  	s5 =	rddreg [dreg:$0x1]  }
0x3: {  	s0 =	rddreg [dreg:$0x2]  }
0x4: {  	s1 =	rddreg [dreg:$0x3]  }
0x5: {  	s2 =	rddreg [dreg:$0x4]  }
0x6: {  	s3 =	rddreg [dreg:$0x5];
	s18 =	simm.s32 $0x0  }
0x7: {  	s7 =	simm.s32 $0x14300;
	[smem:$0x7FF] =	sst s18  }
0x8: {  	s10 =	simm.s32 $0x14380;
	_ =	strace $0x80000047;
	[dreg:$0x7] =	wrdreg s7  }
0x9: {  	s11 =	simm.s32 $0x14400;
	[dreg:$0x8] =	wrdreg s10  }
0xa: {  	s12 =	simm.s32 $0x14480;
	[dreg:$0x9] =	wrdreg s11  }
0xb: {  	s13 =	simm.s32 $0x14500;
	[dreg:$0xa] =	wrdreg s12  }
0xc: {  	s14 =	simm.s32 $0x14580;
	[dreg:$0xb] =	wrdreg s13  }
0xd: {  	s15 =	simm.s32 $0x14600;
	[dreg:$0xc] =	wrdreg s14  }
0xe: {  	s16 =	simm.s32 $0x14680;
	[dreg:$0xd] =	wrdreg s15  }
0xf: {  	s17 =	simm.s32 $0x14700;
	[dreg:$0xe] =	wrdreg s16  }
0x10: {  	s19 =	simm.s32 $0x14780;
	[dreg:$0xf] =	wrdreg s17  }
0x11: {  	s20 =	simm.s32 $0x14800;
	[dreg:$0x10] =	wrdreg s19  }
0x12: {  	s4 =	sadd.s32 $0x28C00, s6;
	[dreg:$0x11] =	wrdreg s20  }
0x13: {  	s21 =	simm.s32 $0x14880;
	[smem:$0x7E3] =	sst s4  }
0x14: {  	s22 =	simm.s32 $0x14900;
	[dreg:$0x12] =	wrdreg s21  }
0x15: {  	s24 =	simm.s32 $0x14980;
	[dreg:$0x13] =	wrdreg s22  }
0x16: {  	s25 =	simm.s32 $0x14A00;
	[dreg:$0x14] =	wrdreg s24  }
0x17: {  	s26 =	simm.s32 $0x14A80;
	[dreg:$0x15] =	wrdreg s25  }
0x18: {  	[dreg:$0x16] =	wrdreg s26;
	s4 =	simm.s32 $0x14B00  }
0x19: {  	s10 =	simm.s32 $0x14B80;
	[dreg:$0x17] =	wrdreg s4  }
0x1a: {  	s11 =	simm.s32 $0x14C00;
	[dreg:$0x18] =	wrdreg s10  }
0x1b: {  	s14 =	simm.s32 $0x14D00;
	[dreg:$0x19] =	wrdreg s11  }
0x1c: {  	s16 =	simm.s32 $0x14D80;
	[dreg:$0x1a] =	wrdreg s14  }
0x1d: {  	s17 =	simm.s32 $0x14E00;
	[dreg:$0x1b] =	wrdreg s16  }
0x1e: {  	s23 =	srdreg.scid;
	s19 =	simm.s32 $0x14E80;
	[dreg:$0x1c] =	wrdreg s17  }
0x1f: {  	s13 =	sadd.s32 $0xC00, s6;
	s20 =	simm.s32 $0x14F00;
	[dreg:$0x1d] =	wrdreg s19  }
0x20: {  	s12 =	stileid.u32;
	s22 =	simm.s32 $0x14F80;
	[dreg:$0x1e] =	wrdreg s20  }
0x21: {  	s7 =	sand.u32 $0x1, s23;
	s24 =	simm.s32 $0x15000;
	[dreg:$0x1f] =	wrdreg s22  }
0x22: {  	s26 =	simm.s32 $0x15080;
	s10 =	smul.u32 $0x280, s12;
	[smem:$0x7E6] =	sst s24  }
0x23: {  	s8 =	ssub.s32 $0x2, s7;
	s15 =	smul.u32 $0xA00, s12;
	[smem:$0x7E8] =	sst s26  }
0x24: {  	s23 =	smul.u32 $0xA0000, s7;
	s7 =	simm.s32 $0x15100;
	[smem:$0x7EC] =	sst s13  }
0x25: {  	s21 =	smul.u32 $0xA000, s12;
	s12 =	simm.s32 $0x15200;
	[smem:$0x7EA] =	sst s7  }
0x26: {  	s14 =	simm.s32 $0x15300;
	[smem:$0x7EE] =	sst s12  }
0x27: {  	s29 =	simm.s32 $0x16080;
	s16 =	simm.s32 $0x15380;
	[smem:$0x7F2] =	sst s14  }
0x28: {  	s30 =	simm.s32 $0x80;
	s19 =	simm.s32 $0x15400;
	[smem:$0x7F4] =	sst s16  }
0x29: {  	s31 =	simm.s32 $0x15780;
	s26 =	simm.s32 $0x15600;
	[smem:$0x7F6] =	sst s19  }
0x2a: {  	s9 =	sshrl.u32 s8, $0x1;
	s19 =	simm.s32 $0x14280;
	[smem:$0x7FC] =	sst s26  }
0x2b: {  	s26 =	simm.s32 $0x1;
	s16 =	simm.s32 $0x15800;
	s12 =	simm.s32 $0x15880  }
0x2c: {  	s14 =	simm.s32 $0x15A80;
	s7 =	simm.s32 $0x2;
	[smem:$0x7E4] =	sst s10  }
0x2d: {  	s8 =	ssub.s32 s8, s9;
	s25 =	sadd.s32 s21, s3;
	[smem:$0x7E9] =	sst s23  }
0x2e: {  	s28 =	sadd.s32 s10, s1;
	s4 =	sadd.s32 s21, s2;
	[smem:$0x7E5] =	sst s25  }
0x2f: {  	s10 =	sadd.s32 s5, s15;
	s9 =	simm.s32 $0x15180;
	[smem:$0x7E7] =	sst s4  }
0x30: {  	s11 =	sadd.s32 s0, s15;
	s5 =	sor.u32 $0x1000, s21;
	[smem:$0x7EB] =	sst s9  }
0x31: {  	s6 =	sadd.s32 s21, s23;
	s21 =	simm.s32 $0x15480;
	[smem:$0x7EF] =	sst s5  }
0x32: {  	s23 =	simm.s32 $0x15500;
	s0 =	simm.s32 $0x5;
	[smem:$0x7F8] =	sst s21  }
0x33: {  	s6 =	sshrl.u32 s6, $0x3;
	s15 =	smax.u32 s8, $0x1;
	[smem:$0x7FA] =	sst s23  }
0x34: {  	s17 =	sadd.s32 $0x80, s28;
	s20 =	sadd.s32 $0x100, s28;
	[smem:$0x7FD] =	sst s28  }
0x35: {  	s22 =	sadd.s32 $0x180, s28;
	s24 =	sadd.s32 $0x200, s28;
	[smem:$0x7F1] =	sst s15  }
0x36: {  	s25 =	simm.s32 $0x15580;
	s23 =	simm.s32 $0x15680;
	[smem:$0x7F3] =	sst s17  }
0x37: {  	s8 =	simm.s32 $0x15A00;
	s4 =	simm.s32 $0x15B00;
	[smem:$0x7F5] =	sst s20  }
0x38: {  	s21 =	simm.s32 $0x3;
	s9 =	simm.s32 $0x18A80;
	[smem:$0x7F7] =	sst s22  }
0x39: {  	s5 =	simm.s32 $0x0;
	s6 =	sadd.s32 s13, s6;
	[smem:$0x7F9] =	sst s24  }
0x3a: {  	s13 =	simm.s32 $0x15280;
	s15 =	simm.s32 $0x1C910;
	[smem:$0x7FB] =	sst s25  }
0x3b: {  	s22 =	simm.s32 $0x14C80;
	s25 =	simm.s32 $0x15700;
	s17 =	simm.s32 $0x6  }
0x3c: {  	s24 =	simm.s32 $0x15B80;
	s20 =	simm.s32 $0x16A80;
	[smem:$0x7ED] =	sst s6  }
0x3d: {  	v0 =	vimm.f32 $1.000000000e+00;
	v1 =	vimm.f32 $0.0e+00;
	[smem:$0x7F0] =	sst s13;
	s6 =	simm.s32 $0xD;
	s13 =	simm.s32 $0x4  }
.LBB2_1:
0x3e: {  	[tilespmem:$0x1C910] =	vst v0  }
0x3f: {  	[tilespmem:$0x1C920] =	vst v0  }
0x40: {  	[tilespmem:$0x1C930] =	vst v0  }
0x41: {  	[tilespmem:$0x1C940] =	vst v0  }
0x42: {  	[tilespmem:$0x1C950] =	vst v0  }
0x43: {  	[tilespmem:$0x1C960] =	vst v0  }
0x44: {  	[tilespmem:$0x1C970] =	vst v0  }
0x45: {  	[tilespmem:$0x1C980] =	vst v0  }
0x46: {  	[tilespmem:$0x1C280] =	vst v1  }
0x47: {  	[tilespmem:$0x1C290] =	vst v1  }
0x48: {  	[tilespmem:$0x1C2A0] =	vst v1  }
0x49: {  	[tilespmem:$0x1C2B0] =	vst v1  }
0x4a: {  	[tilespmem:$0x1C2C0] =	vst v1  }
0x4b: {  	[tilespmem:$0x1C2D0] =	vst v1  }
0x4c: {  	[tilespmem:$0x1C2E0] =	vst v1  }
0x4d: {  	[tilespmem:$0x1C2F0] =	vst v1  }
0x4e: {  	[tilespmem:$0x1C300] =	vst v1  }
0x4f: {  	[tilespmem:$0x1C310] =	vst v1  }
0x50: {  	[tilespmem:$0x1C320] =	vst v1  }
0x51: {  	[tilespmem:$0x1C330] =	vst v1  }
0x52: {  	[tilespmem:$0x1C340] =	vst v1  }
0x53: {  	[tilespmem:$0x1C350] =	vst v1  }
0x54: {  	[tilespmem:$0x1C360] =	vst v1  }
0x55: {  	[tilespmem:$0x1C370] =	vst v1  }
0x56: {  	[tilespmem:$0x1C380] =	vst v1  }
0x57: {  	[tilespmem:$0x1C390] =	vst v1  }
0x58: {  	[tilespmem:$0x1C3A0] =	vst v1  }
0x59: {  	[tilespmem:$0x1C3B0] =	vst v1  }
0x5a: {  	[tilespmem:$0x1C3C0] =	vst v1  }
0x5b: {  	[tilespmem:$0x1C3D0] =	vst v1  }
0x5c: {  	[tilespmem:$0x1C3E0] =	vst v1  }
0x5d: {  	[tilespmem:$0x1C3F0] =	vst v1  }
0x5e: {  	[tilespmem:$0x1C400] =	vst v1  }
0x5f: {  	[tilespmem:$0x1C410] =	vst v1  }
0x60: {  	[tilespmem:$0x1C420] =	vst v1  }
0x61: {  	[tilespmem:$0x1C430] =	vst v1  }
0x62: {  	[tilespmem:$0x1C440] =	vst v1  }
0x63: {  	[tilespmem:$0x1C450] =	vst v1  }
0x64: {  	[tilespmem:$0x1C460] =	vst v1  }
0x65: {  	[tilespmem:$0x1C470] =	vst v1  }
0x66: {  	[tilespmem:$0x1C480] =	vst v1  }
0x67: {  	[tilespmem:$0x1C490] =	vst v1  }
0x68: {  	[tilespmem:$0x1C4A0] =	vst v1  }
0x69: {  	[tilespmem:$0x1C4B0] =	vst v1  }
0x6a: {  	[tilespmem:$0x1C4C0] =	vst v1  }
0x6b: {  	[tilespmem:$0x1C4D0] =	vst v1  }
0x6c: {  	[tilespmem:$0x1C4E0] =	vst v1  }
0x6d: {  	[tilespmem:$0x1C4F0] =	vst v1  }
0x6e: {  	[tilespmem:$0x1C500] =	vst v1  }
0x6f: {  	[tilespmem:$0x1C510] =	vst v1  }
0x70: {  	[tilespmem:$0x1C520] =	vst v1  }
0x71: {  	[tilespmem:$0x1C530] =	vst v1  }
0x72: {  	[tilespmem:$0x1C540] =	vst v1  }
0x73: {  	[tilespmem:$0x1C550] =	vst v1  }
0x74: {  	[tilespmem:$0x1C560] =	vst v1  }
0x75: {  	[tilespmem:$0x1C570] =	vst v1  }
0x76: {  	[tilespmem:$0x1C580] =	vst v1  }
0x77: {  	[tilespmem:$0x1C590] =	vst v1  }
0x78: {  	[tilespmem:$0x1C5A0] =	vst v1  }
0x79: {  	[tilespmem:$0x1C5B0] =	vst v1  }
0x7a: {  	[tilespmem:$0x1C5C0] =	vst v1  }
0x7b: {  	[tilespmem:$0x1C5D0] =	vst v1  }
0x7c: {  	[tilespmem:$0x1C5E0] =	vst v1  }
0x7d: {  	[tilespmem:$0x1C5F0] =	vst v1  }
0x7e: {  	[tilespmem:$0x1C600] =	vst v1  }
0x7f: {  	[tilespmem:$0x1C610] =	vst v1  }
0x80: {  	[tilespmem:$0x1C620] =	vst v1  }
0x81: {  	[tilespmem:$0x1C630] =	vst v1  }
0x82: {  	[tilespmem:$0x1C640] =	vst v1  }
0x83: {  	[tilespmem:$0x1C650] =	vst v1  }
0x84: {  	[tilespmem:$0x1C660] =	vst v1  }
0x85: {  	[smem:$0x7E2] =	sst s5;
	[tilespmem:$0x1C670] =	vst v1  }
0x86: {  	[spmem:s28] =	stream.linear.scatter [tilespmem:s15], [sflag:$0xD], $0x80, $0x38;
	[tilespmem:$0x1E190] =	vst v63  }
0x87: {  	_ =	swait.ge [sflag:s6], $0x80  }
0x88: {  	s5 =	sld [smem:$0x7F3]  }
0x89: {  	[sflag:s6] =	ssyncset.done $0x0  }
0x8a: {  	[sflag:s6] =	ssyncadd.s32 $0xFFFFFF80  }
0x8b: {  	[spmem:s5] =	stream.linear.scatter [tilespmem:s15], [sflag:$0xD], $0x80, $0x38;
	[tilespmem:$0x1E190] =	vst v63  }
0x8c: {  	_ =	swait.ge [sflag:s6], $0x80  }
0x8d: {  	s5 =	sld [smem:$0x7F5]  }
0x8e: {  	[sflag:s6] =	ssyncset.done $0x0  }
0x8f: {  	[sflag:s6] =	ssyncadd.s32 $0xFFFFFF80  }
0x90: {  	[spmem:s5] =	stream.linear.scatter [tilespmem:s15], [sflag:$0xD], $0x80, $0x38;
	[tilespmem:$0x1E190] =	vst v63  }
0x91: {  	_ =	swait.ge [sflag:s6], $0x80  }
0x92: {  	s5 =	sld [smem:$0x7F7]  }
0x93: {  	[sflag:s6] =	ssyncset.done $0x0  }
0x94: {  	[sflag:s6] =	ssyncadd.s32 $0xFFFFFF80  }
0x95: {  	[spmem:s5] =	stream.linear.scatter [tilespmem:s15], [sflag:$0xD], $0x80, $0x38;
	[tilespmem:$0x1E190] =	vst v63  }
0x96: {  	_ =	swait.ge [sflag:s6], $0x80  }
0x97: {  	s5 =	sld [smem:$0x7F9]  }
0x98: {  	[sflag:s6] =	ssyncset.done $0x0  }
0x99: {  	[sflag:s6] =	ssyncadd.s32 $0xFFFFFF80  }
0x9a: {  	[spmem:s5] =	stream.linear.scatter [tilespmem:s15], [sflag:$0xD], $0x80, $0x38;
	[tilespmem:$0x1E190] =	vst v63  }
0x9b: {  	_ =	swait.ge [sflag:s6], $0x80  }
0x9c: {  	[sflag:s6] =	ssyncset.done $0x0  }
0x9d: {  	[sflag:s6] =	ssyncadd.s32 $0xFFFFFF80  }
0x9e: {  	[bflag:$0x0] =	sbarrier.arrive $0xFFFF  }
0x9f: {  	[tilespmem:s19], [sflag:$0x1] =	stream.linear.gather [hbm4b:s10+s18], $0xA00, $0x38;
	[tilespmem:$0x1E190] =	vst v63  }
0xa0: {  	_ = 	snop  }
0xa1: {  	[tilespmem:s23], [sflag:$0x1] =	stream.linear.gather [hbm4b:s11+s18], $0xA00, $0x38;
	[tilespmem:$0x1E190] =	vst v63  }
0xa2: {  	_ =	swait.ge [sflag:s26], $0xA00  }
0xa3: {  	[sflag:s26] =	ssyncset.done $0x0  }
0xa4: {  	[sflag:s26] =	ssyncadd.s32 $0xFFFFF600  }
0xa5: {  	_ =	swait.ge [sflag:s26], $0xA00  }
0xa6: {  	s6 =	sadd.s32 $0x0, s10;
	[sflag:s26] =	ssyncset.done $0x0  }
0xa7: {  	s5 =	sadd.s32 $0x140, s6;
	s19 =	sadd.s32 $0x0, s11;
	[sflag:s26] =	ssyncadd.s32 $0xFFFFF600  }
0xa8: {  	[tilespmem:s22], [sflag:$0x2] =	stream.linear.gather [hbm4b:s5+s18], $0xA00, $0x38;
	[tilespmem:$0x1E190] =	vst v63  }
0xa9: {  	s19 =	sadd.s32 $0x140, s19  }
0xaa: {  	[tilespmem:s29], [sflag:$0x2] =	stream.linear.gather [hbm4b:s19+s18], $0xA00, $0x38;
	[tilespmem:$0x1E190] =	vst v63  }
0xab: {  	_ = 	snop  }
0xac: {  	[spmem:s1] =	stream.indirect.scatter.add.f32 [tilespmem:s15], [sflag:$0x5], $0x1, s23, s30, $0xb8;
	[tilespmem:$0x1E190] =	vst v63  }
0xad: {  	_ = 	snop  }
0xae: {  	[spmem:s1] =	stream.indirect.scatter.add.f32 [tilespmem:s15], [sflag:$0x6], $0x1, s25, s30, $0xb8;
	[tilespmem:$0x1E190] =	vst v63  }
0xaf: {  	_ =	swait.ge [sflag:s0], $0x80  }
0xb0: {  	[sflag:s0] =	ssyncset.done $0x0  }
0xb1: {  	[sflag:s0] =	ssyncadd.s32 $0xFFFFFF80  }
0xb2: {  	[spmem:s1] =	stream.indirect.scatter.add.f32 [tilespmem:s15], [sflag:$0x5], $0x1, s31, s30, $0xb8;
	[tilespmem:$0x1E190] =	vst v63  }
0xb3: {  	_ =	swait.ge [sflag:s17], $0x80  }
0xb4: {  	[sflag:s17] =	ssyncset.done $0x0  }
0xb5: {  	[sflag:s17] =	ssyncadd.s32 $0xFFFFFF80  }
0xb6: {  	[spmem:s1] =	stream.indirect.scatter.add.f32 [tilespmem:s15], [sflag:$0x6], $0x1, s16, s30, $0xb8;
	[tilespmem:$0x1E190] =	vst v63  }
0xb7: {  	_ =	swait.ge [sflag:s0], $0x80  }
0xb8: {  	[sflag:s0] =	ssyncset.done $0x0  }
0xb9: {  	[sflag:s0] =	ssyncadd.s32 $0xFFFFFF80  }
0xba: {  	[spmem:s1] =	stream.indirect.scatter.add.f32 [tilespmem:s15], [sflag:$0x5], $0x1, s12, s30, $0xb8;
	[tilespmem:$0x1E190] =	vst v63  }
0xbb: {  	_ =	swait.ge [sflag:s17], $0x80  }
0xbc: {  	[sflag:s17] =	ssyncset.done $0x0  }
0xbd: {  	s22 =	simm.s32 $0x15900;
	s15 =	simm.s32 $0x1C910;
	[sflag:s17] =	ssyncadd.s32 $0xFFFFFF80  }
0xbe: {  	[spmem:s1] =	stream.indirect.scatter.add.f32 [tilespmem:s15], [sflag:$0x6], $0x1, s22, s30, $0xb8;
	[tilespmem:$0x1E190] =	vst v63  }
0xbf: {  	_ =	swait.ge [sflag:s0], $0x80  }
0xc0: {  	[sflag:s0] =	ssyncset.done $0x0  }
0xc1: {  	s23 =	simm.s32 $0x15980;
	[sflag:s0] =	ssyncadd.s32 $0xFFFFFF80  }
0xc2: {  	[spmem:s1] =	stream.indirect.scatter.add.f32 [tilespmem:s15], [sflag:$0x5], $0x1, s23, s30, $0xb8;
	[tilespmem:$0x1E190] =	vst v63  }
0xc3: {  	_ =	swait.ge [sflag:s17], $0x80  }
0xc4: {  	[sflag:s17] =	ssyncset.done $0x0  }
0xc5: {  	[sflag:s17] =	ssyncadd.s32 $0xFFFFFF80  }
0xc6: {  	[spmem:s1] =	stream.indirect.scatter.add.f32 [tilespmem:s15], [sflag:$0x6], $0x1, s8, s30, $0xb8;
	[tilespmem:$0x1E190] =	vst v63  }
0xc7: {  	_ =	swait.ge [sflag:s0], $0x80  }
0xc8: {  	[sflag:s0] =	ssyncset.done $0x0  }
0xc9: {  	[sflag:s0] =	ssyncadd.s32 $0xFFFFFF80  }
0xca: {  	[spmem:s1] =	stream.indirect.scatter.add.f32 [tilespmem:s15], [sflag:$0x5], $0x1, s14, s30, $0xb8;
	[tilespmem:$0x1E190] =	vst v63  }
0xcb: {  	_ =	swait.ge [sflag:s17], $0x80  }
0xcc: {  	[sflag:s17] =	ssyncset.done $0x0  }
0xcd: {  	[sflag:s17] =	ssyncadd.s32 $0xFFFFFF80  }
0xce: {  	[spmem:s1] =	stream.indirect.scatter.add.f32 [tilespmem:s15], [sflag:$0x6], $0x1, s4, s30, $0xb8;
	[tilespmem:$0x1E190] =	vst v63  }
0xcf: {  	_ =	swait.ge [sflag:s0], $0x80  }
0xd0: {  	[sflag:s0] =	ssyncset.done $0x0  }
0xd1: {  	[sflag:s0] =	ssyncadd.s32 $0xFFFFFF80  }
0xd2: {  	[spmem:s1] =	stream.indirect.scatter.add.f32 [tilespmem:s15], [sflag:$0x5], $0x1, s24, s30, $0xb8;
	[tilespmem:$0x1E190] =	vst v63  }
0xd3: {  	_ =	swait.ge [sflag:s17], $0x80  }
0xd4: {  	[sflag:s17] =	ssyncset.done $0x0  }
0xd5: {  	s6 =	simm.s32 $0x15C00;
	[sflag:s17] =	ssyncadd.s32 $0xFFFFFF80  }
0xd6: {  	[spmem:s1] =	stream.indirect.scatter.add.f32 [tilespmem:s15], [sflag:$0x6], $0x1, s6, s30, $0xb8;
	[tilespmem:$0x1E190] =	vst v63  }
0xd7: {  	_ =	swait.ge [sflag:s0], $0x80  }
0xd8: {  	[sflag:s0] =	ssyncset.done $0x0  }
0xd9: {  	s8 =	simm.s32 $0x15C80;
	[sflag:s0] =	ssyncadd.s32 $0xFFFFFF80  }
0xda: {  	[spmem:s1] =	stream.indirect.scatter.add.f32 [tilespmem:s15], [sflag:$0x5], $0x1, s8, s30, $0xb8;
	[tilespmem:$0x1E190] =	vst v63  }
0xdb: {  	_ =	swait.ge [sflag:s17], $0x80  }
0xdc: {  	[sflag:s17] =	ssyncset.done $0x0  }
0xdd: {  	s14 =	simm.s32 $0x15D00;
	[sflag:s17] =	ssyncadd.s32 $0xFFFFFF80  }
0xde: {  	[spmem:s1] =	stream.indirect.scatter.add.f32 [tilespmem:s15], [sflag:$0x6], $0x1, s14, s30, $0xb8;
	[tilespmem:$0x1E190] =	vst v63  }
0xdf: {  	_ =	swait.ge [sflag:s0], $0x80  }
0xe0: {  	[sflag:s0] =	ssyncset.done $0x0  }
0xe1: {  	s18 =	simm.s32 $0x15D80;
	[sflag:s0] =	ssyncadd.s32 $0xFFFFFF80  }
0xe2: {  	[spmem:s1] =	stream.indirect.scatter.add.f32 [tilespmem:s15], [sflag:$0x5], $0x1, s18, s30, $0xb8;
	[tilespmem:$0x1E190] =	vst v63  }
0xe3: {  	_ =	swait.ge [sflag:s17], $0x80  }
0xe4: {  	[sflag:s17] =	ssyncset.done $0x0  }
0xe5: {  	s19 =	simm.s32 $0x15E00;
	[sflag:s17] =	ssyncadd.s32 $0xFFFFFF80  }
0xe6: {  	[spmem:s1] =	stream.indirect.scatter.add.f32 [tilespmem:s15], [sflag:$0x6], $0x1, s19, s30, $0xb8;
	[tilespmem:$0x1E190] =	vst v63  }
0xe7: {  	_ =	swait.ge [sflag:s0], $0x80  }
0xe8: {  	[sflag:s0] =	ssyncset.done $0x0  }
0xe9: {  	s22 =	simm.s32 $0x15E80;
	[sflag:s0] =	ssyncadd.s32 $0xFFFFFF80  }
0xea: {  	[spmem:s1] =	stream.indirect.scatter.add.f32 [tilespmem:s15], [sflag:$0x5], $0x1, s22, s30, $0xb8;
	[tilespmem:$0x1E190] =	vst v63  }
0xeb: {  	_ =	swait.ge [sflag:s17], $0x80  }
0xec: {  	[sflag:s17] =	ssyncset.done $0x0  }
0xed: {  	s23 =	simm.s32 $0x15F00;
	[sflag:s17] =	ssyncadd.s32 $0xFFFFFF80  }
0xee: {  	[spmem:s1] =	stream.indirect.scatter.add.f32 [tilespmem:s15], [sflag:$0x6], $0x1, s23, s30, $0xb8;
	[tilespmem:$0x1E190] =	vst v63  }
0xef: {  	_ =	swait.ge [sflag:s0], $0x80  }
0xf0: {  	[sflag:s0] =	ssyncset.done $0x0  }
0xf1: {  	s24 =	simm.s32 $0x15F80;
	[sflag:s0] =	ssyncadd.s32 $0xFFFFFF80  }
0xf2: {  	[spmem:s1] =	stream.indirect.scatter.add.f32 [tilespmem:s15], [sflag:$0x5], $0x1, s24, s30, $0xb8;
	[tilespmem:$0x1E190] =	vst v63  }
0xf3: {  	_ =	swait.ge [sflag:s17], $0x80  }
0xf4: {  	[sflag:s17] =	ssyncset.done $0x0  }
0xf5: {  	s5 =	simm.s32 $0x16000;
	[sflag:s17] =	ssyncadd.s32 $0xFFFFFF80  }
0xf6: {  	[spmem:s1] =	stream.indirect.scatter.add.f32 [tilespmem:s15], [sflag:$0x6], $0x1, s5, s30, $0xb8;
	[tilespmem:$0x1E190] =	vst v63  }
0xf7: {  	_ =	swait.ge [sflag:s0], $0x80  }
0xf8: {  	[sflag:s0] =	ssyncset.done $0x0  }
0xf9: {  	[sflag:s0] =	ssyncadd.s32 $0xFFFFFF80  }
0xfa: {  	_ =	swait.ge [sflag:s17], $0x80  }
0xfb: {  	[sflag:s17] =	ssyncset.done $0x0  }
0xfc: {  	[sflag:s17] =	ssyncadd.s32 $0xFFFFFF80  }
0xfd: {  	_ =	swait.ge [sflag:s7], $0xA00  }
0xfe: {  	[sflag:s7] =	ssyncset.done $0x0  }
0xff: {  	[sflag:s7] =	ssyncadd.s32 $0xFFFFF600  }
0x100: {  	p0 =	por $0x0, $0x0;
	_ =	swait.ge [sflag:s7], $0xA00  }
0x101: {  	s6 =	simm.s32 @!p0 $0x0;
	s5 =	sadd.s32 @!p0 $0x0, s10;
	[sflag:s7] =	ssyncset.done $0x0  }
0x102: {  	s8 =	simm.s32 @!p0 $0x14280;
	s5 =	sadd.s32 @!p0 $0x280, s5;
	[sflag:s7] =	ssyncadd.s32 $0xFFFFF600  }
0x103: {  	[tilespmem:s8], [sflag:$0x1] =	stream.linear.gather @!p0 [hbm4b:s5+s6], $0xA00, $0x38;
	[tilespmem:$0x1E190] =	vst v63  }
0x104: {  	s5 =	sadd.s32 @!p0 $0x0, s11  }
0x105: {  	s8 =	simm.s32 @!p0 $0x15680;
	s5 =	sadd.s32 @!p0 $0x280, s5  }
0x106: {  	[tilespmem:s8], [sflag:$0x1] =	stream.linear.gather @!p0 [hbm4b:s5+s6], $0xA00, $0x38;
	[tilespmem:$0x1E190] =	vst v63  }
0x107: {  	_ = 	snop  }
0x108: {  	[spmem:s1] =	stream.indirect.scatter.add.f32 [tilespmem:s15], [sflag:$0x5], $0x1, s29, s30, $0xb8;
	[tilespmem:$0x1E190] =	vst v63  }
0x109: {  	s6 =	simm.s32 $0x16100  }
0x10a: {  	[spmem:s1] =	stream.indirect.scatter.add.f32 [tilespmem:s15], [sflag:$0x6], $0x1, s6, s30, $0xb8;
	[tilespmem:$0x1E190] =	vst v63  }
0x10b: {  	_ =	swait.ge [sflag:s0], $0x80  }
0x10c: {  	[sflag:s0] =	ssyncset.done $0x0  }
0x10d: {  	s8 =	simm.s32 $0x16180;
	[sflag:s0] =	ssyncadd.s32 $0xFFFFFF80  }
0x10e: {  	[spmem:s1] =	stream.indirect.scatter.add.f32 [tilespmem:s15], [sflag:$0x5], $0x1, s8, s30, $0xb8;
	[tilespmem:$0x1E190] =	vst v63  }
0x10f: {  	_ =	swait.ge [sflag:s17], $0x80  }
0x110: {  	[sflag:s17] =	ssyncset.done $0x0  }
0x111: {  	s14 =	simm.s32 $0x16200;
	[sflag:s17] =	ssyncadd.s32 $0xFFFFFF80  }
0x112: {  	[spmem:s1] =	stream.indirect.scatter.add.f32 [tilespmem:s15], [sflag:$0x6], $0x1, s14, s30, $0xb8;
	[tilespmem:$0x1E190] =	vst v63  }
0x113: {  	_ =	swait.ge [sflag:s0], $0x80  }
0x114: {  	[sflag:s0] =	ssyncset.done $0x0  }
0x115: {  	s18 =	simm.s32 $0x16280;
	[sflag:s0] =	ssyncadd.s32 $0xFFFFFF80  }
0x116: {  	[spmem:s1] =	stream.indirect.scatter.add.f32 [tilespmem:s15], [sflag:$0x5], $0x1, s18, s30, $0xb8;
	[tilespmem:$0x1E190] =	vst v63  }
0x117: {  	_ =	swait.ge [sflag:s17], $0x80  }
0x118: {  	[sflag:s17] =	ssyncset.done $0x0  }
0x119: {  	s19 =	simm.s32 $0x16300;
	[sflag:s17] =	ssyncadd.s32 $0xFFFFFF80  }
0x11a: {  	[spmem:s1] =	stream.indirect.scatter.add.f32 [tilespmem:s15], [sflag:$0x6], $0x1, s19, s30, $0xb8;
	[tilespmem:$0x1E190] =	vst v63  }
0x11b: {  	_ =	swait.ge [sflag:s0], $0x80  }
0x11c: {  	[sflag:s0] =	ssyncset.done $0x0  }
0x11d: {  	s22 =	simm.s32 $0x16380;
	[sflag:s0] =	ssyncadd.s32 $0xFFFFFF80  }
0x11e: {  	[spmem:s1] =	stream.indirect.scatter.add.f32 [tilespmem:s15], [sflag:$0x5], $0x1, s22, s30, $0xb8;
	[tilespmem:$0x1E190] =	vst v63  }
0x11f: {  	_ =	swait.ge [sflag:s17], $0x80  }
0x120: {  	[sflag:s17] =	ssyncset.done $0x0  }
0x121: {  	s23 =	simm.s32 $0x16400;
	[sflag:s17] =	ssyncadd.s32 $0xFFFFFF80  }
0x122: {  	[spmem:s1] =	stream.indirect.scatter.add.f32 [tilespmem:s15], [sflag:$0x6], $0x1, s23, s30, $0xb8;
	[tilespmem:$0x1E190] =	vst v63  }
0x123: {  	_ =	swait.ge [sflag:s0], $0x80  }
0x124: {  	[sflag:s0] =	ssyncset.done $0x0  }
0x125: {  	s24 =	simm.s32 $0x16480;
	[sflag:s0] =	ssyncadd.s32 $0xFFFFFF80  }
0x126: {  	[spmem:s1] =	stream.indirect.scatter.add.f32 [tilespmem:s15], [sflag:$0x5], $0x1, s24, s30, $0xb8;
	[tilespmem:$0x1E190] =	vst v63  }
0x127: {  	_ =	swait.ge [sflag:s17], $0x80  }
0x128: {  	[sflag:s17] =	ssyncset.done $0x0  }
0x129: {  	s5 =	simm.s32 $0x16500;
	[sflag:s17] =	ssyncadd.s32 $0xFFFFFF80  }
0x12a: {  	[spmem:s1] =	stream.indirect.scatter.add.f32 [tilespmem:s15], [sflag:$0x6], $0x1, s5, s30, $0xb8;
	[tilespmem:$0x1E190] =	vst v63  }
0x12b: {  	_ =	swait.ge [sflag:s0], $0x80  }
0x12c: {  	[sflag:s0] =	ssyncset.done $0x0  }
0x12d: {  	s6 =	simm.s32 $0x16580;
	[sflag:s0] =	ssyncadd.s32 $0xFFFFFF80  }
0x12e: {  	[spmem:s1] =	stream.indirect.scatter.add.f32 [tilespmem:s15], [sflag:$0x5], $0x1, s6, s30, $0xb8;
	[tilespmem:$0x1E190] =	vst v63  }
0x12f: {  	_ =	swait.ge [sflag:s17], $0x80  }
0x130: {  	[sflag:s17] =	ssyncset.done $0x0  }
0x131: {  	s8 =	simm.s32 $0x16600;
	[sflag:s17] =	ssyncadd.s32 $0xFFFFFF80  }
0x132: {  	[spmem:s1] =	stream.indirect.scatter.add.f32 [tilespmem:s15], [sflag:$0x6], $0x1, s8, s30, $0xb8;
	[tilespmem:$0x1E190] =	vst v63  }
0x133: {  	_ =	swait.ge [sflag:s0], $0x80  }
0x134: {  	[sflag:s0] =	ssyncset.done $0x0  }
0x135: {  	s14 =	simm.s32 $0x16680;
	[sflag:s0] =	ssyncadd.s32 $0xFFFFFF80  }
0x136: {  	[spmem:s1] =	stream.indirect.scatter.add.f32 [tilespmem:s15], [sflag:$0x5], $0x1, s14, s30, $0xb8;
	[tilespmem:$0x1E190] =	vst v63  }
0x137: {  	_ =	swait.ge [sflag:s17], $0x80  }
0x138: {  	[sflag:s17] =	ssyncset.done $0x0  }
0x139: {  	s18 =	simm.s32 $0x16700;
	[sflag:s17] =	ssyncadd.s32 $0xFFFFFF80  }
0x13a: {  	[spmem:s1] =	stream.indirect.scatter.add.f32 [tilespmem:s15], [sflag:$0x6], $0x1, s18, s30, $0xb8;
	[tilespmem:$0x1E190] =	vst v63  }
0x13b: {  	_ =	swait.ge [sflag:s0], $0x80  }
0x13c: {  	[sflag:s0] =	ssyncset.done $0x0  }
0x13d: {  	s19 =	simm.s32 $0x16780;
	[sflag:s0] =	ssyncadd.s32 $0xFFFFFF80  }
0x13e: {  	[spmem:s1] =	stream.indirect.scatter.add.f32 [tilespmem:s15], [sflag:$0x5], $0x1, s19, s30, $0xb8;
	[tilespmem:$0x1E190] =	vst v63  }
0x13f: {  	_ =	swait.ge [sflag:s17], $0x80  }
0x140: {  	[sflag:s17] =	ssyncset.done $0x0  }
0x141: {  	s22 =	simm.s32 $0x16800;
	[sflag:s17] =	ssyncadd.s32 $0xFFFFFF80  }
0x142: {  	[spmem:s1] =	stream.indirect.scatter.add.f32 [tilespmem:s15], [sflag:$0x6], $0x1, s22, s30, $0xb8;
	[tilespmem:$0x1E190] =	vst v63  }
0x143: {  	_ =	swait.ge [sflag:s0], $0x80  }
0x144: {  	[sflag:s0] =	ssyncset.done $0x0  }
0x145: {  	s23 =	simm.s32 $0x16880;
	[sflag:s0] =	ssyncadd.s32 $0xFFFFFF80  }
0x146: {  	[spmem:s1] =	stream.indirect.scatter.add.f32 [tilespmem:s15], [sflag:$0x5], $0x1, s23, s30, $0xb8;
	[tilespmem:$0x1E190] =	vst v63  }
0x147: {  	_ =	swait.ge [sflag:s17], $0x80  }
0x148: {  	[sflag:s17] =	ssyncset.done $0x0  }
0x149: {  	s24 =	simm.s32 $0x16900;
	[sflag:s17] =	ssyncadd.s32 $0xFFFFFF80  }
0x14a: {  	[spmem:s1] =	stream.indirect.scatter.add.f32 [tilespmem:s15], [sflag:$0x6], $0x1, s24, s30, $0xb8;
	[tilespmem:$0x1E190] =	vst v63  }
0x14b: {  	_ =	swait.ge [sflag:s0], $0x80  }
0x14c: {  	[sflag:s0] =	ssyncset.done $0x0  }
0x14d: {  	s24 =	simm.s32 $0x16980;
	[sflag:s0] =	ssyncadd.s32 $0xFFFFFF80  }
0x14e: {  	[spmem:s1] =	stream.indirect.scatter.add.f32 [tilespmem:s15], [sflag:$0x5], $0x1, s24, s30, $0xb8;
	[tilespmem:$0x1E190] =	vst v63  }
0x14f: {  	_ =	swait.ge [sflag:s17], $0x80  }
0x150: {  	[sflag:s17] =	ssyncset.done $0x0  }
0x151: {  	s19 =	simm.s32 $0x16A00;
	[sflag:s17] =	ssyncadd.s32 $0xFFFFFF80  }
0x152: {  	[spmem:s1] =	stream.indirect.scatter.add.f32 [tilespmem:s15], [sflag:$0x6], $0x1, s19, s30, $0xb8;
	[tilespmem:$0x1E190] =	vst v63  }
0x153: {  	s28 =	simm.s32 $0x0;
	_ =	swait.ge [sflag:s0], $0x80  }
0x154: {  	s4 =	simm.s32 $0x15B00;
	s29 =	simm.s32 $0x14C80;
	[sflag:s0] =	ssyncset.done $0x0  }
0x155: {  	s14 =	simm.s32 $0x280;
	s18 =	simm.s32 $0x16080;
	[sflag:s0] =	ssyncadd.s32 $0xFFFFFF80  }
0x156: {  	s22 =	simm.s32 $0x15A80;
	s23 =	simm.s32 $0x16900;
	_ =	swait.ge [sflag:s17], $0x80  }
.LBB2_2:
0x157: {  	[sflag:s17] =	ssyncset.done $0x0;
	s8 =	smov.u32 s14;
	s14 =	sadd.s32 $0x280, s14  }
0x158: {  	p0 =	sne.s32 s14, $0xA00;
	[sflag:s17] =	ssyncadd.s32 $0xFFFFFF80  }
0x159: {  	_ =	swait.ge [sflag:s26], $0xA00  }
0x15a: {  	[sflag:s26] =	ssyncset.done $0x0  }
0x15b: {  	[sflag:s26] =	ssyncadd.s32 $0xFFFFF600  }
0x15c: {  	_ =	swait.ge [sflag:s26], $0xA00  }
0x15d: {  	s5 =	sadd.s32 s8, s10;
	[sflag:s26] =	ssyncset.done $0x0  }
0x15e: {  	s6 =	sadd.s32 s8, s11;
	s5 =	sadd.s32 $0x140, s5;
	[sflag:s26] =	ssyncadd.s32 $0xFFFFF600  }
0x15f: {  	[tilespmem:s29], [sflag:$0x2] =	stream.linear.gather [hbm4b:s5+s28], $0xA00, $0x38;
	[tilespmem:$0x1E190] =	vst v63  }
0x160: {  	s5 =	sadd.s32 $0x140, s6  }
0x161: {  	[tilespmem:s18], [sflag:$0x2] =	stream.linear.gather [hbm4b:s5+s28], $0xA00, $0x38;
	[tilespmem:$0x1E190] =	vst v63  }
0x162: {  	s5 =	simm.s32 $0x15680  }
0x163: {  	[spmem:s1] =	stream.indirect.scatter.add.f32 [tilespmem:s15], [sflag:$0x5], $0x1, s5, s30, $0xb8;
	[tilespmem:$0x1E190] =	vst v63  }
0x164: {  	_ = 	snop  }
0x165: {  	[spmem:s1] =	stream.indirect.scatter.add.f32 [tilespmem:s15], [sflag:$0x6], $0x1, s25, s30, $0xb8;
	[tilespmem:$0x1E190] =	vst v63  }
0x166: {  	_ =	swait.ge [sflag:s0], $0x80  }
0x167: {  	[sflag:s0] =	ssyncset.done $0x0  }
0x168: {  	[sflag:s0] =	ssyncadd.s32 $0xFFFFFF80  }
0x169: {  	[spmem:s1] =	stream.indirect.scatter.add.f32 [tilespmem:s15], [sflag:$0x5], $0x1, s31, s30, $0xb8;
	[tilespmem:$0x1E190] =	vst v63  }
0x16a: {  	_ =	swait.ge [sflag:s17], $0x80  }
0x16b: {  	[sflag:s17] =	ssyncset.done $0x0  }
0x16c: {  	[sflag:s17] =	ssyncadd.s32 $0xFFFFFF80  }
0x16d: {  	[spmem:s1] =	stream.indirect.scatter.add.f32 [tilespmem:s15], [sflag:$0x6], $0x1, s16, s30, $0xb8;
	[tilespmem:$0x1E190] =	vst v63  }
0x16e: {  	_ =	swait.ge [sflag:s0], $0x80  }
0x16f: {  	[sflag:s0] =	ssyncset.done $0x0  }
0x170: {  	[sflag:s0] =	ssyncadd.s32 $0xFFFFFF80  }
0x171: {  	[spmem:s1] =	stream.indirect.scatter.add.f32 [tilespmem:s15], [sflag:$0x5], $0x1, s12, s30, $0xb8;
	[tilespmem:$0x1E190] =	vst v63  }
0x172: {  	_ =	swait.ge [sflag:s17], $0x80  }
0x173: {  	[sflag:s17] =	ssyncset.done $0x0  }
0x174: {  	s5 =	simm.s32 $0x15900;
	[sflag:s17] =	ssyncadd.s32 $0xFFFFFF80  }
0x175: {  	[spmem:s1] =	stream.indirect.scatter.add.f32 [tilespmem:s15], [sflag:$0x6], $0x1, s5, s30, $0xb8;
	[tilespmem:$0x1E190] =	vst v63  }
0x176: {  	_ =	swait.ge [sflag:s0], $0x80  }
0x177: {  	[sflag:s0] =	ssyncset.done $0x0  }
0x178: {  	s5 =	simm.s32 $0x15980;
	[sflag:s0] =	ssyncadd.s32 $0xFFFFFF80  }
0x179: {  	[spmem:s1] =	stream.indirect.scatter.add.f32 [tilespmem:s15], [sflag:$0x5], $0x1, s5, s30, $0xb8;
	[tilespmem:$0x1E190] =	vst v63  }
0x17a: {  	_ =	swait.ge [sflag:s17], $0x80  }
0x17b: {  	[sflag:s17] =	ssyncset.done $0x0  }
0x17c: {  	s5 =	simm.s32 $0x15A00;
	[sflag:s17] =	ssyncadd.s32 $0xFFFFFF80  }
0x17d: {  	[spmem:s1] =	stream.indirect.scatter.add.f32 [tilespmem:s15], [sflag:$0x6], $0x1, s5, s30, $0xb8;
	[tilespmem:$0x1E190] =	vst v63  }
0x17e: {  	_ =	swait.ge [sflag:s0], $0x80  }
0x17f: {  	[sflag:s0] =	ssyncset.done $0x0  }
0x180: {  	[sflag:s0] =	ssyncadd.s32 $0xFFFFFF80  }
0x181: {  	[spmem:s1] =	stream.indirect.scatter.add.f32 [tilespmem:s15], [sflag:$0x5], $0x1, s22, s30, $0xb8;
	[tilespmem:$0x1E190] =	vst v63  }
0x182: {  	_ =	swait.ge [sflag:s17], $0x80  }
0x183: {  	[sflag:s17] =	ssyncset.done $0x0  }
0x184: {  	[sflag:s17] =	ssyncadd.s32 $0xFFFFFF80  }
0x185: {  	[spmem:s1] =	stream.indirect.scatter.add.f32 [tilespmem:s15], [sflag:$0x6], $0x1, s4, s30, $0xb8;
	[tilespmem:$0x1E190] =	vst v63  }
0x186: {  	_ =	swait.ge [sflag:s0], $0x80  }
0x187: {  	[sflag:s0] =	ssyncset.done $0x0  }
0x188: {  	s5 =	simm.s32 $0x15B80;
	[sflag:s0] =	ssyncadd.s32 $0xFFFFFF80  }
0x189: {  	[spmem:s1] =	stream.indirect.scatter.add.f32 [tilespmem:s15], [sflag:$0x5], $0x1, s5, s30, $0xb8;
	[tilespmem:$0x1E190] =	vst v63  }
0x18a: {  	_ =	swait.ge [sflag:s17], $0x80  }
0x18b: {  	[sflag:s17] =	ssyncset.done $0x0  }
0x18c: {  	s5 =	simm.s32 $0x15C00;
	[sflag:s17] =	ssyncadd.s32 $0xFFFFFF80  }
0x18d: {  	[spmem:s1] =	stream.indirect.scatter.add.f32 [tilespmem:s15], [sflag:$0x6], $0x1, s5, s30, $0xb8;
	[tilespmem:$0x1E190] =	vst v63  }
0x18e: {  	_ =	swait.ge [sflag:s0], $0x80  }
0x18f: {  	[sflag:s0] =	ssyncset.done $0x0  }
0x190: {  	s5 =	simm.s32 $0x15C80;
	[sflag:s0] =	ssyncadd.s32 $0xFFFFFF80  }
0x191: {  	[spmem:s1] =	stream.indirect.scatter.add.f32 [tilespmem:s15], [sflag:$0x5], $0x1, s5, s30, $0xb8;
	[tilespmem:$0x1E190] =	vst v63  }
0x192: {  	_ =	swait.ge [sflag:s17], $0x80  }
0x193: {  	[sflag:s17] =	ssyncset.done $0x0  }
0x194: {  	s5 =	simm.s32 $0x15D00;
	[sflag:s17] =	ssyncadd.s32 $0xFFFFFF80  }
0x195: {  	[spmem:s1] =	stream.indirect.scatter.add.f32 [tilespmem:s15], [sflag:$0x6], $0x1, s5, s30, $0xb8;
	[tilespmem:$0x1E190] =	vst v63  }
0x196: {  	_ =	swait.ge [sflag:s0], $0x80  }
0x197: {  	[sflag:s0] =	ssyncset.done $0x0  }
0x198: {  	s5 =	simm.s32 $0x15D80;
	[sflag:s0] =	ssyncadd.s32 $0xFFFFFF80  }
0x199: {  	[spmem:s1] =	stream.indirect.scatter.add.f32 [tilespmem:s15], [sflag:$0x5], $0x1, s5, s30, $0xb8;
	[tilespmem:$0x1E190] =	vst v63  }
0x19a: {  	_ =	swait.ge [sflag:s17], $0x80  }
0x19b: {  	[sflag:s17] =	ssyncset.done $0x0  }
0x19c: {  	s5 =	simm.s32 $0x15E00;
	[sflag:s17] =	ssyncadd.s32 $0xFFFFFF80  }
0x19d: {  	[spmem:s1] =	stream.indirect.scatter.add.f32 [tilespmem:s15], [sflag:$0x6], $0x1, s5, s30, $0xb8;
	[tilespmem:$0x1E190] =	vst v63  }
0x19e: {  	_ =	swait.ge [sflag:s0], $0x80  }
0x19f: {  	[sflag:s0] =	ssyncset.done $0x0  }
0x1a0: {  	s5 =	simm.s32 $0x15E80;
	[sflag:s0] =	ssyncadd.s32 $0xFFFFFF80  }
0x1a1: {  	[spmem:s1] =	stream.indirect.scatter.add.f32 [tilespmem:s15], [sflag:$0x5], $0x1, s5, s30, $0xb8;
	[tilespmem:$0x1E190] =	vst v63  }
0x1a2: {  	_ =	swait.ge [sflag:s17], $0x80  }
0x1a3: {  	[sflag:s17] =	ssyncset.done $0x0  }
0x1a4: {  	s5 =	simm.s32 $0x15F00;
	[sflag:s17] =	ssyncadd.s32 $0xFFFFFF80  }
0x1a5: {  	[spmem:s1] =	stream.indirect.scatter.add.f32 [tilespmem:s15], [sflag:$0x6], $0x1, s5, s30, $0xb8;
	[tilespmem:$0x1E190] =	vst v63  }
0x1a6: {  	_ =	swait.ge [sflag:s0], $0x80  }
0x1a7: {  	[sflag:s0] =	ssyncset.done $0x0  }
0x1a8: {  	s5 =	simm.s32 $0x15F80;
	[sflag:s0] =	ssyncadd.s32 $0xFFFFFF80  }
0x1a9: {  	[spmem:s1] =	stream.indirect.scatter.add.f32 [tilespmem:s15], [sflag:$0x5], $0x1, s5, s30, $0xb8;
	[tilespmem:$0x1E190] =	vst v63  }
0x1aa: {  	_ =	swait.ge [sflag:s17], $0x80  }
0x1ab: {  	[sflag:s17] =	ssyncset.done $0x0  }
0x1ac: {  	s5 =	simm.s32 $0x16000;
	[sflag:s17] =	ssyncadd.s32 $0xFFFFFF80  }
0x1ad: {  	[spmem:s1] =	stream.indirect.scatter.add.f32 [tilespmem:s15], [sflag:$0x6], $0x1, s5, s30, $0xb8;
	[tilespmem:$0x1E190] =	vst v63  }
0x1ae: {  	_ =	swait.ge [sflag:s0], $0x80  }
0x1af: {  	[sflag:s0] =	ssyncset.done $0x0  }
0x1b0: {  	[sflag:s0] =	ssyncadd.s32 $0xFFFFFF80  }
0x1b1: {  	_ =	swait.ge [sflag:s17], $0x80  }
0x1b2: {  	[sflag:s17] =	ssyncset.done $0x0  }
0x1b3: {  	[sflag:s17] =	ssyncadd.s32 $0xFFFFFF80  }
0x1b4: {  	_ =	swait.ge [sflag:s7], $0xA00  }
0x1b5: {  	[sflag:s7] =	ssyncset.done $0x0  }
0x1b6: {  	[sflag:s7] =	ssyncadd.s32 $0xFFFFF600  }
0x1b7: {  	p1 =	seq.s32 s8, $0x780;
	_ =	swait.ge [sflag:s7], $0xA00  }
0x1b8: {  	s6 =	simm.s32 @!p1 $0x0;
	s5 =	sadd.s32 @!p1 s8, s10;
	[sflag:s7] =	ssyncset.done $0x0  }
0x1b9: {  	s12 =	simm.s32 @!p1 $0x14280;
	s5 =	sadd.s32 @!p1 $0x280, s5;
	[sflag:s7] =	ssyncadd.s32 $0xFFFFF600  }
0x1ba: {  	[tilespmem:s12], [sflag:$0x1] =	stream.linear.gather @!p1 [hbm4b:s5+s6], $0xA00, $0x38;
	[tilespmem:$0x1E190] =	vst v63  }
0x1bb: {  	s12 =	simm.s32 $0x15880  }
0x1bc: {  	s5 =	sadd.s32 @!p1 s8, s11;
	s8 =	simm.s32 @!p1 $0x15680  }
0x1bd: {  	s5 =	sadd.s32 @!p1 $0x280, s5  }
0x1be: {  	[tilespmem:s8], [sflag:$0x1] =	stream.linear.gather @!p1 [hbm4b:s5+s6], $0xA00, $0x38;
	[tilespmem:$0x1E190] =	vst v63  }
0x1bf: {  	_ = 	snop  }
0x1c0: {  	[spmem:s1] =	stream.indirect.scatter.add.f32 [tilespmem:s15], [sflag:$0x5], $0x1, s18, s30, $0xb8;
	[tilespmem:$0x1E190] =	vst v63  }
0x1c1: {  	s5 =	simm.s32 $0x16100  }
0x1c2: {  	[spmem:s1] =	stream.indirect.scatter.add.f32 [tilespmem:s15], [sflag:$0x6], $0x1, s5, s30, $0xb8;
	[tilespmem:$0x1E190] =	vst v63  }
0x1c3: {  	_ =	swait.ge [sflag:s0], $0x80  }
0x1c4: {  	[sflag:s0] =	ssyncset.done $0x0  }
0x1c5: {  	s5 =	simm.s32 $0x16180;
	[sflag:s0] =	ssyncadd.s32 $0xFFFFFF80  }
0x1c6: {  	[spmem:s1] =	stream.indirect.scatter.add.f32 [tilespmem:s15], [sflag:$0x5], $0x1, s5, s30, $0xb8;
	[tilespmem:$0x1E190] =	vst v63  }
0x1c7: {  	_ =	swait.ge [sflag:s17], $0x80  }
0x1c8: {  	[sflag:s17] =	ssyncset.done $0x0  }
0x1c9: {  	s5 =	simm.s32 $0x16200;
	[sflag:s17] =	ssyncadd.s32 $0xFFFFFF80  }
0x1ca: {  	[spmem:s1] =	stream.indirect.scatter.add.f32 [tilespmem:s15], [sflag:$0x6], $0x1, s5, s30, $0xb8;
	[tilespmem:$0x1E190] =	vst v63  }
0x1cb: {  	_ =	swait.ge [sflag:s0], $0x80  }
0x1cc: {  	[sflag:s0] =	ssyncset.done $0x0  }
0x1cd: {  	s5 =	simm.s32 $0x16280;
	[sflag:s0] =	ssyncadd.s32 $0xFFFFFF80  }
0x1ce: {  	[spmem:s1] =	stream.indirect.scatter.add.f32 [tilespmem:s15], [sflag:$0x5], $0x1, s5, s30, $0xb8;
	[tilespmem:$0x1E190] =	vst v63  }
0x1cf: {  	_ =	swait.ge [sflag:s17], $0x80  }
0x1d0: {  	[sflag:s17] =	ssyncset.done $0x0  }
0x1d1: {  	s5 =	simm.s32 $0x16300;
	[sflag:s17] =	ssyncadd.s32 $0xFFFFFF80  }
0x1d2: {  	[spmem:s1] =	stream.indirect.scatter.add.f32 [tilespmem:s15], [sflag:$0x6], $0x1, s5, s30, $0xb8;
	[tilespmem:$0x1E190] =	vst v63  }
0x1d3: {  	_ =	swait.ge [sflag:s0], $0x80  }
0x1d4: {  	[sflag:s0] =	ssyncset.done $0x0  }
0x1d5: {  	s5 =	simm.s32 $0x16380;
	[sflag:s0] =	ssyncadd.s32 $0xFFFFFF80  }
0x1d6: {  	[spmem:s1] =	stream.indirect.scatter.add.f32 [tilespmem:s15], [sflag:$0x5], $0x1, s5, s30, $0xb8;
	[tilespmem:$0x1E190] =	vst v63  }
0x1d7: {  	_ =	swait.ge [sflag:s17], $0x80  }
0x1d8: {  	[sflag:s17] =	ssyncset.done $0x0  }
0x1d9: {  	s5 =	simm.s32 $0x16400;
	[sflag:s17] =	ssyncadd.s32 $0xFFFFFF80  }
0x1da: {  	[spmem:s1] =	stream.indirect.scatter.add.f32 [tilespmem:s15], [sflag:$0x6], $0x1, s5, s30, $0xb8;
	[tilespmem:$0x1E190] =	vst v63  }
0x1db: {  	_ =	swait.ge [sflag:s0], $0x80  }
0x1dc: {  	[sflag:s0] =	ssyncset.done $0x0  }
0x1dd: {  	s5 =	simm.s32 $0x16480;
	[sflag:s0] =	ssyncadd.s32 $0xFFFFFF80  }
0x1de: {  	[spmem:s1] =	stream.indirect.scatter.add.f32 [tilespmem:s15], [sflag:$0x5], $0x1, s5, s30, $0xb8;
	[tilespmem:$0x1E190] =	vst v63  }
0x1df: {  	_ =	swait.ge [sflag:s17], $0x80  }
0x1e0: {  	[sflag:s17] =	ssyncset.done $0x0  }
0x1e1: {  	s5 =	simm.s32 $0x16500;
	[sflag:s17] =	ssyncadd.s32 $0xFFFFFF80  }
0x1e2: {  	[spmem:s1] =	stream.indirect.scatter.add.f32 [tilespmem:s15], [sflag:$0x6], $0x1, s5, s30, $0xb8;
	[tilespmem:$0x1E190] =	vst v63  }
0x1e3: {  	_ =	swait.ge [sflag:s0], $0x80  }
0x1e4: {  	[sflag:s0] =	ssyncset.done $0x0  }
0x1e5: {  	s5 =	simm.s32 $0x16580;
	[sflag:s0] =	ssyncadd.s32 $0xFFFFFF80  }
0x1e6: {  	[spmem:s1] =	stream.indirect.scatter.add.f32 [tilespmem:s15], [sflag:$0x5], $0x1, s5, s30, $0xb8;
	[tilespmem:$0x1E190] =	vst v63  }
0x1e7: {  	_ =	swait.ge [sflag:s17], $0x80  }
0x1e8: {  	[sflag:s17] =	ssyncset.done $0x0  }
0x1e9: {  	s5 =	simm.s32 $0x16600;
	[sflag:s17] =	ssyncadd.s32 $0xFFFFFF80  }
0x1ea: {  	[spmem:s1] =	stream.indirect.scatter.add.f32 [tilespmem:s15], [sflag:$0x6], $0x1, s5, s30, $0xb8;
	[tilespmem:$0x1E190] =	vst v63  }
0x1eb: {  	_ =	swait.ge [sflag:s0], $0x80  }
0x1ec: {  	[sflag:s0] =	ssyncset.done $0x0  }
0x1ed: {  	s5 =	simm.s32 $0x16680;
	[sflag:s0] =	ssyncadd.s32 $0xFFFFFF80  }
0x1ee: {  	[spmem:s1] =	stream.indirect.scatter.add.f32 [tilespmem:s15], [sflag:$0x5], $0x1, s5, s30, $0xb8;
	[tilespmem:$0x1E190] =	vst v63  }
0x1ef: {  	_ =	swait.ge [sflag:s17], $0x80  }
0x1f0: {  	[sflag:s17] =	ssyncset.done $0x0  }
0x1f1: {  	s5 =	simm.s32 $0x16700;
	[sflag:s17] =	ssyncadd.s32 $0xFFFFFF80  }
0x1f2: {  	[spmem:s1] =	stream.indirect.scatter.add.f32 [tilespmem:s15], [sflag:$0x6], $0x1, s5, s30, $0xb8;
	[tilespmem:$0x1E190] =	vst v63  }
0x1f3: {  	_ =	swait.ge [sflag:s0], $0x80  }
0x1f4: {  	[sflag:s0] =	ssyncset.done $0x0  }
0x1f5: {  	s5 =	simm.s32 $0x16780;
	[sflag:s0] =	ssyncadd.s32 $0xFFFFFF80  }
0x1f6: {  	[spmem:s1] =	stream.indirect.scatter.add.f32 [tilespmem:s15], [sflag:$0x5], $0x1, s5, s30, $0xb8;
	[tilespmem:$0x1E190] =	vst v63  }
0x1f7: {  	_ =	swait.ge [sflag:s17], $0x80  }
0x1f8: {  	[sflag:s17] =	ssyncset.done $0x0  }
0x1f9: {  	s5 =	simm.s32 $0x16800;
	[sflag:s17] =	ssyncadd.s32 $0xFFFFFF80  }
0x1fa: {  	[spmem:s1] =	stream.indirect.scatter.add.f32 [tilespmem:s15], [sflag:$0x6], $0x1, s5, s30, $0xb8;
	[tilespmem:$0x1E190] =	vst v63  }
0x1fb: {  	_ =	swait.ge [sflag:s0], $0x80  }
0x1fc: {  	[sflag:s0] =	ssyncset.done $0x0  }
0x1fd: {  	s5 =	simm.s32 $0x16880;
	[sflag:s0] =	ssyncadd.s32 $0xFFFFFF80  }
0x1fe: {  	[spmem:s1] =	stream.indirect.scatter.add.f32 [tilespmem:s15], [sflag:$0x5], $0x1, s5, s30, $0xb8;
	[tilespmem:$0x1E190] =	vst v63  }
0x1ff: {  	_ =	swait.ge [sflag:s17], $0x80  }
0x200: {  	[sflag:s17] =	ssyncset.done $0x0  }
0x201: {  	[sflag:s17] =	ssyncadd.s32 $0xFFFFFF80  }
0x202: {  	[spmem:s1] =	stream.indirect.scatter.add.f32 [tilespmem:s15], [sflag:$0x6], $0x1, s23, s30, $0xb8;
	[tilespmem:$0x1E190] =	vst v63  }
0x203: {  	_ =	swait.ge [sflag:s0], $0x80  }
0x204: {  	[sflag:s0] =	ssyncset.done $0x0  }
0x205: {  	[sflag:s0] =	ssyncadd.s32 $0xFFFFFF80  }
0x206: {  	[spmem:s1] =	stream.indirect.scatter.add.f32 [tilespmem:s15], [sflag:$0x5], $0x1, s24, s30, $0xb8;
	[tilespmem:$0x1E190] =	vst v63  }
0x207: {  	_ =	swait.ge [sflag:s17], $0x80  }
0x208: {  	[sflag:s17] =	ssyncset.done $0x0  }
0x209: {  	[sflag:s17] =	ssyncadd.s32 $0xFFFFFF80  }
0x20a: {  	[spmem:s1] =	stream.indirect.scatter.add.f32 [tilespmem:s15], [sflag:$0x6], $0x1, s19, s30, $0xb8;
	[tilespmem:$0x1E190] =	vst v63  }
.Ltmp0:
0x20b: {  	_ = 	snop;
	(pc) =	sbr.rel @p0 .LBB2_2-.Ltmp0, $4  }
0x20c: {  	_ =	swait.ge [sflag:s0], $0x80  }
0x20d: {  	[sflag:s0] =	ssyncset.done $0x0  }
0x20e: {  	[sflag:s0] =	ssyncadd.s32 $0xFFFFFF80  }
0x20f: {  	_ =	swait.ge [sflag:s17], $0x80  }
0x210: {  	[sflag:s17] =	ssyncset.done $0x0  }
0x211: {  	[sflag:s17] =	ssyncadd.s32 $0xFFFFFF80  }
0x212: {  	[bflag:$0x0] =	sbarrier.arrive $0xFFFF  }
0x213: {  	s4 =	sld [smem:$0x7FD];
	_ =	sdelay $0x1  }
0x214: {  	s1 =	simm.s32 $0x1C680;
	s28 =	simm.s32 $0xD  }
0x215: {  	[tilespmem:s1], [sflag:$0xD] =	stream.linear.gather [spmem:s4], $0x280, $0x38;
	[tilespmem:$0x1E190] =	vst v63  }
0x216: {  	_ =	swait.ge [sflag:s28], $0x280  }
0x217: {  	s6 =	simm.s32 $0x0;
	[sflag:s28] =	ssyncset.done $0x0  }
0x218: {  	s5 =	simm.s32 $0x0;
	s8 =	simm.s32 $0x40;
	[sflag:s28] =	ssyncadd.s32 $0xFFFFFD80  }
.LBB2_4:
0x219: {  	p0 =	sne.s32 s8, $0x9C0;
	v2 =	vld [tilespmem:s5+$0x1C680];
	_ =	sdelay $0x4  }
0x21a: {  	v3 =	vshra.s32 v2, $0x1;
	v2 =	vmul.f32 $5.000000000e-01, v2  }
0x21b: {  	v3 =	vsub.s32 $0x5F3759DF, v3  }
0x21c: {  	v4 =	vmul.f32 v3, v2;
	_ =	sdelay $0x1  }
0x21d: {  	v4 =	vmul.f32 v3, v4;
	_ =	sdelay $0x1  }
0x21e: {  	v4 =	vsub.f32 $1.500000000e+00, v4;
	_ =	sdelay $0x1  }
0x21f: {  	v3 =	vmul.f32 v3, v4;
	_ =	sdelay $0x1  }
0x220: {  	v4 =	vmul.f32 v3, v2;
	_ =	sdelay $0x1  }
0x221: {  	v4 =	vmul.f32 v4, v3;
	_ =	sdelay $0x1  }
0x222: {  	v4 =	vsub.f32 $1.500000000e+00, v4;
	_ =	sdelay $0x1  }
0x223: {  	v3 =	vmul.f32 v4, v3;
	_ =	sdelay $0x1  }
0x224: {  	v4 =	vmul.f32 v3, v2;
	_ =	sdelay $0x1  }
0x225: {  	v4 =	vmul.f32 v4, v3;
	_ =	sdelay $0x1  }
0x226: {  	v4 =	vsub.f32 $1.500000000e+00, v4;
	_ =	sdelay $0x1  }
0x227: {  	v3 =	vmul.f32 v4, v3;
	_ =	sdelay $0x1  }
0x228: {  	v2 =	vmul.f32 v3, v2;
	_ =	sdelay $0x1  }
0x229: {  	v2 =	vmul.f32 v2, v3;
	_ =	sdelay $0x1  }
.Ltmp1:
0x22a: {  	v2 =	vsub.f32 $1.500000000e+00, v2;
	(pc) =	sbr.rel @p0 .LBB2_4-.Ltmp1, $3  }
0x22b: {  	_ = 	snop  }
0x22c: {  	v2 =	vmul.f32 v2, v3;
	_ =	sdelay $0x1  }
0x22d: {  	[tilespmem:s5+$0x1C680] =	vst v2;
	s5 =	sshra.s32 s8, $0x2;
	s8 =	sadd.s32 $0x40, s8  }
0x22e: {  	v2 =	vld [tilespmem:s5+$0x1C680];
	_ =	sdelay $0x4  }
0x22f: {  	v3 =	vshra.s32 v2, $0x1;
	v2 =	vmul.f32 $5.000000000e-01, v2  }
0x230: {  	v3 =	vsub.s32 $0x5F3759DF, v3  }
0x231: {  	v4 =	vmul.f32 v3, v2;
	_ =	sdelay $0x1  }
0x232: {  	v4 =	vmul.f32 v3, v4;
	_ =	sdelay $0x1  }
0x233: {  	v4 =	vsub.f32 $1.500000000e+00, v4;
	_ =	sdelay $0x1  }
0x234: {  	v3 =	vmul.f32 v3, v4;
	_ =	sdelay $0x1  }
0x235: {  	v4 =	vmul.f32 v3, v2;
	_ =	sdelay $0x1  }
0x236: {  	v4 =	vmul.f32 v4, v3;
	_ =	sdelay $0x1  }
0x237: {  	v4 =	vsub.f32 $1.500000000e+00, v4;
	_ =	sdelay $0x1  }
0x238: {  	v3 =	vmul.f32 v4, v3;
	_ =	sdelay $0x1  }
0x239: {  	v4 =	vmul.f32 v3, v2;
	_ =	sdelay $0x1  }
0x23a: {  	v4 =	vmul.f32 v4, v3;
	_ =	sdelay $0x1  }
0x23b: {  	v4 =	vsub.f32 $1.500000000e+00, v4;
	_ =	sdelay $0x1  }
0x23c: {  	v3 =	vmul.f32 v4, v3;
	_ =	sdelay $0x1  }
0x23d: {  	v2 =	vmul.f32 v3, v2;
	_ =	sdelay $0x1  }
0x23e: {  	v2 =	vmul.f32 v2, v3;
	_ =	sdelay $0x1  }
0x23f: {  	v2 =	vsub.f32 $1.500000000e+00, v2;
	_ =	sdelay $0x1  }
0x240: {  	s18 =	simm.s32 $0x0;
	s22 =	simm.s32 $0x14C80;
	v2 =	vmul.f32 v2, v3  }
0x241: {  	s29 =	simm.s32 $0x16080;
	s24 =	simm.s32 $0x15D80;
	s4 =	simm.s32 $0x1C280  }
0x242: {  	s19 =	simm.s32 $0x14280;
	s23 =	simm.s32 $0x15680;
	[tilespmem:s5+$0x1C680] =	vst v2;
	s5 =	simm.s32 $0x1C680  }
.LBB2_6:
0x243: {  	s1 =	sld [smem:$0x7E4];
	_ =	sdelay $0x1  }
0x244: {  	s8 =	sshll.u32 s6, $0x5;
	s14 =	sld [smem:$0x7E9]  }
0x245: {  	s8 =	sadd.s32 s1, s8  }
0x246: {  	s15 =	sld [smem:$0x7EC];
	s8 =	sshll.u32 s8, $0x6  }
0x247: {  	s12 =	sadd.s32 s14, s8  }
0x248: {  	s12 =	sshrl.u32 s12, $0x3  }
0x249: {  	s16 =	simm.s32 $0x1AA80;
	s14 =	simm.s32 $0x0;
	s12 =	sadd.s32 s15, s12  }
0x24a: {  	[tilespmem:s16], [sflag:$0xD] =	stream.linear.gather [hbm4b:s12+s14], $0x800, $0x38;
	[tilespmem:$0x1E190] =	vst v63  }
0x24b: {  	_ =	swait.ge [sflag:s28], $0x800  }
0x24c: {  	[sflag:s28] =	ssyncset.done $0x0  }
0x24d: {  	s12 =	simm.s32 $0x0;
	[sflag:s28] =	ssyncadd.s32 $0xFFFFF800  }
0x24e: {  	v2 =	vld [tilespmem:s12+$0x1AA80]  }
0x24f: {  	v4 =	vld [tilespmem:s12+$0x1AA90]  }
0x250: {  	s15 =	smov.u32 s5;
	s14 =	simm.s32 $0x100;
	v3 =	vld.msk [tilespmem:s5+$0x0 ss:$0x0], $0xffff  }
.LBB2_7:
0x251: {  	p0 =	sne.s32 s14, $0x1F00;
	v5 =	vld [tilespmem:s12+$0x1AAA0]  }
0x252: {  	v6 =	vld [tilespmem:s12+$0x1AAB0];
	_ =	sdelay $0x3  }
0x253: {  	v2 =	vmul.f32 v3, v2;
	v4 =	vmul.f32 v4, v3  }
0x254: {  	v5 =	vmul.f32 v5, v3;
	v3 =	vmul.f32 v6, v3  }
.Ltmp2:
0x255: {  	[tilespmem:s12+$0x1BA80] =	vst v2;
	(pc) =	sbr.rel @p0 .LBB2_7-.Ltmp2, $4  }
0x256: {  	s16 =	sshra.s32 s14, $0x2;
	[tilespmem:s12+$0x1BA90] =	vst v4  }
0x257: {  	v2 =	vld [tilespmem:s16+$0x1AA80];
	[tilespmem:s12+$0x1BAA0] =	vst v5  }
0x258: {  	s15 =	sadd.s32 $0x1, s15;
	v4 =	vld [tilespmem:s16+$0x1AA90];
	[tilespmem:s12+$0x1BAB0] =	vst v3;
	s12 =	smov.u32 s16  }
0x259: {  	s14 =	sadd.s32 $0x100, s14;
	v3 =	vld.msk [tilespmem:s15+$0x0 ss:$0x0], $0xffff  }
0x25a: {  	_ = 	snop  }
0x25b: {  	v5 =	vld [tilespmem:s12+$0x1AAA0]  }
0x25c: {  	v6 =	vld [tilespmem:s12+$0x1AAB0];
	_ =	sdelay $0x1  }
0x25d: {  	v2 =	vmul.f32 v3, v2  }
0x25e: {  	v4 =	vmul.f32 v4, v3  }
0x25f: {  	v5 =	vmul.f32 v5, v3;
	[tilespmem:s12+$0x1BA80] =	vst v2  }
0x260: {  	v2 =	vmul.f32 v6, v3;
	[tilespmem:s12+$0x1BA90] =	vst v4  }
0x261: {  	[tilespmem:s12+$0x1BAA0] =	vst v5  }
0x262: {  	s14 =	sadd.s32 s8, s2;
	s1 =	simm.s32 $0x1BA80;
	[tilespmem:s12+$0x1BAB0] =	vst v2  }
0x263: {  	[spmem:s14] =	stream.linear.scatter [tilespmem:s1], [sflag:$0xD], $0x800, $0x38;
	[tilespmem:$0x1E190] =	vst v63  }
0x264: {  	_ =	swait.ge [sflag:s28], $0x800  }
0x265: {  	[sflag:s28] =	ssyncset.done $0x0  }
0x266: {  	s15 =	sadd.s32 s8, s3;
	[sflag:s28] =	ssyncadd.s32 $0xFFFFF800  }
0x267: {  	[spmem:s15] =	stream.linear.scatter [tilespmem:s4], [sflag:$0xD], $0x400, $0x38;
	[tilespmem:$0x1E190] =	vst v63  }
0x268: {  	s16 =	sand.u32 $0x3FFFFFC0, s8;
	s6 =	sadd.s32 $0x1, s6;
	_ =	swait.ge [sflag:s28], $0x400  }
0x269: {  	s8 =	sadd.s32 s16, s3;
	p0 =	sne.s32 s6, $0x14;
	[sflag:s28] =	ssyncset.done $0x0  }
.Ltmp3:
0x26a: {  	s8 =	sadd.s32 $0x400, s8;
	[sflag:s28] =	ssyncadd.s32 $0xFFFFFC00;
	(pc) =	sbr.rel @p0 .LBB2_6-.Ltmp3, $4  }
0x26b: {  	[spmem:s8] =	stream.linear.scatter [tilespmem:s4], [sflag:$0xD], $0x400, $0x38;
	[tilespmem:$0x1E190] =	vst v63  }
0x26c: {  	_ =	swait.ge [sflag:s28], $0x400  }
0x26d: {  	[sflag:s28] =	ssyncset.done $0x0  }
0x26e: {  	s5 =	sadd.s32 $0x20, s5;
	[sflag:s28] =	ssyncadd.s32 $0xFFFFFC00  }
0x26f: {  	[bflag:$0x0] =	sbarrier.arrive $0xFFFF  }
0x270: {  	s4 =	simm.s32 $0x0;
	s1 =	simm.s32 $0x0;
	s8 =	simm.s32 $0x15C00  }
0x271: {  	[tilespmem:s19], [sflag:$0x1] =	stream.linear.gather [hbm4b:s10+s4], $0xA00, $0x38;
	[tilespmem:$0x1E190] =	vst v63  }
0x272: {  	s14 =	simm.s32 $0x15C80;
	s15 =	simm.s32 $0x15D00;
	[smem:$0x7E1] =	sst s1  }
0x273: {  	[tilespmem:s23], [sflag:$0x1] =	stream.linear.gather [hbm4b:s11+s4], $0xA00, $0x38;
	[tilespmem:$0x1E190] =	vst v63  }
.LBB2_10:
0x274: {  	_ =	swait.ge [sflag:s26], $0xA00  }
0x275: {  	[sflag:s26] =	ssyncset.done $0x0  }
0x276: {  	[sflag:s26] =	ssyncadd.s32 $0xFFFFF600  }
0x277: {  	_ =	swait.ge [sflag:s26], $0xA00  }
0x278: {  	s5 =	sadd.s32 $0x0, s10;
	[sflag:s26] =	ssyncset.done $0x0  }
0x279: {  	s6 =	sadd.s32 $0x0, s11;
	s5 =	sadd.s32 $0x140, s5;
	[sflag:s26] =	ssyncadd.s32 $0xFFFFF600  }
0x27a: {  	[tilespmem:s22], [sflag:$0x2] =	stream.linear.gather [hbm4b:s5+s18], $0xA00, $0x38;
	[tilespmem:$0x1E190] =	vst v63  }
0x27b: {  	s16 =	sadd.s32 $0x140, s6  }
0x27c: {  	[tilespmem:s29], [sflag:$0x2] =	stream.linear.gather [hbm4b:s16+s18], $0xA00, $0x38;
	[tilespmem:$0x1E190] =	vst v63  }
0x27d: {  	_ = 	snop  }
0x27e: {  	[tilespmem:s20], [sflag:$0x3] =	stream.indirect.gather [spmem:s2], $0x40, s19, s30, $0xb8;
	[tilespmem:$0x1E190] =	vst v63  }
0x27f: {  	_ =	swait.ge [sflag:s21], $0x2000  }
0x280: {  	[sflag:s21] =	ssyncset.done $0x0  }
0x281: {  	[sflag:s21] =	ssyncadd.s32 $0xFFFFE000  }
0x282: {  	[spmem:s3] =	stream.indirect.scatter.add.f32 [tilespmem:s20], [sflag:$0x5], $0x40, s23, s30, $0xb8;
	[tilespmem:$0x1E190] =	vst v63  }
0x283: {  	s22 =	rddreg [dreg:$0x7]  }
0x284: {  	[tilespmem:s9], [sflag:$0x4] =	stream.indirect.gather [spmem:s2], $0x40, s22, s30, $0xb8;
	[tilespmem:$0x1E190] =	vst v63  }
0x285: {  	_ =	swait.ge [sflag:s13], $0x2000  }
0x286: {  	[sflag:s13] =	ssyncset.done $0x0  }
0x287: {  	[sflag:s13] =	ssyncadd.s32 $0xFFFFE000  }
0x288: {  	[spmem:s3] =	stream.indirect.scatter.add.f32 [tilespmem:s9], [sflag:$0x6], $0x40, s25, s30, $0xb8;
	[tilespmem:$0x1E190] =	vst v63  }
0x289: {  	_ =	swait.ge [sflag:s0], $0x2000  }
0x28a: {  	[sflag:s0] =	ssyncset.done $0x0  }
0x28b: {  	s23 =	rddreg [dreg:$0x8];
	[sflag:s0] =	ssyncadd.s32 $0xFFFFE000  }
0x28c: {  	[tilespmem:s20], [sflag:$0x3] =	stream.indirect.gather [spmem:s2], $0x40, s23, s30, $0xb8;
	[tilespmem:$0x1E190] =	vst v63  }
0x28d: {  	_ =	swait.ge [sflag:s21], $0x2000  }
0x28e: {  	[sflag:s21] =	ssyncset.done $0x0  }
0x28f: {  	[sflag:s21] =	ssyncadd.s32 $0xFFFFE000  }
0x290: {  	[spmem:s3] =	stream.indirect.scatter.add.f32 [tilespmem:s20], [sflag:$0x5], $0x40, s31, s30, $0xb8;
	[tilespmem:$0x1E190] =	vst v63  }
0x291: {  	_ =	swait.ge [sflag:s17], $0x2000  }
0x292: {  	[sflag:s17] =	ssyncset.done $0x0  }
0x293: {  	s1 =	rddreg [dreg:$0x9];
	[sflag:s17] =	ssyncadd.s32 $0xFFFFE000  }
0x294: {  	[tilespmem:s9], [sflag:$0x4] =	stream.indirect.gather [spmem:s2], $0x40, s1, s30, $0xb8;
	[tilespmem:$0x1E190] =	vst v63  }
0x295: {  	_ =	swait.ge [sflag:s13], $0x2000  }
0x296: {  	[sflag:s13] =	ssyncset.done $0x0  }
0x297: {  	s1 =	simm.s32 $0x15800;
	[sflag:s13] =	ssyncadd.s32 $0xFFFFE000  }
0x298: {  	[spmem:s3] =	stream.indirect.scatter.add.f32 [tilespmem:s9], [sflag:$0x6], $0x40, s1, s30, $0xb8;
	[tilespmem:$0x1E190] =	vst v63  }
0x299: {  	_ =	swait.ge [sflag:s0], $0x2000  }
0x29a: {  	[sflag:s0] =	ssyncset.done $0x0  }
0x29b: {  	s4 =	rddreg [dreg:$0xa];
	[sflag:s0] =	ssyncadd.s32 $0xFFFFE000  }
0x29c: {  	[tilespmem:s20], [sflag:$0x3] =	stream.indirect.gather [spmem:s2], $0x40, s4, s30, $0xb8;
	[tilespmem:$0x1E190] =	vst v63  }
0x29d: {  	_ =	swait.ge [sflag:s21], $0x2000  }
0x29e: {  	[sflag:s21] =	ssyncset.done $0x0  }
0x29f: {  	s6 =	simm.s32 $0x15880;
	[sflag:s21] =	ssyncadd.s32 $0xFFFFE000  }
0x2a0: {  	[spmem:s3] =	stream.indirect.scatter.add.f32 [tilespmem:s20], [sflag:$0x5], $0x40, s6, s30, $0xb8;
	[tilespmem:$0x1E190] =	vst v63  }
0x2a1: {  	_ =	swait.ge [sflag:s17], $0x2000  }
0x2a2: {  	[sflag:s17] =	ssyncset.done $0x0  }
0x2a3: {  	s12 =	rddreg [dreg:$0xb];
	[sflag:s17] =	ssyncadd.s32 $0xFFFFE000  }
0x2a4: {  	[tilespmem:s9], [sflag:$0x4] =	stream.indirect.gather [spmem:s2], $0x40, s12, s30, $0xb8;
	[tilespmem:$0x1E190] =	vst v63  }
0x2a5: {  	_ =	swait.ge [sflag:s13], $0x2000  }
0x2a6: {  	[sflag:s13] =	ssyncset.done $0x0  }
0x2a7: {  	s16 =	simm.s32 $0x15900;
	[sflag:s13] =	ssyncadd.s32 $0xFFFFE000  }
0x2a8: {  	[spmem:s3] =	stream.indirect.scatter.add.f32 [tilespmem:s9], [sflag:$0x6], $0x40, s16, s30, $0xb8;
	[tilespmem:$0x1E190] =	vst v63  }
0x2a9: {  	_ =	swait.ge [sflag:s0], $0x2000  }
0x2aa: {  	[sflag:s0] =	ssyncset.done $0x0  }
0x2ab: {  	s18 =	rddreg [dreg:$0xc];
	[sflag:s0] =	ssyncadd.s32 $0xFFFFE000  }
0x2ac: {  	[tilespmem:s20], [sflag:$0x3] =	stream.indirect.gather [spmem:s2], $0x40, s18, s30, $0xb8;
	[tilespmem:$0x1E190] =	vst v63  }
0x2ad: {  	_ =	swait.ge [sflag:s21], $0x2000  }
0x2ae: {  	[sflag:s21] =	ssyncset.done $0x0  }
0x2af: {  	s19 =	simm.s32 $0x15980;
	[sflag:s21] =	ssyncadd.s32 $0xFFFFE000  }
0x2b0: {  	[spmem:s3] =	stream.indirect.scatter.add.f32 [tilespmem:s20], [sflag:$0x5], $0x40, s19, s30, $0xb8;
	[tilespmem:$0x1E190] =	vst v63  }
0x2b1: {  	_ =	swait.ge [sflag:s17], $0x2000  }
0x2b2: {  	[sflag:s17] =	ssyncset.done $0x0  }
0x2b3: {  	s22 =	rddreg [dreg:$0xd];
	[sflag:s17] =	ssyncadd.s32 $0xFFFFE000  }
0x2b4: {  	[tilespmem:s9], [sflag:$0x4] =	stream.indirect.gather [spmem:s2], $0x40, s22, s30, $0xb8;
	[tilespmem:$0x1E190] =	vst v63  }
0x2b5: {  	_ =	swait.ge [sflag:s13], $0x2000  }
0x2b6: {  	[sflag:s13] =	ssyncset.done $0x0  }
0x2b7: {  	s23 =	simm.s32 $0x15A00;
	[sflag:s13] =	ssyncadd.s32 $0xFFFFE000  }
0x2b8: {  	[spmem:s3] =	stream.indirect.scatter.add.f32 [tilespmem:s9], [sflag:$0x6], $0x40, s23, s30, $0xb8;
	[tilespmem:$0x1E190] =	vst v63  }
0x2b9: {  	_ =	swait.ge [sflag:s0], $0x2000  }
0x2ba: {  	[sflag:s0] =	ssyncset.done $0x0  }
0x2bb: {  	s1 =	rddreg [dreg:$0xe];
	[sflag:s0] =	ssyncadd.s32 $0xFFFFE000  }
0x2bc: {  	[tilespmem:s20], [sflag:$0x3] =	stream.indirect.gather [spmem:s2], $0x40, s1, s30, $0xb8;
	[tilespmem:$0x1E190] =	vst v63  }
0x2bd: {  	_ =	swait.ge [sflag:s21], $0x2000  }
0x2be: {  	[sflag:s21] =	ssyncset.done $0x0  }
0x2bf: {  	s4 =	simm.s32 $0x15A80;
	[sflag:s21] =	ssyncadd.s32 $0xFFFFE000  }
0x2c0: {  	[spmem:s3] =	stream.indirect.scatter.add.f32 [tilespmem:s20], [sflag:$0x5], $0x40, s4, s30, $0xb8;
	[tilespmem:$0x1E190] =	vst v63  }
0x2c1: {  	_ =	swait.ge [sflag:s17], $0x2000  }
0x2c2: {  	[sflag:s17] =	ssyncset.done $0x0  }
0x2c3: {  	s4 =	rddreg [dreg:$0xf];
	[sflag:s17] =	ssyncadd.s32 $0xFFFFE000  }
0x2c4: {  	[tilespmem:s9], [sflag:$0x4] =	stream.indirect.gather [spmem:s2], $0x40, s4, s30, $0xb8;
	[tilespmem:$0x1E190] =	vst v63  }
0x2c5: {  	_ =	swait.ge [sflag:s13], $0x2000  }
0x2c6: {  	[sflag:s13] =	ssyncset.done $0x0  }
0x2c7: {  	s5 =	simm.s32 $0x15B00;
	[sflag:s13] =	ssyncadd.s32 $0xFFFFE000  }
0x2c8: {  	[spmem:s3] =	stream.indirect.scatter.add.f32 [tilespmem:s9], [sflag:$0x6], $0x40, s5, s30, $0xb8;
	[tilespmem:$0x1E190] =	vst v63  }
0x2c9: {  	_ =	swait.ge [sflag:s0], $0x2000  }
0x2ca: {  	[sflag:s0] =	ssyncset.done $0x0  }
0x2cb: {  	s6 =	rddreg [dreg:$0x10];
	[sflag:s0] =	ssyncadd.s32 $0xFFFFE000  }
0x2cc: {  	[tilespmem:s20], [sflag:$0x3] =	stream.indirect.gather [spmem:s2], $0x40, s6, s30, $0xb8;
	[tilespmem:$0x1E190] =	vst v63  }
0x2cd: {  	_ =	swait.ge [sflag:s21], $0x2000  }
0x2ce: {  	[sflag:s21] =	ssyncset.done $0x0  }
0x2cf: {  	s12 =	simm.s32 $0x15B80;
	[sflag:s21] =	ssyncadd.s32 $0xFFFFE000  }
0x2d0: {  	[spmem:s3] =	stream.indirect.scatter.add.f32 [tilespmem:s20], [sflag:$0x5], $0x40, s12, s30, $0xb8;
	[tilespmem:$0x1E190] =	vst v63  }
0x2d1: {  	_ =	swait.ge [sflag:s17], $0x2000  }
0x2d2: {  	[sflag:s17] =	ssyncset.done $0x0  }
0x2d3: {  	s16 =	rddreg [dreg:$0x11];
	[sflag:s17] =	ssyncadd.s32 $0xFFFFE000  }
0x2d4: {  	[tilespmem:s9], [sflag:$0x4] =	stream.indirect.gather [spmem:s2], $0x40, s16, s30, $0xb8;
	[tilespmem:$0x1E190] =	vst v63  }
0x2d5: {  	_ =	swait.ge [sflag:s13], $0x2000  }
0x2d6: {  	[sflag:s13] =	ssyncset.done $0x0  }
0x2d7: {  	[sflag:s13] =	ssyncadd.s32 $0xFFFFE000  }
0x2d8: {  	[spmem:s3] =	stream.indirect.scatter.add.f32 [tilespmem:s9], [sflag:$0x6], $0x40, s8, s30, $0xb8;
	[tilespmem:$0x1E190] =	vst v63  }
0x2d9: {  	_ =	swait.ge [sflag:s0], $0x2000  }
0x2da: {  	[sflag:s0] =	ssyncset.done $0x0  }
0x2db: {  	s18 =	rddreg [dreg:$0x12];
	[sflag:s0] =	ssyncadd.s32 $0xFFFFE000  }
0x2dc: {  	[tilespmem:s20], [sflag:$0x3] =	stream.indirect.gather [spmem:s2], $0x40, s18, s30, $0xb8;
	[tilespmem:$0x1E190] =	vst v63  }
0x2dd: {  	_ =	swait.ge [sflag:s21], $0x2000  }
0x2de: {  	[sflag:s21] =	ssyncset.done $0x0  }
0x2df: {  	[sflag:s21] =	ssyncadd.s32 $0xFFFFE000  }
0x2e0: {  	[spmem:s3] =	stream.indirect.scatter.add.f32 [tilespmem:s20], [sflag:$0x5], $0x40, s14, s30, $0xb8;
	[tilespmem:$0x1E190] =	vst v63  }
0x2e1: {  	_ =	swait.ge [sflag:s17], $0x2000  }
0x2e2: {  	[sflag:s17] =	ssyncset.done $0x0  }
0x2e3: {  	s19 =	rddreg [dreg:$0x13];
	[sflag:s17] =	ssyncadd.s32 $0xFFFFE000  }
0x2e4: {  	[tilespmem:s9], [sflag:$0x4] =	stream.indirect.gather [spmem:s2], $0x40, s19, s30, $0xb8;
	[tilespmem:$0x1E190] =	vst v63  }
0x2e5: {  	_ =	swait.ge [sflag:s13], $0x2000  }
0x2e6: {  	[sflag:s13] =	ssyncset.done $0x0  }
0x2e7: {  	[sflag:s13] =	ssyncadd.s32 $0xFFFFE000  }
0x2e8: {  	[spmem:s3] =	stream.indirect.scatter.add.f32 [tilespmem:s9], [sflag:$0x6], $0x40, s15, s30, $0xb8;
	[tilespmem:$0x1E190] =	vst v63  }
0x2e9: {  	_ =	swait.ge [sflag:s0], $0x2000  }
0x2ea: {  	[sflag:s0] =	ssyncset.done $0x0  }
0x2eb: {  	s22 =	rddreg [dreg:$0x14];
	[sflag:s0] =	ssyncadd.s32 $0xFFFFE000  }
0x2ec: {  	[tilespmem:s20], [sflag:$0x3] =	stream.indirect.gather [spmem:s2], $0x40, s22, s30, $0xb8;
	[tilespmem:$0x1E190] =	vst v63  }
0x2ed: {  	_ =	swait.ge [sflag:s21], $0x2000  }
0x2ee: {  	[sflag:s21] =	ssyncset.done $0x0  }
0x2ef: {  	[sflag:s21] =	ssyncadd.s32 $0xFFFFE000  }
0x2f0: {  	[spmem:s3] =	stream.indirect.scatter.add.f32 [tilespmem:s20], [sflag:$0x5], $0x40, s24, s30, $0xb8;
	[tilespmem:$0x1E190] =	vst v63  }
0x2f1: {  	_ =	swait.ge [sflag:s17], $0x2000  }
0x2f2: {  	[sflag:s17] =	ssyncset.done $0x0  }
0x2f3: {  	s23 =	rddreg [dreg:$0x15];
	[sflag:s17] =	ssyncadd.s32 $0xFFFFE000  }
0x2f4: {  	[tilespmem:s9], [sflag:$0x4] =	stream.indirect.gather [spmem:s2], $0x40, s23, s30, $0xb8;
	[tilespmem:$0x1E190] =	vst v63  }
0x2f5: {  	_ =	swait.ge [sflag:s13], $0x2000  }
0x2f6: {  	[sflag:s13] =	ssyncset.done $0x0  }
0x2f7: {  	s24 =	simm.s32 $0x15E00;
	[sflag:s13] =	ssyncadd.s32 $0xFFFFE000  }
0x2f8: {  	[spmem:s3] =	stream.indirect.scatter.add.f32 [tilespmem:s9], [sflag:$0x6], $0x40, s24, s30, $0xb8;
	[tilespmem:$0x1E190] =	vst v63  }
0x2f9: {  	_ =	swait.ge [sflag:s0], $0x2000  }
0x2fa: {  	[sflag:s0] =	ssyncset.done $0x0  }
0x2fb: {  	s4 =	rddreg [dreg:$0x16];
	[sflag:s0] =	ssyncadd.s32 $0xFFFFE000  }
0x2fc: {  	[tilespmem:s20], [sflag:$0x3] =	stream.indirect.gather [spmem:s2], $0x40, s4, s30, $0xb8;
	[tilespmem:$0x1E190] =	vst v63  }
0x2fd: {  	_ =	swait.ge [sflag:s21], $0x2000  }
0x2fe: {  	[sflag:s21] =	ssyncset.done $0x0  }
0x2ff: {  	s5 =	simm.s32 $0x15E80;
	[sflag:s21] =	ssyncadd.s32 $0xFFFFE000  }
0x300: {  	[spmem:s3] =	stream.indirect.scatter.add.f32 [tilespmem:s20], [sflag:$0x5], $0x40, s5, s30, $0xb8;
	[tilespmem:$0x1E190] =	vst v63  }
0x301: {  	_ =	swait.ge [sflag:s17], $0x2000  }
0x302: {  	[sflag:s17] =	ssyncset.done $0x0  }
0x303: {  	s6 =	rddreg [dreg:$0x17];
	[sflag:s17] =	ssyncadd.s32 $0xFFFFE000  }
0x304: {  	[tilespmem:s9], [sflag:$0x4] =	stream.indirect.gather [spmem:s2], $0x40, s6, s30, $0xb8;
	[tilespmem:$0x1E190] =	vst v63  }
0x305: {  	_ =	swait.ge [sflag:s13], $0x2000  }
0x306: {  	[sflag:s13] =	ssyncset.done $0x0  }
0x307: {  	s19 =	simm.s32 $0x15F00;
	[sflag:s13] =	ssyncadd.s32 $0xFFFFE000  }
0x308: {  	[spmem:s3] =	stream.indirect.scatter.add.f32 [tilespmem:s9], [sflag:$0x6], $0x40, s19, s30, $0xb8;
	[tilespmem:$0x1E190] =	vst v63  }
0x309: {  	_ =	swait.ge [sflag:s0], $0x2000  }
0x30a: {  	[sflag:s0] =	ssyncset.done $0x0  }
0x30b: {  	s8 =	rddreg [dreg:$0x18];
	[sflag:s0] =	ssyncadd.s32 $0xFFFFE000  }
0x30c: {  	[tilespmem:s20], [sflag:$0x3] =	stream.indirect.gather [spmem:s2], $0x40, s8, s30, $0xb8;
	[tilespmem:$0x1E190] =	vst v63  }
0x30d: {  	_ =	swait.ge [sflag:s21], $0x2000  }
0x30e: {  	[sflag:s21] =	ssyncset.done $0x0  }
0x30f: {  	s4 =	simm.s32 $0x15F80;
	[sflag:s21] =	ssyncadd.s32 $0xFFFFE000  }
0x310: {  	[spmem:s3] =	stream.indirect.scatter.add.f32 [tilespmem:s20], [sflag:$0x5], $0x40, s4, s30, $0xb8;
	[tilespmem:$0x1E190] =	vst v63  }
0x311: {  	_ =	swait.ge [sflag:s17], $0x2000  }
0x312: {  	[sflag:s17] =	ssyncset.done $0x0  }
0x313: {  	s12 =	rddreg [dreg:$0x19];
	[sflag:s17] =	ssyncadd.s32 $0xFFFFE000  }
0x314: {  	[tilespmem:s9], [sflag:$0x4] =	stream.indirect.gather [spmem:s2], $0x40, s12, s30, $0xb8;
	[tilespmem:$0x1E190] =	vst v63  }
0x315: {  	_ =	swait.ge [sflag:s13], $0x2000  }
0x316: {  	[sflag:s13] =	ssyncset.done $0x0  }
0x317: {  	s12 =	simm.s32 $0x16000;
	[sflag:s13] =	ssyncadd.s32 $0xFFFFE000  }
0x318: {  	[spmem:s3] =	stream.indirect.scatter.add.f32 [tilespmem:s9], [sflag:$0x6], $0x40, s12, s30, $0xb8;
	[tilespmem:$0x1E190] =	vst v63  }
0x319: {  	_ =	swait.ge [sflag:s0], $0x2000  }
0x31a: {  	[sflag:s0] =	ssyncset.done $0x0  }
0x31b: {  	[sflag:s0] =	ssyncadd.s32 $0xFFFFE000  }
0x31c: {  	_ =	swait.ge [sflag:s17], $0x2000  }
0x31d: {  	[sflag:s17] =	ssyncset.done $0x0  }
0x31e: {  	[sflag:s17] =	ssyncadd.s32 $0xFFFFE000  }
0x31f: {  	_ =	swait.ge [sflag:s7], $0xA00  }
0x320: {  	[sflag:s7] =	ssyncset.done $0x0  }
0x321: {  	p0 =	por $0x0, $0x0;
	[sflag:s7] =	ssyncadd.s32 $0xFFFFF600  }
0x322: {  	s5 =	sadd.s32 @!p0 $0x0, s10;
	_ =	swait.ge [sflag:s7], $0xA00  }
0x323: {  	s5 =	sadd.s32 @!p0 $0x280, s5;
	[sflag:s7] =	ssyncset.done $0x0  }
0x324: {  	s6 =	simm.s32 @!p0 $0x0;
	s8 =	simm.s32 @!p0 $0x14280;
	[sflag:s7] =	ssyncadd.s32 $0xFFFFF600  }
0x325: {  	[tilespmem:s8], [sflag:$0x1] =	stream.linear.gather @!p0 [hbm4b:s5+s6], $0xA00, $0x38;
	[tilespmem:$0x1E190] =	vst v63  }
0x326: {  	s5 =	sadd.s32 @!p0 $0x0, s11  }
0x327: {  	s8 =	simm.s32 @!p0 $0x15680;
	s5 =	sadd.s32 @!p0 $0x280, s5  }
0x328: {  	[tilespmem:s8], [sflag:$0x1] =	stream.linear.gather @!p0 [hbm4b:s5+s6], $0xA00, $0x38;
	[tilespmem:$0x1E190] =	vst v63  }
0x329: {  	s29 =	simm.s32 $0x14C80  }
0x32a: {  	[tilespmem:s20], [sflag:$0x3] =	stream.indirect.gather [spmem:s2], $0x40, s29, s30, $0xb8;
	[tilespmem:$0x1E190] =	vst v63  }
0x32b: {  	_ =	swait.ge [sflag:s21], $0x2000  }
0x32c: {  	[sflag:s21] =	ssyncset.done $0x0  }
0x32d: {  	s1 =	simm.s32 $0x16080;
	[sflag:s21] =	ssyncadd.s32 $0xFFFFE000  }
0x32e: {  	[spmem:s3] =	stream.indirect.scatter.add.f32 [tilespmem:s20], [sflag:$0x5], $0x40, s1, s30, $0xb8;
	[tilespmem:$0x1E190] =	vst v63  }
0x32f: {  	s14 =	rddreg [dreg:$0x1a]  }
0x330: {  	[tilespmem:s9], [sflag:$0x4] =	stream.indirect.gather [spmem:s2], $0x40, s14, s30, $0xb8;
	[tilespmem:$0x1E190] =	vst v63  }
0x331: {  	_ =	swait.ge [sflag:s13], $0x2000  }
0x332: {  	[sflag:s13] =	ssyncset.done $0x0  }
0x333: {  	s15 =	simm.s32 $0x16100;
	[sflag:s13] =	ssyncadd.s32 $0xFFFFE000  }
0x334: {  	[spmem:s3] =	stream.indirect.scatter.add.f32 [tilespmem:s9], [sflag:$0x6], $0x40, s15, s30, $0xb8;
	[tilespmem:$0x1E190] =	vst v63  }
0x335: {  	_ =	swait.ge [sflag:s0], $0x2000  }
0x336: {  	[sflag:s0] =	ssyncset.done $0x0  }
0x337: {  	s16 =	rddreg [dreg:$0x1b];
	[sflag:s0] =	ssyncadd.s32 $0xFFFFE000  }
0x338: {  	[tilespmem:s20], [sflag:$0x3] =	stream.indirect.gather [spmem:s2], $0x40, s16, s30, $0xb8;
	[tilespmem:$0x1E190] =	vst v63  }
0x339: {  	_ =	swait.ge [sflag:s21], $0x2000  }
0x33a: {  	[sflag:s21] =	ssyncset.done $0x0  }
0x33b: {  	s18 =	simm.s32 $0x16180;
	[sflag:s21] =	ssyncadd.s32 $0xFFFFE000  }
0x33c: {  	[spmem:s3] =	stream.indirect.scatter.add.f32 [tilespmem:s20], [sflag:$0x5], $0x40, s18, s30, $0xb8;
	[tilespmem:$0x1E190] =	vst v63  }
0x33d: {  	_ =	swait.ge [sflag:s17], $0x2000  }
0x33e: {  	[sflag:s17] =	ssyncset.done $0x0  }
0x33f: {  	s22 =	rddreg [dreg:$0x1c];
	[sflag:s17] =	ssyncadd.s32 $0xFFFFE000  }
0x340: {  	[tilespmem:s9], [sflag:$0x4] =	stream.indirect.gather [spmem:s2], $0x40, s22, s30, $0xb8;
	[tilespmem:$0x1E190] =	vst v63  }
0x341: {  	_ =	swait.ge [sflag:s13], $0x2000  }
0x342: {  	[sflag:s13] =	ssyncset.done $0x0  }
0x343: {  	s24 =	simm.s32 $0x16200;
	[sflag:s13] =	ssyncadd.s32 $0xFFFFE000  }
0x344: {  	[spmem:s3] =	stream.indirect.scatter.add.f32 [tilespmem:s9], [sflag:$0x6], $0x40, s24, s30, $0xb8;
	[tilespmem:$0x1E190] =	vst v63  }
0x345: {  	_ =	swait.ge [sflag:s0], $0x2000  }
0x346: {  	[sflag:s0] =	ssyncset.done $0x0  }
0x347: {  	s6 =	rddreg [dreg:$0x1d];
	[sflag:s0] =	ssyncadd.s32 $0xFFFFE000  }
0x348: {  	[tilespmem:s20], [sflag:$0x3] =	stream.indirect.gather [spmem:s2], $0x40, s6, s30, $0xb8;
	[tilespmem:$0x1E190] =	vst v63  }
0x349: {  	_ =	swait.ge [sflag:s21], $0x2000  }
0x34a: {  	[sflag:s21] =	ssyncset.done $0x0  }
0x34b: {  	s8 =	simm.s32 $0x16280;
	[sflag:s21] =	ssyncadd.s32 $0xFFFFE000  }
0x34c: {  	[spmem:s3] =	stream.indirect.scatter.add.f32 [tilespmem:s20], [sflag:$0x5], $0x40, s8, s30, $0xb8;
	[tilespmem:$0x1E190] =	vst v63  }
0x34d: {  	_ =	swait.ge [sflag:s17], $0x2000  }
0x34e: {  	[sflag:s17] =	ssyncset.done $0x0  }
0x34f: {  	s14 =	rddreg [dreg:$0x1e];
	[sflag:s17] =	ssyncadd.s32 $0xFFFFE000  }
0x350: {  	[tilespmem:s9], [sflag:$0x4] =	stream.indirect.gather [spmem:s2], $0x40, s14, s30, $0xb8;
	[tilespmem:$0x1E190] =	vst v63  }
0x351: {  	_ =	swait.ge [sflag:s13], $0x2000  }
0x352: {  	[sflag:s13] =	ssyncset.done $0x0  }
0x353: {  	s15 =	simm.s32 $0x16300;
	[sflag:s13] =	ssyncadd.s32 $0xFFFFE000  }
0x354: {  	[spmem:s3] =	stream.indirect.scatter.add.f32 [tilespmem:s9], [sflag:$0x6], $0x40, s15, s30, $0xb8;
	[tilespmem:$0x1E190] =	vst v63  }
0x355: {  	_ =	swait.ge [sflag:s0], $0x2000  }
0x356: {  	[sflag:s0] =	ssyncset.done $0x0  }
0x357: {  	s16 =	rddreg [dreg:$0x1f];
	[sflag:s0] =	ssyncadd.s32 $0xFFFFE000  }
0x358: {  	[tilespmem:s20], [sflag:$0x3] =	stream.indirect.gather [spmem:s2], $0x40, s16, s30, $0xb8;
	[tilespmem:$0x1E190] =	vst v63  }
0x359: {  	_ =	swait.ge [sflag:s21], $0x2000  }
0x35a: {  	[sflag:s21] =	ssyncset.done $0x0  }
0x35b: {  	s18 =	simm.s32 $0x16380;
	[sflag:s21] =	ssyncadd.s32 $0xFFFFE000  }
0x35c: {  	[spmem:s3] =	stream.indirect.scatter.add.f32 [tilespmem:s20], [sflag:$0x5], $0x40, s18, s30, $0xb8;
	[tilespmem:$0x1E190] =	vst v63  }
0x35d: {  	_ =	swait.ge [sflag:s17], $0x2000  }
0x35e: {  	s22 =	sld [smem:$0x7E6]  }
0x35f: {  	[sflag:s17] =	ssyncset.done $0x0  }
0x360: {  	[sflag:s17] =	ssyncadd.s32 $0xFFFFE000  }
0x361: {  	[tilespmem:s9], [sflag:$0x4] =	stream.indirect.gather [spmem:s2], $0x40, s22, s30, $0xb8;
	[tilespmem:$0x1E190] =	vst v63  }
0x362: {  	_ =	swait.ge [sflag:s13], $0x2000  }
0x363: {  	[sflag:s13] =	ssyncset.done $0x0  }
0x364: {  	s24 =	simm.s32 $0x16400;
	[sflag:s13] =	ssyncadd.s32 $0xFFFFE000  }
0x365: {  	[spmem:s3] =	stream.indirect.scatter.add.f32 [tilespmem:s9], [sflag:$0x6], $0x40, s24, s30, $0xb8;
	[tilespmem:$0x1E190] =	vst v63  }
0x366: {  	_ =	swait.ge [sflag:s0], $0x2000  }
0x367: {  	s6 =	sld [smem:$0x7E8]  }
0x368: {  	[sflag:s0] =	ssyncset.done $0x0  }
0x369: {  	[sflag:s0] =	ssyncadd.s32 $0xFFFFE000  }
0x36a: {  	[tilespmem:s20], [sflag:$0x3] =	stream.indirect.gather [spmem:s2], $0x40, s6, s30, $0xb8;
	[tilespmem:$0x1E190] =	vst v63  }
0x36b: {  	_ =	swait.ge [sflag:s21], $0x2000  }
0x36c: {  	[sflag:s21] =	ssyncset.done $0x0  }
0x36d: {  	s8 =	simm.s32 $0x16480;
	[sflag:s21] =	ssyncadd.s32 $0xFFFFE000  }
0x36e: {  	[spmem:s3] =	stream.indirect.scatter.add.f32 [tilespmem:s20], [sflag:$0x5], $0x40, s8, s30, $0xb8;
	[tilespmem:$0x1E190] =	vst v63  }
0x36f: {  	_ =	swait.ge [sflag:s17], $0x2000  }
0x370: {  	s14 =	sld [smem:$0x7EA]  }
0x371: {  	[sflag:s17] =	ssyncset.done $0x0  }
0x372: {  	[sflag:s17] =	ssyncadd.s32 $0xFFFFE000  }
0x373: {  	[tilespmem:s9], [sflag:$0x4] =	stream.indirect.gather [spmem:s2], $0x40, s14, s30, $0xb8;
	[tilespmem:$0x1E190] =	vst v63  }
0x374: {  	_ =	swait.ge [sflag:s13], $0x2000  }
0x375: {  	[sflag:s13] =	ssyncset.done $0x0  }
0x376: {  	s15 =	simm.s32 $0x16500;
	[sflag:s13] =	ssyncadd.s32 $0xFFFFE000  }
0x377: {  	[spmem:s3] =	stream.indirect.scatter.add.f32 [tilespmem:s9], [sflag:$0x6], $0x40, s15, s30, $0xb8;
	[tilespmem:$0x1E190] =	vst v63  }
0x378: {  	_ =	swait.ge [sflag:s0], $0x2000  }
0x379: {  	s16 =	sld [smem:$0x7EB]  }
0x37a: {  	[sflag:s0] =	ssyncset.done $0x0  }
0x37b: {  	[sflag:s0] =	ssyncadd.s32 $0xFFFFE000  }
0x37c: {  	[tilespmem:s20], [sflag:$0x3] =	stream.indirect.gather [spmem:s2], $0x40, s16, s30, $0xb8;
	[tilespmem:$0x1E190] =	vst v63  }
0x37d: {  	_ =	swait.ge [sflag:s21], $0x2000  }
0x37e: {  	[sflag:s21] =	ssyncset.done $0x0  }
0x37f: {  	s18 =	simm.s32 $0x16580;
	[sflag:s21] =	ssyncadd.s32 $0xFFFFE000  }
0x380: {  	[spmem:s3] =	stream.indirect.scatter.add.f32 [tilespmem:s20], [sflag:$0x5], $0x40, s18, s30, $0xb8;
	[tilespmem:$0x1E190] =	vst v63  }
0x381: {  	_ =	swait.ge [sflag:s17], $0x2000  }
0x382: {  	s22 =	sld [smem:$0x7EE]  }
0x383: {  	[sflag:s17] =	ssyncset.done $0x0  }
0x384: {  	[sflag:s17] =	ssyncadd.s32 $0xFFFFE000  }
0x385: {  	[tilespmem:s9], [sflag:$0x4] =	stream.indirect.gather [spmem:s2], $0x40, s22, s30, $0xb8;
	[tilespmem:$0x1E190] =	vst v63  }
0x386: {  	_ =	swait.ge [sflag:s13], $0x2000  }
0x387: {  	[sflag:s13] =	ssyncset.done $0x0  }
0x388: {  	s24 =	simm.s32 $0x16600;
	[sflag:s13] =	ssyncadd.s32 $0xFFFFE000  }
0x389: {  	[spmem:s3] =	stream.indirect.scatter.add.f32 [tilespmem:s9], [sflag:$0x6], $0x40, s24, s30, $0xb8;
	[tilespmem:$0x1E190] =	vst v63  }
0x38a: {  	_ =	swait.ge [sflag:s0], $0x2000  }
0x38b: {  	s6 =	sld [smem:$0x7F0]  }
0x38c: {  	[sflag:s0] =	ssyncset.done $0x0  }
0x38d: {  	[sflag:s0] =	ssyncadd.s32 $0xFFFFE000  }
0x38e: {  	[tilespmem:s20], [sflag:$0x3] =	stream.indirect.gather [spmem:s2], $0x40, s6, s30, $0xb8;
	[tilespmem:$0x1E190] =	vst v63  }
0x38f: {  	_ =	swait.ge [sflag:s21], $0x2000  }
0x390: {  	[sflag:s21] =	ssyncset.done $0x0  }
0x391: {  	s8 =	simm.s32 $0x16680;
	[sflag:s21] =	ssyncadd.s32 $0xFFFFE000  }
0x392: {  	[spmem:s3] =	stream.indirect.scatter.add.f32 [tilespmem:s20], [sflag:$0x5], $0x40, s8, s30, $0xb8;
	[tilespmem:$0x1E190] =	vst v63  }
0x393: {  	_ =	swait.ge [sflag:s17], $0x2000  }
0x394: {  	s14 =	sld [smem:$0x7F2]  }
0x395: {  	[sflag:s17] =	ssyncset.done $0x0  }
0x396: {  	[sflag:s17] =	ssyncadd.s32 $0xFFFFE000  }
0x397: {  	[tilespmem:s9], [sflag:$0x4] =	stream.indirect.gather [spmem:s2], $0x40, s14, s30, $0xb8;
	[tilespmem:$0x1E190] =	vst v63  }
0x398: {  	_ =	swait.ge [sflag:s13], $0x2000  }
0x399: {  	[sflag:s13] =	ssyncset.done $0x0  }
0x39a: {  	s15 =	simm.s32 $0x16700;
	[sflag:s13] =	ssyncadd.s32 $0xFFFFE000  }
0x39b: {  	[spmem:s3] =	stream.indirect.scatter.add.f32 [tilespmem:s9], [sflag:$0x6], $0x40, s15, s30, $0xb8;
	[tilespmem:$0x1E190] =	vst v63  }
0x39c: {  	_ =	swait.ge [sflag:s0], $0x2000  }
0x39d: {  	s16 =	sld [smem:$0x7F4]  }
0x39e: {  	[sflag:s0] =	ssyncset.done $0x0  }
0x39f: {  	[sflag:s0] =	ssyncadd.s32 $0xFFFFE000  }
0x3a0: {  	[tilespmem:s20], [sflag:$0x3] =	stream.indirect.gather [spmem:s2], $0x40, s16, s30, $0xb8;
	[tilespmem:$0x1E190] =	vst v63  }
0x3a1: {  	_ =	swait.ge [sflag:s21], $0x2000  }
0x3a2: {  	[sflag:s21] =	ssyncset.done $0x0  }
0x3a3: {  	s18 =	simm.s32 $0x16780;
	[sflag:s21] =	ssyncadd.s32 $0xFFFFE000  }
0x3a4: {  	[spmem:s3] =	stream.indirect.scatter.add.f32 [tilespmem:s20], [sflag:$0x5], $0x40, s18, s30, $0xb8;
	[tilespmem:$0x1E190] =	vst v63  }
0x3a5: {  	_ =	swait.ge [sflag:s17], $0x2000  }
0x3a6: {  	s22 =	sld [smem:$0x7F6]  }
0x3a7: {  	[sflag:s17] =	ssyncset.done $0x0  }
0x3a8: {  	[sflag:s17] =	ssyncadd.s32 $0xFFFFE000  }
0x3a9: {  	[tilespmem:s9], [sflag:$0x4] =	stream.indirect.gather [spmem:s2], $0x40, s22, s30, $0xb8;
	[tilespmem:$0x1E190] =	vst v63  }
0x3aa: {  	_ =	swait.ge [sflag:s13], $0x2000  }
0x3ab: {  	[sflag:s13] =	ssyncset.done $0x0  }
0x3ac: {  	s24 =	simm.s32 $0x16800;
	[sflag:s13] =	ssyncadd.s32 $0xFFFFE000  }
0x3ad: {  	[spmem:s3] =	stream.indirect.scatter.add.f32 [tilespmem:s9], [sflag:$0x6], $0x40, s24, s30, $0xb8;
	[tilespmem:$0x1E190] =	vst v63  }
0x3ae: {  	_ =	swait.ge [sflag:s0], $0x2000  }
0x3af: {  	s6 =	sld [smem:$0x7F8]  }
0x3b0: {  	[sflag:s0] =	ssyncset.done $0x0  }
0x3b1: {  	[sflag:s0] =	ssyncadd.s32 $0xFFFFE000  }
0x3b2: {  	[tilespmem:s20], [sflag:$0x3] =	stream.indirect.gather [spmem:s2], $0x40, s6, s30, $0xb8;
	[tilespmem:$0x1E190] =	vst v63  }
0x3b3: {  	_ =	swait.ge [sflag:s21], $0x2000  }
0x3b4: {  	[sflag:s21] =	ssyncset.done $0x0  }
0x3b5: {  	s8 =	simm.s32 $0x16880;
	[sflag:s21] =	ssyncadd.s32 $0xFFFFE000  }
0x3b6: {  	[spmem:s3] =	stream.indirect.scatter.add.f32 [tilespmem:s20], [sflag:$0x5], $0x40, s8, s30, $0xb8;
	[tilespmem:$0x1E190] =	vst v63  }
0x3b7: {  	_ =	swait.ge [sflag:s17], $0x2000  }
0x3b8: {  	s14 =	sld [smem:$0x7FA]  }
0x3b9: {  	[sflag:s17] =	ssyncset.done $0x0  }
0x3ba: {  	[sflag:s17] =	ssyncadd.s32 $0xFFFFE000  }
0x3bb: {  	[tilespmem:s9], [sflag:$0x4] =	stream.indirect.gather [spmem:s2], $0x40, s14, s30, $0xb8;
	[tilespmem:$0x1E190] =	vst v63  }
0x3bc: {  	_ =	swait.ge [sflag:s13], $0x2000  }
0x3bd: {  	[sflag:s13] =	ssyncset.done $0x0  }
0x3be: {  	s15 =	simm.s32 $0x16900;
	[sflag:s13] =	ssyncadd.s32 $0xFFFFE000  }
0x3bf: {  	[spmem:s3] =	stream.indirect.scatter.add.f32 [tilespmem:s9], [sflag:$0x6], $0x40, s15, s30, $0xb8;
	[tilespmem:$0x1E190] =	vst v63  }
0x3c0: {  	_ =	swait.ge [sflag:s0], $0x2000  }
0x3c1: {  	s16 =	sld [smem:$0x7FB]  }
0x3c2: {  	[sflag:s0] =	ssyncset.done $0x0  }
0x3c3: {  	[sflag:s0] =	ssyncadd.s32 $0xFFFFE000  }
0x3c4: {  	[tilespmem:s20], [sflag:$0x3] =	stream.indirect.gather [spmem:s2], $0x40, s16, s30, $0xb8;
	[tilespmem:$0x1E190] =	vst v63  }
0x3c5: {  	_ =	swait.ge [sflag:s21], $0x2000  }
0x3c6: {  	[sflag:s21] =	ssyncset.done $0x0  }
0x3c7: {  	s18 =	simm.s32 $0x16980;
	[sflag:s21] =	ssyncadd.s32 $0xFFFFE000  }
0x3c8: {  	[spmem:s3] =	stream.indirect.scatter.add.f32 [tilespmem:s20], [sflag:$0x5], $0x40, s18, s30, $0xb8;
	[tilespmem:$0x1E190] =	vst v63  }
0x3c9: {  	_ =	swait.ge [sflag:s17], $0x2000  }
0x3ca: {  	s22 =	sld [smem:$0x7FC]  }
0x3cb: {  	[sflag:s17] =	ssyncset.done $0x0  }
0x3cc: {  	[sflag:s17] =	ssyncadd.s32 $0xFFFFE000  }
0x3cd: {  	[tilespmem:s9], [sflag:$0x4] =	stream.indirect.gather [spmem:s2], $0x40, s22, s30, $0xb8;
	[tilespmem:$0x1E190] =	vst v63  }
0x3ce: {  	_ =	swait.ge [sflag:s13], $0x2000  }
0x3cf: {  	[sflag:s13] =	ssyncset.done $0x0  }
0x3d0: {  	s24 =	simm.s32 $0x16A00;
	[sflag:s13] =	ssyncadd.s32 $0xFFFFE000  }
0x3d1: {  	[spmem:s3] =	stream.indirect.scatter.add.f32 [tilespmem:s9], [sflag:$0x6], $0x40, s24, s30, $0xb8;
	[tilespmem:$0x1E190] =	vst v63  }
0x3d2: {  	s28 =	simm.s32 $0x0;
	_ =	swait.ge [sflag:s0], $0x2000  }
0x3d3: {  	s23 =	simm.s32 $0x15680;
	s14 =	simm.s32 $0x280;
	[sflag:s0] =	ssyncset.done $0x0  }
0x3d4: {  	s16 =	simm.s32 $0x15C00;
	s18 =	simm.s32 $0x15C80;
	[sflag:s0] =	ssyncadd.s32 $0xFFFFE000  }
0x3d5: {  	s22 =	simm.s32 $0x15D80;
	s24 =	simm.s32 $0x15D00;
	_ =	swait.ge [sflag:s17], $0x2000  }
.LBB2_11:
0x3d6: {  	[sflag:s17] =	ssyncset.done $0x0  }
0x3d7: {  	[sflag:s17] =	ssyncadd.s32 $0xFFFFE000  }
0x3d8: {  	_ =	swait.ge [sflag:s26], $0xA00  }
0x3d9: {  	[sflag:s26] =	ssyncset.done $0x0  }
0x3da: {  	[sflag:s26] =	ssyncadd.s32 $0xFFFFF600  }
0x3db: {  	s15 =	smov.u32 s14;
	_ =	swait.ge [sflag:s26], $0xA00  }
0x3dc: {  	s5 =	sadd.s32 s15, s10;
	[sflag:s26] =	ssyncset.done $0x0  }
0x3dd: {  	s6 =	sadd.s32 s15, s11;
	s5 =	sadd.s32 $0x140, s5;
	[sflag:s26] =	ssyncadd.s32 $0xFFFFF600  }
0x3de: {  	[tilespmem:s29], [sflag:$0x2] =	stream.linear.gather [hbm4b:s5+s28], $0xA00, $0x38;
	[tilespmem:$0x1E190] =	vst v63  }
0x3df: {  	s6 =	sadd.s32 $0x140, s6  }
0x3e0: {  	[tilespmem:s1], [sflag:$0x2] =	stream.linear.gather [hbm4b:s6+s28], $0xA00, $0x38;
	[tilespmem:$0x1E190] =	vst v63  }
0x3e1: {  	s8 =	simm.s32 $0x14280  }
0x3e2: {  	[tilespmem:s20], [sflag:$0x3] =	stream.indirect.gather [spmem:s2], $0x40, s8, s30, $0xb8;
	[tilespmem:$0x1E190] =	vst v63  }
0x3e3: {  	_ =	swait.ge [sflag:s21], $0x2000  }
0x3e4: {  	[sflag:s21] =	ssyncset.done $0x0  }
0x3e5: {  	[sflag:s21] =	ssyncadd.s32 $0xFFFFE000  }
0x3e6: {  	[spmem:s3] =	stream.indirect.scatter.add.f32 [tilespmem:s20], [sflag:$0x5], $0x40, s23, s30, $0xb8;
	[tilespmem:$0x1E190] =	vst v63  }
0x3e7: {  	s6 =	rddreg [dreg:$0x7]  }
0x3e8: {  	[tilespmem:s9], [sflag:$0x4] =	stream.indirect.gather [spmem:s2], $0x40, s6, s30, $0xb8;
	[tilespmem:$0x1E190] =	vst v63  }
0x3e9: {  	_ =	swait.ge [sflag:s13], $0x2000  }
0x3ea: {  	[sflag:s13] =	ssyncset.done $0x0  }
0x3eb: {  	[sflag:s13] =	ssyncadd.s32 $0xFFFFE000  }
0x3ec: {  	[spmem:s3] =	stream.indirect.scatter.add.f32 [tilespmem:s9], [sflag:$0x6], $0x40, s25, s30, $0xb8;
	[tilespmem:$0x1E190] =	vst v63  }
0x3ed: {  	_ =	swait.ge [sflag:s0], $0x2000  }
0x3ee: {  	[sflag:s0] =	ssyncset.done $0x0  }
0x3ef: {  	s8 =	rddreg [dreg:$0x8];
	[sflag:s0] =	ssyncadd.s32 $0xFFFFE000  }
0x3f0: {  	[tilespmem:s20], [sflag:$0x3] =	stream.indirect.gather [spmem:s2], $0x40, s8, s30, $0xb8;
	[tilespmem:$0x1E190] =	vst v63  }
0x3f1: {  	_ =	swait.ge [sflag:s21], $0x2000  }
0x3f2: {  	[sflag:s21] =	ssyncset.done $0x0  }
0x3f3: {  	[sflag:s21] =	ssyncadd.s32 $0xFFFFE000  }
0x3f4: {  	[spmem:s3] =	stream.indirect.scatter.add.f32 [tilespmem:s20], [sflag:$0x5], $0x40, s31, s30, $0xb8;
	[tilespmem:$0x1E190] =	vst v63  }
0x3f5: {  	_ =	swait.ge [sflag:s17], $0x2000  }
0x3f6: {  	[sflag:s17] =	ssyncset.done $0x0  }
0x3f7: {  	s6 =	rddreg [dreg:$0x9];
	[sflag:s17] =	ssyncadd.s32 $0xFFFFE000  }
0x3f8: {  	[tilespmem:s9], [sflag:$0x4] =	stream.indirect.gather [spmem:s2], $0x40, s6, s30, $0xb8;
	[tilespmem:$0x1E190] =	vst v63  }
0x3f9: {  	_ =	swait.ge [sflag:s13], $0x2000  }
0x3fa: {  	[sflag:s13] =	ssyncset.done $0x0  }
0x3fb: {  	s8 =	simm.s32 $0x15800;
	[sflag:s13] =	ssyncadd.s32 $0xFFFFE000  }
0x3fc: {  	[spmem:s3] =	stream.indirect.scatter.add.f32 [tilespmem:s9], [sflag:$0x6], $0x40, s8, s30, $0xb8;
	[tilespmem:$0x1E190] =	vst v63  }
0x3fd: {  	_ =	swait.ge [sflag:s0], $0x2000  }
0x3fe: {  	[sflag:s0] =	ssyncset.done $0x0  }
0x3ff: {  	s6 =	rddreg [dreg:$0xa];
	[sflag:s0] =	ssyncadd.s32 $0xFFFFE000  }
0x400: {  	[tilespmem:s20], [sflag:$0x3] =	stream.indirect.gather [spmem:s2], $0x40, s6, s30, $0xb8;
	[tilespmem:$0x1E190] =	vst v63  }
0x401: {  	_ =	swait.ge [sflag:s21], $0x2000  }
0x402: {  	[sflag:s21] =	ssyncset.done $0x0  }
0x403: {  	s8 =	simm.s32 $0x15880;
	[sflag:s21] =	ssyncadd.s32 $0xFFFFE000  }
0x404: {  	[spmem:s3] =	stream.indirect.scatter.add.f32 [tilespmem:s20], [sflag:$0x5], $0x40, s8, s30, $0xb8;
	[tilespmem:$0x1E190] =	vst v63  }
0x405: {  	_ =	swait.ge [sflag:s17], $0x2000  }
0x406: {  	[sflag:s17] =	ssyncset.done $0x0  }
0x407: {  	s6 =	rddreg [dreg:$0xb];
	[sflag:s17] =	ssyncadd.s32 $0xFFFFE000  }
0x408: {  	[tilespmem:s9], [sflag:$0x4] =	stream.indirect.gather [spmem:s2], $0x40, s6, s30, $0xb8;
	[tilespmem:$0x1E190] =	vst v63  }
0x409: {  	_ =	swait.ge [sflag:s13], $0x2000  }
0x40a: {  	[sflag:s13] =	ssyncset.done $0x0  }
0x40b: {  	s8 =	simm.s32 $0x15900;
	[sflag:s13] =	ssyncadd.s32 $0xFFFFE000  }
0x40c: {  	[spmem:s3] =	stream.indirect.scatter.add.f32 [tilespmem:s9], [sflag:$0x6], $0x40, s8, s30, $0xb8;
	[tilespmem:$0x1E190] =	vst v63  }
0x40d: {  	_ =	swait.ge [sflag:s0], $0x2000  }
0x40e: {  	[sflag:s0] =	ssyncset.done $0x0  }
0x40f: {  	s6 =	rddreg [dreg:$0xc];
	[sflag:s0] =	ssyncadd.s32 $0xFFFFE000  }
0x410: {  	[tilespmem:s20], [sflag:$0x3] =	stream.indirect.gather [spmem:s2], $0x40, s6, s30, $0xb8;
	[tilespmem:$0x1E190] =	vst v63  }
0x411: {  	_ =	swait.ge [sflag:s21], $0x2000  }
0x412: {  	[sflag:s21] =	ssyncset.done $0x0  }
0x413: {  	s8 =	simm.s32 $0x15980;
	[sflag:s21] =	ssyncadd.s32 $0xFFFFE000  }
0x414: {  	[spmem:s3] =	stream.indirect.scatter.add.f32 [tilespmem:s20], [sflag:$0x5], $0x40, s8, s30, $0xb8;
	[tilespmem:$0x1E190] =	vst v63  }
0x415: {  	_ =	swait.ge [sflag:s17], $0x2000  }
0x416: {  	[sflag:s17] =	ssyncset.done $0x0  }
0x417: {  	s6 =	rddreg [dreg:$0xd];
	[sflag:s17] =	ssyncadd.s32 $0xFFFFE000  }
0x418: {  	[tilespmem:s9], [sflag:$0x4] =	stream.indirect.gather [spmem:s2], $0x40, s6, s30, $0xb8;
	[tilespmem:$0x1E190] =	vst v63  }
0x419: {  	_ =	swait.ge [sflag:s13], $0x2000  }
0x41a: {  	[sflag:s13] =	ssyncset.done $0x0  }
0x41b: {  	s8 =	simm.s32 $0x15A00;
	[sflag:s13] =	ssyncadd.s32 $0xFFFFE000  }
0x41c: {  	[spmem:s3] =	stream.indirect.scatter.add.f32 [tilespmem:s9], [sflag:$0x6], $0x40, s8, s30, $0xb8;
	[tilespmem:$0x1E190] =	vst v63  }
0x41d: {  	_ =	swait.ge [sflag:s0], $0x2000  }
0x41e: {  	[sflag:s0] =	ssyncset.done $0x0  }
0x41f: {  	s6 =	rddreg [dreg:$0xe];
	[sflag:s0] =	ssyncadd.s32 $0xFFFFE000  }
0x420: {  	[tilespmem:s20], [sflag:$0x3] =	stream.indirect.gather [spmem:s2], $0x40, s6, s30, $0xb8;
	[tilespmem:$0x1E190] =	vst v63  }
0x421: {  	_ =	swait.ge [sflag:s21], $0x2000  }
0x422: {  	[sflag:s21] =	ssyncset.done $0x0  }
0x423: {  	s8 =	simm.s32 $0x15A80;
	[sflag:s21] =	ssyncadd.s32 $0xFFFFE000  }
0x424: {  	[spmem:s3] =	stream.indirect.scatter.add.f32 [tilespmem:s20], [sflag:$0x5], $0x40, s8, s30, $0xb8;
	[tilespmem:$0x1E190] =	vst v63  }
0x425: {  	_ =	swait.ge [sflag:s17], $0x2000  }
0x426: {  	[sflag:s17] =	ssyncset.done $0x0  }
0x427: {  	s6 =	rddreg [dreg:$0xf];
	[sflag:s17] =	ssyncadd.s32 $0xFFFFE000  }
0x428: {  	[tilespmem:s9], [sflag:$0x4] =	stream.indirect.gather [spmem:s2], $0x40, s6, s30, $0xb8;
	[tilespmem:$0x1E190] =	vst v63  }
0x429: {  	_ =	swait.ge [sflag:s13], $0x2000  }
0x42a: {  	[sflag:s13] =	ssyncset.done $0x0  }
0x42b: {  	s8 =	simm.s32 $0x15B00;
	[sflag:s13] =	ssyncadd.s32 $0xFFFFE000  }
0x42c: {  	[spmem:s3] =	stream.indirect.scatter.add.f32 [tilespmem:s9], [sflag:$0x6], $0x40, s8, s30, $0xb8;
	[tilespmem:$0x1E190] =	vst v63  }
0x42d: {  	_ =	swait.ge [sflag:s0], $0x2000  }
0x42e: {  	[sflag:s0] =	ssyncset.done $0x0  }
0x42f: {  	s6 =	rddreg [dreg:$0x10];
	[sflag:s0] =	ssyncadd.s32 $0xFFFFE000  }
0x430: {  	[tilespmem:s20], [sflag:$0x3] =	stream.indirect.gather [spmem:s2], $0x40, s6, s30, $0xb8;
	[tilespmem:$0x1E190] =	vst v63  }
0x431: {  	_ =	swait.ge [sflag:s21], $0x2000  }
0x432: {  	[sflag:s21] =	ssyncset.done $0x0  }
0x433: {  	s8 =	simm.s32 $0x15B80;
	[sflag:s21] =	ssyncadd.s32 $0xFFFFE000  }
0x434: {  	[spmem:s3] =	stream.indirect.scatter.add.f32 [tilespmem:s20], [sflag:$0x5], $0x40, s8, s30, $0xb8;
	[tilespmem:$0x1E190] =	vst v63  }
0x435: {  	_ =	swait.ge [sflag:s17], $0x2000  }
0x436: {  	[sflag:s17] =	ssyncset.done $0x0  }
0x437: {  	s6 =	rddreg [dreg:$0x11];
	[sflag:s17] =	ssyncadd.s32 $0xFFFFE000  }
0x438: {  	[tilespmem:s9], [sflag:$0x4] =	stream.indirect.gather [spmem:s2], $0x40, s6, s30, $0xb8;
	[tilespmem:$0x1E190] =	vst v63  }
0x439: {  	_ =	swait.ge [sflag:s13], $0x2000  }
0x43a: {  	[sflag:s13] =	ssyncset.done $0x0  }
0x43b: {  	[sflag:s13] =	ssyncadd.s32 $0xFFFFE000  }
0x43c: {  	[spmem:s3] =	stream.indirect.scatter.add.f32 [tilespmem:s9], [sflag:$0x6], $0x40, s16, s30, $0xb8;
	[tilespmem:$0x1E190] =	vst v63  }
0x43d: {  	_ =	swait.ge [sflag:s0], $0x2000  }
0x43e: {  	[sflag:s0] =	ssyncset.done $0x0  }
0x43f: {  	s8 =	rddreg [dreg:$0x12];
	[sflag:s0] =	ssyncadd.s32 $0xFFFFE000  }
0x440: {  	[tilespmem:s20], [sflag:$0x3] =	stream.indirect.gather [spmem:s2], $0x40, s8, s30, $0xb8;
	[tilespmem:$0x1E190] =	vst v63  }
0x441: {  	_ =	swait.ge [sflag:s21], $0x2000  }
0x442: {  	[sflag:s21] =	ssyncset.done $0x0  }
0x443: {  	[sflag:s21] =	ssyncadd.s32 $0xFFFFE000  }
0x444: {  	[spmem:s3] =	stream.indirect.scatter.add.f32 [tilespmem:s20], [sflag:$0x5], $0x40, s18, s30, $0xb8;
	[tilespmem:$0x1E190] =	vst v63  }
0x445: {  	_ =	swait.ge [sflag:s17], $0x2000  }
0x446: {  	[sflag:s17] =	ssyncset.done $0x0  }
0x447: {  	s6 =	rddreg [dreg:$0x13];
	[sflag:s17] =	ssyncadd.s32 $0xFFFFE000  }
0x448: {  	[tilespmem:s9], [sflag:$0x4] =	stream.indirect.gather [spmem:s2], $0x40, s6, s30, $0xb8;
	[tilespmem:$0x1E190] =	vst v63  }
0x449: {  	_ =	swait.ge [sflag:s13], $0x2000  }
0x44a: {  	[sflag:s13] =	ssyncset.done $0x0  }
0x44b: {  	[sflag:s13] =	ssyncadd.s32 $0xFFFFE000  }
0x44c: {  	[spmem:s3] =	stream.indirect.scatter.add.f32 [tilespmem:s9], [sflag:$0x6], $0x40, s24, s30, $0xb8;
	[tilespmem:$0x1E190] =	vst v63  }
0x44d: {  	_ =	swait.ge [sflag:s0], $0x2000  }
0x44e: {  	[sflag:s0] =	ssyncset.done $0x0  }
0x44f: {  	s8 =	rddreg [dreg:$0x14];
	[sflag:s0] =	ssyncadd.s32 $0xFFFFE000  }
0x450: {  	[tilespmem:s20], [sflag:$0x3] =	stream.indirect.gather [spmem:s2], $0x40, s8, s30, $0xb8;
	[tilespmem:$0x1E190] =	vst v63  }
0x451: {  	_ =	swait.ge [sflag:s21], $0x2000  }
0x452: {  	[sflag:s21] =	ssyncset.done $0x0  }
0x453: {  	[sflag:s21] =	ssyncadd.s32 $0xFFFFE000  }
0x454: {  	[spmem:s3] =	stream.indirect.scatter.add.f32 [tilespmem:s20], [sflag:$0x5], $0x40, s22, s30, $0xb8;
	[tilespmem:$0x1E190] =	vst v63  }
0x455: {  	_ =	swait.ge [sflag:s17], $0x2000  }
0x456: {  	[sflag:s17] =	ssyncset.done $0x0  }
0x457: {  	s6 =	rddreg [dreg:$0x15];
	[sflag:s17] =	ssyncadd.s32 $0xFFFFE000  }
0x458: {  	[tilespmem:s9], [sflag:$0x4] =	stream.indirect.gather [spmem:s2], $0x40, s6, s30, $0xb8;
	[tilespmem:$0x1E190] =	vst v63  }
0x459: {  	_ =	swait.ge [sflag:s13], $0x2000  }
0x45a: {  	[sflag:s13] =	ssyncset.done $0x0  }
0x45b: {  	s8 =	simm.s32 $0x15E00;
	[sflag:s13] =	ssyncadd.s32 $0xFFFFE000  }
0x45c: {  	[spmem:s3] =	stream.indirect.scatter.add.f32 [tilespmem:s9], [sflag:$0x6], $0x40, s8, s30, $0xb8;
	[tilespmem:$0x1E190] =	vst v63  }
0x45d: {  	_ =	swait.ge [sflag:s0], $0x2000  }
0x45e: {  	[sflag:s0] =	ssyncset.done $0x0  }
0x45f: {  	s6 =	rddreg [dreg:$0x16];
	[sflag:s0] =	ssyncadd.s32 $0xFFFFE000  }
0x460: {  	[tilespmem:s20], [sflag:$0x3] =	stream.indirect.gather [spmem:s2], $0x40, s6, s30, $0xb8;
	[tilespmem:$0x1E190] =	vst v63  }
0x461: {  	_ =	swait.ge [sflag:s21], $0x2000  }
0x462: {  	[sflag:s21] =	ssyncset.done $0x0  }
0x463: {  	s8 =	simm.s32 $0x15E80;
	[sflag:s21] =	ssyncadd.s32 $0xFFFFE000  }
0x464: {  	[spmem:s3] =	stream.indirect.scatter.add.f32 [tilespmem:s20], [sflag:$0x5], $0x40, s8, s30, $0xb8;
	[tilespmem:$0x1E190] =	vst v63  }
0x465: {  	_ =	swait.ge [sflag:s17], $0x2000  }
0x466: {  	[sflag:s17] =	ssyncset.done $0x0  }
0x467: {  	s6 =	rddreg [dreg:$0x17];
	[sflag:s17] =	ssyncadd.s32 $0xFFFFE000  }
0x468: {  	[tilespmem:s9], [sflag:$0x4] =	stream.indirect.gather [spmem:s2], $0x40, s6, s30, $0xb8;
	[tilespmem:$0x1E190] =	vst v63  }
0x469: {  	_ =	swait.ge [sflag:s13], $0x2000  }
0x46a: {  	[sflag:s13] =	ssyncset.done $0x0  }
0x46b: {  	[sflag:s13] =	ssyncadd.s32 $0xFFFFE000  }
0x46c: {  	[spmem:s3] =	stream.indirect.scatter.add.f32 [tilespmem:s9], [sflag:$0x6], $0x40, s19, s30, $0xb8;
	[tilespmem:$0x1E190] =	vst v63  }
0x46d: {  	_ =	swait.ge [sflag:s0], $0x2000  }
0x46e: {  	[sflag:s0] =	ssyncset.done $0x0  }
0x46f: {  	s8 =	rddreg [dreg:$0x18];
	[sflag:s0] =	ssyncadd.s32 $0xFFFFE000  }
0x470: {  	[tilespmem:s20], [sflag:$0x3] =	stream.indirect.gather [spmem:s2], $0x40, s8, s30, $0xb8;
	[tilespmem:$0x1E190] =	vst v63  }
0x471: {  	_ =	swait.ge [sflag:s21], $0x2000  }
0x472: {  	[sflag:s21] =	ssyncset.done $0x0  }
0x473: {  	[sflag:s21] =	ssyncadd.s32 $0xFFFFE000  }
0x474: {  	[spmem:s3] =	stream.indirect.scatter.add.f32 [tilespmem:s20], [sflag:$0x5], $0x40, s4, s30, $0xb8;
	[tilespmem:$0x1E190] =	vst v63  }
0x475: {  	_ =	swait.ge [sflag:s17], $0x2000  }
0x476: {  	[sflag:s17] =	ssyncset.done $0x0  }
0x477: {  	s6 =	rddreg [dreg:$0x19];
	[sflag:s17] =	ssyncadd.s32 $0xFFFFE000  }
0x478: {  	[tilespmem:s9], [sflag:$0x4] =	stream.indirect.gather [spmem:s2], $0x40, s6, s30, $0xb8;
	[tilespmem:$0x1E190] =	vst v63  }
0x479: {  	_ =	swait.ge [sflag:s13], $0x2000  }
0x47a: {  	[sflag:s13] =	ssyncset.done $0x0  }
0x47b: {  	[sflag:s13] =	ssyncadd.s32 $0xFFFFE000  }
0x47c: {  	[spmem:s3] =	stream.indirect.scatter.add.f32 [tilespmem:s9], [sflag:$0x6], $0x40, s12, s30, $0xb8;
	[tilespmem:$0x1E190] =	vst v63  }
0x47d: {  	_ =	swait.ge [sflag:s0], $0x2000  }
0x47e: {  	[sflag:s0] =	ssyncset.done $0x0  }
0x47f: {  	[sflag:s0] =	ssyncadd.s32 $0xFFFFE000  }
0x480: {  	_ =	swait.ge [sflag:s17], $0x2000  }
0x481: {  	[sflag:s17] =	ssyncset.done $0x0  }
0x482: {  	[sflag:s17] =	ssyncadd.s32 $0xFFFFE000  }
0x483: {  	_ =	swait.ge [sflag:s7], $0xA00  }
0x484: {  	[sflag:s7] =	ssyncset.done $0x0  }
0x485: {  	p1 =	seq.s32 s15, $0x780;
	[sflag:s7] =	ssyncadd.s32 $0xFFFFF600  }
0x486: {  	s5 =	sadd.s32 @!p1 s15, s10;
	_ =	swait.ge [sflag:s7], $0xA00  }
0x487: {  	s5 =	sadd.s32 @!p1 $0x280, s5;
	[sflag:s7] =	ssyncset.done $0x0  }
0x488: {  	s8 =	simm.s32 @!p1 $0x14280;
	s6 =	simm.s32 @!p1 $0x0;
	[sflag:s7] =	ssyncadd.s32 $0xFFFFF600  }
0x489: {  	[tilespmem:s8], [sflag:$0x1] =	stream.linear.gather @!p1 [hbm4b:s5+s6], $0xA00, $0x38;
	[tilespmem:$0x1E190] =	vst v63  }
0x48a: {  	s5 =	sadd.s32 @!p1 s15, s11  }
0x48b: {  	s8 =	simm.s32 @!p1 $0x15680;
	s5 =	sadd.s32 @!p1 $0x280, s5  }
0x48c: {  	[tilespmem:s8], [sflag:$0x1] =	stream.linear.gather @!p1 [hbm4b:s5+s6], $0xA00, $0x38;
	[tilespmem:$0x1E190] =	vst v63  }
0x48d: {  	_ = 	snop  }
0x48e: {  	[tilespmem:s20], [sflag:$0x3] =	stream.indirect.gather [spmem:s2], $0x40, s29, s30, $0xb8;
	[tilespmem:$0x1E190] =	vst v63  }
0x48f: {  	_ =	swait.ge [sflag:s21], $0x2000  }
0x490: {  	[sflag:s21] =	ssyncset.done $0x0  }
0x491: {  	[sflag:s21] =	ssyncadd.s32 $0xFFFFE000  }
0x492: {  	[spmem:s3] =	stream.indirect.scatter.add.f32 [tilespmem:s20], [sflag:$0x5], $0x40, s1, s30, $0xb8;
	[tilespmem:$0x1E190] =	vst v63  }
0x493: {  	s8 =	rddreg [dreg:$0x1a]  }
0x494: {  	[tilespmem:s9], [sflag:$0x4] =	stream.indirect.gather [spmem:s2], $0x40, s8, s30, $0xb8;
	[tilespmem:$0x1E190] =	vst v63  }
0x495: {  	_ =	swait.ge [sflag:s13], $0x2000  }
0x496: {  	[sflag:s13] =	ssyncset.done $0x0  }
0x497: {  	s15 =	simm.s32 $0x16100;
	[sflag:s13] =	ssyncadd.s32 $0xFFFFE000  }
0x498: {  	[spmem:s3] =	stream.indirect.scatter.add.f32 [tilespmem:s9], [sflag:$0x6], $0x40, s15, s30, $0xb8;
	[tilespmem:$0x1E190] =	vst v63  }
0x499: {  	_ =	swait.ge [sflag:s0], $0x2000  }
0x49a: {  	[sflag:s0] =	ssyncset.done $0x0  }
0x49b: {  	s5 =	rddreg [dreg:$0x1b];
	[sflag:s0] =	ssyncadd.s32 $0xFFFFE000  }
0x49c: {  	[tilespmem:s20], [sflag:$0x3] =	stream.indirect.gather [spmem:s2], $0x40, s5, s30, $0xb8;
	[tilespmem:$0x1E190] =	vst v63  }
0x49d: {  	_ =	swait.ge [sflag:s21], $0x2000  }
0x49e: {  	[sflag:s21] =	ssyncset.done $0x0  }
0x49f: {  	s6 =	simm.s32 $0x16180;
	[sflag:s21] =	ssyncadd.s32 $0xFFFFE000  }
0x4a0: {  	[spmem:s3] =	stream.indirect.scatter.add.f32 [tilespmem:s20], [sflag:$0x5], $0x40, s6, s30, $0xb8;
	[tilespmem:$0x1E190] =	vst v63  }
0x4a1: {  	_ =	swait.ge [sflag:s17], $0x2000  }
0x4a2: {  	[sflag:s17] =	ssyncset.done $0x0  }
0x4a3: {  	s6 =	rddreg [dreg:$0x1c];
	[sflag:s17] =	ssyncadd.s32 $0xFFFFE000  }
0x4a4: {  	[tilespmem:s9], [sflag:$0x4] =	stream.indirect.gather [spmem:s2], $0x40, s6, s30, $0xb8;
	[tilespmem:$0x1E190] =	vst v63  }
0x4a5: {  	_ =	swait.ge [sflag:s13], $0x2000  }
0x4a6: {  	[sflag:s13] =	ssyncset.done $0x0  }
0x4a7: {  	s8 =	simm.s32 $0x16200;
	[sflag:s13] =	ssyncadd.s32 $0xFFFFE000  }
0x4a8: {  	[spmem:s3] =	stream.indirect.scatter.add.f32 [tilespmem:s9], [sflag:$0x6], $0x40, s8, s30, $0xb8;
	[tilespmem:$0x1E190] =	vst v63  }
0x4a9: {  	_ =	swait.ge [sflag:s0], $0x2000  }
0x4aa: {  	[sflag:s0] =	ssyncset.done $0x0  }
0x4ab: {  	s8 =	rddreg [dreg:$0x1d];
	[sflag:s0] =	ssyncadd.s32 $0xFFFFE000  }
0x4ac: {  	[tilespmem:s20], [sflag:$0x3] =	stream.indirect.gather [spmem:s2], $0x40, s8, s30, $0xb8;
	[tilespmem:$0x1E190] =	vst v63  }
0x4ad: {  	_ =	swait.ge [sflag:s21], $0x2000  }
0x4ae: {  	[sflag:s21] =	ssyncset.done $0x0  }
0x4af: {  	s15 =	simm.s32 $0x16280;
	[sflag:s21] =	ssyncadd.s32 $0xFFFFE000  }
0x4b0: {  	[spmem:s3] =	stream.indirect.scatter.add.f32 [tilespmem:s20], [sflag:$0x5], $0x40, s15, s30, $0xb8;
	[tilespmem:$0x1E190] =	vst v63  }
0x4b1: {  	_ =	swait.ge [sflag:s17], $0x2000  }
0x4b2: {  	[sflag:s17] =	ssyncset.done $0x0  }
0x4b3: {  	s5 =	rddreg [dreg:$0x1e];
	[sflag:s17] =	ssyncadd.s32 $0xFFFFE000  }
0x4b4: {  	[tilespmem:s9], [sflag:$0x4] =	stream.indirect.gather [spmem:s2], $0x40, s5, s30, $0xb8;
	[tilespmem:$0x1E190] =	vst v63  }
0x4b5: {  	_ =	swait.ge [sflag:s13], $0x2000  }
0x4b6: {  	[sflag:s13] =	ssyncset.done $0x0  }
0x4b7: {  	s6 =	simm.s32 $0x16300;
	[sflag:s13] =	ssyncadd.s32 $0xFFFFE000  }
0x4b8: {  	[spmem:s3] =	stream.indirect.scatter.add.f32 [tilespmem:s9], [sflag:$0x6], $0x40, s6, s30, $0xb8;
	[tilespmem:$0x1E190] =	vst v63  }
0x4b9: {  	_ =	swait.ge [sflag:s0], $0x2000  }
0x4ba: {  	[sflag:s0] =	ssyncset.done $0x0  }
0x4bb: {  	s6 =	rddreg [dreg:$0x1f];
	[sflag:s0] =	ssyncadd.s32 $0xFFFFE000  }
0x4bc: {  	[tilespmem:s20], [sflag:$0x3] =	stream.indirect.gather [spmem:s2], $0x40, s6, s30, $0xb8;
	[tilespmem:$0x1E190] =	vst v63  }
0x4bd: {  	_ =	swait.ge [sflag:s21], $0x2000  }
0x4be: {  	[sflag:s21] =	ssyncset.done $0x0  }
0x4bf: {  	s8 =	simm.s32 $0x16380;
	[sflag:s21] =	ssyncadd.s32 $0xFFFFE000  }
0x4c0: {  	[spmem:s3] =	stream.indirect.scatter.add.f32 [tilespmem:s20], [sflag:$0x5], $0x40, s8, s30, $0xb8;
	[tilespmem:$0x1E190] =	vst v63  }
0x4c1: {  	_ =	swait.ge [sflag:s17], $0x2000  }
0x4c2: {  	s8 =	sld [smem:$0x7E6]  }
0x4c3: {  	[sflag:s17] =	ssyncset.done $0x0  }
0x4c4: {  	[sflag:s17] =	ssyncadd.s32 $0xFFFFE000  }
0x4c5: {  	[tilespmem:s9], [sflag:$0x4] =	stream.indirect.gather [spmem:s2], $0x40, s8, s30, $0xb8;
	[tilespmem:$0x1E190] =	vst v63  }
0x4c6: {  	_ =	swait.ge [sflag:s13], $0x2000  }
0x4c7: {  	[sflag:s13] =	ssyncset.done $0x0  }
0x4c8: {  	s15 =	simm.s32 $0x16400;
	[sflag:s13] =	ssyncadd.s32 $0xFFFFE000  }
0x4c9: {  	[spmem:s3] =	stream.indirect.scatter.add.f32 [tilespmem:s9], [sflag:$0x6], $0x40, s15, s30, $0xb8;
	[tilespmem:$0x1E190] =	vst v63  }
0x4ca: {  	_ =	swait.ge [sflag:s0], $0x2000  }
0x4cb: {  	s5 =	sld [smem:$0x7E8]  }
0x4cc: {  	[sflag:s0] =	ssyncset.done $0x0  }
0x4cd: {  	[sflag:s0] =	ssyncadd.s32 $0xFFFFE000  }
0x4ce: {  	[tilespmem:s20], [sflag:$0x3] =	stream.indirect.gather [spmem:s2], $0x40, s5, s30, $0xb8;
	[tilespmem:$0x1E190] =	vst v63  }
0x4cf: {  	_ =	swait.ge [sflag:s21], $0x2000  }
0x4d0: {  	[sflag:s21] =	ssyncset.done $0x0  }
0x4d1: {  	s6 =	simm.s32 $0x16480;
	[sflag:s21] =	ssyncadd.s32 $0xFFFFE000  }
0x4d2: {  	[spmem:s3] =	stream.indirect.scatter.add.f32 [tilespmem:s20], [sflag:$0x5], $0x40, s6, s30, $0xb8;
	[tilespmem:$0x1E190] =	vst v63  }
0x4d3: {  	_ =	swait.ge [sflag:s17], $0x2000  }
0x4d4: {  	s6 =	sld [smem:$0x7EA]  }
0x4d5: {  	[sflag:s17] =	ssyncset.done $0x0  }
0x4d6: {  	[sflag:s17] =	ssyncadd.s32 $0xFFFFE000  }
0x4d7: {  	[tilespmem:s9], [sflag:$0x4] =	stream.indirect.gather [spmem:s2], $0x40, s6, s30, $0xb8;
	[tilespmem:$0x1E190] =	vst v63  }
0x4d8: {  	_ =	swait.ge [sflag:s13], $0x2000  }
0x4d9: {  	[sflag:s13] =	ssyncset.done $0x0  }
0x4da: {  	s8 =	simm.s32 $0x16500;
	[sflag:s13] =	ssyncadd.s32 $0xFFFFE000  }
0x4db: {  	[spmem:s3] =	stream.indirect.scatter.add.f32 [tilespmem:s9], [sflag:$0x6], $0x40, s8, s30, $0xb8;
	[tilespmem:$0x1E190] =	vst v63  }
0x4dc: {  	_ =	swait.ge [sflag:s0], $0x2000  }
0x4dd: {  	s8 =	sld [smem:$0x7EB]  }
0x4de: {  	[sflag:s0] =	ssyncset.done $0x0  }
0x4df: {  	[sflag:s0] =	ssyncadd.s32 $0xFFFFE000  }
0x4e0: {  	[tilespmem:s20], [sflag:$0x3] =	stream.indirect.gather [spmem:s2], $0x40, s8, s30, $0xb8;
	[tilespmem:$0x1E190] =	vst v63  }
0x4e1: {  	_ =	swait.ge [sflag:s21], $0x2000  }
0x4e2: {  	[sflag:s21] =	ssyncset.done $0x0  }
0x4e3: {  	s15 =	simm.s32 $0x16580;
	[sflag:s21] =	ssyncadd.s32 $0xFFFFE000  }
0x4e4: {  	[spmem:s3] =	stream.indirect.scatter.add.f32 [tilespmem:s20], [sflag:$0x5], $0x40, s15, s30, $0xb8;
	[tilespmem:$0x1E190] =	vst v63  }
0x4e5: {  	_ =	swait.ge [sflag:s17], $0x2000  }
0x4e6: {  	s5 =	sld [smem:$0x7EE]  }
0x4e7: {  	[sflag:s17] =	ssyncset.done $0x0  }
0x4e8: {  	[sflag:s17] =	ssyncadd.s32 $0xFFFFE000  }
0x4e9: {  	[tilespmem:s9], [sflag:$0x4] =	stream.indirect.gather [spmem:s2], $0x40, s5, s30, $0xb8;
	[tilespmem:$0x1E190] =	vst v63  }
0x4ea: {  	_ =	swait.ge [sflag:s13], $0x2000  }
0x4eb: {  	[sflag:s13] =	ssyncset.done $0x0  }
0x4ec: {  	s6 =	simm.s32 $0x16600;
	[sflag:s13] =	ssyncadd.s32 $0xFFFFE000  }
0x4ed: {  	[spmem:s3] =	stream.indirect.scatter.add.f32 [tilespmem:s9], [sflag:$0x6], $0x40, s6, s30, $0xb8;
	[tilespmem:$0x1E190] =	vst v63  }
0x4ee: {  	_ =	swait.ge [sflag:s0], $0x2000  }
0x4ef: {  	s6 =	sld [smem:$0x7F0]  }
0x4f0: {  	[sflag:s0] =	ssyncset.done $0x0  }
0x4f1: {  	[sflag:s0] =	ssyncadd.s32 $0xFFFFE000  }
0x4f2: {  	[tilespmem:s20], [sflag:$0x3] =	stream.indirect.gather [spmem:s2], $0x40, s6, s30, $0xb8;
	[tilespmem:$0x1E190] =	vst v63  }
0x4f3: {  	_ =	swait.ge [sflag:s21], $0x2000  }
0x4f4: {  	[sflag:s21] =	ssyncset.done $0x0  }
0x4f5: {  	s8 =	simm.s32 $0x16680;
	[sflag:s21] =	ssyncadd.s32 $0xFFFFE000  }
0x4f6: {  	[spmem:s3] =	stream.indirect.scatter.add.f32 [tilespmem:s20], [sflag:$0x5], $0x40, s8, s30, $0xb8;
	[tilespmem:$0x1E190] =	vst v63  }
0x4f7: {  	_ =	swait.ge [sflag:s17], $0x2000  }
0x4f8: {  	s8 =	sld [smem:$0x7F2]  }
0x4f9: {  	[sflag:s17] =	ssyncset.done $0x0  }
0x4fa: {  	[sflag:s17] =	ssyncadd.s32 $0xFFFFE000  }
0x4fb: {  	[tilespmem:s9], [sflag:$0x4] =	stream.indirect.gather [spmem:s2], $0x40, s8, s30, $0xb8;
	[tilespmem:$0x1E190] =	vst v63  }
0x4fc: {  	_ =	swait.ge [sflag:s13], $0x2000  }
0x4fd: {  	[sflag:s13] =	ssyncset.done $0x0  }
0x4fe: {  	s15 =	simm.s32 $0x16700;
	[sflag:s13] =	ssyncadd.s32 $0xFFFFE000  }
0x4ff: {  	[spmem:s3] =	stream.indirect.scatter.add.f32 [tilespmem:s9], [sflag:$0x6], $0x40, s15, s30, $0xb8;
	[tilespmem:$0x1E190] =	vst v63  }
0x500: {  	_ =	swait.ge [sflag:s0], $0x2000  }
0x501: {  	s5 =	sld [smem:$0x7F4]  }
0x502: {  	[sflag:s0] =	ssyncset.done $0x0  }
0x503: {  	[sflag:s0] =	ssyncadd.s32 $0xFFFFE000  }
0x504: {  	[tilespmem:s20], [sflag:$0x3] =	stream.indirect.gather [spmem:s2], $0x40, s5, s30, $0xb8;
	[tilespmem:$0x1E190] =	vst v63  }
0x505: {  	_ =	swait.ge [sflag:s21], $0x2000  }
0x506: {  	[sflag:s21] =	ssyncset.done $0x0  }
0x507: {  	s6 =	simm.s32 $0x16780;
	[sflag:s21] =	ssyncadd.s32 $0xFFFFE000  }
0x508: {  	[spmem:s3] =	stream.indirect.scatter.add.f32 [tilespmem:s20], [sflag:$0x5], $0x40, s6, s30, $0xb8;
	[tilespmem:$0x1E190] =	vst v63  }
0x509: {  	_ =	swait.ge [sflag:s17], $0x2000  }
0x50a: {  	s6 =	sld [smem:$0x7F6]  }
0x50b: {  	[sflag:s17] =	ssyncset.done $0x0  }
0x50c: {  	[sflag:s17] =	ssyncadd.s32 $0xFFFFE000  }
0x50d: {  	[tilespmem:s9], [sflag:$0x4] =	stream.indirect.gather [spmem:s2], $0x40, s6, s30, $0xb8;
	[tilespmem:$0x1E190] =	vst v63  }
0x50e: {  	_ =	swait.ge [sflag:s13], $0x2000  }
0x50f: {  	[sflag:s13] =	ssyncset.done $0x0  }
0x510: {  	s8 =	simm.s32 $0x16800;
	[sflag:s13] =	ssyncadd.s32 $0xFFFFE000  }
0x511: {  	[spmem:s3] =	stream.indirect.scatter.add.f32 [tilespmem:s9], [sflag:$0x6], $0x40, s8, s30, $0xb8;
	[tilespmem:$0x1E190] =	vst v63  }
0x512: {  	_ =	swait.ge [sflag:s0], $0x2000  }
0x513: {  	s8 =	sld [smem:$0x7F8]  }
0x514: {  	[sflag:s0] =	ssyncset.done $0x0  }
0x515: {  	[sflag:s0] =	ssyncadd.s32 $0xFFFFE000  }
0x516: {  	[tilespmem:s20], [sflag:$0x3] =	stream.indirect.gather [spmem:s2], $0x40, s8, s30, $0xb8;
	[tilespmem:$0x1E190] =	vst v63  }
0x517: {  	_ =	swait.ge [sflag:s21], $0x2000  }
0x518: {  	[sflag:s21] =	ssyncset.done $0x0  }
0x519: {  	s15 =	simm.s32 $0x16880;
	[sflag:s21] =	ssyncadd.s32 $0xFFFFE000  }
0x51a: {  	[spmem:s3] =	stream.indirect.scatter.add.f32 [tilespmem:s20], [sflag:$0x5], $0x40, s15, s30, $0xb8;
	[tilespmem:$0x1E190] =	vst v63  }
0x51b: {  	_ =	swait.ge [sflag:s17], $0x2000  }
0x51c: {  	s5 =	sld [smem:$0x7FA]  }
0x51d: {  	[sflag:s17] =	ssyncset.done $0x0  }
0x51e: {  	[sflag:s17] =	ssyncadd.s32 $0xFFFFE000  }
0x51f: {  	[tilespmem:s9], [sflag:$0x4] =	stream.indirect.gather [spmem:s2], $0x40, s5, s30, $0xb8;
	[tilespmem:$0x1E190] =	vst v63  }
0x520: {  	_ =	swait.ge [sflag:s13], $0x2000  }
0x521: {  	[sflag:s13] =	ssyncset.done $0x0  }
0x522: {  	s6 =	simm.s32 $0x16900;
	[sflag:s13] =	ssyncadd.s32 $0xFFFFE000  }
0x523: {  	[spmem:s3] =	stream.indirect.scatter.add.f32 [tilespmem:s9], [sflag:$0x6], $0x40, s6, s30, $0xb8;
	[tilespmem:$0x1E190] =	vst v63  }
0x524: {  	_ =	swait.ge [sflag:s0], $0x2000  }
0x525: {  	s6 =	sld [smem:$0x7FB]  }
0x526: {  	[sflag:s0] =	ssyncset.done $0x0  }
0x527: {  	[sflag:s0] =	ssyncadd.s32 $0xFFFFE000  }
0x528: {  	[tilespmem:s20], [sflag:$0x3] =	stream.indirect.gather [spmem:s2], $0x40, s6, s30, $0xb8;
	[tilespmem:$0x1E190] =	vst v63  }
0x529: {  	_ =	swait.ge [sflag:s21], $0x2000  }
0x52a: {  	[sflag:s21] =	ssyncset.done $0x0  }
0x52b: {  	s8 =	simm.s32 $0x16980;
	[sflag:s21] =	ssyncadd.s32 $0xFFFFE000  }
0x52c: {  	[spmem:s3] =	stream.indirect.scatter.add.f32 [tilespmem:s20], [sflag:$0x5], $0x40, s8, s30, $0xb8;
	[tilespmem:$0x1E190] =	vst v63  }
0x52d: {  	_ =	swait.ge [sflag:s17], $0x2000  }
0x52e: {  	s8 =	sld [smem:$0x7FC]  }
0x52f: {  	[sflag:s17] =	ssyncset.done $0x0  }
0x530: {  	[sflag:s17] =	ssyncadd.s32 $0xFFFFE000  }
0x531: {  	[tilespmem:s9], [sflag:$0x4] =	stream.indirect.gather [spmem:s2], $0x40, s8, s30, $0xb8;
	[tilespmem:$0x1E190] =	vst v63  }
0x532: {  	_ =	swait.ge [sflag:s13], $0x2000  }
0x533: {  	s14 =	sadd.s32 $0x280, s14;
	[sflag:s13] =	ssyncset.done $0x0  }
0x534: {  	p0 =	sne.s32 s14, $0xA00;
	s15 =	simm.s32 $0x16A00;
	[sflag:s13] =	ssyncadd.s32 $0xFFFFE000  }
0x535: {  	[spmem:s3] =	stream.indirect.scatter.add.f32 [tilespmem:s9], [sflag:$0x6], $0x40, s15, s30, $0xb8;
	[tilespmem:$0x1E190] =	vst v63  }
.Ltmp4:
0x536: {  	_ = 	snop;
	(pc) =	sbr.rel @p0 .LBB2_11-.Ltmp4, $4  }
0x537: {  	_ =	swait.ge [sflag:s0], $0x2000  }
0x538: {  	[sflag:s0] =	ssyncset.done $0x0  }
0x539: {  	[sflag:s0] =	ssyncadd.s32 $0xFFFFE000  }
0x53a: {  	_ =	swait.ge [sflag:s17], $0x2000  }
0x53b: {  	s1 =	sld [smem:$0x7E1];
	_ =	sdelay $0x2  }
0x53c: {  	[sflag:s17] =	ssyncset.done $0x0;
	p0 =	seq.s32 s1, $0x9  }
0x53d: {  	[sflag:s17] =	ssyncadd.s32 $0xFFFFE000;
	s5 =	simm.s32 @!p0 $0x0;
	s6 =	simm.s32 @!p0 $0x14280  }
0x53e: {  	[tilespmem:s6], [sflag:$0x1] =	stream.linear.gather @!p0 [hbm4b:s10+s5], $0xA00, $0x38;
	[tilespmem:$0x1E190] =	vst v63  }
0x53f: {  	s6 =	simm.s32 @!p0 $0x15680  }
0x540: {  	[tilespmem:s6], [sflag:$0x1] =	stream.linear.gather @!p0 [hbm4b:s11+s5], $0xA00, $0x38;
	[tilespmem:$0x1E190] =	vst v63  }
0x541: {  	[bflag:$0x0] =	sbarrier.arrive $0xFFFF  }
0x542: {  	s18 =	sld [smem:$0x7E5]  }
0x543: {  	s4 =	simm.s32 $0x1B280;
	s22 =	simm.s32 $0x1BA80;
	s23 =	simm.s32 $0x0  }
0x544: {  	s25 =	simm.s32 $0x1AA80;
	s29 =	simm.s32 $0x0;
	s19 =	sld [smem:$0x7E7]  }
0x545: {  	[tilespmem:s4], [sflag:$0x7] =	stream.linear.gather [spmem:s18], $0x800, $0x38;
	[tilespmem:$0x1E190] =	vst v63  }
0x546: {  	s31 =	simm.s32 $0x1C680;
	s14 =	simm.s32 $0x1C6A0;
	s24 =	sld [smem:$0x7ED]  }
0x547: {  	[tilespmem:s22], [sflag:$0x9] =	stream.linear.gather [spmem:s19], $0x800, $0x38;
	[tilespmem:$0x1E190] =	vst v63  }
0x548: {  	s28 =	simm.s32 $0x7;
	s1 =	sld [smem:$0x7E3];
	s4 =	simm.s32 $0x1C280  }
0x549: {  	[tilespmem:s25], [sflag:$0xB] =	stream.linear.gather [hbm4b:s24+s23], $0x800, $0x38;
	[tilespmem:$0x1E190] =	vst v63  }
0x54a: {  	s22 =	simm.s32 $0x14C80;
	s23 =	simm.s32 $0x0;
	s25 =	sld [smem:$0x7EC]  }
.LBB2_13:
0x54b: {  	_ =	swait.ge [sflag:s28], $0x800  }
0x54c: {  	[sflag:s28] =	ssyncset.done $0x0  }
0x54d: {  	s6 =	simm.s32 $0x9;
	[sflag:s28] =	ssyncadd.s32 $0xFFFFF800  }
0x54e: {  	_ =	swait.ge [sflag:s6], $0x800  }
0x54f: {  	[sflag:s6] =	ssyncset.done $0x0;
	s18 =	sld [smem:$0x7E4]  }
0x550: {  	s8 =	simm.s32 $0xB;
	[sflag:s6] =	ssyncadd.s32 $0xFFFFF800  }
0x551: {  	s5 =	sshll.u32 s23, $0x6;
	_ =	swait.ge [sflag:s8], $0x800  }
0x552: {  	s12 =	sadd.s32 s18, s5;
	s15 =	sld [smem:$0x7E9]  }
0x553: {  	s5 =	sadd.s32 $0x20, s12  }
0x554: {  	s19 =	simm.s32 $0x1D190;
	[sflag:s8] =	ssyncset.done $0x0;
	s6 =	sshll.u32 s5, $0x6  }
0x555: {  	[sflag:s8] =	ssyncadd.s32 $0xFFFFF800;
	s5 =	sadd.s32 s6, s3;
	s8 =	sadd.s32 s15, s6  }
0x556: {  	[tilespmem:s19], [sflag:$0x8] =	stream.linear.gather [spmem:s5], $0x800, $0x38;
	[tilespmem:$0x1E190] =	vst v63  }
0x557: {  	s24 =	simm.s32 $0x1D990;
	s16 =	sadd.s32 s6, s2;
	s8 =	sshrl.u32 s8, $0x3  }
0x558: {  	[tilespmem:s24], [sflag:$0xA] =	stream.linear.gather [spmem:s16], $0x800, $0x38;
	[tilespmem:$0x1E190] =	vst v63  }
0x559: {  	s18 =	simm.s32 $0x1C990;
	s12 =	sshll.u32 s12, $0x6;
	s15 =	sadd.s32 s25, s8  }
0x55a: {  	[tilespmem:s18], [sflag:$0xC] =	stream.linear.gather [hbm4b:s15+s29], $0x800, $0x38;
	[tilespmem:$0x1E190] =	vst v63  }
0x55b: {  	s24 =	simm.s32 $0xE;
	s18 =	sadd.s32 s12, s3  }
0x55c: {  	[spmem:s18] =	stream.linear.scatter [tilespmem:s4], [sflag:$0xE], $0x400, $0x38;
	[tilespmem:$0x1E190] =	vst v63  }
0x55d: {  	s19 =	smov.u32 s25;
	s25 =	sand.u32 $0x3FFFFFC0, s12;
	_ =	swait.ge [sflag:s24], $0x400  }
0x55e: {  	s15 =	sadd.s32 s25, s3;
	[sflag:s24] =	ssyncset.done $0x0  }
0x55f: {  	s15 =	sadd.s32 $0x400, s15;
	[sflag:s24] =	ssyncadd.s32 $0xFFFFFC00  }
0x560: {  	[spmem:s15] =	stream.linear.scatter [tilespmem:s4], [sflag:$0xE], $0x400, $0x38;
	[tilespmem:$0x1E190] =	vst v63  }
0x561: {  	_ =	swait.ge [sflag:s24], $0x400  }
0x562: {  	[sflag:s24] =	ssyncset.done $0x0  }
0x563: {  	[sflag:s24] =	ssyncadd.s32 $0xFFFFFC00;
	s24 =	simm.s32 $0x0  }
0x564: {  	v5 =	vld [tilespmem:s24+$0x1B290]  }
0x565: {  	v6 =	vld [tilespmem:s24+$0x1BA90]  }
0x566: {  	v3 =	vld [tilespmem:s24+$0x1AA90]  }
0x567: {  	v7 =	vld [tilespmem:s24+$0x1B280]  }
0x568: {  	v4 =	vld [tilespmem:s24+$0x1AAB0]  }
0x569: {  	v14 =	vld [tilespmem:s24+$0x1BA80]  }
0x56a: {  	v2 =	vld.msk [tilespmem:s31+$0x0 ss:$0x0], $0xffff  }
0x56b: {  	v12 =	vld [tilespmem:s24+$0x1B2B0]  }
0x56c: {  	v13 =	vld [tilespmem:s24+$0x1BAB0]  }
0x56d: {  	v8 =	vld [tilespmem:s24+$0x1B2A0]  }
0x56e: {  	v11 =	vld [tilespmem:s24+$0x1BAA0]  }
0x56f: {  	v9 =	vld [tilespmem:s24+$0x1AA80]  }
0x570: {  	s25 =	simm.s32 $0x100;
	s15 =	smov.u32 s31;
	v10 =	vadd.f32 v6, v5;
	v6 =	vadd.f32 v14, v7;
	v7 =	vmul.f32 $8.999999760e-01, v2;
	v5 =	vld [tilespmem:s24+$0x1AAA0]  }
.LBB2_14:
0x571: {  	p1 =	sne.s32 s25, $0x1F00  }
0x572: {  	v12 =	vadd.f32 v13, v12;
	s15 =	sadd.s32 $0x1, s15;
	s18 =	smov.u32 s25;
	s25 =	sadd.s32 $0x100, s25  }
0x573: {  	v3 =	vmul.f32 $1.000000010e-01, v3;
	v10 =	vmul.f32 v10, v7  }
0x574: {  	v4 =	vmul.f32 $1.000000010e-01, v4;
	v8 =	vadd.f32 v11, v8;
	v11 =	vmul.f32 v12, v7  }
0x575: {  	v9 =	vmul.f32 $1.000000010e-01, v9;
	v3 =	vadd.f32 v3, v10  }
0x576: {  	v6 =	vmul.f32 v6, v7;
	v7 =	vmul.f32 v8, v7;
	v4 =	vadd.f32 v4, v11  }
0x577: {  	v5 =	vmul.f32 $1.000000010e-01, v5;
	[tilespmem:s24+$0x1B290] =	vst v3;
	v3 =	vmul.f32 v3, v2  }
0x578: {  	s18 =	sshra.s32 s18, $0x2;
	v6 =	vadd.f32 v9, v6;
	[tilespmem:s24+$0x1B2B0] =	vst v4;
	v8 =	vmul.f32 v4, v2  }
0x579: {  	v4 =	vadd.f32 v5, v7;
	v9 =	vld [tilespmem:s18+$0x1B290];
	[tilespmem:s24+$0x1BA90] =	vst v3  }
0x57a: {  	v5 =	vld [tilespmem:s18+$0x1BA90];
	[tilespmem:s24+$0x1B280] =	vst v6;
	v6 =	vmul.f32 v6, v2  }
0x57b: {  	v2 =	vmul.f32 v4, v2;
	v3 =	vld [tilespmem:s18+$0x1AA90];
	[tilespmem:s24+$0x1B2A0] =	vst v4  }
0x57c: {  	v7 =	vld [tilespmem:s18+$0x1B280];
	[tilespmem:s24+$0x1BA80] =	vst v6  }
0x57d: {  	v4 =	vld [tilespmem:s18+$0x1AAB0];
	[tilespmem:s24+$0x1BAA0] =	vst v2  }
0x57e: {  	v6 =	vld [tilespmem:s18+$0x1BA80];
	[tilespmem:s24+$0x1BAB0] =	vst v8;
	s24 =	smov.u32 s18  }
0x57f: {  	v2 =	vld.msk [tilespmem:s15+$0x0 ss:$0x0], $0xffff;
	v10 =	vadd.f32 v5, v9  }
0x580: {  	v12 =	vld [tilespmem:s24+$0x1B2B0]  }
.Ltmp5:
0x581: {  	v13 =	vld [tilespmem:s24+$0x1BAB0];
	(pc) =	sbr.rel @p1 .LBB2_14-.Ltmp5, $4  }
0x582: {  	v8 =	vld [tilespmem:s24+$0x1B2A0]  }
0x583: {  	v11 =	vld [tilespmem:s24+$0x1BAA0]  }
0x584: {  	v6 =	vadd.f32 v6, v7;
	v9 =	vld [tilespmem:s24+$0x1AA80]  }
0x585: {  	v7 =	vmul.f32 $8.999999760e-01, v2;
	v5 =	vld [tilespmem:s24+$0x1AAA0]  }
0x586: {  	v12 =	vadd.f32 v13, v12  }
0x587: {  	v3 =	vmul.f32 $1.000000010e-01, v3;
	v10 =	vmul.f32 v10, v7  }
0x588: {  	v4 =	vmul.f32 $1.000000010e-01, v4;
	v8 =	vadd.f32 v11, v8;
	v11 =	vmul.f32 v12, v7  }
0x589: {  	v6 =	vmul.f32 v6, v7;
	v3 =	vadd.f32 v3, v10  }
0x58a: {  	v9 =	vmul.f32 $1.000000010e-01, v9;
	v7 =	vmul.f32 v8, v7;
	v4 =	vadd.f32 v4, v11  }
0x58b: {  	v5 =	vmul.f32 $1.000000010e-01, v5;
	[tilespmem:s24+$0x1B290] =	vst v3;
	v3 =	vmul.f32 v3, v2  }
0x58c: {  	v6 =	vadd.f32 v9, v6;
	[tilespmem:s24+$0x1B2B0] =	vst v4  }
0x58d: {  	s25 =	sld [smem:$0x7E9];
	[tilespmem:s24+$0x1BA90] =	vst v3;
	v3 =	vadd.f32 v5, v7  }
0x58e: {  	[tilespmem:s24+$0x1B280] =	vst v6;
	v5 =	vmul.f32 v6, v2  }
0x58f: {  	[tilespmem:s24+$0x1B2A0] =	vst v3;
	v3 =	vmul.f32 v3, v2  }
0x590: {  	s15 =	sadd.s32 @p0 s25, s12;
	v2 =	vmul.f32 v4, v2;
	[tilespmem:s24+$0x1BA80] =	vst v5  }
0x591: {  	s15 =	sshrl.u32 @p0 s15, $0x3;
	[tilespmem:s24+$0x1BAA0] =	vst v3  }
0x592: {  	s18 =	simm.s32 @p0 $0x0;
	s15 =	sadd.s32 @p0 s1, s15;
	[tilespmem:s24+$0x1BAB0] =	vst v2;
	s24 =	simm.s32 @p0 $0x1B280  }
0x593: {  	[hbm4b:s15+s18] =	stream.linear.scatter @p0 [tilespmem:s24], [sflag:$0xE], $0x800, $0x38;
	[tilespmem:$0x1E190] =	vst v63  }
0x594: {  	s12 =	sadd.s32 @!p0 s12, s2;
	s15 =	simm.s32 @!p0 $0x1BA80;
	s24 =	simm.s32 $0xE  }
0x595: {  	[spmem:s12] =	stream.linear.scatter @!p0 [tilespmem:s15], [sflag:$0xE], $0x800, $0x38;
	[tilespmem:$0x1E190] =	vst v63  }
0x596: {  	_ =	swait.ge [sflag:s24], $0x800  }
0x597: {  	[sflag:s24] =	ssyncset.done $0x0  }
0x598: {  	s12 =	simm.s32 $0x8;
	[sflag:s24] =	ssyncadd.s32 $0xFFFFF800  }
0x599: {  	_ =	swait.ge [sflag:s12], $0x800  }
0x59a: {  	[sflag:s12] =	ssyncset.done $0x0  }
0x59b: {  	s15 =	simm.s32 $0xA;
	[sflag:s12] =	ssyncadd.s32 $0xFFFFF800  }
0x59c: {  	_ =	swait.ge [sflag:s15], $0x800  }
0x59d: {  	[sflag:s15] =	ssyncset.done $0x0  }
0x59e: {  	s18 =	simm.s32 $0xC;
	[sflag:s15] =	ssyncadd.s32 $0xFFFFF800  }
0x59f: {  	_ =	swait.ge [sflag:s18], $0x800  }
0x5a0: {  	s1 =	sld [smem:$0x7EF];
	_ =	sdelay $0x1  }
0x5a1: {  	p1 =	seq.s32 s23, $0x9;
	s12 =	sshll.u32 s23, $0xC  }
0x5a2: {  	[sflag:s18] =	ssyncset.done $0x0;
	s12 =	sadd.s32 @!p1 s12, s1  }
0x5a3: {  	[sflag:s18] =	ssyncadd.s32 $0xFFFFF800;
	s18 =	simm.s32 @!p1 $0x1B280;
	s15 =	sadd.s32 @!p1 s12, s3  }
0x5a4: {  	[tilespmem:s18], [sflag:$0x7] =	stream.linear.gather @!p1 [spmem:s15], $0x800, $0x38;
	[tilespmem:$0x1E190] =	vst v63  }
0x5a5: {  	s15 =	sadd.s32 @!p1 s12, s2;
	s12 =	sadd.s32 @!p1 s25, s12  }
0x5a6: {  	s18 =	simm.s32 @!p1 $0x1BA80;
	s12 =	sshrl.u32 @!p1 s12, $0x3  }
0x5a7: {  	[tilespmem:s18], [sflag:$0x9] =	stream.linear.gather @!p1 [spmem:s15], $0x800, $0x38;
	[tilespmem:$0x1E190] =	vst v63  }
0x5a8: {  	s12 =	sadd.s32 @!p1 s19, s12;
	s15 =	simm.s32 @!p1 $0x0;
	s18 =	simm.s32 @!p1 $0x1AA80  }
0x5a9: {  	[tilespmem:s18], [sflag:$0xB] =	stream.linear.gather @!p1 [hbm4b:s12+s15], $0x800, $0x38;
	[tilespmem:$0x1E190] =	vst v63  }
0x5aa: {  	_ = 	snop  }
0x5ab: {  	[spmem:s5] =	stream.linear.scatter [tilespmem:s4], [sflag:$0xE], $0x400, $0x38;
	[tilespmem:$0x1E190] =	vst v63  }
0x5ac: {  	s25 =	smov.u32 s19;
	s19 =	sand.u32 $0x3FFFFFC0, s6;
	_ =	swait.ge [sflag:s24], $0x400  }
0x5ad: {  	s5 =	sadd.s32 s19, s3;
	[sflag:s24] =	ssyncset.done $0x0  }
0x5ae: {  	s5 =	sadd.s32 $0x400, s5;
	[sflag:s24] =	ssyncadd.s32 $0xFFFFFC00  }
0x5af: {  	[spmem:s5] =	stream.linear.scatter [tilespmem:s4], [sflag:$0xE], $0x400, $0x38;
	[tilespmem:$0x1E190] =	vst v63  }
0x5b0: {  	_ =	swait.ge [sflag:s24], $0x400  }
0x5b1: {  	[sflag:s24] =	ssyncset.done $0x0  }
0x5b2: {  	s5 =	simm.s32 $0x0;
	[sflag:s24] =	ssyncadd.s32 $0xFFFFFC00  }
0x5b3: {  	v5 =	vld [tilespmem:s5+$0x1D1A0]  }
0x5b4: {  	v6 =	vld [tilespmem:s5+$0x1D9A0]  }
0x5b5: {  	v3 =	vld [tilespmem:s5+$0x1C9A0]  }
0x5b6: {  	v7 =	vld [tilespmem:s5+$0x1D190]  }
0x5b7: {  	v4 =	vld [tilespmem:s5+$0x1C9C0]  }
0x5b8: {  	v14 =	vld [tilespmem:s5+$0x1D990]  }
0x5b9: {  	v2 =	vld.msk [tilespmem:s14+$0x0 ss:$0x0], $0xffff  }
0x5ba: {  	v12 =	vld [tilespmem:s5+$0x1D1C0]  }
0x5bb: {  	v13 =	vld [tilespmem:s5+$0x1D9C0]  }
0x5bc: {  	v8 =	vld [tilespmem:s5+$0x1D1B0]  }
0x5bd: {  	v11 =	vld [tilespmem:s5+$0x1D9B0]  }
0x5be: {  	v9 =	vld [tilespmem:s5+$0x1C990]  }
0x5bf: {  	s6 =	simm.s32 $0x100;
	s12 =	smov.u32 s14;
	v10 =	vadd.f32 v6, v5;
	v6 =	vadd.f32 v14, v7;
	v7 =	vmul.f32 $8.999999760e-01, v2;
	v5 =	vld [tilespmem:s5+$0x1C9B0]  }
.LBB2_16:
0x5c0: {  	p1 =	sne.s32 s6, $0x1F00  }
0x5c1: {  	v12 =	vadd.f32 v13, v12;
	s12 =	sadd.s32 $0x1, s12;
	s15 =	smov.u32 s6;
	s6 =	sadd.s32 $0x100, s6  }
0x5c2: {  	v3 =	vmul.f32 $1.000000010e-01, v3;
	v10 =	vmul.f32 v10, v7  }
0x5c3: {  	v4 =	vmul.f32 $1.000000010e-01, v4;
	v8 =	vadd.f32 v11, v8;
	v11 =	vmul.f32 v12, v7  }
0x5c4: {  	v9 =	vmul.f32 $1.000000010e-01, v9;
	v3 =	vadd.f32 v3, v10  }
0x5c5: {  	v6 =	vmul.f32 v6, v7;
	v7 =	vmul.f32 v8, v7;
	v4 =	vadd.f32 v4, v11  }
0x5c6: {  	v5 =	vmul.f32 $1.000000010e-01, v5;
	[tilespmem:s5+$0x1D1A0] =	vst v3;
	v3 =	vmul.f32 v3, v2  }
0x5c7: {  	s15 =	sshra.s32 s15, $0x2;
	v6 =	vadd.f32 v9, v6;
	[tilespmem:s5+$0x1D1C0] =	vst v4;
	v8 =	vmul.f32 v4, v2  }
0x5c8: {  	v4 =	vadd.f32 v5, v7;
	v9 =	vld [tilespmem:s15+$0x1D1A0];
	[tilespmem:s5+$0x1D9A0] =	vst v3  }
0x5c9: {  	v5 =	vld [tilespmem:s15+$0x1D9A0];
	[tilespmem:s5+$0x1D190] =	vst v6;
	v6 =	vmul.f32 v6, v2  }
0x5ca: {  	v2 =	vmul.f32 v4, v2;
	v3 =	vld [tilespmem:s15+$0x1C9A0];
	[tilespmem:s5+$0x1D1B0] =	vst v4  }
0x5cb: {  	v7 =	vld [tilespmem:s15+$0x1D190];
	[tilespmem:s5+$0x1D990] =	vst v6  }
0x5cc: {  	v4 =	vld [tilespmem:s15+$0x1C9C0];
	[tilespmem:s5+$0x1D9B0] =	vst v2  }
0x5cd: {  	v6 =	vld [tilespmem:s15+$0x1D990];
	[tilespmem:s5+$0x1D9C0] =	vst v8;
	s5 =	smov.u32 s15  }
0x5ce: {  	v2 =	vld.msk [tilespmem:s12+$0x0 ss:$0x0], $0xffff;
	v10 =	vadd.f32 v5, v9  }
0x5cf: {  	v12 =	vld [tilespmem:s5+$0x1D1C0]  }
.Ltmp6:
0x5d0: {  	v13 =	vld [tilespmem:s5+$0x1D9C0];
	(pc) =	sbr.rel @p1 .LBB2_16-.Ltmp6, $4  }
0x5d1: {  	v8 =	vld [tilespmem:s5+$0x1D1B0]  }
0x5d2: {  	v11 =	vld [tilespmem:s5+$0x1D9B0]  }
0x5d3: {  	v6 =	vadd.f32 v6, v7;
	v9 =	vld [tilespmem:s5+$0x1C990]  }
0x5d4: {  	v7 =	vmul.f32 $8.999999760e-01, v2;
	v5 =	vld [tilespmem:s5+$0x1C9B0]  }
0x5d5: {  	v12 =	vadd.f32 v13, v12  }
0x5d6: {  	v3 =	vmul.f32 $1.000000010e-01, v3;
	v10 =	vmul.f32 v10, v7  }
0x5d7: {  	v4 =	vmul.f32 $1.000000010e-01, v4;
	v8 =	vadd.f32 v11, v8;
	v61 =	vmul.f32 v12, v7  }
0x5d8: {  	v6 =	vmul.f32 v6, v7;
	v3 =	vadd.f32 v3, v10  }
0x5d9: {  	v9 =	vmul.f32 $1.000000010e-01, v9;
	v62 =	vmul.f32 v8, v7;
	v4 =	vadd.f32 v4, v61  }
0x5da: {  	v5 =	vmul.f32 $1.000000010e-01, v5;
	[tilespmem:s5+$0x1D1A0] =	vst v3;
	v3 =	vmul.f32 v3, v2  }
0x5db: {  	v6 =	vadd.f32 v9, v6;
	[tilespmem:s5+$0x1D1C0] =	vst v4  }
0x5dc: {  	[tilespmem:s5+$0x1D9A0] =	vst v3;
	v3 =	vadd.f32 v5, v62  }
0x5dd: {  	[tilespmem:s5+$0x1D190] =	vst v6;
	v63 =	vmul.f32 v6, v2  }
0x5de: {  	s1 =	sld [smem:$0x7E3];
	[tilespmem:s5+$0x1D1B0] =	vst v3;
	v3 =	vmul.f32 v3, v2  }
0x5df: {  	v2 =	vmul.f32 v4, v2;
	[tilespmem:s5+$0x1D990] =	vst v63  }
0x5e0: {  	s6 =	simm.s32 @p0 $0x0;
	[tilespmem:s5+$0x1D9B0] =	vst v3  }
0x5e1: {  	s23 =	sadd.s32 $0x1, s23;
	[tilespmem:s5+$0x1D9C0] =	vst v2;
	s5 =	sadd.s32 @p0 s1, s8;
	s8 =	simm.s32 @p0 $0x1D190  }
0x5e2: {  	[hbm4b:s5+s6] =	stream.linear.scatter @p0 [tilespmem:s8], [sflag:$0xD], $0x800, $0x38;
	[tilespmem:$0x1E190] =	vst v63  }
0x5e3: {  	p1 =	sne.s32 s23, $0xA;
	s5 =	simm.s32 @!p0 $0x1D990  }
0x5e4: {  	[spmem:s16] =	stream.linear.scatter @!p0 [tilespmem:s5], [sflag:$0xE], $0x800, $0x38;
	[tilespmem:$0x1E190] =	vst v63  }
.Ltmp7:
0x5e5: {  	s5 =	simm.s32 @!p0 $0xE;
	(pc) =	sbr.rel @p1 .LBB2_13-.Ltmp7, $4  }
0x5e6: {  	s5 =	simm.s32 @p0 $0xD  }
0x5e7: {  	_ =	swait.ge [sflag:s5], $0x800  }
0x5e8: {  	[sflag:s5] =	ssyncset.done $0x0  }
0x5e9: {  	s31 =	sadd.s32 $0x40, s31;
	s14 =	sadd.s32 $0x40, s14;
	[sflag:s5] =	ssyncadd.s32 $0xFFFFF800  }
0x5ea: {  	s1 =	sld [smem:$0x7E1];
	_ =	sdelay $0x2  }
0x5eb: {  	s1 =	sadd.s32 $0x1, s1  }
0x5ec: {  	p0 =	sne.s32 s1, $0xA  }
.Ltmp8:
0x5ed: {  	_ = 	snop;
	(pc) =	sbr.rel @p0 .LBB2_10-.Ltmp8, $4  }
0x5ee: {  	s19 =	simm.s32 $0x14280;
	s23 =	simm.s32 $0x15680;
	s25 =	simm.s32 $0x15700  }
0x5ef: {  	s31 =	simm.s32 $0x15780;
	s18 =	simm.s32 $0x0;
	[smem:$0x7E1] =	sst s1  }
0x5f0: {  	s8 =	simm.s32 $0x15C00;
	s14 =	simm.s32 $0x15C80;
	[bflag:$0x0] =	sbarrier.arrive $0xFFFF  }
0x5f1: {  	s15 =	simm.s32 $0x15D00;
	s24 =	simm.s32 $0x15D80;
	s29 =	simm.s32 $0x16080  }
0x5f2: {  	s5 =	sld [smem:$0x7E2]  }
0x5f3: {  	s1 =	sld [smem:$0x7F1];
	_ =	sdelay $0x1  }
0x5f4: {  	s5 =	sadd.s32 $0x1, s5  }
0x5f5: {  	p0 =	sne.s32 s5, s1  }
.Ltmp9:
0x5f6: {  	_ = 	snop;
	(pc) =	sbr.rel @p0 .LBB2_1-.Ltmp9, $4  }
0x5f7: {  	s28 =	sld [smem:$0x7FD]  }
0x5f8: {  	s6 =	simm.s32 $0xD;
	s16 =	simm.s32 $0x15800;
	s12 =	simm.s32 $0x15880  }
0x5f9: {  	s8 =	simm.s32 $0x15A00;
	s14 =	simm.s32 $0x15A80;
	s15 =	simm.s32 $0x1C910  }
0x5fa: {  	s4 =	simm.s32 $0x15B00;
	s24 =	simm.s32 $0x15B80;
	s1 =	rddreg [dreg:$0x3]  }
0x5fb: {  	_ =	sfence.sel $0x180000  }
0x5fc: {  	[bflag:$0x0] =	sbarrier.arrive $0xFFFF  }
0x5fd: {  	_ =	strace $0x90000047  }
0x5fe: {  	s0 =	stileid.u32;
	[bflag:$0x2] =	sbarrier.arrive $0xFFFF  }
0x5ff: {  	p0 =	sne.s32 s0, $0x0;
	s0 =	rddreg [dreg:$0x6]  }
0x600: {  	s0 =	sadd.s32 @!p0 $0x100000, s0  }
0x601: {  	[sflag:s0] =	ssyncadd.tile.s32 @!p0 $0x1;
	_ =	shalt  }
.Lfunc_end2:
_tile_overlayer_lowered:
.L_overlay_start_2:
0x602: {  	(tag) =	ssettag $0x2  }
0x603: {  	s0 =	rddreg [dreg:$0x0];
	s2 =	stileid.u32  }
0x604: {  	s1 =	rddreg [dreg:$0x1];
	p0 =	sne.s32 s2, $0x0  }
0x605: {  	s3 =	rddreg [dreg:$0x2];
	[bflag:$0x3] =	sbarrier.arrive $0xFFFF;
	s2 =	simm.s32 @!p0 $0x1C0D  }
0x606: {  	[timem:s3], [sflag:s2] =	dma.local @!p0 [hbm:s0], s1  }
0x607: {  	s0 =	simm.s32 @!p0 $0xD  }
0x608: {  	_ =	swait.ge @!p0 [sflag:s0], s1  }
0x609: {  	s1 =	ssub.s32 @!p0 $0x0, s1;
	[sflag:s0] =	ssyncset.done @!p0 $0x0  }
0x60a: {  	[sflag:s0] =	ssyncadd.s32 @!p0 s1  }
0x60b: {  	[bflag:$0x3] =	sbarrier.arrive $0xFFFF  }
0x60c: {  	_ =	shalt  }

</sc_bundles>
